<compile_context>
chip_gen: v7x
topology: tpu7x:2x2x1
jax: 0.10.2.dev20260603
libtpu: 0.0.44.dev20260713+nightly
codegen_flags: <defaults>
</compile_context>

<pallas_src>
import functools

import jax
import jax.numpy as jnp
from jax import lax
from jax.experimental import pallas as pl
from jax.experimental.pallas import tpu as pltpu
from jax.experimental.pallas import tpu_sc as plsc

N, E, T, NORB = 10000, 160000, 320000, 9
HD, CD, VD = 128, 16, 32

BN = 2000
BE_C = 2000
BE_P = 2000


def _silu(v):
    return v * jax.nn.sigmoid(v)


def _full(shape):
    return pl.BlockSpec(shape, lambda i: (0,) * len(shape))


def _prenode_body(x_ref, wn_ref, bn_ref, x1_ref, xks_ref):
    h = jnp.dot(x_ref[...], wn_ref[...], preferred_element_type=jnp.float32)
    h = h + bn_ref[...]
    x1_ref[...] = h[:, :VD]
    xks_ref[...] = jax.nn.sigmoid(h[:, VD:])


def _prenode(x, W_node, b_node):
    return pl.pallas_call(
        _prenode_body,
        grid=(N // BN,),
        in_specs=[
            pl.BlockSpec((BN, HD), lambda i: (i, 0)),
            _full((HD, 2 * VD)),
            _full((1, 2 * VD)),
        ],
        out_specs=[
            pl.BlockSpec((BN, VD), lambda i: (i, 0)),
            pl.BlockSpec((BN, VD), lambda i: (i, 0)),
        ],
        out_shape=[
            jax.ShapeDtypeStruct((N, VD), jnp.float32),
            jax.ShapeDtypeStruct((N, VD), jnp.float32),
        ],
    )(x, W_node, b_node.reshape(1, 2 * VD))


def _cmlp_body(cji_ref, rb_ref, cut_ref, w1_ref, w2_ref, r_ref, sm_ref,
               cw_ref, s_ref):
    z = _silu(jnp.dot(cji_ref[...], w1_ref[...],
                      preferred_element_type=jnp.float32))
    z = _silu(jnp.dot(z, w2_ref[...], preferred_element_type=jnp.float32))
    rbw = jnp.dot(rb_ref[...] * cut_ref[...], r_ref[...],
                  preferred_element_type=jnp.float32)
    cw = z * rbw
    cw_ref[...] = cw.astype(jnp.bfloat16)
    s_ref[...] = jnp.dot(cw, sm_ref[...], preferred_element_type=jnp.float32)


def _cmlp(cji, rb, cutoff_w, W_c1, W_c2):
    z16 = jnp.zeros((CD, VD), jnp.float32)
    z32 = jnp.zeros((VD, VD), jnp.float32)
    w1bd = jnp.concatenate(
        [jnp.concatenate([W_c1 if i == d else z16 for i in range(NORB)],
                         axis=1) for d in range(NORB)], axis=0)
    w2bd = jnp.concatenate(
        [jnp.concatenate([W_c2 if i == d else z32 for i in range(NORB)],
                         axis=1) for d in range(NORB)], axis=0)
    rmap = jnp.repeat(jnp.eye(NORB, dtype=jnp.float32), VD, axis=1)
    smap = jnp.tile(jnp.eye(VD, dtype=jnp.float32), (NORB, 1))
    return pl.pallas_call(
        _cmlp_body,
        grid=(E // BE_C,),
        in_specs=[
            pl.BlockSpec((BE_C, NORB * CD), lambda i: (i, 0)),
            pl.BlockSpec((BE_C, NORB), lambda i: (i, 0)),
            pl.BlockSpec((BE_C, 1), lambda i: (i, 0)),
            _full((NORB * CD, NORB * VD)),
            _full((NORB * VD, NORB * VD)),
            _full((NORB, NORB * VD)),
            _full((NORB * VD, VD)),
        ],
        out_specs=[
            pl.BlockSpec((BE_C, NORB * VD), lambda i: (i, 0)),
            pl.BlockSpec((BE_C, VD), lambda i: (i, 0)),
        ],
        out_shape=[
            jax.ShapeDtypeStruct((E, NORB * VD), jnp.bfloat16),
            jax.ShapeDtypeStruct((E, VD), jnp.float32),
        ],
    )(cji.reshape(E, NORB * CD), rb, cutoff_w.reshape(E, 1),
      w1bd, w2bd, rmap, smap)


def _post_body(agg_ref, s_ref, nfa_ref, nfb_ref, wt1_ref, bt1_ref, wt2_ref,
               bt2_ref, wb_ref, wn1a_ref, wn1b_ref, bn1_ref, wn2_ref,
               bn2_ref, msg_ref):
    tbw = _silu(jnp.dot(_silu(jnp.dot(agg_ref[...], wt1_ref[...],
                                      preferred_element_type=jnp.float32)
                              + bt1_ref[...]),
                        wt2_ref[...], preferred_element_type=jnp.float32)
                + bt2_ref[...])
    lcao = (1.0 + tbw) * s_ref[...]
    n2 = jnp.sum(lcao * lcao, axis=-1, keepdims=True)
    lcao = lcao * jax.lax.rsqrt(jnp.maximum(n2, 1e-24))
    lcao = jnp.dot(lcao, wb_ref[...], preferred_element_type=jnp.float32)
    nf1 = (jnp.dot(nfa_ref[...], wn1a_ref[...],
                   preferred_element_type=jnp.float32)
           + jnp.dot(nfb_ref[...], wn1b_ref[...],
                     preferred_element_type=jnp.float32)
           + bn1_ref[...])
    nf = _silu(jnp.dot(_silu(nf1), wn2_ref[...],
                       preferred_element_type=jnp.float32)
               + bn2_ref[...])
    msg_ref[...] = lcao * nf


def _post(agg_e, s, nf_a, nf_b, W_t1, b_t1, W_t2, b_t2, W_basis,
          W_n1, b_n1, W_n2, b_n2):
    return pl.pallas_call(
        _post_body,
        grid=(E // BE_P,),
        in_specs=[
            pl.BlockSpec((BE_P, VD), lambda i: (i, 0)),
            pl.BlockSpec((BE_P, VD), lambda i: (i, 0)),
            pl.BlockSpec((BE_P, VD), lambda i: (i, 0)),
            pl.BlockSpec((BE_P, VD), lambda i: (i, 0)),
            _full((VD, VD)), _full((1, VD)),
            _full((VD, VD)), _full((1, VD)),
            _full((VD, VD)),
            _full((VD, VD)), _full((VD, VD)), _full((1, VD)),
            _full((VD, VD)), _full((1, VD)),
        ],
        out_specs=pl.BlockSpec((BE_P, VD), lambda i: (i, 0)),
        out_shape=jax.ShapeDtypeStruct((E, VD), jnp.float32),
    )(agg_e, s, nf_a, nf_b, W_t1, b_t1.reshape(1, VD), W_t2,
      b_t2.reshape(1, VD), W_basis, W_n1[:VD], W_n1[VD:],
      b_n1.reshape(1, VD), W_n2, b_n2.reshape(1, VD))


def _final_body(x_ref, agg_ref, wo_ref, out_ref):
    agg = agg_ref[0] + agg_ref[1]
    out_ref[...] = x_ref[...] + jnp.dot(agg, wo_ref[...],
                                        preferred_element_type=jnp.float32)


def _final(x, agg_n2, W_out):
    return pl.pallas_call(
        _final_body,
        grid=(N // BN,),
        in_specs=[
            pl.BlockSpec((BN, HD), lambda i: (i, 0)),
            pl.BlockSpec((2, BN, VD), lambda i: (0, i, 0)),
            _full((VD, HD)),
        ],
        out_specs=pl.BlockSpec((BN, HD), lambda i: (i, 0)),
        out_shape=jax.ShapeDtypeStruct((N, HD), jnp.float32),
    )(x, agg_n2, W_out)


NW = 32
TPW = T // NW
BT = 400
NIT = TPW // BT


def _rsqrt_scalar(x):
    i = lax.bitcast_convert_type(x, jnp.int32)
    i = jnp.int32(0x5F3759DF) - (i >> 1)
    y = lax.bitcast_convert_type(i, jnp.float32)
    for _ in range(3):
        y = y * (1.5 - 0.5 * x * y * y)
    return y


def _tri_body(cw_hbm, shb_hbm, ekj_hbm, tk_hbm, xks_hbm, out_hbm,
              ekj_v, tk_v, rows_v, shb_v, xk_v, out_v, sem1, sem2):
    wid = lax.axis_index("s") * 2 + lax.axis_index("c")
    base = wid * TPW
    pltpu.sync_copy(ekj_hbm.at[pl.ds(base, TPW)], ekj_v)
    pltpu.sync_copy(tk_hbm.at[pl.ds(base, TPW)], tk_v)

    def body(it, carry):
        off = base + it * BT
        loc = it * BT
        pltpu.sync_copy(shb_hbm.at[pl.ds(off * NORB, BT * NORB)],
                        shb_v.at[pl.ds(0, BT * NORB)])
        cp1 = pltpu.async_copy(cw_hbm.at[ekj_v.at[pl.ds(loc, BT)]], rows_v,
                               sem1)
        cp2 = pltpu.async_copy(xks_hbm.at[tk_v.at[pl.ds(loc, BT)]], xk_v,
                               sem2)
        cp1.wait()
        cp2.wait()

        def per_t(t, tcarry):
            acc0 = jnp.zeros((16,), jnp.float32)
            acc1 = jnp.zeros((16,), jnp.float32)
            shrow = shb_v[pl.ds(t * NORB, 16)]
            for d in range(NORB):
                sh = shrow[d]
                v = rows_v[t, pl.ds(d * VD, VD)]
                a, b = plsc.unpack(v, format=plsc.PackFormat.INTERLEAVED)
                acc0 = acc0 + sh * a
                acc1 = acc1 + sh * b
            nsq = jnp.sum(acc0 * acc0 + acc1 * acc1, axis=0)
            rinv = _rsqrt_scalar(jnp.maximum(nsq, 1e-24))
            out_v[t, pl.ds(0, 16)] = acc0 * rinv * xk_v[t, pl.ds(0, 16)]
            out_v[t, pl.ds(16, 16)] = acc1 * rinv * xk_v[t, pl.ds(16, 16)]
            return tcarry

        lax.fori_loop(0, BT, per_t, 0, unroll=4)
        pltpu.sync_copy(out_v, out_hbm.at[pl.ds(off, BT)])
        return carry

    lax.fori_loop(0, NIT, body, 0)


def _tri_sc(cw, shb, edge_idx_kj, tri_idx_k, xks):
    mesh = plsc.VectorSubcoreMesh(core_axis_name="c", subcore_axis_name="s")
    f = pl.kernel(
        _tri_body,
        out_type=jax.ShapeDtypeStruct((T, VD), jnp.float32),
        mesh=mesh,
        compiler_params=pltpu.CompilerParams(needs_layout_passes=False,
                                             use_tc_tiling_on_sc=False),
        scratch_types=[
            pltpu.VMEM((TPW,), jnp.int32),
            pltpu.VMEM((TPW,), jnp.int32),
            pltpu.VMEM((BT, NORB * VD), jnp.bfloat16),
            pltpu.VMEM((BT * NORB + 16,), jnp.float32),
            pltpu.VMEM((BT, VD), jnp.float32),
            pltpu.VMEM((BT, VD), jnp.float32),
            pltpu.SemaphoreType.DMA,
            pltpu.SemaphoreType.DMA,
        ],
    )
    return f(cw, shb, edge_idx_kj, tri_idx_k, xks)


ECH = 40000
NDUMP = 64
BV = 400
TPT = T // 16
ZROWS = (ECH + NDUMP) // 16
WROWS = ECH // 16


def _seg_e_body(tbw_hbm, eji_hbm, agg_hbm, idx_v, idx2_v, vals_v, zbuf_v,
                acc_sh, sem1):
    c = lax.axis_index("c")
    s = lax.axis_index("s")
    zero16 = jnp.zeros((16,), jnp.float32)

    def zrow(r, carry):
        zbuf_v[r, pl.ds(0, 16)] = zero16
        zbuf_v[r, pl.ds(16, 16)] = zero16
        return carry

    lax.fori_loop(0, BV, zrow, 0)

    for chunk_i in range(2):
        eb = (c * 2 + chunk_i) * ECH
        zb = s * ZROWS
        for j in range(ZROWS // BV):
            pltpu.sync_copy(zbuf_v, acc_sh.at[pl.ds(zb + j * BV, BV)])
        rem = ZROWS % BV
        pltpu.sync_copy(zbuf_v.at[pl.ds(0, rem)],
                        acc_sh.at[pl.ds(zb + (ZROWS // BV) * BV, rem)])
        plsc.subcore_barrier()

        tbase = s * TPT

        def rnd(r, carry):
            off = tbase + r * BV
            pltpu.sync_copy(eji_hbm.at[pl.ds(off, BV)], idx_v)
            pltpu.sync_copy(tbw_hbm.at[pl.ds(off, BV)], vals_v)

            def ix(j, jcarry):
                raw = idx_v[pl.ds(j * 16, 16)]
                v = raw - eb
                ok = (v >= 0) & (v < ECH)
                dump = ECH + (raw & (NDUMP - 1))
                idx2_v[pl.ds(j * 16, 16)] = jnp.where(ok, v, dump)
                return jcarry

            lax.fori_loop(0, BV // 16, ix, 0)
            pltpu.sync_copy(vals_v, acc_sh.at[idx2_v], add=True)
            return carry

        lax.fori_loop(0, TPT // BV, rnd, 0)
        plsc.subcore_barrier()

        wb = s * WROWS
        for j in range(WROWS // BV):
            pltpu.sync_copy(acc_sh.at[pl.ds(wb + j * BV, BV)], vals_v)
            pltpu.sync_copy(vals_v, agg_hbm.at[pl.ds(eb + wb + j * BV, BV)])
        remw = WROWS % BV
        pltpu.sync_copy(acc_sh.at[pl.ds(wb + (WROWS // BV) * BV, remw)],
                        vals_v.at[pl.ds(0, remw)])
        pltpu.sync_copy(vals_v.at[pl.ds(0, remw)],
                        agg_hbm.at[pl.ds(eb + wb + (WROWS // BV) * BV, remw)])
        plsc.subcore_barrier()


def _seg_e_sc(tbw_t, edge_idx_ji):
    mesh = plsc.VectorSubcoreMesh(core_axis_name="c", subcore_axis_name="s")
    f = pl.kernel(
        _seg_e_body,
        out_type=jax.ShapeDtypeStruct((E, VD), jnp.float32),
        mesh=mesh,
        compiler_params=pltpu.CompilerParams(needs_layout_passes=False,
                                             use_tc_tiling_on_sc=False),
        scratch_types=[
            pltpu.VMEM((BV,), jnp.int32),
            pltpu.VMEM((BV,), jnp.int32),
            pltpu.VMEM((BV, VD), jnp.float32),
            pltpu.VMEM((BV, VD), jnp.float32),
            pltpu.VMEM_SHARED((ECH + NDUMP, VD), jnp.float32),
            pltpu.SemaphoreType.DMA,
        ],
    )
    return f(tbw_t, edge_idx_ji)


EPW = E // NW
BG = 200


def _pair_body(x1_hbm, ii_hbm, jj_hbm, nfa_hbm, nfb_hbm,
               ii_v, jj_v, ra_v, rb_v, sem1, sem2):
    wid = lax.axis_index("s") * 2 + lax.axis_index("c")
    base = wid * EPW

    def rnd(r, carry):
        off = base + r * BG
        pltpu.sync_copy(ii_hbm.at[pl.ds(off, BG)], ii_v)
        pltpu.sync_copy(jj_hbm.at[pl.ds(off, BG)], jj_v)
        cp1 = pltpu.async_copy(x1_hbm.at[ii_v], ra_v, sem1)
        cp2 = pltpu.async_copy(x1_hbm.at[jj_v], rb_v, sem2)
        cp1.wait()
        cp2.wait()
        pltpu.sync_copy(ra_v, nfa_hbm.at[pl.ds(off, BG)])
        pltpu.sync_copy(rb_v, nfb_hbm.at[pl.ds(off, BG)])
        return carry

    lax.fori_loop(0, EPW // BG, rnd, 0)


def _pair_sc(x1, idx_i, idx_j):
    mesh = plsc.VectorSubcoreMesh(core_axis_name="c", subcore_axis_name="s")
    f = pl.kernel(
        _pair_body,
        out_type=[jax.ShapeDtypeStruct((E, VD), jnp.float32),
                  jax.ShapeDtypeStruct((E, VD), jnp.float32)],
        mesh=mesh,
        compiler_params=pltpu.CompilerParams(needs_layout_passes=False,
                                             use_tc_tiling_on_sc=False),
        scratch_types=[
            pltpu.VMEM((BG,), jnp.int32),
            pltpu.VMEM((BG,), jnp.int32),
            pltpu.VMEM((BG, VD), jnp.float32),
            pltpu.VMEM((BG, VD), jnp.float32),
            pltpu.SemaphoreType.DMA,
            pltpu.SemaphoreType.DMA,
        ],
    )
    return f(x1, idx_i, idx_j)


EPC = E // 2
EPT = EPC // 16
NZR = N // 16
BVN = 200


def _seg_n_body(msg_hbm, ii_hbm, agg_hbm, idx_v, vals_v, zbuf_v, acc_sh,
                sem1):
    c = lax.axis_index("c")
    s = lax.axis_index("s")
    zero16 = jnp.zeros((16,), jnp.float32)

    def zrow(r, carry):
        zbuf_v[r, pl.ds(0, 16)] = zero16
        zbuf_v[r, pl.ds(16, 16)] = zero16
        return carry

    lax.fori_loop(0, BVN, zrow, 0)
    zb = s * NZR
    for j in range(NZR // BVN):
        pltpu.sync_copy(zbuf_v, acc_sh.at[pl.ds(zb + j * BVN, BVN)])
    remz = NZR % BVN
    pltpu.sync_copy(zbuf_v.at[pl.ds(0, remz)],
                    acc_sh.at[pl.ds(zb + NZR - remz, remz)])
    plsc.subcore_barrier()

    tbase = c * EPC + s * EPT

    def rnd(r, carry):
        off = tbase + r * BVN
        pltpu.sync_copy(ii_hbm.at[pl.ds(off, BVN)], idx_v)
        pltpu.sync_copy(msg_hbm.at[pl.ds(off, BVN)], vals_v)
        pltpu.sync_copy(vals_v, acc_sh.at[idx_v], add=True)
        return carry

    lax.fori_loop(0, EPT // BVN, rnd, 0)
    plsc.subcore_barrier()

    for j in range(NZR // BVN):
        pltpu.sync_copy(acc_sh.at[pl.ds(zb + j * BVN, BVN)], vals_v)
        pltpu.sync_copy(vals_v, agg_hbm.at[c, pl.ds(zb + j * BVN, BVN)])
    pltpu.sync_copy(acc_sh.at[pl.ds(zb + NZR - remz, remz)],
                    vals_v.at[pl.ds(0, remz)])
    pltpu.sync_copy(vals_v.at[pl.ds(0, remz)],
                    agg_hbm.at[c, pl.ds(zb + NZR - remz, remz)])


def _seg_n_sc(msg, idx_i):
    mesh = plsc.VectorSubcoreMesh(core_axis_name="c", subcore_axis_name="s")
    f = pl.kernel(
        _seg_n_body,
        out_type=jax.ShapeDtypeStruct((2, N, VD), jnp.float32),
        mesh=mesh,
        compiler_params=pltpu.CompilerParams(needs_layout_passes=False,
                                             use_tc_tiling_on_sc=False),
        scratch_types=[
            pltpu.VMEM((BVN,), jnp.int32),
            pltpu.VMEM((BVN, VD), jnp.float32),
            pltpu.VMEM((BVN, VD), jnp.float32),
            pltpu.VMEM_SHARED((N, VD), jnp.float32),
            pltpu.SemaphoreType.DMA,
        ],
    )
    return f(msg, idx_i)


def kernel(x, cji, valence_mask, cutoff_w, rb, shb, idx_i, idx_j, tri_idx_k,
           edge_idx_kj, edge_idx_ji, W_node, b_node, W_c1, W_c2, W_t1, b_t1,
           W_t2, b_t2, W_basis, W_n1, b_n1, W_n2, b_n2, W_out):
    order = jnp.arange(VD, dtype=jnp.int32).reshape(VD // 2, 2).T.reshape(VD)
    wn_p = jnp.concatenate([W_node[:, :VD], W_node[:, VD:][:, order]], axis=1)
    bn_p = jnp.concatenate([b_node[:VD], b_node[VD:][order]])
    x1, xks = _prenode(x, wn_p, bn_p)
    cw, s = _cmlp(cji, rb, cutoff_w, W_c1, W_c2)

    tbw_t = _tri_sc(cw, shb.reshape(T * NORB), edge_idx_kj, tri_idx_k, xks)
    agg_e = _seg_e_sc(tbw_t, edge_idx_ji)

    nf_a, nf_b = _pair_sc(x1, idx_i, idx_j)

    msg = _post(agg_e, s, nf_a, nf_b, W_t1[order], b_t1, W_t2, b_t2,
                W_basis, W_n1, b_n1, W_n2, b_n2)

    agg_n2 = _seg_n_sc(msg, idx_i)
    return _final(x, agg_n2, W_out)

# --- scband reference (transcript-rebuilt; emitter-appended) ---
"""Pipeline reference for scband-lcaointeraction-53326313947774 (READ-ONLY COPY).

The authoritative reference and input builder live on the scoring server;
editing this copy changes nothing except your own understanding.
"""

import jax, jax.numpy as jnp
import numpy as np

N, E, T, NORB = 10000, 160000, 320000, 9
HD, CD, VD = 128, 16, 32

def silu(v):
    return v * jax.nn.sigmoid(v)

def l2norm(v, eps=1e-12):
    n = jnp.sqrt(jnp.sum(v * v, axis=-1, keepdims=True))
    return v / jnp.maximum(n, eps)

def setup_inputs(seed: int = 0):
    key = jax.random.key(seed)
    ks = jax.random.split(key, 24)
    inp = {}
    inp['x'] = jax.random.normal(ks[0], (N, HD), jnp.float32)
    inp['cji'] = jax.random.normal(ks[1], (E, NORB, CD), jnp.float32)
    inp['valence_mask'] = jnp.ones((1, 1, 1), jnp.float32)
    inp['cutoff_w'] = jax.random.uniform(ks[2], (E,), jnp.float32)
    inp['rb'] = jax.random.normal(ks[3], (E, NORB), jnp.float32)
    inp['shb'] = jax.random.normal(ks[4], (T, NORB), jnp.float32)
    inp['idx_i'] = jax.random.randint(ks[5], (E,), 0, N, jnp.int32)
    inp['idx_j'] = jax.random.randint(ks[6], (E,), 0, N, jnp.int32)
    inp['tri_idx_k'] = jax.random.randint(ks[7], (T,), 0, N, jnp.int32)
    inp['edge_idx_kj'] = jax.random.randint(ks[8], (T,), 0, E, jnp.int32)
    inp['edge_idx_ji'] = jax.random.randint(ks[9], (T,), 0, E, jnp.int32)
    def w(k, fi, fo):
        return jax.random.normal(k, (fi, fo), jnp.float32) / np.sqrt(fi)
    inp['W_node'] = w(ks[10], HD, 2 * VD)
    inp['b_node'] = jnp.zeros((2 * VD,), jnp.float32)
    inp['W_c1'] = w(ks[11], CD, VD)
    inp['W_c2'] = w(ks[12], VD, VD)
    inp['W_t1'] = w(ks[13], VD, VD)
    inp['b_t1'] = jnp.zeros((VD,), jnp.float32)
    inp['W_t2'] = w(ks[14], VD, VD)
    inp['b_t2'] = jnp.zeros((VD,), jnp.float32)
    inp['W_basis'] = w(ks[15], VD, VD)
    inp['W_n1'] = w(ks[16], 2 * VD, VD)
    inp['b_n1'] = jnp.zeros((VD,), jnp.float32)
    inp['W_n2'] = w(ks[17], VD, VD)
    inp['b_n2'] = jnp.zeros((VD,), jnp.float32)
    inp['W_out'] = w(ks[18], VD, HD)
    return inp

def reference(x, cji, valence_mask, cutoff_w, rb, shb, idx_i, idx_j, tri_idx_k, edge_idx_kj, edge_idx_ji, W_node, b_node, W_c1, W_c2, W_t1, b_t1, W_t2, b_t2, W_basis, W_n1, b_n1, W_n2, b_n2, W_out):
    # add_valence=False path: valence_mask is unused
    x_before = x
    h = x @ W_node + b_node
    x1, xk = jnp.split(h, 2, axis=-1)
    # f_coeffs
    c = silu(silu(cji @ W_c1) @ W_c2)  # (E, n_orb, VD)
    # cutoff weighting
    rb_w = rb * cutoff_w[:, None]  # (E, n_orb)
    # triplet gather
    ckj = c[edge_idx_kj]  # (T, n_orb, VD)
    three_body_orbs = jnp.einsum('ed,edh->eh', rb_w[edge_idx_kj] * shb, ckj)  # (T, VD)
    three_body_orbs = l2norm(three_body_orbs)
    xk_t = jax.nn.sigmoid(xk[tri_idx_k])  # (T, VD)
    three_body_w = three_body_orbs * xk_t
    agg_e = jax.ops.segment_sum(three_body_w, edge_idx_ji, num_segments=rb.shape[0])  # (E, VD)
    three_body_w = silu(silu(agg_e @ W_t1 + b_t1) @ W_t2 + b_t2)  # f_three
    c = c + c * three_body_w[:, None, :]
    lcao_w = jnp.einsum('ed,edh->eh', rb_w, c)  # (E, VD)
    lcao_w = l2norm(lcao_w)
    lcao_w = lcao_w @ W_basis
    nf = jnp.concatenate([x1[idx_i], x1[idx_j]], axis=-1)  # (E, 2*VD)
    nf = silu(silu(nf @ W_n1 + b_n1) @ W_n2 + b_n2)  # f_node
    msg = lcao_w * nf
    agg_n = jax.ops.segment_sum(msg, idx_i, num_segments=x.shape[0])  # (N, VD)
    return x_before + agg_n @ W_out

if __name__ == "__main__":
    import jax
    _d = setup_inputs()
    print(jax.jit(kernel)(*tuple(_d.values())))

</pallas_src>

<mosaic_0001>
#map = affine_map<(d0, d1) -> (0, 0)>
#map1 = affine_map<(d0, d1) -> (0)>
module attributes {stable_mosaic.version = 14 : i64} {
  func.func @_seg_e_body(%arg0: i32, %arg1: i32, %arg2: memref<320000x32xf32, #tpu.memory_space<hbm>>, %arg3: memref<320000xi32, #tpu.memory_space<hbm>>, %arg4: memref<160000x32xf32, #tpu.memory_space<hbm>>, %arg5: memref<400xi32, #tpu.memory_space<vmem>>, %arg6: memref<400xi32, #tpu.memory_space<vmem>>, %arg7: memref<400x32xf32, #tpu.memory_space<vmem>>, %arg8: memref<400x32xf32, #tpu.memory_space<vmem>>, %arg9: memref<40064x32xf32, #tpu.memory_space<vmem_shared>>, %arg10: memref<!tpu.dma_semaphore, #tpu.memory_space<semaphore_mem>>) attributes {dimension_semantics = [#tpu.dimension_semantics<core_parallel>, #tpu.dimension_semantics<subcore_parallel>], iteration_bounds = array<i64: 2, 16>, scalar_prefetch = 0 : i64, scratch_operands = 6 : i64, tpu.core_type = #tpu.core_type<sc_vector_subcore>, window_params = [{transform_indices = #map}, {transform_indices = #map1}, {transform_indices = #map}]} {
    %broadcast_in_dim3A = arith.constant 0.000000e+00 : f32
    %broadcast_in_dim3A_0 = vector.broadcast %broadcast_in_dim3A : f32 to vector<16xf32>
    %scan3A = arith.constant 0 : i32
    %scan3A_1 = arith.constant 0 : i32
    %scan3A_2 = arith.constant 400 : i32
    %scan3A_3 = arith.addi %scan3A_1, %scan3A_2 : i32
    %scan3A_4 = arith.constant 1 : i32
    scf.for %scan3A_143 = %scan3A_1 to %scan3A_3 step %scan3A_4  : i32 {
      %swap3A = arith.index_cast %scan3A_143 : i32 to index
      %swap3A_144 = arith.constant 0 : index
      %swap3A_145 = tpu.vector_load %arg8[%swap3A, %swap3A_144] {strides = array<i32>} : memref<400x32xf32, #tpu.memory_space<vmem>>, vector<16xf32>,
      tpu.vector_store %arg8[%swap3A, %swap3A_144], %broadcast_in_dim3A_0 {strides = array<i32>} : memref<400x32xf32, #tpu.memory_space<vmem>>, vector<16xf32>,
      %swap3A_146 = arith.index_cast %scan3A_143 : i32 to index
      %swap3A_147 = arith.constant 16 : index
      %swap3A_148 = tpu.vector_load %arg8[%swap3A_146, %swap3A_147] {strides = array<i32>} : memref<400x32xf32, #tpu.memory_space<vmem>>, vector<16xf32>,
      tpu.vector_store %arg8[%swap3A_146, %swap3A_147], %broadcast_in_dim3A_0 {strides = array<i32>} : memref<400x32xf32, #tpu.memory_space<vmem>>, vector<16xf32>,
    }
    %scan3A_5 = arith.constant 400 : i32
    %mul3A = arith.constant 2 : i32
    %mul3A_6 = arith.muli %arg0, %mul3A : i32
    %add3A = arith.constant 0 : i32
    %add3A_7 = arith.addi %mul3A_6, %add3A : i32
    %mul3A_8 = arith.constant 40000 : i32
    %mul3A_9 = arith.muli %add3A_7, %mul3A_8 : i32
    %mul3A_10 = arith.constant 2504 : i32
    %mul3A_11 = arith.muli %arg1, %mul3A_10 : i32
    %add3A_12 = arith.constant 0 : i32
    %add3A_13 = arith.addi %mul3A_11, %add3A_12 : i32
    "tpu.region"() ({
      %run_scoped3A = tpu.sem_alloc : memref<!tpu.dma_semaphore, #tpu.memory_space<semaphore_mem>>
      %dma_start3A = arith.constant 0 : i32
      %dma_start3A_143 = tpu.memref_slice %arg9[%add3A_13, %dma_start3A] : memref<40064x32xf32, #tpu.memory_space<vmem_shared>> -> memref<400x32xf32, #tpu.memory_space<vmem_shared>>
      %dma_start3A_144 = arith.constant 0 : i32
      %dma_start3A_145 = tpu.memref_slice %arg9[%add3A_13, %dma_start3A_144] : memref<40064x32xf32, #tpu.memory_space<vmem_shared>> -> memref<400x32xf32, #tpu.memory_space<vmem_shared>>
      tpu.enqueue_dma source(%arg8 : memref<400x32xf32, #tpu.memory_space<vmem>>) target(%dma_start3A_145 : memref<400x32xf32, #tpu.memory_space<vmem_shared>>) target_semaphore(%run_scoped3A : memref<!tpu.dma_semaphore, #tpu.memory_space<semaphore_mem>>)
      %dma_wait3A = arith.constant 0 : i32
      %dma_wait3A_146 = tpu.memref_slice %arg9[%add3A_13, %dma_wait3A] : memref<40064x32xf32, #tpu.memory_space<vmem_shared>> -> memref<400x32xf32, #tpu.memory_space<vmem_shared>>
      %dma_wait3A_147 = arith.constant 0 : i32
      %dma_wait3A_148 = tpu.memref_slice %arg9[%add3A_13, %dma_wait3A_147] : memref<40064x32xf32, #tpu.memory_space<vmem_shared>> -> memref<400x32xf32, #tpu.memory_space<vmem_shared>>
      tpu.wait_dma2 semaphore(%run_scoped3A : memref<!tpu.dma_semaphore, #tpu.memory_space<semaphore_mem>>) src(%arg8 : memref<400x32xf32, #tpu.memory_space<vmem>>) dst(%dma_wait3A_148 : memref<400x32xf32, #tpu.memory_space<vmem_shared>>)
      tpu.yield
    }) : () -> ()
    %add3A_14 = arith.constant 400 : i32
    %add3A_15 = arith.addi %mul3A_11, %add3A_14 : i32
    "tpu.region"() ({
      %run_scoped3A = tpu.sem_alloc : memref<!tpu.dma_semaphore, #tpu.memory_space<semaphore_mem>>
      %dma_start3A = arith.constant 0 : i32
      %dma_start3A_143 = tpu.memref_slice %arg9[%add3A_15, %dma_start3A] : memref<40064x32xf32, #tpu.memory_space<vmem_shared>> -> memref<400x32xf32, #tpu.memory_space<vmem_shared>>
      %dma_start3A_144 = arith.constant 0 : i32
      %dma_start3A_145 = tpu.memref_slice %arg9[%add3A_15, %dma_start3A_144] : memref<40064x32xf32, #tpu.memory_space<vmem_shared>> -> memref<400x32xf32, #tpu.memory_space<vmem_shared>>
      tpu.enqueue_dma source(%arg8 : memref<400x32xf32, #tpu.memory_space<vmem>>) target(%dma_start3A_145 : memref<400x32xf32, #tpu.memory_space<vmem_shared>>) target_semaphore(%run_scoped3A : memref<!tpu.dma_semaphore, #tpu.memory_space<semaphore_mem>>)
      %dma_wait3A = arith.constant 0 : i32
      %dma_wait3A_146 = tpu.memref_slice %arg9[%add3A_15, %dma_wait3A] : memref<40064x32xf32, #tpu.memory_space<vmem_shared>> -> memref<400x32xf32, #tpu.memory_space<vmem_shared>>
      %dma_wait3A_147 = arith.constant 0 : i32
      %dma_wait3A_148 = tpu.memref_slice %arg9[%add3A_15, %dma_wait3A_147] : memref<40064x32xf32, #tpu.memory_space<vmem_shared>> -> memref<400x32xf32, #tpu.memory_space<vmem_shared>>
      tpu.wait_dma2 semaphore(%run_scoped3A : memref<!tpu.dma_semaphore, #tpu.memory_space<semaphore_mem>>) src(%arg8 : memref<400x32xf32, #tpu.memory_space<vmem>>) dst(%dma_wait3A_148 : memref<400x32xf32, #tpu.memory_space<vmem_shared>>)
      tpu.yield
    }) : () -> ()
    %add3A_16 = arith.constant 800 : i32
    %add3A_17 = arith.addi %mul3A_11, %add3A_16 : i32
    "tpu.region"() ({
      %run_scoped3A = tpu.sem_alloc : memref<!tpu.dma_semaphore, #tpu.memory_space<semaphore_mem>>
      %dma_start3A = arith.constant 0 : i32
      %dma_start3A_143 = tpu.memref_slice %arg9[%add3A_17, %dma_start3A] : memref<40064x32xf32, #tpu.memory_space<vmem_shared>> -> memref<400x32xf32, #tpu.memory_space<vmem_shared>>
      %dma_start3A_144 = arith.constant 0 : i32
      %dma_start3A_145 = tpu.memref_slice %arg9[%add3A_17, %dma_start3A_144] : memref<40064x32xf32, #tpu.memory_space<vmem_shared>> -> memref<400x32xf32, #tpu.memory_space<vmem_shared>>
      tpu.enqueue_dma source(%arg8 : memref<400x32xf32, #tpu.memory_space<vmem>>) target(%dma_start3A_145 : memref<400x32xf32, #tpu.memory_space<vmem_shared>>) target_semaphore(%run_scoped3A : memref<!tpu.dma_semaphore, #tpu.memory_space<semaphore_mem>>)
      %dma_wait3A = arith.constant 0 : i32
      %dma_wait3A_146 = tpu.memref_slice %arg9[%add3A_17, %dma_wait3A] : memref<40064x32xf32, #tpu.memory_space<vmem_shared>> -> memref<400x32xf32, #tpu.memory_space<vmem_shared>>
      %dma_wait3A_147 = arith.constant 0 : i32
      %dma_wait3A_148 = tpu.memref_slice %arg9[%add3A_17, %dma_wait3A_147] : memref<40064x32xf32, #tpu.memory_space<vmem_shared>> -> memref<400x32xf32, #tpu.memory_space<vmem_shared>>
      tpu.wait_dma2 semaphore(%run_scoped3A : memref<!tpu.dma_semaphore, #tpu.memory_space<semaphore_mem>>) src(%arg8 : memref<400x32xf32, #tpu.memory_space<vmem>>) dst(%dma_wait3A_148 : memref<400x32xf32, #tpu.memory_space<vmem_shared>>)
      tpu.yield
    }) : () -> ()
    %add3A_18 = arith.constant 1200 : i32
    %add3A_19 = arith.addi %mul3A_11, %add3A_18 : i32
    "tpu.region"() ({
      %run_scoped3A = tpu.sem_alloc : memref<!tpu.dma_semaphore, #tpu.memory_space<semaphore_mem>>
      %dma_start3A = arith.constant 0 : i32
      %dma_start3A_143 = tpu.memref_slice %arg9[%add3A_19, %dma_start3A] : memref<40064x32xf32, #tpu.memory_space<vmem_shared>> -> memref<400x32xf32, #tpu.memory_space<vmem_shared>>
      %dma_start3A_144 = arith.constant 0 : i32
      %dma_start3A_145 = tpu.memref_slice %arg9[%add3A_19, %dma_start3A_144] : memref<40064x32xf32, #tpu.memory_space<vmem_shared>> -> memref<400x32xf32, #tpu.memory_space<vmem_shared>>
      tpu.enqueue_dma source(%arg8 : memref<400x32xf32, #tpu.memory_space<vmem>>) target(%dma_start3A_145 : memref<400x32xf32, #tpu.memory_space<vmem_shared>>) target_semaphore(%run_scoped3A : memref<!tpu.dma_semaphore, #tpu.memory_space<semaphore_mem>>)
      %dma_wait3A = arith.constant 0 : i32
      %dma_wait3A_146 = tpu.memref_slice %arg9[%add3A_19, %dma_wait3A] : memref<40064x32xf32, #tpu.memory_space<vmem_shared>> -> memref<400x32xf32, #tpu.memory_space<vmem_shared>>
      %dma_wait3A_147 = arith.constant 0 : i32
      %dma_wait3A_148 = tpu.memref_slice %arg9[%add3A_19, %dma_wait3A_147] : memref<40064x32xf32, #tpu.memory_space<vmem_shared>> -> memref<400x32xf32, #tpu.memory_space<vmem_shared>>
      tpu.wait_dma2 semaphore(%run_scoped3A : memref<!tpu.dma_semaphore, #tpu.memory_space<semaphore_mem>>) src(%arg8 : memref<400x32xf32, #tpu.memory_space<vmem>>) dst(%dma_wait3A_148 : memref<400x32xf32, #tpu.memory_space<vmem_shared>>)
      tpu.yield
    }) : () -> ()
    %add3A_20 = arith.constant 1600 : i32
    %add3A_21 = arith.addi %mul3A_11, %add3A_20 : i32
    "tpu.region"() ({
      %run_scoped3A = tpu.sem_alloc : memref<!tpu.dma_semaphore, #tpu.memory_space<semaphore_mem>>
      %dma_start3A = arith.constant 0 : i32
      %dma_start3A_143 = tpu.memref_slice %arg9[%add3A_21, %dma_start3A] : memref<40064x32xf32, #tpu.memory_space<vmem_shared>> -> memref<400x32xf32, #tpu.memory_space<vmem_shared>>
      %dma_start3A_144 = arith.constant 0 : i32
      %dma_start3A_145 = tpu.memref_slice %arg9[%add3A_21, %dma_start3A_144] : memref<40064x32xf32, #tpu.memory_space<vmem_shared>> -> memref<400x32xf32, #tpu.memory_space<vmem_shared>>
      tpu.enqueue_dma source(%arg8 : memref<400x32xf32, #tpu.memory_space<vmem>>) target(%dma_start3A_145 : memref<400x32xf32, #tpu.memory_space<vmem_shared>>) target_semaphore(%run_scoped3A : memref<!tpu.dma_semaphore, #tpu.memory_space<semaphore_mem>>)
      %dma_wait3A = arith.constant 0 : i32
      %dma_wait3A_146 = tpu.memref_slice %arg9[%add3A_21, %dma_wait3A] : memref<40064x32xf32, #tpu.memory_space<vmem_shared>> -> memref<400x32xf32, #tpu.memory_space<vmem_shared>>
      %dma_wait3A_147 = arith.constant 0 : i32
      %dma_wait3A_148 = tpu.memref_slice %arg9[%add3A_21, %dma_wait3A_147] : memref<40064x32xf32, #tpu.memory_space<vmem_shared>> -> memref<400x32xf32, #tpu.memory_space<vmem_shared>>
      tpu.wait_dma2 semaphore(%run_scoped3A : memref<!tpu.dma_semaphore, #tpu.memory_space<semaphore_mem>>) src(%arg8 : memref<400x32xf32, #tpu.memory_space<vmem>>) dst(%dma_wait3A_148 : memref<400x32xf32, #tpu.memory_space<vmem_shared>>)
      tpu.yield
    }) : () -> ()
    %add3A_22 = arith.constant 2000 : i32
    %add3A_23 = arith.addi %mul3A_11, %add3A_22 : i32
    "tpu.region"() ({
      %run_scoped3A = tpu.sem_alloc : memref<!tpu.dma_semaphore, #tpu.memory_space<semaphore_mem>>
      %dma_start3A = arith.constant 0 : i32
      %dma_start3A_143 = tpu.memref_slice %arg9[%add3A_23, %dma_start3A] : memref<40064x32xf32, #tpu.memory_space<vmem_shared>> -> memref<400x32xf32, #tpu.memory_space<vmem_shared>>
      %dma_start3A_144 = arith.constant 0 : i32
      %dma_start3A_145 = tpu.memref_slice %arg9[%add3A_23, %dma_start3A_144] : memref<40064x32xf32, #tpu.memory_space<vmem_shared>> -> memref<400x32xf32, #tpu.memory_space<vmem_shared>>
      tpu.enqueue_dma source(%arg8 : memref<400x32xf32, #tpu.memory_space<vmem>>) target(%dma_start3A_145 : memref<400x32xf32, #tpu.memory_space<vmem_shared>>) target_semaphore(%run_scoped3A : memref<!tpu.dma_semaphore, #tpu.memory_space<semaphore_mem>>)
      %dma_wait3A = arith.constant 0 : i32
      %dma_wait3A_146 = tpu.memref_slice %arg9[%add3A_23, %dma_wait3A] : memref<40064x32xf32, #tpu.memory_space<vmem_shared>> -> memref<400x32xf32, #tpu.memory_space<vmem_shared>>
      %dma_wait3A_147 = arith.constant 0 : i32
      %dma_wait3A_148 = tpu.memref_slice %arg9[%add3A_23, %dma_wait3A_147] : memref<40064x32xf32, #tpu.memory_space<vmem_shared>> -> memref<400x32xf32, #tpu.memory_space<vmem_shared>>
      tpu.wait_dma2 semaphore(%run_scoped3A : memref<!tpu.dma_semaphore, #tpu.memory_space<semaphore_mem>>) src(%arg8 : memref<400x32xf32, #tpu.memory_space<vmem>>) dst(%dma_wait3A_148 : memref<400x32xf32, #tpu.memory_space<vmem_shared>>)
      tpu.yield
    }) : () -> ()
    %add3A_24 = arith.constant 2400 : i32
    %add3A_25 = arith.addi %mul3A_11, %add3A_24 : i32
    "tpu.region"() ({
      %run_scoped3A = tpu.sem_alloc : memref<!tpu.dma_semaphore, #tpu.memory_space<semaphore_mem>>
      %dma_start3A = arith.constant 0 : i32
      %dma_start3A_143 = arith.constant 0 : i32
      %dma_start3A_144 = tpu.memref_slice %arg8[%dma_start3A, %dma_start3A_143] : memref<400x32xf32, #tpu.memory_space<vmem>> -> memref<104x32xf32, #tpu.memory_space<vmem>>
      %dma_start3A_145 = arith.constant 0 : i32
      %dma_start3A_146 = tpu.memref_slice %arg9[%add3A_25, %dma_start3A_145] : memref<40064x32xf32, #tpu.memory_space<vmem_shared>> -> memref<104x32xf32, #tpu.memory_space<vmem_shared>>
      %dma_start3A_147 = arith.constant 0 : i32
      %dma_start3A_148 = tpu.memref_slice %arg9[%add3A_25, %dma_start3A_147] : memref<40064x32xf32, #tpu.memory_space<vmem_shared>> -> memref<104x32xf32, #tpu.memory_space<vmem_shared>>
      %dma_start3A_149 = arith.constant 0 : i32
      %dma_start3A_150 = arith.constant 0 : i32
      %dma_start3A_151 = tpu.memref_slice %arg8[%dma_start3A_149, %dma_start3A_150] : memref<400x32xf32, #tpu.memory_space<vmem>> -> memref<104x32xf32, #tpu.memory_space<vmem>>
      tpu.enqueue_dma source(%dma_start3A_151 : memref<104x32xf32, #tpu.memory_space<vmem>>) target(%dma_start3A_148 : memref<104x32xf32, #tpu.memory_space<vmem_shared>>) target_semaphore(%run_scoped3A : memref<!tpu.dma_semaphore, #tpu.memory_space<semaphore_mem>>)
      %dma_wait3A = arith.constant 0 : i32
      %dma_wait3A_152 = arith.constant 0 : i32
      %dma_wait3A_153 = tpu.memref_slice %arg8[%dma_wait3A, %dma_wait3A_152] : memref<400x32xf32, #tpu.memory_space<vmem>> -> memref<104x32xf32, #tpu.memory_space<vmem>>
      %dma_wait3A_154 = arith.constant 0 : i32
      %dma_wait3A_155 = tpu.memref_slice %arg9[%add3A_25, %dma_wait3A_154] : memref<40064x32xf32, #tpu.memory_space<vmem_shared>> -> memref<104x32xf32, #tpu.memory_space<vmem_shared>>
      %dma_wait3A_156 = arith.constant 0 : i32
      %dma_wait3A_157 = tpu.memref_slice %arg9[%add3A_25, %dma_wait3A_156] : memref<40064x32xf32, #tpu.memory_space<vmem_shared>> -> memref<104x32xf32, #tpu.memory_space<vmem_shared>>
      %dma_wait3A_158 = arith.constant 0 : i32
      %dma_wait3A_159 = arith.constant 0 : i32
      %dma_wait3A_160 = tpu.memref_slice %arg8[%dma_wait3A_158, %dma_wait3A_159] : memref<400x32xf32, #tpu.memory_space<vmem>> -> memref<104x32xf32, #tpu.memory_space<vmem>>
      tpu.wait_dma2 semaphore(%run_scoped3A : memref<!tpu.dma_semaphore, #tpu.memory_space<semaphore_mem>>) src(%dma_wait3A_160 : memref<104x32xf32, #tpu.memory_space<vmem>>) dst(%dma_wait3A_157 : memref<104x32xf32, #tpu.memory_space<vmem_shared>>)
      tpu.yield
    }) : () -> ()
    %barrier3A = arith.constant 0 : index
    tpu.barrier barrier_id(%barrier3A)
    %mul3A_26 = arith.constant 20000 : i32
    %mul3A_27 = arith.muli %arg1, %mul3A_26 : i32
    %scan3A_28 = arith.constant 0 : i32
    %scan3A_29 = arith.constant 0 : i32
    %scan3A_30 = arith.constant 50 : i32
    %scan3A_31 = arith.addi %scan3A_29, %scan3A_30 : i32
    %scan3A_32 = arith.constant 1 : i32
    scf.for %scan3A_143 = %scan3A_29 to %scan3A_31 step %scan3A_32  : i32 {
      %mul3A_144 = arith.constant 400 : i32
      %mul3A_145 = arith.muli %scan3A_143, %mul3A_144 : i32
      %add3A_146 = arith.addi %mul3A_27, %mul3A_145 : i32
      "tpu.region"() ({
        %run_scoped3A = tpu.sem_alloc : memref<!tpu.dma_semaphore, #tpu.memory_space<semaphore_mem>>
        %dma_start3A = tpu.memref_slice %arg3[%add3A_146] : memref<320000xi32, #tpu.memory_space<hbm>> -> memref<400xi32, #tpu.memory_space<hbm>>
        %dma_start3A_153 = tpu.memref_slice %arg3[%add3A_146] : memref<320000xi32, #tpu.memory_space<hbm>> -> memref<400xi32, #tpu.memory_space<hbm>>
        tpu.enqueue_dma source(%dma_start3A_153 : memref<400xi32, #tpu.memory_space<hbm>>) target(%arg5 : memref<400xi32, #tpu.memory_space<vmem>>) target_semaphore(%run_scoped3A : memref<!tpu.dma_semaphore, #tpu.memory_space<semaphore_mem>>)
        %dma_wait3A = tpu.memref_slice %arg3[%add3A_146] : memref<320000xi32, #tpu.memory_space<hbm>> -> memref<400xi32, #tpu.memory_space<hbm>>
        %dma_wait3A_154 = tpu.memref_slice %arg3[%add3A_146] : memref<320000xi32, #tpu.memory_space<hbm>> -> memref<400xi32, #tpu.memory_space<hbm>>
        tpu.wait_dma2 semaphore(%run_scoped3A : memref<!tpu.dma_semaphore, #tpu.memory_space<semaphore_mem>>) src(%dma_wait3A_154 : memref<400xi32, #tpu.memory_space<hbm>>) dst(%arg5 : memref<400xi32, #tpu.memory_space<vmem>>)
        tpu.yield
      }) : () -> ()
      "tpu.region"() ({
        %run_scoped3A = tpu.sem_alloc : memref<!tpu.dma_semaphore, #tpu.memory_space<semaphore_mem>>
        %dma_start3A = arith.constant 0 : i32
        %dma_start3A_153 = tpu.memref_slice %arg2[%add3A_146, %dma_start3A] : memref<320000x32xf32, #tpu.memory_space<hbm>> -> memref<400x32xf32, #tpu.memory_space<hbm>>
        %dma_start3A_154 = arith.constant 0 : i32
        %dma_start3A_155 = tpu.memref_slice %arg2[%add3A_146, %dma_start3A_154] : memref<320000x32xf32, #tpu.memory_space<hbm>> -> memref<400x32xf32, #tpu.memory_space<hbm>>
        tpu.enqueue_dma source(%dma_start3A_155 : memref<400x32xf32, #tpu.memory_space<hbm>>) target(%arg7 : memref<400x32xf32, #tpu.memory_space<vmem>>) target_semaphore(%run_scoped3A : memref<!tpu.dma_semaphore, #tpu.memory_space<semaphore_mem>>)
        %dma_wait3A = arith.constant 0 : i32
        %dma_wait3A_156 = tpu.memref_slice %arg2[%add3A_146, %dma_wait3A] : memref<320000x32xf32, #tpu.memory_space<hbm>> -> memref<400x32xf32, #tpu.memory_space<hbm>>
        %dma_wait3A_157 = arith.constant 0 : i32
        %dma_wait3A_158 = tpu.memref_slice %arg2[%add3A_146, %dma_wait3A_157] : memref<320000x32xf32, #tpu.memory_space<hbm>> -> memref<400x32xf32, #tpu.memory_space<hbm>>
        tpu.wait_dma2 semaphore(%run_scoped3A : memref<!tpu.dma_semaphore, #tpu.memory_space<semaphore_mem>>) src(%dma_wait3A_158 : memref<400x32xf32, #tpu.memory_space<hbm>>) dst(%arg7 : memref<400x32xf32, #tpu.memory_space<vmem>>)
        tpu.yield
      }) : () -> ()
      %scan3A_147 = arith.constant 0 : i32
      %scan3A_148 = arith.constant 0 : i32
      %scan3A_149 = arith.constant 25 : i32
      %scan3A_150 = arith.addi %scan3A_148, %scan3A_149 : i32
      %scan3A_151 = arith.constant 1 : i32
      scf.for %scan3A_153 = %scan3A_148 to %scan3A_150 step %scan3A_151  : i32 {
        %mul3A_154 = arith.constant 16 : i32
        %mul3A_155 = arith.muli %scan3A_153, %mul3A_154 : i32
        %get3A = arith.index_cast %mul3A_155 : i32 to index
        %get3A_156 = tpu.vector_load %arg5[%get3A] {strides = array<i32>} : memref<400xi32, #tpu.memory_space<vmem>>, vector<16xi32>,
        %sub3A = vector.broadcast %mul3A_9 : i32 to vector<16xi32>
        %sub3A_157 = arith.subi %get3A_156, %sub3A : vector<16xi32>
        %ge3A = arith.constant 0 : i32
        %ge3A_158 = vector.broadcast %ge3A : i32 to vector<16xi32>
        %ge3A_159 = arith.cmpi sge, %sub3A_157, %ge3A_158 : vector<16xi32>
        %lt3A = arith.constant 40000 : i32
        %lt3A_160 = vector.broadcast %lt3A : i32 to vector<16xi32>
        %lt3A_161 = arith.cmpi slt, %sub3A_157, %lt3A_160 : vector<16xi32>
        %and3A = arith.andi %ge3A_159, %lt3A_161 : vector<16xi1>
        %and3A_162 = arith.constant 63 : i32
        %and3A_163 = vector.broadcast %and3A_162 : i32 to vector<16xi32>
        %and3A_164 = arith.andi %get3A_156, %and3A_163 : vector<16xi32>
        %add3A_165 = arith.constant 40000 : i32
        %add3A_166 = vector.broadcast %add3A_165 : i32 to vector<16xi32>
        %add3A_167 = arith.addi %add3A_166, %and3A_164 : vector<16xi32>
        %select_n3A = arith.select %and3A, %sub3A_157, %add3A_167 : vector<16xi1>, vector<16xi32>
        %mul3A_168 = arith.constant 16 : i32
        %mul3A_169 = arith.muli %scan3A_153, %mul3A_168 : i32
        %swap3A = arith.index_cast %mul3A_169 : i32 to index
        %swap3A_170 = tpu.vector_load %arg6[%swap3A] {strides = array<i32>} : memref<400xi32, #tpu.memory_space<vmem>>, vector<16xi32>,
        tpu.vector_store %arg6[%swap3A], %select_n3A {strides = array<i32>} : memref<400xi32, #tpu.memory_space<vmem>>, vector<16xi32>,
      }
      %scan3A_152 = arith.constant 25 : i32
      "tpu.region"() ({
        %run_scoped3A = tpu.sem_alloc : memref<!tpu.dma_semaphore, #tpu.memory_space<semaphore_mem>>
        %dma_start3A = arith.constant 0 : i32
        %dma_start3A_153 = arith.constant 0 : i32
        %dma_start3A_154 = tpu.memref_slice %arg9[%dma_start3A, %dma_start3A_153] : memref<40064x32xf32, #tpu.memory_space<vmem_shared>> -> memref<40064x32xf32, #tpu.memory_space<vmem_shared>>
        tpu.enqueue_indirect_dma source(%arg7 : memref<400x32xf32, #tpu.memory_space<vmem>>) target(%dma_start3A_154 : memref<40064x32xf32, #tpu.memory_space<vmem_shared>>) offsets(%arg6 : memref<400xi32, #tpu.memory_space<vmem>>) semaphore(%run_scoped3A : memref<!tpu.dma_semaphore, #tpu.memory_space<semaphore_mem>>) {add = true}
        %dma_wait3A = arith.constant 0 : i32
        %dma_wait3A_155 = arith.constant 0 : i32
        %dma_wait3A_156 = tpu.memref_slice %arg9[%dma_wait3A, %dma_wait3A_155] : memref<40064x32xf32, #tpu.memory_space<vmem_shared>> -> memref<40064x32xf32, #tpu.memory_space<vmem_shared>>
        tpu.wait_indirect_dma semaphore(%run_scoped3A : memref<!tpu.dma_semaphore, #tpu.memory_space<semaphore_mem>>) src(%arg7 : memref<400x32xf32, #tpu.memory_space<vmem>>) dst(%dma_wait3A_156 : memref<40064x32xf32, #tpu.memory_space<vmem_shared>>)
        tpu.yield
      }) : () -> ()
    }
    %scan3A_33 = arith.constant 50 : i32
    %barrier3A_34 = arith.constant 0 : index
    tpu.barrier barrier_id(%barrier3A_34)
    %mul3A_35 = arith.constant 2500 : i32
    %mul3A_36 = arith.muli %arg1, %mul3A_35 : i32
    %add3A_37 = arith.constant 0 : i32
    %add3A_38 = arith.addi %mul3A_36, %add3A_37 : i32
    "tpu.region"() ({
      %run_scoped3A = tpu.sem_alloc : memref<!tpu.dma_semaphore, #tpu.memory_space<semaphore_mem>>
      %dma_start3A = arith.constant 0 : i32
      %dma_start3A_143 = tpu.memref_slice %arg9[%add3A_38, %dma_start3A] : memref<40064x32xf32, #tpu.memory_space<vmem_shared>> -> memref<400x32xf32, #tpu.memory_space<vmem_shared>>
      %dma_start3A_144 = arith.constant 0 : i32
      %dma_start3A_145 = tpu.memref_slice %arg9[%add3A_38, %dma_start3A_144] : memref<40064x32xf32, #tpu.memory_space<vmem_shared>> -> memref<400x32xf32, #tpu.memory_space<vmem_shared>>
      tpu.enqueue_dma source(%dma_start3A_145 : memref<400x32xf32, #tpu.memory_space<vmem_shared>>) target(%arg7 : memref<400x32xf32, #tpu.memory_space<vmem>>) target_semaphore(%run_scoped3A : memref<!tpu.dma_semaphore, #tpu.memory_space<semaphore_mem>>)
      %dma_wait3A = arith.constant 0 : i32
      %dma_wait3A_146 = tpu.memref_slice %arg9[%add3A_38, %dma_wait3A] : memref<40064x32xf32, #tpu.memory_space<vmem_shared>> -> memref<400x32xf32, #tpu.memory_space<vmem_shared>>
      %dma_wait3A_147 = arith.constant 0 : i32
      %dma_wait3A_148 = tpu.memref_slice %arg9[%add3A_38, %dma_wait3A_147] : memref<40064x32xf32, #tpu.memory_space<vmem_shared>> -> memref<400x32xf32, #tpu.memory_space<vmem_shared>>
      tpu.wait_dma2 semaphore(%run_scoped3A : memref<!tpu.dma_semaphore, #tpu.memory_space<semaphore_mem>>) src(%dma_wait3A_148 : memref<400x32xf32, #tpu.memory_space<vmem_shared>>) dst(%arg7 : memref<400x32xf32, #tpu.memory_space<vmem>>)
      tpu.yield
    }) : () -> ()
    %add3A_39 = arith.addi %mul3A_9, %mul3A_36 : i32
    %add3A_40 = arith.constant 0 : i32
    %add3A_41 = arith.addi %add3A_39, %add3A_40 : i32
    "tpu.region"() ({
      %run_scoped3A = tpu.sem_alloc : memref<!tpu.dma_semaphore, #tpu.memory_space<semaphore_mem>>
      %dma_start3A = arith.constant 0 : i32
      %dma_start3A_143 = tpu.memref_slice %arg4[%add3A_41, %dma_start3A] : memref<160000x32xf32, #tpu.memory_space<hbm>> -> memref<400x32xf32, #tpu.memory_space<hbm>>
      %dma_start3A_144 = arith.constant 0 : i32
      %dma_start3A_145 = tpu.memref_slice %arg4[%add3A_41, %dma_start3A_144] : memref<160000x32xf32, #tpu.memory_space<hbm>> -> memref<400x32xf32, #tpu.memory_space<hbm>>
      tpu.enqueue_dma source(%arg7 : memref<400x32xf32, #tpu.memory_space<vmem>>) target(%dma_start3A_145 : memref<400x32xf32, #tpu.memory_space<hbm>>) target_semaphore(%run_scoped3A : memref<!tpu.dma_semaphore, #tpu.memory_space<semaphore_mem>>)
      %dma_wait3A = arith.constant 0 : i32
      %dma_wait3A_146 = tpu.memref_slice %arg4[%add3A_41, %dma_wait3A] : memref<160000x32xf32, #tpu.memory_space<hbm>> -> memref<400x32xf32, #tpu.memory_space<hbm>>
      %dma_wait3A_147 = arith.constant 0 : i32
      %dma_wait3A_148 = tpu.memref_slice %arg4[%add3A_41, %dma_wait3A_147] : memref<160000x32xf32, #tpu.memory_space<hbm>> -> memref<400x32xf32, #tpu.memory_space<hbm>>
      tpu.wait_dma2 semaphore(%run_scoped3A : memref<!tpu.dma_semaphore, #tpu.memory_space<semaphore_mem>>) src(%arg7 : memref<400x32xf32, #tpu.memory_space<vmem>>) dst(%dma_wait3A_148 : memref<400x32xf32, #tpu.memory_space<hbm>>)
      tpu.yield
    }) : () -> ()
    %add3A_42 = arith.constant 400 : i32
    %add3A_43 = arith.addi %mul3A_36, %add3A_42 : i32
    "tpu.region"() ({
      %run_scoped3A = tpu.sem_alloc : memref<!tpu.dma_semaphore, #tpu.memory_space<semaphore_mem>>
      %dma_start3A = arith.constant 0 : i32
      %dma_start3A_143 = tpu.memref_slice %arg9[%add3A_43, %dma_start3A] : memref<40064x32xf32, #tpu.memory_space<vmem_shared>> -> memref<400x32xf32, #tpu.memory_space<vmem_shared>>
      %dma_start3A_144 = arith.constant 0 : i32
      %dma_start3A_145 = tpu.memref_slice %arg9[%add3A_43, %dma_start3A_144] : memref<40064x32xf32, #tpu.memory_space<vmem_shared>> -> memref<400x32xf32, #tpu.memory_space<vmem_shared>>
      tpu.enqueue_dma source(%dma_start3A_145 : memref<400x32xf32, #tpu.memory_space<vmem_shared>>) target(%arg7 : memref<400x32xf32, #tpu.memory_space<vmem>>) target_semaphore(%run_scoped3A : memref<!tpu.dma_semaphore, #tpu.memory_space<semaphore_mem>>)
      %dma_wait3A = arith.constant 0 : i32
      %dma_wait3A_146 = tpu.memref_slice %arg9[%add3A_43, %dma_wait3A] : memref<40064x32xf32, #tpu.memory_space<vmem_shared>> -> memref<400x32xf32, #tpu.memory_space<vmem_shared>>
      %dma_wait3A_147 = arith.constant 0 : i32
      %dma_wait3A_148 = tpu.memref_slice %arg9[%add3A_43, %dma_wait3A_147] : memref<40064x32xf32, #tpu.memory_space<vmem_shared>> -> memref<400x32xf32, #tpu.memory_space<vmem_shared>>
      tpu.wait_dma2 semaphore(%run_scoped3A : memref<!tpu.dma_semaphore, #tpu.memory_space<semaphore_mem>>) src(%dma_wait3A_148 : memref<400x32xf32, #tpu.memory_space<vmem_shared>>) dst(%arg7 : memref<400x32xf32, #tpu.memory_space<vmem>>)
      tpu.yield
    }) : () -> ()
    %add3A_44 = arith.addi %mul3A_9, %mul3A_36 : i32
    %add3A_45 = arith.constant 400 : i32
    %add3A_46 = arith.addi %add3A_44, %add3A_45 : i32
    "tpu.region"() ({
      %run_scoped3A = tpu.sem_alloc : memref<!tpu.dma_semaphore, #tpu.memory_space<semaphore_mem>>
      %dma_start3A = arith.constant 0 : i32
      %dma_start3A_143 = tpu.memref_slice %arg4[%add3A_46, %dma_start3A] : memref<160000x32xf32, #tpu.memory_space<hbm>> -> memref<400x32xf32, #tpu.memory_space<hbm>>
      %dma_start3A_144 = arith.constant 0 : i32
      %dma_start3A_145 = tpu.memref_slice %arg4[%add3A_46, %dma_start3A_144] : memref<160000x32xf32, #tpu.memory_space<hbm>> -> memref<400x32xf32, #tpu.memory_space<hbm>>
      tpu.enqueue_dma source(%arg7 : memref<400x32xf32, #tpu.memory_space<vmem>>) target(%dma_start3A_145 : memref<400x32xf32, #tpu.memory_space<hbm>>) target_semaphore(%run_scoped3A : memref<!tpu.dma_semaphore, #tpu.memory_space<semaphore_mem>>)
      %dma_wait3A = arith.constant 0 : i32
      %dma_wait3A_146 = tpu.memref_slice %arg4[%add3A_46, %dma_wait3A] : memref<160000x32xf32, #tpu.memory_space<hbm>> -> memref<400x32xf32, #tpu.memory_space<hbm>>
      %dma_wait3A_147 = arith.constant 0 : i32
      %dma_wait3A_148 = tpu.memref_slice %arg4[%add3A_46, %dma_wait3A_147] : memref<160000x32xf32, #tpu.memory_space<hbm>> -> memref<400x32xf32, #tpu.memory_space<hbm>>
      tpu.wait_dma2 semaphore(%run_scoped3A : memref<!tpu.dma_semaphore, #tpu.memory_space<semaphore_mem>>) src(%arg7 : memref<400x32xf32, #tpu.memory_space<vmem>>) dst(%dma_wait3A_148 : memref<400x32xf32, #tpu.memory_space<hbm>>)
      tpu.yield
    }) : () -> ()
    %add3A_47 = arith.constant 800 : i32
    %add3A_48 = arith.addi %mul3A_36, %add3A_47 : i32
    "tpu.region"() ({
      %run_scoped3A = tpu.sem_alloc : memref<!tpu.dma_semaphore, #tpu.memory_space<semaphore_mem>>
      %dma_start3A = arith.constant 0 : i32
      %dma_start3A_143 = tpu.memref_slice %arg9[%add3A_48, %dma_start3A] : memref<40064x32xf32, #tpu.memory_space<vmem_shared>> -> memref<400x32xf32, #tpu.memory_space<vmem_shared>>
      %dma_start3A_144 = arith.constant 0 : i32
      %dma_start3A_145 = tpu.memref_slice %arg9[%add3A_48, %dma_start3A_144] : memref<40064x32xf32, #tpu.memory_space<vmem_shared>> -> memref<400x32xf32, #tpu.memory_space<vmem_shared>>
      tpu.enqueue_dma source(%dma_start3A_145 : memref<400x32xf32, #tpu.memory_space<vmem_shared>>) target(%arg7 : memref<400x32xf32, #tpu.memory_space<vmem>>) target_semaphore(%run_scoped3A : memref<!tpu.dma_semaphore, #tpu.memory_space<semaphore_mem>>)
      %dma_wait3A = arith.constant 0 : i32
      %dma_wait3A_146 = tpu.memref_slice %arg9[%add3A_48, %dma_wait3A] : memref<40064x32xf32, #tpu.memory_space<vmem_shared>> -> memref<400x32xf32, #tpu.memory_space<vmem_shared>>
      %dma_wait3A_147 = arith.constant 0 : i32
      %dma_wait3A_148 = tpu.memref_slice %arg9[%add3A_48, %dma_wait3A_147] : memref<40064x32xf32, #tpu.memory_space<vmem_shared>> -> memref<400x32xf32, #tpu.memory_space<vmem_shared>>
      tpu.wait_dma2 semaphore(%run_scoped3A : memref<!tpu.dma_semaphore, #tpu.memory_space<semaphore_mem>>) src(%dma_wait3A_148 : memref<400x32xf32, #tpu.memory_space<vmem_shared>>) dst(%arg7 : memref<400x32xf32, #tpu.memory_space<vmem>>)
      tpu.yield
    }) : () -> ()
    %add3A_49 = arith.addi %mul3A_9, %mul3A_36 : i32
    %add3A_50 = arith.constant 800 : i32
    %add3A_51 = arith.addi %add3A_49, %add3A_50 : i32
    "tpu.region"() ({
      %run_scoped3A = tpu.sem_alloc : memref<!tpu.dma_semaphore, #tpu.memory_space<semaphore_mem>>
      %dma_start3A = arith.constant 0 : i32
      %dma_start3A_143 = tpu.memref_slice %arg4[%add3A_51, %dma_start3A] : memref<160000x32xf32, #tpu.memory_space<hbm>> -> memref<400x32xf32, #tpu.memory_space<hbm>>
      %dma_start3A_144 = arith.constant 0 : i32
      %dma_start3A_145 = tpu.memref_slice %arg4[%add3A_51, %dma_start3A_144] : memref<160000x32xf32, #tpu.memory_space<hbm>> -> memref<400x32xf32, #tpu.memory_space<hbm>>
      tpu.enqueue_dma source(%arg7 : memref<400x32xf32, #tpu.memory_space<vmem>>) target(%dma_start3A_145 : memref<400x32xf32, #tpu.memory_space<hbm>>) target_semaphore(%run_scoped3A : memref<!tpu.dma_semaphore, #tpu.memory_space<semaphore_mem>>)
      %dma_wait3A = arith.constant 0 : i32
      %dma_wait3A_146 = tpu.memref_slice %arg4[%add3A_51, %dma_wait3A] : memref<160000x32xf32, #tpu.memory_space<hbm>> -> memref<400x32xf32, #tpu.memory_space<hbm>>
      %dma_wait3A_147 = arith.constant 0 : i32
      %dma_wait3A_148 = tpu.memref_slice %arg4[%add3A_51, %dma_wait3A_147] : memref<160000x32xf32, #tpu.memory_space<hbm>> -> memref<400x32xf32, #tpu.memory_space<hbm>>
      tpu.wait_dma2 semaphore(%run_scoped3A : memref<!tpu.dma_semaphore, #tpu.memory_space<semaphore_mem>>) src(%arg7 : memref<400x32xf32, #tpu.memory_space<vmem>>) dst(%dma_wait3A_148 : memref<400x32xf32, #tpu.memory_space<hbm>>)
      tpu.yield
    }) : () -> ()
    %add3A_52 = arith.constant 1200 : i32
    %add3A_53 = arith.addi %mul3A_36, %add3A_52 : i32
    "tpu.region"() ({
      %run_scoped3A = tpu.sem_alloc : memref<!tpu.dma_semaphore, #tpu.memory_space<semaphore_mem>>
      %dma_start3A = arith.constant 0 : i32
      %dma_start3A_143 = tpu.memref_slice %arg9[%add3A_53, %dma_start3A] : memref<40064x32xf32, #tpu.memory_space<vmem_shared>> -> memref<400x32xf32, #tpu.memory_space<vmem_shared>>
      %dma_start3A_144 = arith.constant 0 : i32
      %dma_start3A_145 = tpu.memref_slice %arg9[%add3A_53, %dma_start3A_144] : memref<40064x32xf32, #tpu.memory_space<vmem_shared>> -> memref<400x32xf32, #tpu.memory_space<vmem_shared>>
      tpu.enqueue_dma source(%dma_start3A_145 : memref<400x32xf32, #tpu.memory_space<vmem_shared>>) target(%arg7 : memref<400x32xf32, #tpu.memory_space<vmem>>) target_semaphore(%run_scoped3A : memref<!tpu.dma_semaphore, #tpu.memory_space<semaphore_mem>>)
      %dma_wait3A = arith.constant 0 : i32
      %dma_wait3A_146 = tpu.memref_slice %arg9[%add3A_53, %dma_wait3A] : memref<40064x32xf32, #tpu.memory_space<vmem_shared>> -> memref<400x32xf32, #tpu.memory_space<vmem_shared>>
      %dma_wait3A_147 = arith.constant 0 : i32
      %dma_wait3A_148 = tpu.memref_slice %arg9[%add3A_53, %dma_wait3A_147] : memref<40064x32xf32, #tpu.memory_space<vmem_shared>> -> memref<400x32xf32, #tpu.memory_space<vmem_shared>>
      tpu.wait_dma2 semaphore(%run_scoped3A : memref<!tpu.dma_semaphore, #tpu.memory_space<semaphore_mem>>) src(%dma_wait3A_148 : memref<400x32xf32, #tpu.memory_space<vmem_shared>>) dst(%arg7 : memref<400x32xf32, #tpu.memory_space<vmem>>)
      tpu.yield
    }) : () -> ()
    %add3A_54 = arith.addi %mul3A_9, %mul3A_36 : i32
    %add3A_55 = arith.constant 1200 : i32
    %add3A_56 = arith.addi %add3A_54, %add3A_55 : i32
    "tpu.region"() ({
      %run_scoped3A = tpu.sem_alloc : memref<!tpu.dma_semaphore, #tpu.memory_space<semaphore_mem>>
      %dma_start3A = arith.constant 0 : i32
      %dma_start3A_143 = tpu.memref_slice %arg4[%add3A_56, %dma_start3A] : memref<160000x32xf32, #tpu.memory_space<hbm>> -> memref<400x32xf32, #tpu.memory_space<hbm>>
      %dma_start3A_144 = arith.constant 0 : i32
      %dma_start3A_145 = tpu.memref_slice %arg4[%add3A_56, %dma_start3A_144] : memref<160000x32xf32, #tpu.memory_space<hbm>> -> memref<400x32xf32, #tpu.memory_space<hbm>>
      tpu.enqueue_dma source(%arg7 : memref<400x32xf32, #tpu.memory_space<vmem>>) target(%dma_start3A_145 : memref<400x32xf32, #tpu.memory_space<hbm>>) target_semaphore(%run_scoped3A : memref<!tpu.dma_semaphore, #tpu.memory_space<semaphore_mem>>)
      %dma_wait3A = arith.constant 0 : i32
      %dma_wait3A_146 = tpu.memref_slice %arg4[%add3A_56, %dma_wait3A] : memref<160000x32xf32, #tpu.memory_space<hbm>> -> memref<400x32xf32, #tpu.memory_space<hbm>>
      %dma_wait3A_147 = arith.constant 0 : i32
      %dma_wait3A_148 = tpu.memref_slice %arg4[%add3A_56, %dma_wait3A_147] : memref<160000x32xf32, #tpu.memory_space<hbm>> -> memref<400x32xf32, #tpu.memory_space<hbm>>
      tpu.wait_dma2 semaphore(%run_scoped3A : memref<!tpu.dma_semaphore, #tpu.memory_space<semaphore_mem>>) src(%arg7 : memref<400x32xf32, #tpu.memory_space<vmem>>) dst(%dma_wait3A_148 : memref<400x32xf32, #tpu.memory_space<hbm>>)
      tpu.yield
    }) : () -> ()
    %add3A_57 = arith.constant 1600 : i32
    %add3A_58 = arith.addi %mul3A_36, %add3A_57 : i32
    "tpu.region"() ({
      %run_scoped3A = tpu.sem_alloc : memref<!tpu.dma_semaphore, #tpu.memory_space<semaphore_mem>>
      %dma_start3A = arith.constant 0 : i32
      %dma_start3A_143 = tpu.memref_slice %arg9[%add3A_58, %dma_start3A] : memref<40064x32xf32, #tpu.memory_space<vmem_shared>> -> memref<400x32xf32, #tpu.memory_space<vmem_shared>>
      %dma_start3A_144 = arith.constant 0 : i32
      %dma_start3A_145 = tpu.memref_slice %arg9[%add3A_58, %dma_start3A_144] : memref<40064x32xf32, #tpu.memory_space<vmem_shared>> -> memref<400x32xf32, #tpu.memory_space<vmem_shared>>
      tpu.enqueue_dma source(%dma_start3A_145 : memref<400x32xf32, #tpu.memory_space<vmem_shared>>) target(%arg7 : memref<400x32xf32, #tpu.memory_space<vmem>>) target_semaphore(%run_scoped3A : memref<!tpu.dma_semaphore, #tpu.memory_space<semaphore_mem>>)
      %dma_wait3A = arith.constant 0 : i32
      %dma_wait3A_146 = tpu.memref_slice %arg9[%add3A_58, %dma_wait3A] : memref<40064x32xf32, #tpu.memory_space<vmem_shared>> -> memref<400x32xf32, #tpu.memory_space<vmem_shared>>
      %dma_wait3A_147 = arith.constant 0 : i32
      %dma_wait3A_148 = tpu.memref_slice %arg9[%add3A_58, %dma_wait3A_147] : memref<40064x32xf32, #tpu.memory_space<vmem_shared>> -> memref<400x32xf32, #tpu.memory_space<vmem_shared>>
      tpu.wait_dma2 semaphore(%run_scoped3A : memref<!tpu.dma_semaphore, #tpu.memory_space<semaphore_mem>>) src(%dma_wait3A_148 : memref<400x32xf32, #tpu.memory_space<vmem_shared>>) dst(%arg7 : memref<400x32xf32, #tpu.memory_space<vmem>>)
      tpu.yield
    }) : () -> ()
    %add3A_59 = arith.addi %mul3A_9, %mul3A_36 : i32
    %add3A_60 = arith.constant 1600 : i32
    %add3A_61 = arith.addi %add3A_59, %add3A_60 : i32
    "tpu.region"() ({
      %run_scoped3A = tpu.sem_alloc : memref<!tpu.dma_semaphore, #tpu.memory_space<semaphore_mem>>
      %dma_start3A = arith.constant 0 : i32
      %dma_start3A_143 = tpu.memref_slice %arg4[%add3A_61, %dma_start3A] : memref<160000x32xf32, #tpu.memory_space<hbm>> -> memref<400x32xf32, #tpu.memory_space<hbm>>
      %dma_start3A_144 = arith.constant 0 : i32
      %dma_start3A_145 = tpu.memref_slice %arg4[%add3A_61, %dma_start3A_144] : memref<160000x32xf32, #tpu.memory_space<hbm>> -> memref<400x32xf32, #tpu.memory_space<hbm>>
      tpu.enqueue_dma source(%arg7 : memref<400x32xf32, #tpu.memory_space<vmem>>) target(%dma_start3A_145 : memref<400x32xf32, #tpu.memory_space<hbm>>) target_semaphore(%run_scoped3A : memref<!tpu.dma_semaphore, #tpu.memory_space<semaphore_mem>>)
      %dma_wait3A = arith.constant 0 : i32
      %dma_wait3A_146 = tpu.memref_slice %arg4[%add3A_61, %dma_wait3A] : memref<160000x32xf32, #tpu.memory_space<hbm>> -> memref<400x32xf32, #tpu.memory_space<hbm>>
      %dma_wait3A_147 = arith.constant 0 : i32
      %dma_wait3A_148 = tpu.memref_slice %arg4[%add3A_61, %dma_wait3A_147] : memref<160000x32xf32, #tpu.memory_space<hbm>> -> memref<400x32xf32, #tpu.memory_space<hbm>>
      tpu.wait_dma2 semaphore(%run_scoped3A : memref<!tpu.dma_semaphore, #tpu.memory_space<semaphore_mem>>) src(%arg7 : memref<400x32xf32, #tpu.memory_space<vmem>>) dst(%dma_wait3A_148 : memref<400x32xf32, #tpu.memory_space<hbm>>)
      tpu.yield
    }) : () -> ()
    %add3A_62 = arith.constant 2000 : i32
    %add3A_63 = arith.addi %mul3A_36, %add3A_62 : i32
    "tpu.region"() ({
      %run_scoped3A = tpu.sem_alloc : memref<!tpu.dma_semaphore, #tpu.memory_space<semaphore_mem>>
      %dma_start3A = arith.constant 0 : i32
      %dma_start3A_143 = tpu.memref_slice %arg9[%add3A_63, %dma_start3A] : memref<40064x32xf32, #tpu.memory_space<vmem_shared>> -> memref<400x32xf32, #tpu.memory_space<vmem_shared>>
      %dma_start3A_144 = arith.constant 0 : i32
      %dma_start3A_145 = tpu.memref_slice %arg9[%add3A_63, %dma_start3A_144] : memref<40064x32xf32, #tpu.memory_space<vmem_shared>> -> memref<400x32xf32, #tpu.memory_space<vmem_shared>>
      tpu.enqueue_dma source(%dma_start3A_145 : memref<400x32xf32, #tpu.memory_space<vmem_shared>>) target(%arg7 : memref<400x32xf32, #tpu.memory_space<vmem>>) target_semaphore(%run_scoped3A : memref<!tpu.dma_semaphore, #tpu.memory_space<semaphore_mem>>)
      %dma_wait3A = arith.constant 0 : i32
      %dma_wait3A_146 = tpu.memref_slice %arg9[%add3A_63, %dma_wait3A] : memref<40064x32xf32, #tpu.memory_space<vmem_shared>> -> memref<400x32xf32, #tpu.memory_space<vmem_shared>>
      %dma_wait3A_147 = arith.constant 0 : i32
      %dma_wait3A_148 = tpu.memref_slice %arg9[%add3A_63, %dma_wait3A_147] : memref<40064x32xf32, #tpu.memory_space<vmem_shared>> -> memref<400x32xf32, #tpu.memory_space<vmem_shared>>
      tpu.wait_dma2 semaphore(%run_scoped3A : memref<!tpu.dma_semaphore, #tpu.memory_space<semaphore_mem>>) src(%dma_wait3A_148 : memref<400x32xf32, #tpu.memory_space<vmem_shared>>) dst(%arg7 : memref<400x32xf32, #tpu.memory_space<vmem>>)
      tpu.yield
    }) : () -> ()
    %add3A_64 = arith.addi %mul3A_9, %mul3A_36 : i32
    %add3A_65 = arith.constant 2000 : i32
    %add3A_66 = arith.addi %add3A_64, %add3A_65 : i32
    "tpu.region"() ({
      %run_scoped3A = tpu.sem_alloc : memref<!tpu.dma_semaphore, #tpu.memory_space<semaphore_mem>>
      %dma_start3A = arith.constant 0 : i32
      %dma_start3A_143 = tpu.memref_slice %arg4[%add3A_66, %dma_start3A] : memref<160000x32xf32, #tpu.memory_space<hbm>> -> memref<400x32xf32, #tpu.memory_space<hbm>>
      %dma_start3A_144 = arith.constant 0 : i32
      %dma_start3A_145 = tpu.memref_slice %arg4[%add3A_66, %dma_start3A_144] : memref<160000x32xf32, #tpu.memory_space<hbm>> -> memref<400x32xf32, #tpu.memory_space<hbm>>
      tpu.enqueue_dma source(%arg7 : memref<400x32xf32, #tpu.memory_space<vmem>>) target(%dma_start3A_145 : memref<400x32xf32, #tpu.memory_space<hbm>>) target_semaphore(%run_scoped3A : memref<!tpu.dma_semaphore, #tpu.memory_space<semaphore_mem>>)
      %dma_wait3A = arith.constant 0 : i32
      %dma_wait3A_146 = tpu.memref_slice %arg4[%add3A_66, %dma_wait3A] : memref<160000x32xf32, #tpu.memory_space<hbm>> -> memref<400x32xf32, #tpu.memory_space<hbm>>
      %dma_wait3A_147 = arith.constant 0 : i32
      %dma_wait3A_148 = tpu.memref_slice %arg4[%add3A_66, %dma_wait3A_147] : memref<160000x32xf32, #tpu.memory_space<hbm>> -> memref<400x32xf32, #tpu.memory_space<hbm>>
      tpu.wait_dma2 semaphore(%run_scoped3A : memref<!tpu.dma_semaphore, #tpu.memory_space<semaphore_mem>>) src(%arg7 : memref<400x32xf32, #tpu.memory_space<vmem>>) dst(%dma_wait3A_148 : memref<400x32xf32, #tpu.memory_space<hbm>>)
      tpu.yield
    }) : () -> ()
    %add3A_67 = arith.constant 2400 : i32
    %add3A_68 = arith.addi %mul3A_36, %add3A_67 : i32
    "tpu.region"() ({
      %run_scoped3A = tpu.sem_alloc : memref<!tpu.dma_semaphore, #tpu.memory_space<semaphore_mem>>
      %dma_start3A = arith.constant 0 : i32
      %dma_start3A_143 = arith.constant 0 : i32
      %dma_start3A_144 = tpu.memref_slice %arg7[%dma_start3A, %dma_start3A_143] : memref<400x32xf32, #tpu.memory_space<vmem>> -> memref<100x32xf32, #tpu.memory_space<vmem>>
      %dma_start3A_145 = arith.constant 0 : i32
      %dma_start3A_146 = tpu.memref_slice %arg9[%add3A_68, %dma_start3A_145] : memref<40064x32xf32, #tpu.memory_space<vmem_shared>> -> memref<100x32xf32, #tpu.memory_space<vmem_shared>>
      %dma_start3A_147 = arith.constant 0 : i32
      %dma_start3A_148 = arith.constant 0 : i32
      %dma_start3A_149 = tpu.memref_slice %arg7[%dma_start3A_147, %dma_start3A_148] : memref<400x32xf32, #tpu.memory_space<vmem>> -> memref<100x32xf32, #tpu.memory_space<vmem>>
      %dma_start3A_150 = arith.constant 0 : i32
      %dma_start3A_151 = tpu.memref_slice %arg9[%add3A_68, %dma_start3A_150] : memref<40064x32xf32, #tpu.memory_space<vmem_shared>> -> memref<100x32xf32, #tpu.memory_space<vmem_shared>>
      tpu.enqueue_dma source(%dma_start3A_151 : memref<100x32xf32, #tpu.memory_space<vmem_shared>>) target(%dma_start3A_149 : memref<100x32xf32, #tpu.memory_space<vmem>>) target_semaphore(%run_scoped3A : memref<!tpu.dma_semaphore, #tpu.memory_space<semaphore_mem>>)
      %dma_wait3A = arith.constant 0 : i32
      %dma_wait3A_152 = arith.constant 0 : i32
      %dma_wait3A_153 = tpu.memref_slice %arg7[%dma_wait3A, %dma_wait3A_152] : memref<400x32xf32, #tpu.memory_space<vmem>> -> memref<100x32xf32, #tpu.memory_space<vmem>>
      %dma_wait3A_154 = arith.constant 0 : i32
      %dma_wait3A_155 = tpu.memref_slice %arg9[%add3A_68, %dma_wait3A_154] : memref<40064x32xf32, #tpu.memory_space<vmem_shared>> -> memref<100x32xf32, #tpu.memory_space<vmem_shared>>
      %dma_wait3A_156 = arith.constant 0 : i32
      %dma_wait3A_157 = arith.constant 0 : i32
      %dma_wait3A_158 = tpu.memref_slice %arg7[%dma_wait3A_156, %dma_wait3A_157] : memref<400x32xf32, #tpu.memory_space<vmem>> -> memref<100x32xf32, #tpu.memory_space<vmem>>
      %dma_wait3A_159 = arith.constant 0 : i32
      %dma_wait3A_160 = tpu.memref_slice %arg9[%add3A_68, %dma_wait3A_159] : memref<40064x32xf32, #tpu.memory_space<vmem_shared>> -> memref<100x32xf32, #tpu.memory_space<vmem_shared>>
      tpu.wait_dma2 semaphore(%run_scoped3A : memref<!tpu.dma_semaphore, #tpu.memory_space<semaphore_mem>>) src(%dma_wait3A_160 : memref<100x32xf32, #tpu.memory_space<vmem_shared>>) dst(%dma_wait3A_158 : memref<100x32xf32, #tpu.memory_space<vmem>>)
      tpu.yield
    }) : () -> ()
    %add3A_69 = arith.addi %mul3A_9, %mul3A_36 : i32
    %add3A_70 = arith.constant 2400 : i32
    %add3A_71 = arith.addi %add3A_69, %add3A_70 : i32
    "tpu.region"() ({
      %run_scoped3A = tpu.sem_alloc : memref<!tpu.dma_semaphore, #tpu.memory_space<semaphore_mem>>
      %dma_start3A = arith.constant 0 : i32
      %dma_start3A_143 = arith.constant 0 : i32
      %dma_start3A_144 = tpu.memref_slice %arg7[%dma_start3A, %dma_start3A_143] : memref<400x32xf32, #tpu.memory_space<vmem>> -> memref<100x32xf32, #tpu.memory_space<vmem>>
      %dma_start3A_145 = arith.constant 0 : i32
      %dma_start3A_146 = tpu.memref_slice %arg4[%add3A_71, %dma_start3A_145] : memref<160000x32xf32, #tpu.memory_space<hbm>> -> memref<100x32xf32, #tpu.memory_space<hbm>>
      %dma_start3A_147 = arith.constant 0 : i32
      %dma_start3A_148 = tpu.memref_slice %arg4[%add3A_71, %dma_start3A_147] : memref<160000x32xf32, #tpu.memory_space<hbm>> -> memref<100x32xf32, #tpu.memory_space<hbm>>
      %dma_start3A_149 = arith.constant 0 : i32
      %dma_start3A_150 = arith.constant 0 : i32
      %dma_start3A_151 = tpu.memref_slice %arg7[%dma_start3A_149, %dma_start3A_150] : memref<400x32xf32, #tpu.memory_space<vmem>> -> memref<100x32xf32, #tpu.memory_space<vmem>>
      tpu.enqueue_dma source(%dma_start3A_151 : memref<100x32xf32, #tpu.memory_space<vmem>>) target(%dma_start3A_148 : memref<100x32xf32, #tpu.memory_space<hbm>>) target_semaphore(%run_scoped3A : memref<!tpu.dma_semaphore, #tpu.memory_space<semaphore_mem>>)
      %dma_wait3A = arith.constant 0 : i32
      %dma_wait3A_152 = arith.constant 0 : i32
      %dma_wait3A_153 = tpu.memref_slice %arg7[%dma_wait3A, %dma_wait3A_152] : memref<400x32xf32, #tpu.memory_space<vmem>> -> memref<100x32xf32, #tpu.memory_space<vmem>>
      %dma_wait3A_154 = arith.constant 0 : i32
      %dma_wait3A_155 = tpu.memref_slice %arg4[%add3A_71, %dma_wait3A_154] : memref<160000x32xf32, #tpu.memory_space<hbm>> -> memref<100x32xf32, #tpu.memory_space<hbm>>
      %dma_wait3A_156 = arith.constant 0 : i32
      %dma_wait3A_157 = tpu.memref_slice %arg4[%add3A_71, %dma_wait3A_156] : memref<160000x32xf32, #tpu.memory_space<hbm>> -> memref<100x32xf32, #tpu.memory_space<hbm>>
      %dma_wait3A_158 = arith.constant 0 : i32
      %dma_wait3A_159 = arith.constant 0 : i32
      %dma_wait3A_160 = tpu.memref_slice %arg7[%dma_wait3A_158, %dma_wait3A_159] : memref<400x32xf32, #tpu.memory_space<vmem>> -> memref<100x32xf32, #tpu.memory_space<vmem>>
      tpu.wait_dma2 semaphore(%run_scoped3A : memref<!tpu.dma_semaphore, #tpu.memory_space<semaphore_mem>>) src(%dma_wait3A_160 : memref<100x32xf32, #tpu.memory_space<vmem>>) dst(%dma_wait3A_157 : memref<100x32xf32, #tpu.memory_space<hbm>>)
      tpu.yield
    }) : () -> ()
    %barrier3A_72 = arith.constant 0 : index
    tpu.barrier barrier_id(%barrier3A_72)
    %mul3A_73 = arith.constant 2 : i32
    %mul3A_74 = arith.muli %arg0, %mul3A_73 : i32
    %add3A_75 = arith.constant 1 : i32
    %add3A_76 = arith.addi %mul3A_74, %add3A_75 : i32
    %mul3A_77 = arith.constant 40000 : i32
    %mul3A_78 = arith.muli %add3A_76, %mul3A_77 : i32
    %mul3A_79 = arith.constant 2504 : i32
    %mul3A_80 = arith.muli %arg1, %mul3A_79 : i32
    %add3A_81 = arith.constant 0 : i32
    %add3A_82 = arith.addi %mul3A_80, %add3A_81 : i32
    "tpu.region"() ({
      %run_scoped3A = tpu.sem_alloc : memref<!tpu.dma_semaphore, #tpu.memory_space<semaphore_mem>>
      %dma_start3A = arith.constant 0 : i32
      %dma_start3A_143 = tpu.memref_slice %arg9[%add3A_82, %dma_start3A] : memref<40064x32xf32, #tpu.memory_space<vmem_shared>> -> memref<400x32xf32, #tpu.memory_space<vmem_shared>>
      %dma_start3A_144 = arith.constant 0 : i32
      %dma_start3A_145 = tpu.memref_slice %arg9[%add3A_82, %dma_start3A_144] : memref<40064x32xf32, #tpu.memory_space<vmem_shared>> -> memref<400x32xf32, #tpu.memory_space<vmem_shared>>
      tpu.enqueue_dma source(%arg8 : memref<400x32xf32, #tpu.memory_space<vmem>>) target(%dma_start3A_145 : memref<400x32xf32, #tpu.memory_space<vmem_shared>>) target_semaphore(%run_scoped3A : memref<!tpu.dma_semaphore, #tpu.memory_space<semaphore_mem>>)
      %dma_wait3A = arith.constant 0 : i32
      %dma_wait3A_146 = tpu.memref_slice %arg9[%add3A_82, %dma_wait3A] : memref<40064x32xf32, #tpu.memory_space<vmem_shared>> -> memref<400x32xf32, #tpu.memory_space<vmem_shared>>
      %dma_wait3A_147 = arith.constant 0 : i32
      %dma_wait3A_148 = tpu.memref_slice %arg9[%add3A_82, %dma_wait3A_147] : memref<40064x32xf32, #tpu.memory_space<vmem_shared>> -> memref<400x32xf32, #tpu.memory_space<vmem_shared>>
      tpu.wait_dma2 semaphore(%run_scoped3A : memref<!tpu.dma_semaphore, #tpu.memory_space<semaphore_mem>>) src(%arg8 : memref<400x32xf32, #tpu.memory_space<vmem>>) dst(%dma_wait3A_148 : memref<400x32xf32, #tpu.memory_space<vmem_shared>>)
      tpu.yield
    }) : () -> ()
    %add3A_83 = arith.constant 400 : i32
    %add3A_84 = arith.addi %mul3A_80, %add3A_83 : i32
    "tpu.region"() ({
      %run_scoped3A = tpu.sem_alloc : memref<!tpu.dma_semaphore, #tpu.memory_space<semaphore_mem>>
      %dma_start3A = arith.constant 0 : i32
      %dma_start3A_143 = tpu.memref_slice %arg9[%add3A_84, %dma_start3A] : memref<40064x32xf32, #tpu.memory_space<vmem_shared>> -> memref<400x32xf32, #tpu.memory_space<vmem_shared>>
      %dma_start3A_144 = arith.constant 0 : i32
      %dma_start3A_145 = tpu.memref_slice %arg9[%add3A_84, %dma_start3A_144] : memref<40064x32xf32, #tpu.memory_space<vmem_shared>> -> memref<400x32xf32, #tpu.memory_space<vmem_shared>>
      tpu.enqueue_dma source(%arg8 : memref<400x32xf32, #tpu.memory_space<vmem>>) target(%dma_start3A_145 : memref<400x32xf32, #tpu.memory_space<vmem_shared>>) target_semaphore(%run_scoped3A : memref<!tpu.dma_semaphore, #tpu.memory_space<semaphore_mem>>)
      %dma_wait3A = arith.constant 0 : i32
      %dma_wait3A_146 = tpu.memref_slice %arg9[%add3A_84, %dma_wait3A] : memref<40064x32xf32, #tpu.memory_space<vmem_shared>> -> memref<400x32xf32, #tpu.memory_space<vmem_shared>>
      %dma_wait3A_147 = arith.constant 0 : i32
      %dma_wait3A_148 = tpu.memref_slice %arg9[%add3A_84, %dma_wait3A_147] : memref<40064x32xf32, #tpu.memory_space<vmem_shared>> -> memref<400x32xf32, #tpu.memory_space<vmem_shared>>
      tpu.wait_dma2 semaphore(%run_scoped3A : memref<!tpu.dma_semaphore, #tpu.memory_space<semaphore_mem>>) src(%arg8 : memref<400x32xf32, #tpu.memory_space<vmem>>) dst(%dma_wait3A_148 : memref<400x32xf32, #tpu.memory_space<vmem_shared>>)
      tpu.yield
    }) : () -> ()
    %add3A_85 = arith.constant 800 : i32
    %add3A_86 = arith.addi %mul3A_80, %add3A_85 : i32
    "tpu.region"() ({
      %run_scoped3A = tpu.sem_alloc : memref<!tpu.dma_semaphore, #tpu.memory_space<semaphore_mem>>
      %dma_start3A = arith.constant 0 : i32
      %dma_start3A_143 = tpu.memref_slice %arg9[%add3A_86, %dma_start3A] : memref<40064x32xf32, #tpu.memory_space<vmem_shared>> -> memref<400x32xf32, #tpu.memory_space<vmem_shared>>
      %dma_start3A_144 = arith.constant 0 : i32
      %dma_start3A_145 = tpu.memref_slice %arg9[%add3A_86, %dma_start3A_144] : memref<40064x32xf32, #tpu.memory_space<vmem_shared>> -> memref<400x32xf32, #tpu.memory_space<vmem_shared>>
      tpu.enqueue_dma source(%arg8 : memref<400x32xf32, #tpu.memory_space<vmem>>) target(%dma_start3A_145 : memref<400x32xf32, #tpu.memory_space<vmem_shared>>) target_semaphore(%run_scoped3A : memref<!tpu.dma_semaphore, #tpu.memory_space<semaphore_mem>>)
      %dma_wait3A = arith.constant 0 : i32
      %dma_wait3A_146 = tpu.memref_slice %arg9[%add3A_86, %dma_wait3A] : memref<40064x32xf32, #tpu.memory_space<vmem_shared>> -> memref<400x32xf32, #tpu.memory_space<vmem_shared>>
      %dma_wait3A_147 = arith.constant 0 : i32
      %dma_wait3A_148 = tpu.memref_slice %arg9[%add3A_86, %dma_wait3A_147] : memref<40064x32xf32, #tpu.memory_space<vmem_shared>> -> memref<400x32xf32, #tpu.memory_space<vmem_shared>>
      tpu.wait_dma2 semaphore(%run_scoped3A : memref<!tpu.dma_semaphore, #tpu.memory_space<semaphore_mem>>) src(%arg8 : memref<400x32xf32, #tpu.memory_space<vmem>>) dst(%dma_wait3A_148 : memref<400x32xf32, #tpu.memory_space<vmem_shared>>)
      tpu.yield
    }) : () -> ()
    %add3A_87 = arith.constant 1200 : i32
    %add3A_88 = arith.addi %mul3A_80, %add3A_87 : i32
    "tpu.region"() ({
      %run_scoped3A = tpu.sem_alloc : memref<!tpu.dma_semaphore, #tpu.memory_space<semaphore_mem>>
      %dma_start3A = arith.constant 0 : i32
      %dma_start3A_143 = tpu.memref_slice %arg9[%add3A_88, %dma_start3A] : memref<40064x32xf32, #tpu.memory_space<vmem_shared>> -> memref<400x32xf32, #tpu.memory_space<vmem_shared>>
      %dma_start3A_144 = arith.constant 0 : i32
      %dma_start3A_145 = tpu.memref_slice %arg9[%add3A_88, %dma_start3A_144] : memref<40064x32xf32, #tpu.memory_space<vmem_shared>> -> memref<400x32xf32, #tpu.memory_space<vmem_shared>>
      tpu.enqueue_dma source(%arg8 : memref<400x32xf32, #tpu.memory_space<vmem>>) target(%dma_start3A_145 : memref<400x32xf32, #tpu.memory_space<vmem_shared>>) target_semaphore(%run_scoped3A : memref<!tpu.dma_semaphore, #tpu.memory_space<semaphore_mem>>)
      %dma_wait3A = arith.constant 0 : i32
      %dma_wait3A_146 = tpu.memref_slice %arg9[%add3A_88, %dma_wait3A] : memref<40064x32xf32, #tpu.memory_space<vmem_shared>> -> memref<400x32xf32, #tpu.memory_space<vmem_shared>>
      %dma_wait3A_147 = arith.constant 0 : i32
      %dma_wait3A_148 = tpu.memref_slice %arg9[%add3A_88, %dma_wait3A_147] : memref<40064x32xf32, #tpu.memory_space<vmem_shared>> -> memref<400x32xf32, #tpu.memory_space<vmem_shared>>
      tpu.wait_dma2 semaphore(%run_scoped3A : memref<!tpu.dma_semaphore, #tpu.memory_space<semaphore_mem>>) src(%arg8 : memref<400x32xf32, #tpu.memory_space<vmem>>) dst(%dma_wait3A_148 : memref<400x32xf32, #tpu.memory_space<vmem_shared>>)
      tpu.yield
    }) : () -> ()
    %add3A_89 = arith.constant 1600 : i32
    %add3A_90 = arith.addi %mul3A_80, %add3A_89 : i32
    "tpu.region"() ({
      %run_scoped3A = tpu.sem_alloc : memref<!tpu.dma_semaphore, #tpu.memory_space<semaphore_mem>>
      %dma_start3A = arith.constant 0 : i32
      %dma_start3A_143 = tpu.memref_slice %arg9[%add3A_90, %dma_start3A] : memref<40064x32xf32, #tpu.memory_space<vmem_shared>> -> memref<400x32xf32, #tpu.memory_space<vmem_shared>>
      %dma_start3A_144 = arith.constant 0 : i32
      %dma_start3A_145 = tpu.memref_slice %arg9[%add3A_90, %dma_start3A_144] : memref<40064x32xf32, #tpu.memory_space<vmem_shared>> -> memref<400x32xf32, #tpu.memory_space<vmem_shared>>
      tpu.enqueue_dma source(%arg8 : memref<400x32xf32, #tpu.memory_space<vmem>>) target(%dma_start3A_145 : memref<400x32xf32, #tpu.memory_space<vmem_shared>>) target_semaphore(%run_scoped3A : memref<!tpu.dma_semaphore, #tpu.memory_space<semaphore_mem>>)
      %dma_wait3A = arith.constant 0 : i32
      %dma_wait3A_146 = tpu.memref_slice %arg9[%add3A_90, %dma_wait3A] : memref<40064x32xf32, #tpu.memory_space<vmem_shared>> -> memref<400x32xf32, #tpu.memory_space<vmem_shared>>
      %dma_wait3A_147 = arith.constant 0 : i32
      %dma_wait3A_148 = tpu.memref_slice %arg9[%add3A_90, %dma_wait3A_147] : memref<40064x32xf32, #tpu.memory_space<vmem_shared>> -> memref<400x32xf32, #tpu.memory_space<vmem_shared>>
      tpu.wait_dma2 semaphore(%run_scoped3A : memref<!tpu.dma_semaphore, #tpu.memory_space<semaphore_mem>>) src(%arg8 : memref<400x32xf32, #tpu.memory_space<vmem>>) dst(%dma_wait3A_148 : memref<400x32xf32, #tpu.memory_space<vmem_shared>>)
      tpu.yield
    }) : () -> ()
    %add3A_91 = arith.constant 2000 : i32
    %add3A_92 = arith.addi %mul3A_80, %add3A_91 : i32
    "tpu.region"() ({
      %run_scoped3A = tpu.sem_alloc : memref<!tpu.dma_semaphore, #tpu.memory_space<semaphore_mem>>
      %dma_start3A = arith.constant 0 : i32
      %dma_start3A_143 = tpu.memref_slice %arg9[%add3A_92, %dma_start3A] : memref<40064x32xf32, #tpu.memory_space<vmem_shared>> -> memref<400x32xf32, #tpu.memory_space<vmem_shared>>
      %dma_start3A_144 = arith.constant 0 : i32
      %dma_start3A_145 = tpu.memref_slice %arg9[%add3A_92, %dma_start3A_144] : memref<40064x32xf32, #tpu.memory_space<vmem_shared>> -> memref<400x32xf32, #tpu.memory_space<vmem_shared>>
      tpu.enqueue_dma source(%arg8 : memref<400x32xf32, #tpu.memory_space<vmem>>) target(%dma_start3A_145 : memref<400x32xf32, #tpu.memory_space<vmem_shared>>) target_semaphore(%run_scoped3A : memref<!tpu.dma_semaphore, #tpu.memory_space<semaphore_mem>>)
      %dma_wait3A = arith.constant 0 : i32
      %dma_wait3A_146 = tpu.memref_slice %arg9[%add3A_92, %dma_wait3A] : memref<40064x32xf32, #tpu.memory_space<vmem_shared>> -> memref<400x32xf32, #tpu.memory_space<vmem_shared>>
      %dma_wait3A_147 = arith.constant 0 : i32
      %dma_wait3A_148 = tpu.memref_slice %arg9[%add3A_92, %dma_wait3A_147] : memref<40064x32xf32, #tpu.memory_space<vmem_shared>> -> memref<400x32xf32, #tpu.memory_space<vmem_shared>>
      tpu.wait_dma2 semaphore(%run_scoped3A : memref<!tpu.dma_semaphore, #tpu.memory_space<semaphore_mem>>) src(%arg8 : memref<400x32xf32, #tpu.memory_space<vmem>>) dst(%dma_wait3A_148 : memref<400x32xf32, #tpu.memory_space<vmem_shared>>)
      tpu.yield
    }) : () -> ()
    %add3A_93 = arith.constant 2400 : i32
    %add3A_94 = arith.addi %mul3A_80, %add3A_93 : i32
    "tpu.region"() ({
      %run_scoped3A = tpu.sem_alloc : memref<!tpu.dma_semaphore, #tpu.memory_space<semaphore_mem>>
      %dma_start3A = arith.constant 0 : i32
      %dma_start3A_143 = arith.constant 0 : i32
      %dma_start3A_144 = tpu.memref_slice %arg8[%dma_start3A, %dma_start3A_143] : memref<400x32xf32, #tpu.memory_space<vmem>> -> memref<104x32xf32, #tpu.memory_space<vmem>>
      %dma_start3A_145 = arith.constant 0 : i32
      %dma_start3A_146 = tpu.memref_slice %arg9[%add3A_94, %dma_start3A_145] : memref<40064x32xf32, #tpu.memory_space<vmem_shared>> -> memref<104x32xf32, #tpu.memory_space<vmem_shared>>
      %dma_start3A_147 = arith.constant 0 : i32
      %dma_start3A_148 = tpu.memref_slice %arg9[%add3A_94, %dma_start3A_147] : memref<40064x32xf32, #tpu.memory_space<vmem_shared>> -> memref<104x32xf32, #tpu.memory_space<vmem_shared>>
      %dma_start3A_149 = arith.constant 0 : i32
      %dma_start3A_150 = arith.constant 0 : i32
      %dma_start3A_151 = tpu.memref_slice %arg8[%dma_start3A_149, %dma_start3A_150] : memref<400x32xf32, #tpu.memory_space<vmem>> -> memref<104x32xf32, #tpu.memory_space<vmem>>
      tpu.enqueue_dma source(%dma_start3A_151 : memref<104x32xf32, #tpu.memory_space<vmem>>) target(%dma_start3A_148 : memref<104x32xf32, #tpu.memory_space<vmem_shared>>) target_semaphore(%run_scoped3A : memref<!tpu.dma_semaphore, #tpu.memory_space<semaphore_mem>>)
      %dma_wait3A = arith.constant 0 : i32
      %dma_wait3A_152 = arith.constant 0 : i32
      %dma_wait3A_153 = tpu.memref_slice %arg8[%dma_wait3A, %dma_wait3A_152] : memref<400x32xf32, #tpu.memory_space<vmem>> -> memref<104x32xf32, #tpu.memory_space<vmem>>
      %dma_wait3A_154 = arith.constant 0 : i32
      %dma_wait3A_155 = tpu.memref_slice %arg9[%add3A_94, %dma_wait3A_154] : memref<40064x32xf32, #tpu.memory_space<vmem_shared>> -> memref<104x32xf32, #tpu.memory_space<vmem_shared>>
      %dma_wait3A_156 = arith.constant 0 : i32
      %dma_wait3A_157 = tpu.memref_slice %arg9[%add3A_94, %dma_wait3A_156] : memref<40064x32xf32, #tpu.memory_space<vmem_shared>> -> memref<104x32xf32, #tpu.memory_space<vmem_shared>>
      %dma_wait3A_158 = arith.constant 0 : i32
      %dma_wait3A_159 = arith.constant 0 : i32
      %dma_wait3A_160 = tpu.memref_slice %arg8[%dma_wait3A_158, %dma_wait3A_159] : memref<400x32xf32, #tpu.memory_space<vmem>> -> memref<104x32xf32, #tpu.memory_space<vmem>>
      tpu.wait_dma2 semaphore(%run_scoped3A : memref<!tpu.dma_semaphore, #tpu.memory_space<semaphore_mem>>) src(%dma_wait3A_160 : memref<104x32xf32, #tpu.memory_space<vmem>>) dst(%dma_wait3A_157 : memref<104x32xf32, #tpu.memory_space<vmem_shared>>)
      tpu.yield
    }) : () -> ()
    %barrier3A_95 = arith.constant 0 : index
    tpu.barrier barrier_id(%barrier3A_95)
    %mul3A_96 = arith.constant 20000 : i32
    %mul3A_97 = arith.muli %arg1, %mul3A_96 : i32
    %scan3A_98 = arith.constant 0 : i32
    %scan3A_99 = arith.constant 0 : i32
    %scan3A_100 = arith.constant 50 : i32
    %scan3A_101 = arith.addi %scan3A_99, %scan3A_100 : i32
    %scan3A_102 = arith.constant 1 : i32
    scf.for %scan3A_143 = %scan3A_99 to %scan3A_101 step %scan3A_102  : i32 {
      %mul3A_144 = arith.constant 400 : i32
      %mul3A_145 = arith.muli %scan3A_143, %mul3A_144 : i32
      %add3A_146 = arith.addi %mul3A_97, %mul3A_145 : i32
      "tpu.region"() ({
        %run_scoped3A = tpu.sem_alloc : memref<!tpu.dma_semaphore, #tpu.memory_space<semaphore_mem>>
        %dma_start3A = tpu.memref_slice %arg3[%add3A_146] : memref<320000xi32, #tpu.memory_space<hbm>> -> memref<400xi32, #tpu.memory_space<hbm>>
        %dma_start3A_153 = tpu.memref_slice %arg3[%add3A_146] : memref<320000xi32, #tpu.memory_space<hbm>> -> memref<400xi32, #tpu.memory_space<hbm>>
        tpu.enqueue_dma source(%dma_start3A_153 : memref<400xi32, #tpu.memory_space<hbm>>) target(%arg5 : memref<400xi32, #tpu.memory_space<vmem>>) target_semaphore(%run_scoped3A : memref<!tpu.dma_semaphore, #tpu.memory_space<semaphore_mem>>)
        %dma_wait3A = tpu.memref_slice %arg3[%add3A_146] : memref<320000xi32, #tpu.memory_space<hbm>> -> memref<400xi32, #tpu.memory_space<hbm>>
        %dma_wait3A_154 = tpu.memref_slice %arg3[%add3A_146] : memref<320000xi32, #tpu.memory_space<hbm>> -> memref<400xi32, #tpu.memory_space<hbm>>
        tpu.wait_dma2 semaphore(%run_scoped3A : memref<!tpu.dma_semaphore, #tpu.memory_space<semaphore_mem>>) src(%dma_wait3A_154 : memref<400xi32, #tpu.memory_space<hbm>>) dst(%arg5 : memref<400xi32, #tpu.memory_space<vmem>>)
        tpu.yield
      }) : () -> ()
      "tpu.region"() ({
        %run_scoped3A = tpu.sem_alloc : memref<!tpu.dma_semaphore, #tpu.memory_space<semaphore_mem>>
        %dma_start3A = arith.constant 0 : i32
        %dma_start3A_153 = tpu.memref_slice %arg2[%add3A_146, %dma_start3A] : memref<320000x32xf32, #tpu.memory_space<hbm>> -> memref<400x32xf32, #tpu.memory_space<hbm>>
        %dma_start3A_154 = arith.constant 0 : i32
        %dma_start3A_155 = tpu.memref_slice %arg2[%add3A_146, %dma_start3A_154] : memref<320000x32xf32, #tpu.memory_space<hbm>> -> memref<400x32xf32, #tpu.memory_space<hbm>>
        tpu.enqueue_dma source(%dma_start3A_155 : memref<400x32xf32, #tpu.memory_space<hbm>>) target(%arg7 : memref<400x32xf32, #tpu.memory_space<vmem>>) target_semaphore(%run_scoped3A : memref<!tpu.dma_semaphore, #tpu.memory_space<semaphore_mem>>)
        %dma_wait3A = arith.constant 0 : i32
        %dma_wait3A_156 = tpu.memref_slice %arg2[%add3A_146, %dma_wait3A] : memref<320000x32xf32, #tpu.memory_space<hbm>> -> memref<400x32xf32, #tpu.memory_space<hbm>>
        %dma_wait3A_157 = arith.constant 0 : i32
        %dma_wait3A_158 = tpu.memref_slice %arg2[%add3A_146, %dma_wait3A_157] : memref<320000x32xf32, #tpu.memory_space<hbm>> -> memref<400x32xf32, #tpu.memory_space<hbm>>
        tpu.wait_dma2 semaphore(%run_scoped3A : memref<!tpu.dma_semaphore, #tpu.memory_space<semaphore_mem>>) src(%dma_wait3A_158 : memref<400x32xf32, #tpu.memory_space<hbm>>) dst(%arg7 : memref<400x32xf32, #tpu.memory_space<vmem>>)
        tpu.yield
      }) : () -> ()
      %scan3A_147 = arith.constant 0 : i32
      %scan3A_148 = arith.constant 0 : i32
      %scan3A_149 = arith.constant 25 : i32
      %scan3A_150 = arith.addi %scan3A_148, %scan3A_149 : i32
      %scan3A_151 = arith.constant 1 : i32
      scf.for %scan3A_153 = %scan3A_148 to %scan3A_150 step %scan3A_151  : i32 {
        %mul3A_154 = arith.constant 16 : i32
        %mul3A_155 = arith.muli %scan3A_153, %mul3A_154 : i32
        %get3A = arith.index_cast %mul3A_155 : i32 to index
        %get3A_156 = tpu.vector_load %arg5[%get3A] {strides = array<i32>} : memref<400xi32, #tpu.memory_space<vmem>>, vector<16xi32>,
        %sub3A = vector.broadcast %mul3A_78 : i32 to vector<16xi32>
        %sub3A_157 = arith.subi %get3A_156, %sub3A : vector<16xi32>
        %ge3A = arith.constant 0 : i32
        %ge3A_158 = vector.broadcast %ge3A : i32 to vector<16xi32>
        %ge3A_159 = arith.cmpi sge, %sub3A_157, %ge3A_158 : vector<16xi32>
        %lt3A = arith.constant 40000 : i32
        %lt3A_160 = vector.broadcast %lt3A : i32 to vector<16xi32>
        %lt3A_161 = arith.cmpi slt, %sub3A_157, %lt3A_160 : vector<16xi32>
        %and3A = arith.andi %ge3A_159, %lt3A_161 : vector<16xi1>
        %and3A_162 = arith.constant 63 : i32
        %and3A_163 = vector.broadcast %and3A_162 : i32 to vector<16xi32>
        %and3A_164 = arith.andi %get3A_156, %and3A_163 : vector<16xi32>
        %add3A_165 = arith.constant 40000 : i32
        %add3A_166 = vector.broadcast %add3A_165 : i32 to vector<16xi32>
        %add3A_167 = arith.addi %add3A_166, %and3A_164 : vector<16xi32>
        %select_n3A = arith.select %and3A, %sub3A_157, %add3A_167 : vector<16xi1>, vector<16xi32>
        %mul3A_168 = arith.constant 16 : i32
        %mul3A_169 = arith.muli %scan3A_153, %mul3A_168 : i32
        %swap3A = arith.index_cast %mul3A_169 : i32 to index
        %swap3A_170 = tpu.vector_load %arg6[%swap3A] {strides = array<i32>} : memref<400xi32, #tpu.memory_space<vmem>>, vector<16xi32>,
        tpu.vector_store %arg6[%swap3A], %select_n3A {strides = array<i32>} : memref<400xi32, #tpu.memory_space<vmem>>, vector<16xi32>,
      }
      %scan3A_152 = arith.constant 25 : i32
      "tpu.region"() ({
        %run_scoped3A = tpu.sem_alloc : memref<!tpu.dma_semaphore, #tpu.memory_space<semaphore_mem>>
        %dma_start3A = arith.constant 0 : i32
        %dma_start3A_153 = arith.constant 0 : i32
        %dma_start3A_154 = tpu.memref_slice %arg9[%dma_start3A, %dma_start3A_153] : memref<40064x32xf32, #tpu.memory_space<vmem_shared>> -> memref<40064x32xf32, #tpu.memory_space<vmem_shared>>
        tpu.enqueue_indirect_dma source(%arg7 : memref<400x32xf32, #tpu.memory_space<vmem>>) target(%dma_start3A_154 : memref<40064x32xf32, #tpu.memory_space<vmem_shared>>) offsets(%arg6 : memref<400xi32, #tpu.memory_space<vmem>>) semaphore(%run_scoped3A : memref<!tpu.dma_semaphore, #tpu.memory_space<semaphore_mem>>) {add = true}
        %dma_wait3A = arith.constant 0 : i32
        %dma_wait3A_155 = arith.constant 0 : i32
        %dma_wait3A_156 = tpu.memref_slice %arg9[%dma_wait3A, %dma_wait3A_155] : memref<40064x32xf32, #tpu.memory_space<vmem_shared>> -> memref<40064x32xf32, #tpu.memory_space<vmem_shared>>
        tpu.wait_indirect_dma semaphore(%run_scoped3A : memref<!tpu.dma_semaphore, #tpu.memory_space<semaphore_mem>>) src(%arg7 : memref<400x32xf32, #tpu.memory_space<vmem>>) dst(%dma_wait3A_156 : memref<40064x32xf32, #tpu.memory_space<vmem_shared>>)
        tpu.yield
      }) : () -> ()
    }
    %scan3A_103 = arith.constant 50 : i32
    %barrier3A_104 = arith.constant 0 : index
    tpu.barrier barrier_id(%barrier3A_104)
    %mul3A_105 = arith.constant 2500 : i32
    %mul3A_106 = arith.muli %arg1, %mul3A_105 : i32
    %add3A_107 = arith.constant 0 : i32
    %add3A_108 = arith.addi %mul3A_106, %add3A_107 : i32
    "tpu.region"() ({
      %run_scoped3A = tpu.sem_alloc : memref<!tpu.dma_semaphore, #tpu.memory_space<semaphore_mem>>
      %dma_start3A = arith.constant 0 : i32
      %dma_start3A_143 = tpu.memref_slice %arg9[%add3A_108, %dma_start3A] : memref<40064x32xf32, #tpu.memory_space<vmem_shared>> -> memref<400x32xf32, #tpu.memory_space<vmem_shared>>
      %dma_start3A_144 = arith.constant 0 : i32
      %dma_start3A_145 = tpu.memref_slice %arg9[%add3A_108, %dma_start3A_144] : memref<40064x32xf32, #tpu.memory_space<vmem_shared>> -> memref<400x32xf32, #tpu.memory_space<vmem_shared>>
      tpu.enqueue_dma source(%dma_start3A_145 : memref<400x32xf32, #tpu.memory_space<vmem_shared>>) target(%arg7 : memref<400x32xf32, #tpu.memory_space<vmem>>) target_semaphore(%run_scoped3A : memref<!tpu.dma_semaphore, #tpu.memory_space<semaphore_mem>>)
      %dma_wait3A = arith.constant 0 : i32
      %dma_wait3A_146 = tpu.memref_slice %arg9[%add3A_108, %dma_wait3A] : memref<40064x32xf32, #tpu.memory_space<vmem_shared>> -> memref<400x32xf32, #tpu.memory_space<vmem_shared>>
      %dma_wait3A_147 = arith.constant 0 : i32
      %dma_wait3A_148 = tpu.memref_slice %arg9[%add3A_108, %dma_wait3A_147] : memref<40064x32xf32, #tpu.memory_space<vmem_shared>> -> memref<400x32xf32, #tpu.memory_space<vmem_shared>>
      tpu.wait_dma2 semaphore(%run_scoped3A : memref<!tpu.dma_semaphore, #tpu.memory_space<semaphore_mem>>) src(%dma_wait3A_148 : memref<400x32xf32, #tpu.memory_space<vmem_shared>>) dst(%arg7 : memref<400x32xf32, #tpu.memory_space<vmem>>)
      tpu.yield
    }) : () -> ()
    %add3A_109 = arith.addi %mul3A_78, %mul3A_106 : i32
    %add3A_110 = arith.constant 0 : i32
    %add3A_111 = arith.addi %add3A_109, %add3A_110 : i32
    "tpu.region"() ({
      %run_scoped3A = tpu.sem_alloc : memref<!tpu.dma_semaphore, #tpu.memory_space<semaphore_mem>>
      %dma_start3A = arith.constant 0 : i32
      %dma_start3A_143 = tpu.memref_slice %arg4[%add3A_111, %dma_start3A] : memref<160000x32xf32, #tpu.memory_space<hbm>> -> memref<400x32xf32, #tpu.memory_space<hbm>>
      %dma_start3A_144 = arith.constant 0 : i32
      %dma_start3A_145 = tpu.memref_slice %arg4[%add3A_111, %dma_start3A_144] : memref<160000x32xf32, #tpu.memory_space<hbm>> -> memref<400x32xf32, #tpu.memory_space<hbm>>
      tpu.enqueue_dma source(%arg7 : memref<400x32xf32, #tpu.memory_space<vmem>>) target(%dma_start3A_145 : memref<400x32xf32, #tpu.memory_space<hbm>>) target_semaphore(%run_scoped3A : memref<!tpu.dma_semaphore, #tpu.memory_space<semaphore_mem>>)
      %dma_wait3A = arith.constant 0 : i32
      %dma_wait3A_146 = tpu.memref_slice %arg4[%add3A_111, %dma_wait3A] : memref<160000x32xf32, #tpu.memory_space<hbm>> -> memref<400x32xf32, #tpu.memory_space<hbm>>
      %dma_wait3A_147 = arith.constant 0 : i32
      %dma_wait3A_148 = tpu.memref_slice %arg4[%add3A_111, %dma_wait3A_147] : memref<160000x32xf32, #tpu.memory_space<hbm>> -> memref<400x32xf32, #tpu.memory_space<hbm>>
      tpu.wait_dma2 semaphore(%run_scoped3A : memref<!tpu.dma_semaphore, #tpu.memory_space<semaphore_mem>>) src(%arg7 : memref<400x32xf32, #tpu.memory_space<vmem>>) dst(%dma_wait3A_148 : memref<400x32xf32, #tpu.memory_space<hbm>>)
      tpu.yield
    }) : () -> ()
    %add3A_112 = arith.constant 400 : i32
    %add3A_113 = arith.addi %mul3A_106, %add3A_112 : i32
    "tpu.region"() ({
      %run_scoped3A = tpu.sem_alloc : memref<!tpu.dma_semaphore, #tpu.memory_space<semaphore_mem>>
      %dma_start3A = arith.constant 0 : i32
      %dma_start3A_143 = tpu.memref_slice %arg9[%add3A_113, %dma_start3A] : memref<40064x32xf32, #tpu.memory_space<vmem_shared>> -> memref<400x32xf32, #tpu.memory_space<vmem_shared>>
      %dma_start3A_144 = arith.constant 0 : i32
      %dma_start3A_145 = tpu.memref_slice %arg9[%add3A_113, %dma_start3A_144] : memref<40064x32xf32, #tpu.memory_space<vmem_shared>> -> memref<400x32xf32, #tpu.memory_space<vmem_shared>>
      tpu.enqueue_dma source(%dma_start3A_145 : memref<400x32xf32, #tpu.memory_space<vmem_shared>>) target(%arg7 : memref<400x32xf32, #tpu.memory_space<vmem>>) target_semaphore(%run_scoped3A : memref<!tpu.dma_semaphore, #tpu.memory_space<semaphore_mem>>)
      %dma_wait3A = arith.constant 0 : i32
      %dma_wait3A_146 = tpu.memref_slice %arg9[%add3A_113, %dma_wait3A] : memref<40064x32xf32, #tpu.memory_space<vmem_shared>> -> memref<400x32xf32, #tpu.memory_space<vmem_shared>>
      %dma_wait3A_147 = arith.constant 0 : i32
      %dma_wait3A_148 = tpu.memref_slice %arg9[%add3A_113, %dma_wait3A_147] : memref<40064x32xf32, #tpu.memory_space<vmem_shared>> -> memref<400x32xf32, #tpu.memory_space<vmem_shared>>
      tpu.wait_dma2 semaphore(%run_scoped3A : memref<!tpu.dma_semaphore, #tpu.memory_space<semaphore_mem>>) src(%dma_wait3A_148 : memref<400x32xf32, #tpu.memory_space<vmem_shared>>) dst(%arg7 : memref<400x32xf32, #tpu.memory_space<vmem>>)
      tpu.yield
    }) : () -> ()
    %add3A_114 = arith.addi %mul3A_78, %mul3A_106 : i32
    %add3A_115 = arith.constant 400 : i32
    %add3A_116 = arith.addi %add3A_114, %add3A_115 : i32
    "tpu.region"() ({
      %run_scoped3A = tpu.sem_alloc : memref<!tpu.dma_semaphore, #tpu.memory_space<semaphore_mem>>
      %dma_start3A = arith.constant 0 : i32
      %dma_start3A_143 = tpu.memref_slice %arg4[%add3A_116, %dma_start3A] : memref<160000x32xf32, #tpu.memory_space<hbm>> -> memref<400x32xf32, #tpu.memory_space<hbm>>
      %dma_start3A_144 = arith.constant 0 : i32
      %dma_start3A_145 = tpu.memref_slice %arg4[%add3A_116, %dma_start3A_144] : memref<160000x32xf32, #tpu.memory_space<hbm>> -> memref<400x32xf32, #tpu.memory_space<hbm>>
      tpu.enqueue_dma source(%arg7 : memref<400x32xf32, #tpu.memory_space<vmem>>) target(%dma_start3A_145 : memref<400x32xf32, #tpu.memory_space<hbm>>) target_semaphore(%run_scoped3A : memref<!tpu.dma_semaphore, #tpu.memory_space<semaphore_mem>>)
      %dma_wait3A = arith.constant 0 : i32
      %dma_wait3A_146 = tpu.memref_slice %arg4[%add3A_116, %dma_wait3A] : memref<160000x32xf32, #tpu.memory_space<hbm>> -> memref<400x32xf32, #tpu.memory_space<hbm>>
      %dma_wait3A_147 = arith.constant 0 : i32
      %dma_wait3A_148 = tpu.memref_slice %arg4[%add3A_116, %dma_wait3A_147] : memref<160000x32xf32, #tpu.memory_space<hbm>> -> memref<400x32xf32, #tpu.memory_space<hbm>>
      tpu.wait_dma2 semaphore(%run_scoped3A : memref<!tpu.dma_semaphore, #tpu.memory_space<semaphore_mem>>) src(%arg7 : memref<400x32xf32, #tpu.memory_space<vmem>>) dst(%dma_wait3A_148 : memref<400x32xf32, #tpu.memory_space<hbm>>)
      tpu.yield
    }) : () -> ()
    %add3A_117 = arith.constant 800 : i32
    %add3A_118 = arith.addi %mul3A_106, %add3A_117 : i32
    "tpu.region"() ({
      %run_scoped3A = tpu.sem_alloc : memref<!tpu.dma_semaphore, #tpu.memory_space<semaphore_mem>>
      %dma_start3A = arith.constant 0 : i32
      %dma_start3A_143 = tpu.memref_slice %arg9[%add3A_118, %dma_start3A] : memref<40064x32xf32, #tpu.memory_space<vmem_shared>> -> memref<400x32xf32, #tpu.memory_space<vmem_shared>>
      %dma_start3A_144 = arith.constant 0 : i32
      %dma_start3A_145 = tpu.memref_slice %arg9[%add3A_118, %dma_start3A_144] : memref<40064x32xf32, #tpu.memory_space<vmem_shared>> -> memref<400x32xf32, #tpu.memory_space<vmem_shared>>
      tpu.enqueue_dma source(%dma_start3A_145 : memref<400x32xf32, #tpu.memory_space<vmem_shared>>) target(%arg7 : memref<400x32xf32, #tpu.memory_space<vmem>>) target_semaphore(%run_scoped3A : memref<!tpu.dma_semaphore, #tpu.memory_space<semaphore_mem>>)
      %dma_wait3A = arith.constant 0 : i32
      %dma_wait3A_146 = tpu.memref_slice %arg9[%add3A_118, %dma_wait3A] : memref<40064x32xf32, #tpu.memory_space<vmem_shared>> -> memref<400x32xf32, #tpu.memory_space<vmem_shared>>
      %dma_wait3A_147 = arith.constant 0 : i32
      %dma_wait3A_148 = tpu.memref_slice %arg9[%add3A_118, %dma_wait3A_147] : memref<40064x32xf32, #tpu.memory_space<vmem_shared>> -> memref<400x32xf32, #tpu.memory_space<vmem_shared>>
      tpu.wait_dma2 semaphore(%run_scoped3A : memref<!tpu.dma_semaphore, #tpu.memory_space<semaphore_mem>>) src(%dma_wait3A_148 : memref<400x32xf32, #tpu.memory_space<vmem_shared>>) dst(%arg7 : memref<400x32xf32, #tpu.memory_space<vmem>>)
      tpu.yield
    }) : () -> ()
    %add3A_119 = arith.addi %mul3A_78, %mul3A_106 : i32
    %add3A_120 = arith.constant 800 : i32
    %add3A_121 = arith.addi %add3A_119, %add3A_120 : i32
    "tpu.region"() ({
      %run_scoped3A = tpu.sem_alloc : memref<!tpu.dma_semaphore, #tpu.memory_space<semaphore_mem>>
      %dma_start3A = arith.constant 0 : i32
      %dma_start3A_143 = tpu.memref_slice %arg4[%add3A_121, %dma_start3A] : memref<160000x32xf32, #tpu.memory_space<hbm>> -> memref<400x32xf32, #tpu.memory_space<hbm>>
      %dma_start3A_144 = arith.constant 0 : i32
      %dma_start3A_145 = tpu.memref_slice %arg4[%add3A_121, %dma_start3A_144] : memref<160000x32xf32, #tpu.memory_space<hbm>> -> memref<400x32xf32, #tpu.memory_space<hbm>>
      tpu.enqueue_dma source(%arg7 : memref<400x32xf32, #tpu.memory_space<vmem>>) target(%dma_start3A_145 : memref<400x32xf32, #tpu.memory_space<hbm>>) target_semaphore(%run_scoped3A : memref<!tpu.dma_semaphore, #tpu.memory_space<semaphore_mem>>)
      %dma_wait3A = arith.constant 0 : i32
      %dma_wait3A_146 = tpu.memref_slice %arg4[%add3A_121, %dma_wait3A] : memref<160000x32xf32, #tpu.memory_space<hbm>> -> memref<400x32xf32, #tpu.memory_space<hbm>>
      %dma_wait3A_147 = arith.constant 0 : i32
      %dma_wait3A_148 = tpu.memref_slice %arg4[%add3A_121, %dma_wait3A_147] : memref<160000x32xf32, #tpu.memory_space<hbm>> -> memref<400x32xf32, #tpu.memory_space<hbm>>
      tpu.wait_dma2 semaphore(%run_scoped3A : memref<!tpu.dma_semaphore, #tpu.memory_space<semaphore_mem>>) src(%arg7 : memref<400x32xf32, #tpu.memory_space<vmem>>) dst(%dma_wait3A_148 : memref<400x32xf32, #tpu.memory_space<hbm>>)
      tpu.yield
    }) : () -> ()
    %add3A_122 = arith.constant 1200 : i32
    %add3A_123 = arith.addi %mul3A_106, %add3A_122 : i32
    "tpu.region"() ({
      %run_scoped3A = tpu.sem_alloc : memref<!tpu.dma_semaphore, #tpu.memory_space<semaphore_mem>>
      %dma_start3A = arith.constant 0 : i32
      %dma_start3A_143 = tpu.memref_slice %arg9[%add3A_123, %dma_start3A] : memref<40064x32xf32, #tpu.memory_space<vmem_shared>> -> memref<400x32xf32, #tpu.memory_space<vmem_shared>>
      %dma_start3A_144 = arith.constant 0 : i32
      %dma_start3A_145 = tpu.memref_slice %arg9[%add3A_123, %dma_start3A_144] : memref<40064x32xf32, #tpu.memory_space<vmem_shared>> -> memref<400x32xf32, #tpu.memory_space<vmem_shared>>
      tpu.enqueue_dma source(%dma_start3A_145 : memref<400x32xf32, #tpu.memory_space<vmem_shared>>) target(%arg7 : memref<400x32xf32, #tpu.memory_space<vmem>>) target_semaphore(%run_scoped3A : memref<!tpu.dma_semaphore, #tpu.memory_space<semaphore_mem>>)
      %dma_wait3A = arith.constant 0 : i32
      %dma_wait3A_146 = tpu.memref_slice %arg9[%add3A_123, %dma_wait3A] : memref<40064x32xf32, #tpu.memory_space<vmem_shared>> -> memref<400x32xf32, #tpu.memory_space<vmem_shared>>
      %dma_wait3A_147 = arith.constant 0 : i32
      %dma_wait3A_148 = tpu.memref_slice %arg9[%add3A_123, %dma_wait3A_147] : memref<40064x32xf32, #tpu.memory_space<vmem_shared>> -> memref<400x32xf32, #tpu.memory_space<vmem_shared>>
      tpu.wait_dma2 semaphore(%run_scoped3A : memref<!tpu.dma_semaphore, #tpu.memory_space<semaphore_mem>>) src(%dma_wait3A_148 : memref<400x32xf32, #tpu.memory_space<vmem_shared>>) dst(%arg7 : memref<400x32xf32, #tpu.memory_space<vmem>>)
      tpu.yield
    }) : () -> ()
    %add3A_124 = arith.addi %mul3A_78, %mul3A_106 : i32
    %add3A_125 = arith.constant 1200 : i32
    %add3A_126 = arith.addi %add3A_124, %add3A_125 : i32
    "tpu.region"() ({
      %run_scoped3A = tpu.sem_alloc : memref<!tpu.dma_semaphore, #tpu.memory_space<semaphore_mem>>
      %dma_start3A = arith.constant 0 : i32
      %dma_start3A_143 = tpu.memref_slice %arg4[%add3A_126, %dma_start3A] : memref<160000x32xf32, #tpu.memory_space<hbm>> -> memref<400x32xf32, #tpu.memory_space<hbm>>
      %dma_start3A_144 = arith.constant 0 : i32
      %dma_start3A_145 = tpu.memref_slice %arg4[%add3A_126, %dma_start3A_144] : memref<160000x32xf32, #tpu.memory_space<hbm>> -> memref<400x32xf32, #tpu.memory_space<hbm>>
      tpu.enqueue_dma source(%arg7 : memref<400x32xf32, #tpu.memory_space<vmem>>) target(%dma_start3A_145 : memref<400x32xf32, #tpu.memory_space<hbm>>) target_semaphore(%run_scoped3A : memref<!tpu.dma_semaphore, #tpu.memory_space<semaphore_mem>>)
      %dma_wait3A = arith.constant 0 : i32
      %dma_wait3A_146 = tpu.memref_slice %arg4[%add3A_126, %dma_wait3A] : memref<160000x32xf32, #tpu.memory_space<hbm>> -> memref<400x32xf32, #tpu.memory_space<hbm>>
      %dma_wait3A_147 = arith.constant 0 : i32
      %dma_wait3A_148 = tpu.memref_slice %arg4[%add3A_126, %dma_wait3A_147] : memref<160000x32xf32, #tpu.memory_space<hbm>> -> memref<400x32xf32, #tpu.memory_space<hbm>>
      tpu.wait_dma2 semaphore(%run_scoped3A : memref<!tpu.dma_semaphore, #tpu.memory_space<semaphore_mem>>) src(%arg7 : memref<400x32xf32, #tpu.memory_space<vmem>>) dst(%dma_wait3A_148 : memref<400x32xf32, #tpu.memory_space<hbm>>)
      tpu.yield
    }) : () -> ()
    %add3A_127 = arith.constant 1600 : i32
    %add3A_128 = arith.addi %mul3A_106, %add3A_127 : i32
    "tpu.region"() ({
      %run_scoped3A = tpu.sem_alloc : memref<!tpu.dma_semaphore, #tpu.memory_space<semaphore_mem>>
      %dma_start3A = arith.constant 0 : i32
      %dma_start3A_143 = tpu.memref_slice %arg9[%add3A_128, %dma_start3A] : memref<40064x32xf32, #tpu.memory_space<vmem_shared>> -> memref<400x32xf32, #tpu.memory_space<vmem_shared>>
      %dma_start3A_144 = arith.constant 0 : i32
      %dma_start3A_145 = tpu.memref_slice %arg9[%add3A_128, %dma_start3A_144] : memref<40064x32xf32, #tpu.memory_space<vmem_shared>> -> memref<400x32xf32, #tpu.memory_space<vmem_shared>>
      tpu.enqueue_dma source(%dma_start3A_145 : memref<400x32xf32, #tpu.memory_space<vmem_shared>>) target(%arg7 : memref<400x32xf32, #tpu.memory_space<vmem>>) target_semaphore(%run_scoped3A : memref<!tpu.dma_semaphore, #tpu.memory_space<semaphore_mem>>)
      %dma_wait3A = arith.constant 0 : i32
      %dma_wait3A_146 = tpu.memref_slice %arg9[%add3A_128, %dma_wait3A] : memref<40064x32xf32, #tpu.memory_space<vmem_shared>> -> memref<400x32xf32, #tpu.memory_space<vmem_shared>>
      %dma_wait3A_147 = arith.constant 0 : i32
      %dma_wait3A_148 = tpu.memref_slice %arg9[%add3A_128, %dma_wait3A_147] : memref<40064x32xf32, #tpu.memory_space<vmem_shared>> -> memref<400x32xf32, #tpu.memory_space<vmem_shared>>
      tpu.wait_dma2 semaphore(%run_scoped3A : memref<!tpu.dma_semaphore, #tpu.memory_space<semaphore_mem>>) src(%dma_wait3A_148 : memref<400x32xf32, #tpu.memory_space<vmem_shared>>) dst(%arg7 : memref<400x32xf32, #tpu.memory_space<vmem>>)
      tpu.yield
    }) : () -> ()
    %add3A_129 = arith.addi %mul3A_78, %mul3A_106 : i32
    %add3A_130 = arith.constant 1600 : i32
    %add3A_131 = arith.addi %add3A_129, %add3A_130 : i32
    "tpu.region"() ({
      %run_scoped3A = tpu.sem_alloc : memref<!tpu.dma_semaphore, #tpu.memory_space<semaphore_mem>>
      %dma_start3A = arith.constant 0 : i32
      %dma_start3A_143 = tpu.memref_slice %arg4[%add3A_131, %dma_start3A] : memref<160000x32xf32, #tpu.memory_space<hbm>> -> memref<400x32xf32, #tpu.memory_space<hbm>>
      %dma_start3A_144 = arith.constant 0 : i32
      %dma_start3A_145 = tpu.memref_slice %arg4[%add3A_131, %dma_start3A_144] : memref<160000x32xf32, #tpu.memory_space<hbm>> -> memref<400x32xf32, #tpu.memory_space<hbm>>
      tpu.enqueue_dma source(%arg7 : memref<400x32xf32, #tpu.memory_space<vmem>>) target(%dma_start3A_145 : memref<400x32xf32, #tpu.memory_space<hbm>>) target_semaphore(%run_scoped3A : memref<!tpu.dma_semaphore, #tpu.memory_space<semaphore_mem>>)
      %dma_wait3A = arith.constant 0 : i32
      %dma_wait3A_146 = tpu.memref_slice %arg4[%add3A_131, %dma_wait3A] : memref<160000x32xf32, #tpu.memory_space<hbm>> -> memref<400x32xf32, #tpu.memory_space<hbm>>
      %dma_wait3A_147 = arith.constant 0 : i32
      %dma_wait3A_148 = tpu.memref_slice %arg4[%add3A_131, %dma_wait3A_147] : memref<160000x32xf32, #tpu.memory_space<hbm>> -> memref<400x32xf32, #tpu.memory_space<hbm>>
      tpu.wait_dma2 semaphore(%run_scoped3A : memref<!tpu.dma_semaphore, #tpu.memory_space<semaphore_mem>>) src(%arg7 : memref<400x32xf32, #tpu.memory_space<vmem>>) dst(%dma_wait3A_148 : memref<400x32xf32, #tpu.memory_space<hbm>>)
      tpu.yield
    }) : () -> ()
    %add3A_132 = arith.constant 2000 : i32
    %add3A_133 = arith.addi %mul3A_106, %add3A_132 : i32
    "tpu.region"() ({
      %run_scoped3A = tpu.sem_alloc : memref<!tpu.dma_semaphore, #tpu.memory_space<semaphore_mem>>
      %dma_start3A = arith.constant 0 : i32
      %dma_start3A_143 = tpu.memref_slice %arg9[%add3A_133, %dma_start3A] : memref<40064x32xf32, #tpu.memory_space<vmem_shared>> -> memref<400x32xf32, #tpu.memory_space<vmem_shared>>
      %dma_start3A_144 = arith.constant 0 : i32
      %dma_start3A_145 = tpu.memref_slice %arg9[%add3A_133, %dma_start3A_144] : memref<40064x32xf32, #tpu.memory_space<vmem_shared>> -> memref<400x32xf32, #tpu.memory_space<vmem_shared>>
      tpu.enqueue_dma source(%dma_start3A_145 : memref<400x32xf32, #tpu.memory_space<vmem_shared>>) target(%arg7 : memref<400x32xf32, #tpu.memory_space<vmem>>) target_semaphore(%run_scoped3A : memref<!tpu.dma_semaphore, #tpu.memory_space<semaphore_mem>>)
      %dma_wait3A = arith.constant 0 : i32
      %dma_wait3A_146 = tpu.memref_slice %arg9[%add3A_133, %dma_wait3A] : memref<40064x32xf32, #tpu.memory_space<vmem_shared>> -> memref<400x32xf32, #tpu.memory_space<vmem_shared>>
      %dma_wait3A_147 = arith.constant 0 : i32
      %dma_wait3A_148 = tpu.memref_slice %arg9[%add3A_133, %dma_wait3A_147] : memref<40064x32xf32, #tpu.memory_space<vmem_shared>> -> memref<400x32xf32, #tpu.memory_space<vmem_shared>>
      tpu.wait_dma2 semaphore(%run_scoped3A : memref<!tpu.dma_semaphore, #tpu.memory_space<semaphore_mem>>) src(%dma_wait3A_148 : memref<400x32xf32, #tpu.memory_space<vmem_shared>>) dst(%arg7 : memref<400x32xf32, #tpu.memory_space<vmem>>)
      tpu.yield
    }) : () -> ()
    %add3A_134 = arith.addi %mul3A_78, %mul3A_106 : i32
    %add3A_135 = arith.constant 2000 : i32
    %add3A_136 = arith.addi %add3A_134, %add3A_135 : i32
    "tpu.region"() ({
      %run_scoped3A = tpu.sem_alloc : memref<!tpu.dma_semaphore, #tpu.memory_space<semaphore_mem>>
      %dma_start3A = arith.constant 0 : i32
      %dma_start3A_143 = tpu.memref_slice %arg4[%add3A_136, %dma_start3A] : memref<160000x32xf32, #tpu.memory_space<hbm>> -> memref<400x32xf32, #tpu.memory_space<hbm>>
      %dma_start3A_144 = arith.constant 0 : i32
      %dma_start3A_145 = tpu.memref_slice %arg4[%add3A_136, %dma_start3A_144] : memref<160000x32xf32, #tpu.memory_space<hbm>> -> memref<400x32xf32, #tpu.memory_space<hbm>>
      tpu.enqueue_dma source(%arg7 : memref<400x32xf32, #tpu.memory_space<vmem>>) target(%dma_start3A_145 : memref<400x32xf32, #tpu.memory_space<hbm>>) target_semaphore(%run_scoped3A : memref<!tpu.dma_semaphore, #tpu.memory_space<semaphore_mem>>)
      %dma_wait3A = arith.constant 0 : i32
      %dma_wait3A_146 = tpu.memref_slice %arg4[%add3A_136, %dma_wait3A] : memref<160000x32xf32, #tpu.memory_space<hbm>> -> memref<400x32xf32, #tpu.memory_space<hbm>>
      %dma_wait3A_147 = arith.constant 0 : i32
      %dma_wait3A_148 = tpu.memref_slice %arg4[%add3A_136, %dma_wait3A_147] : memref<160000x32xf32, #tpu.memory_space<hbm>> -> memref<400x32xf32, #tpu.memory_space<hbm>>
      tpu.wait_dma2 semaphore(%run_scoped3A : memref<!tpu.dma_semaphore, #tpu.memory_space<semaphore_mem>>) src(%arg7 : memref<400x32xf32, #tpu.memory_space<vmem>>) dst(%dma_wait3A_148 : memref<400x32xf32, #tpu.memory_space<hbm>>)
      tpu.yield
    }) : () -> ()
    %add3A_137 = arith.constant 2400 : i32
    %add3A_138 = arith.addi %mul3A_106, %add3A_137 : i32
    "tpu.region"() ({
      %run_scoped3A = tpu.sem_alloc : memref<!tpu.dma_semaphore, #tpu.memory_space<semaphore_mem>>
      %dma_start3A = arith.constant 0 : i32
      %dma_start3A_143 = arith.constant 0 : i32
      %dma_start3A_144 = tpu.memref_slice %arg7[%dma_start3A, %dma_start3A_143] : memref<400x32xf32, #tpu.memory_space<vmem>> -> memref<100x32xf32, #tpu.memory_space<vmem>>
      %dma_start3A_145 = arith.constant 0 : i32
      %dma_start3A_146 = tpu.memref_slice %arg9[%add3A_138, %dma_start3A_145] : memref<40064x32xf32, #tpu.memory_space<vmem_shared>> -> memref<100x32xf32, #tpu.memory_space<vmem_shared>>
      %dma_start3A_147 = arith.constant 0 : i32
      %dma_start3A_148 = arith.constant 0 : i32
      %dma_start3A_149 = tpu.memref_slice %arg7[%dma_start3A_147, %dma_start3A_148] : memref<400x32xf32, #tpu.memory_space<vmem>> -> memref<100x32xf32, #tpu.memory_space<vmem>>
      %dma_start3A_150 = arith.constant 0 : i32
      %dma_start3A_151 = tpu.memref_slice %arg9[%add3A_138, %dma_start3A_150] : memref<40064x32xf32, #tpu.memory_space<vmem_shared>> -> memref<100x32xf32, #tpu.memory_space<vmem_shared>>
      tpu.enqueue_dma source(%dma_start3A_151 : memref<100x32xf32, #tpu.memory_space<vmem_shared>>) target(%dma_start3A_149 : memref<100x32xf32, #tpu.memory_space<vmem>>) target_semaphore(%run_scoped3A : memref<!tpu.dma_semaphore, #tpu.memory_space<semaphore_mem>>)
      %dma_wait3A = arith.constant 0 : i32
      %dma_wait3A_152 = arith.constant 0 : i32
      %dma_wait3A_153 = tpu.memref_slice %arg7[%dma_wait3A, %dma_wait3A_152] : memref<400x32xf32, #tpu.memory_space<vmem>> -> memref<100x32xf32, #tpu.memory_space<vmem>>
      %dma_wait3A_154 = arith.constant 0 : i32
      %dma_wait3A_155 = tpu.memref_slice %arg9[%add3A_138, %dma_wait3A_154] : memref<40064x32xf32, #tpu.memory_space<vmem_shared>> -> memref<100x32xf32, #tpu.memory_space<vmem_shared>>
      %dma_wait3A_156 = arith.constant 0 : i32
      %dma_wait3A_157 = arith.constant 0 : i32
      %dma_wait3A_158 = tpu.memref_slice %arg7[%dma_wait3A_156, %dma_wait3A_157] : memref<400x32xf32, #tpu.memory_space<vmem>> -> memref<100x32xf32, #tpu.memory_space<vmem>>
      %dma_wait3A_159 = arith.constant 0 : i32
      %dma_wait3A_160 = tpu.memref_slice %arg9[%add3A_138, %dma_wait3A_159] : memref<40064x32xf32, #tpu.memory_space<vmem_shared>> -> memref<100x32xf32, #tpu.memory_space<vmem_shared>>
      tpu.wait_dma2 semaphore(%run_scoped3A : memref<!tpu.dma_semaphore, #tpu.memory_space<semaphore_mem>>) src(%dma_wait3A_160 : memref<100x32xf32, #tpu.memory_space<vmem_shared>>) dst(%dma_wait3A_158 : memref<100x32xf32, #tpu.memory_space<vmem>>)
      tpu.yield
    }) : () -> ()
    %add3A_139 = arith.addi %mul3A_78, %mul3A_106 : i32
    %add3A_140 = arith.constant 2400 : i32
    %add3A_141 = arith.addi %add3A_139, %add3A_140 : i32
    "tpu.region"() ({
      %run_scoped3A = tpu.sem_alloc : memref<!tpu.dma_semaphore, #tpu.memory_space<semaphore_mem>>
      %dma_start3A = arith.constant 0 : i32
      %dma_start3A_143 = arith.constant 0 : i32
      %dma_start3A_144 = tpu.memref_slice %arg7[%dma_start3A, %dma_start3A_143] : memref<400x32xf32, #tpu.memory_space<vmem>> -> memref<100x32xf32, #tpu.memory_space<vmem>>
      %dma_start3A_145 = arith.constant 0 : i32
      %dma_start3A_146 = tpu.memref_slice %arg4[%add3A_141, %dma_start3A_145] : memref<160000x32xf32, #tpu.memory_space<hbm>> -> memref<100x32xf32, #tpu.memory_space<hbm>>
      %dma_start3A_147 = arith.constant 0 : i32
      %dma_start3A_148 = tpu.memref_slice %arg4[%add3A_141, %dma_start3A_147] : memref<160000x32xf32, #tpu.memory_space<hbm>> -> memref<100x32xf32, #tpu.memory_space<hbm>>
      %dma_start3A_149 = arith.constant 0 : i32
      %dma_start3A_150 = arith.constant 0 : i32
      %dma_start3A_151 = tpu.memref_slice %arg7[%dma_start3A_149, %dma_start3A_150] : memref<400x32xf32, #tpu.memory_space<vmem>> -> memref<100x32xf32, #tpu.memory_space<vmem>>
      tpu.enqueue_dma source(%dma_start3A_151 : memref<100x32xf32, #tpu.memory_space<vmem>>) target(%dma_start3A_148 : memref<100x32xf32, #tpu.memory_space<hbm>>) target_semaphore(%run_scoped3A : memref<!tpu.dma_semaphore, #tpu.memory_space<semaphore_mem>>)
      %dma_wait3A = arith.constant 0 : i32
      %dma_wait3A_152 = arith.constant 0 : i32
      %dma_wait3A_153 = tpu.memref_slice %arg7[%dma_wait3A, %dma_wait3A_152] : memref<400x32xf32, #tpu.memory_space<vmem>> -> memref<100x32xf32, #tpu.memory_space<vmem>>
      %dma_wait3A_154 = arith.constant 0 : i32
      %dma_wait3A_155 = tpu.memref_slice %arg4[%add3A_141, %dma_wait3A_154] : memref<160000x32xf32, #tpu.memory_space<hbm>> -> memref<100x32xf32, #tpu.memory_space<hbm>>
      %dma_wait3A_156 = arith.constant 0 : i32
      %dma_wait3A_157 = tpu.memref_slice %arg4[%add3A_141, %dma_wait3A_156] : memref<160000x32xf32, #tpu.memory_space<hbm>> -> memref<100x32xf32, #tpu.memory_space<hbm>>
      %dma_wait3A_158 = arith.constant 0 : i32
      %dma_wait3A_159 = arith.constant 0 : i32
      %dma_wait3A_160 = tpu.memref_slice %arg7[%dma_wait3A_158, %dma_wait3A_159] : memref<400x32xf32, #tpu.memory_space<vmem>> -> memref<100x32xf32, #tpu.memory_space<vmem>>
      tpu.wait_dma2 semaphore(%run_scoped3A : memref<!tpu.dma_semaphore, #tpu.memory_space<semaphore_mem>>) src(%dma_wait3A_160 : memref<100x32xf32, #tpu.memory_space<vmem>>) dst(%dma_wait3A_157 : memref<100x32xf32, #tpu.memory_space<hbm>>)
      tpu.yield
    }) : () -> ()
    %barrier3A_142 = arith.constant 0 : index
    tpu.barrier barrier_id(%barrier3A_142)
    return
  }
}

#map = affine_map<(d0, d1) -> (0, 0)>
#map1 = affine_map<(d0, d1) -> (0)>
module attributes {stable_mosaic.version = 14 : i64} {
  func.func @_tri_body(%arg0: i32, %arg1: i32, %arg2: memref<160000x288xbf16, #tpu.memory_space<hbm>>, %arg3: memref<2880000xf32, #tpu.memory_space<hbm>>, %arg4: memref<320000xi32, #tpu.memory_space<hbm>>, %arg5: memref<320000xi32, #tpu.memory_space<hbm>>, %arg6: memref<10000x32xf32, #tpu.memory_space<hbm>>, %arg7: memref<320000x32xf32, #tpu.memory_space<hbm>>, %arg8: memref<10000xi32, #tpu.memory_space<vmem>>, %arg9: memref<10000xi32, #tpu.memory_space<vmem>>, %arg10: memref<400x288xbf16, #tpu.memory_space<vmem>>, %arg11: memref<3616xf32, #tpu.memory_space<vmem>>, %arg12: memref<400x32xf32, #tpu.memory_space<vmem>>, %arg13: memref<400x32xf32, #tpu.memory_space<vmem>>, %arg14: memref<!tpu.dma_semaphore, #tpu.memory_space<semaphore_mem>>, %arg15: memref<!tpu.dma_semaphore, #tpu.memory_space<semaphore_mem>>) attributes {dimension_semantics = [#tpu.dimension_semantics<core_parallel>, #tpu.dimension_semantics<subcore_parallel>], iteration_bounds = array<i64: 2, 16>, scalar_prefetch = 0 : i64, scratch_operands = 8 : i64, tpu.core_type = #tpu.core_type<sc_vector_subcore>, window_params = [{transform_indices = #map}, {transform_indices = #map1}, {transform_indices = #map1}, {transform_indices = #map1}, {transform_indices = #map}, {transform_indices = #map}]} {
    %mul3A = arith.constant 2 : i32
    %mul3A_0 = arith.muli %arg1, %mul3A : i32
    %add3A = arith.addi %mul3A_0, %arg0 : i32
    %mul3A_1 = arith.constant 10000 : i32
    %mul3A_2 = arith.muli %add3A, %mul3A_1 : i32
    "tpu.region"() ({
      %run_scoped3A = tpu.sem_alloc : memref<!tpu.dma_semaphore, #tpu.memory_space<semaphore_mem>>
      %dma_start3A = tpu.memref_slice %arg4[%mul3A_2] : memref<320000xi32, #tpu.memory_space<hbm>> -> memref<10000xi32, #tpu.memory_space<hbm>>
      %dma_start3A_8 = tpu.memref_slice %arg4[%mul3A_2] : memref<320000xi32, #tpu.memory_space<hbm>> -> memref<10000xi32, #tpu.memory_space<hbm>>
      tpu.enqueue_dma source(%dma_start3A_8 : memref<10000xi32, #tpu.memory_space<hbm>>) target(%arg8 : memref<10000xi32, #tpu.memory_space<vmem>>) target_semaphore(%run_scoped3A : memref<!tpu.dma_semaphore, #tpu.memory_space<semaphore_mem>>)
      %dma_wait3A = tpu.memref_slice %arg4[%mul3A_2] : memref<320000xi32, #tpu.memory_space<hbm>> -> memref<10000xi32, #tpu.memory_space<hbm>>
      %dma_wait3A_9 = tpu.memref_slice %arg4[%mul3A_2] : memref<320000xi32, #tpu.memory_space<hbm>> -> memref<10000xi32, #tpu.memory_space<hbm>>
      tpu.wait_dma2 semaphore(%run_scoped3A : memref<!tpu.dma_semaphore, #tpu.memory_space<semaphore_mem>>) src(%dma_wait3A_9 : memref<10000xi32, #tpu.memory_space<hbm>>) dst(%arg8 : memref<10000xi32, #tpu.memory_space<vmem>>)
      tpu.yield
    }) : () -> ()
    "tpu.region"() ({
      %run_scoped3A = tpu.sem_alloc : memref<!tpu.dma_semaphore, #tpu.memory_space<semaphore_mem>>
      %dma_start3A = tpu.memref_slice %arg5[%mul3A_2] : memref<320000xi32, #tpu.memory_space<hbm>> -> memref<10000xi32, #tpu.memory_space<hbm>>
      %dma_start3A_8 = tpu.memref_slice %arg5[%mul3A_2] : memref<320000xi32, #tpu.memory_space<hbm>> -> memref<10000xi32, #tpu.memory_space<hbm>>
      tpu.enqueue_dma source(%dma_start3A_8 : memref<10000xi32, #tpu.memory_space<hbm>>) target(%arg9 : memref<10000xi32, #tpu.memory_space<vmem>>) target_semaphore(%run_scoped3A : memref<!tpu.dma_semaphore, #tpu.memory_space<semaphore_mem>>)
      %dma_wait3A = tpu.memref_slice %arg5[%mul3A_2] : memref<320000xi32, #tpu.memory_space<hbm>> -> memref<10000xi32, #tpu.memory_space<hbm>>
      %dma_wait3A_9 = tpu.memref_slice %arg5[%mul3A_2] : memref<320000xi32, #tpu.memory_space<hbm>> -> memref<10000xi32, #tpu.memory_space<hbm>>
      tpu.wait_dma2 semaphore(%run_scoped3A : memref<!tpu.dma_semaphore, #tpu.memory_space<semaphore_mem>>) src(%dma_wait3A_9 : memref<10000xi32, #tpu.memory_space<hbm>>) dst(%arg9 : memref<10000xi32, #tpu.memory_space<vmem>>)
      tpu.yield
    }) : () -> ()
    %scan3A = arith.constant 0 : i32
    %scan3A_3 = arith.constant 0 : i32
    %scan3A_4 = arith.constant 25 : i32
    %scan3A_5 = arith.addi %scan3A_3, %scan3A_4 : i32
    %scan3A_6 = arith.constant 1 : i32
    scf.for %scan3A_8 = %scan3A_3 to %scan3A_5 step %scan3A_6  : i32 {
      %mul3A_9 = arith.constant 400 : i32
      %mul3A_10 = arith.muli %scan3A_8, %mul3A_9 : i32
      %add3A_11 = arith.addi %mul3A_2, %mul3A_10 : i32
      %mul3A_12 = arith.constant 400 : i32
      %mul3A_13 = arith.muli %scan3A_8, %mul3A_12 : i32
      %mul3A_14 = arith.constant 9 : i32
      %mul3A_15 = arith.muli %add3A_11, %mul3A_14 : i32
      "tpu.region"() ({
        %run_scoped3A = tpu.sem_alloc : memref<!tpu.dma_semaphore, #tpu.memory_space<semaphore_mem>>
        %dma_start3A_36 = arith.constant 0 : i32
        %dma_start3A_37 = tpu.memref_slice %arg11[%dma_start3A_36] : memref<3616xf32, #tpu.memory_space<vmem>> -> memref<3600xf32, #tpu.memory_space<vmem>>
        %dma_start3A_38 = tpu.memref_slice %arg3[%mul3A_15] : memref<2880000xf32, #tpu.memory_space<hbm>> -> memref<3600xf32, #tpu.memory_space<hbm>>
        %dma_start3A_39 = arith.constant 0 : i32
        %dma_start3A_40 = tpu.memref_slice %arg11[%dma_start3A_39] : memref<3616xf32, #tpu.memory_space<vmem>> -> memref<3600xf32, #tpu.memory_space<vmem>>
        %dma_start3A_41 = tpu.memref_slice %arg3[%mul3A_15] : memref<2880000xf32, #tpu.memory_space<hbm>> -> memref<3600xf32, #tpu.memory_space<hbm>>
        tpu.enqueue_dma source(%dma_start3A_41 : memref<3600xf32, #tpu.memory_space<hbm>>) target(%dma_start3A_40 : memref<3600xf32, #tpu.memory_space<vmem>>) target_semaphore(%run_scoped3A : memref<!tpu.dma_semaphore, #tpu.memory_space<semaphore_mem>>)
        %dma_wait3A_42 = arith.constant 0 : i32
        %dma_wait3A_43 = tpu.memref_slice %arg11[%dma_wait3A_42] : memref<3616xf32, #tpu.memory_space<vmem>> -> memref<3600xf32, #tpu.memory_space<vmem>>
        %dma_wait3A_44 = tpu.memref_slice %arg3[%mul3A_15] : memref<2880000xf32, #tpu.memory_space<hbm>> -> memref<3600xf32, #tpu.memory_space<hbm>>
        %dma_wait3A_45 = arith.constant 0 : i32
        %dma_wait3A_46 = tpu.memref_slice %arg11[%dma_wait3A_45] : memref<3616xf32, #tpu.memory_space<vmem>> -> memref<3600xf32, #tpu.memory_space<vmem>>
        %dma_wait3A_47 = tpu.memref_slice %arg3[%mul3A_15] : memref<2880000xf32, #tpu.memory_space<hbm>> -> memref<3600xf32, #tpu.memory_space<hbm>>
        tpu.wait_dma2 semaphore(%run_scoped3A : memref<!tpu.dma_semaphore, #tpu.memory_space<semaphore_mem>>) src(%dma_wait3A_47 : memref<3600xf32, #tpu.memory_space<hbm>>) dst(%dma_wait3A_46 : memref<3600xf32, #tpu.memory_space<vmem>>)
        tpu.yield
      }) : () -> ()
      %dma_start3A = tpu.memref_slice %arg8[%mul3A_13] : memref<10000xi32, #tpu.memory_space<vmem>> -> memref<400xi32, #tpu.memory_space<vmem>>
      %dma_start3A_16 = arith.constant 0 : i32
      %dma_start3A_17 = arith.constant 0 : i32
      %dma_start3A_18 = tpu.memref_slice %arg2[%dma_start3A_16, %dma_start3A_17] : memref<160000x288xbf16, #tpu.memory_space<hbm>> -> memref<160000x288xbf16, #tpu.memory_space<hbm>>
      tpu.enqueue_indirect_dma source(%dma_start3A_18 : memref<160000x288xbf16, #tpu.memory_space<hbm>>) target(%arg10 : memref<400x288xbf16, #tpu.memory_space<vmem>>) offsets(%dma_start3A : memref<400xi32, #tpu.memory_space<vmem>>) semaphore(%arg14 : memref<!tpu.dma_semaphore, #tpu.memory_space<semaphore_mem>>)
      %dma_start3A_19 = tpu.memref_slice %arg9[%mul3A_13] : memref<10000xi32, #tpu.memory_space<vmem>> -> memref<400xi32, #tpu.memory_space<vmem>>
      %dma_start3A_20 = arith.constant 0 : i32
      %dma_start3A_21 = arith.constant 0 : i32
      %dma_start3A_22 = tpu.memref_slice %arg6[%dma_start3A_20, %dma_start3A_21] : memref<10000x32xf32, #tpu.memory_space<hbm>> -> memref<10000x32xf32, #tpu.memory_space<hbm>>
      tpu.enqueue_indirect_dma source(%dma_start3A_22 : memref<10000x32xf32, #tpu.memory_space<hbm>>) target(%arg12 : memref<400x32xf32, #tpu.memory_space<vmem>>) offsets(%dma_start3A_19 : memref<400xi32, #tpu.memory_space<vmem>>) semaphore(%arg15 : memref<!tpu.dma_semaphore, #tpu.memory_space<semaphore_mem>>)
      %dma_wait3A = tpu.memref_slice %arg8[%mul3A_13] : memref<10000xi32, #tpu.memory_space<vmem>> -> memref<400xi32, #tpu.memory_space<vmem>>
      %dma_wait3A_23 = arith.constant 0 : i32
      %dma_wait3A_24 = arith.constant 0 : i32
      %dma_wait3A_25 = tpu.memref_slice %arg2[%dma_wait3A_23, %dma_wait3A_24] : memref<160000x288xbf16, #tpu.memory_space<hbm>> -> memref<160000x288xbf16, #tpu.memory_space<hbm>>
      tpu.wait_indirect_dma semaphore(%arg14 : memref<!tpu.dma_semaphore, #tpu.memory_space<semaphore_mem>>) src(%dma_wait3A_25 : memref<160000x288xbf16, #tpu.memory_space<hbm>>) dst(%arg10 : memref<400x288xbf16, #tpu.memory_space<vmem>>)
      %dma_wait3A_26 = tpu.memref_slice %arg9[%mul3A_13] : memref<10000xi32, #tpu.memory_space<vmem>> -> memref<400xi32, #tpu.memory_space<vmem>>
      %dma_wait3A_27 = arith.constant 0 : i32
      %dma_wait3A_28 = arith.constant 0 : i32
      %dma_wait3A_29 = tpu.memref_slice %arg6[%dma_wait3A_27, %dma_wait3A_28] : memref<10000x32xf32, #tpu.memory_space<hbm>> -> memref<10000x32xf32, #tpu.memory_space<hbm>>
      tpu.wait_indirect_dma semaphore(%arg15 : memref<!tpu.dma_semaphore, #tpu.memory_space<semaphore_mem>>) src(%dma_wait3A_29 : memref<10000x32xf32, #tpu.memory_space<hbm>>) dst(%arg12 : memref<400x32xf32, #tpu.memory_space<vmem>>)
      %scan3A_30 = arith.constant 0 : i32
      %scan3A_31 = arith.constant 0 : i32
      %scan3A_32 = arith.constant 400 : i32
      %scan3A_33 = arith.addi %scan3A_31, %scan3A_32 : i32
      %scan3A_34 = arith.constant 4 : i32
      scf.for %scan3A_36 = %scan3A_31 to %scan3A_33 step %scan3A_34  : i32 {
        %broadcast_in_dim3A = arith.constant 0.000000e+00 : f32
        %broadcast_in_dim3A_37 = vector.broadcast %broadcast_in_dim3A : f32 to vector<16xf32>
        %broadcast_in_dim3A_38 = arith.constant 0.000000e+00 : f32
        %broadcast_in_dim3A_39 = vector.broadcast %broadcast_in_dim3A_38 : f32 to vector<16xf32>
        %mul3A_40 = arith.constant 9 : i32
        %mul3A_41 = arith.muli %scan3A_36, %mul3A_40 : i32
        %get3A = arith.index_cast %mul3A_41 : i32 to index
        %get3A_42 = tpu.vector_load %arg11[%get3A] {strides = array<i32>} : memref<3616xf32, #tpu.memory_space<vmem>>, vector<16xf32>,
        %slice3A = vector.extract_strided_slice %get3A_42 {offsets = [0], sizes = [1], strides = [1]} : vector<16xf32> to vector<1xf32>
        %squeeze3A = vector.extract %slice3A[0] : f32 from vector<1xf32>
        %get3A_43 = arith.index_cast %scan3A_36 : i32 to index
        %get3A_44 = arith.constant 0 : index
        %get3A_45 = tpu.vector_load %arg10[%get3A_43, %get3A_44] {strides = array<i32>} : memref<400x288xbf16, #tpu.memory_space<vmem>>, vector<32xbf16>,
        %unpack3A = tpu.unpack_subelements %get3A_45, 0 {pack_format = #tpu.pack_format<interleaved>} : vector<32xbf16> -> vector<16xf32>
        %unpack3A_46 = tpu.unpack_subelements %get3A_45, 1 {pack_format = #tpu.pack_format<interleaved>} : vector<32xbf16> -> vector<16xf32>
        %mul3A_47 = vector.broadcast %squeeze3A : f32 to vector<16xf32>
        %mul3A_48 = arith.mulf %mul3A_47, %unpack3A : vector<16xf32>
        %add3A_49 = arith.addf %broadcast_in_dim3A_37, %mul3A_48 : vector<16xf32>
        %mul3A_50 = vector.broadcast %squeeze3A : f32 to vector<16xf32>
        %mul3A_51 = arith.mulf %mul3A_50, %unpack3A_46 : vector<16xf32>
        %add3A_52 = arith.addf %broadcast_in_dim3A_39, %mul3A_51 : vector<16xf32>
        %slice3A_53 = vector.extract_strided_slice %get3A_42 {offsets = [1], sizes = [1], strides = [1]} : vector<16xf32> to vector<1xf32>
        %squeeze3A_54 = vector.extract %slice3A_53[0] : f32 from vector<1xf32>
        %get3A_55 = arith.index_cast %scan3A_36 : i32 to index
        %get3A_56 = arith.constant 32 : index
        %get3A_57 = tpu.vector_load %arg10[%get3A_55, %get3A_56] {strides = array<i32>} : memref<400x288xbf16, #tpu.memory_space<vmem>>, vector<32xbf16>,
        %unpack3A_58 = tpu.unpack_subelements %get3A_57, 0 {pack_format = #tpu.pack_format<interleaved>} : vector<32xbf16> -> vector<16xf32>
        %unpack3A_59 = tpu.unpack_subelements %get3A_57, 1 {pack_format = #tpu.pack_format<interleaved>} : vector<32xbf16> -> vector<16xf32>
        %mul3A_60 = vector.broadcast %squeeze3A_54 : f32 to vector<16xf32>
        %mul3A_61 = arith.mulf %mul3A_60, %unpack3A_58 : vector<16xf32>
        %add3A_62 = arith.addf %add3A_49, %mul3A_61 : vector<16xf32>
        %mul3A_63 = vector.broadcast %squeeze3A_54 : f32 to vector<16xf32>
        %mul3A_64 = arith.mulf %mul3A_63, %unpack3A_59 : vector<16xf32>
        %add3A_65 = arith.addf %add3A_52, %mul3A_64 : vector<16xf32>
        %slice3A_66 = vector.extract_strided_slice %get3A_42 {offsets = [2], sizes = [1], strides = [1]} : vector<16xf32> to vector<1xf32>
        %squeeze3A_67 = vector.extract %slice3A_66[0] : f32 from vector<1xf32>
        %get3A_68 = arith.index_cast %scan3A_36 : i32 to index
        %get3A_69 = arith.constant 64 : index
        %get3A_70 = tpu.vector_load %arg10[%get3A_68, %get3A_69] {strides = array<i32>} : memref<400x288xbf16, #tpu.memory_space<vmem>>, vector<32xbf16>,
        %unpack3A_71 = tpu.unpack_subelements %get3A_70, 0 {pack_format = #tpu.pack_format<interleaved>} : vector<32xbf16> -> vector<16xf32>
        %unpack3A_72 = tpu.unpack_subelements %get3A_70, 1 {pack_format = #tpu.pack_format<interleaved>} : vector<32xbf16> -> vector<16xf32>
        %mul3A_73 = vector.broadcast %squeeze3A_67 : f32 to vector<16xf32>
        %mul3A_74 = arith.mulf %mul3A_73, %unpack3A_71 : vector<16xf32>
        %add3A_75 = arith.addf %add3A_62, %mul3A_74 : vector<16xf32>
        %mul3A_76 = vector.broadcast %squeeze3A_67 : f32 to vector<16xf32>
        %mul3A_77 = arith.mulf %mul3A_76, %unpack3A_72 : vector<16xf32>
        %add3A_78 = arith.addf %add3A_65, %mul3A_77 : vector<16xf32>
        %slice3A_79 = vector.extract_strided_slice %get3A_42 {offsets = [3], sizes = [1], strides = [1]} : vector<16xf32> to vector<1xf32>
        %squeeze3A_80 = vector.extract %slice3A_79[0] : f32 from vector<1xf32>
        %get3A_81 = arith.index_cast %scan3A_36 : i32 to index
        %get3A_82 = arith.constant 96 : index
        %get3A_83 = tpu.vector_load %arg10[%get3A_81, %get3A_82] {strides = array<i32>} : memref<400x288xbf16, #tpu.memory_space<vmem>>, vector<32xbf16>,
        %unpack3A_84 = tpu.unpack_subelements %get3A_83, 0 {pack_format = #tpu.pack_format<interleaved>} : vector<32xbf16> -> vector<16xf32>
        %unpack3A_85 = tpu.unpack_subelements %get3A_83, 1 {pack_format = #tpu.pack_format<interleaved>} : vector<32xbf16> -> vector<16xf32>
        %mul3A_86 = vector.broadcast %squeeze3A_80 : f32 to vector<16xf32>
        %mul3A_87 = arith.mulf %mul3A_86, %unpack3A_84 : vector<16xf32>
        %add3A_88 = arith.addf %add3A_75, %mul3A_87 : vector<16xf32>
        %mul3A_89 = vector.broadcast %squeeze3A_80 : f32 to vector<16xf32>
        %mul3A_90 = arith.mulf %mul3A_89, %unpack3A_85 : vector<16xf32>
        %add3A_91 = arith.addf %add3A_78, %mul3A_90 : vector<16xf32>
        %slice3A_92 = vector.extract_strided_slice %get3A_42 {offsets = [4], sizes = [1], strides = [1]} : vector<16xf32> to vector<1xf32>
        %squeeze3A_93 = vector.extract %slice3A_92[0] : f32 from vector<1xf32>
        %get3A_94 = arith.index_cast %scan3A_36 : i32 to index
        %get3A_95 = arith.constant 128 : index
        %get3A_96 = tpu.vector_load %arg10[%get3A_94, %get3A_95] {strides = array<i32>} : memref<400x288xbf16, #tpu.memory_space<vmem>>, vector<32xbf16>,
        %unpack3A_97 = tpu.unpack_subelements %get3A_96, 0 {pack_format = #tpu.pack_format<interleaved>} : vector<32xbf16> -> vector<16xf32>
        %unpack3A_98 = tpu.unpack_subelements %get3A_96, 1 {pack_format = #tpu.pack_format<interleaved>} : vector<32xbf16> -> vector<16xf32>
        %mul3A_99 = vector.broadcast %squeeze3A_93 : f32 to vector<16xf32>
        %mul3A_100 = arith.mulf %mul3A_99, %unpack3A_97 : vector<16xf32>
        %add3A_101 = arith.addf %add3A_88, %mul3A_100 : vector<16xf32>
        %mul3A_102 = vector.broadcast %squeeze3A_93 : f32 to vector<16xf32>
        %mul3A_103 = arith.mulf %mul3A_102, %unpack3A_98 : vector<16xf32>
        %add3A_104 = arith.addf %add3A_91, %mul3A_103 : vector<16xf32>
        %slice3A_105 = vector.extract_strided_slice %get3A_42 {offsets = [5], sizes = [1], strides = [1]} : vector<16xf32> to vector<1xf32>
        %squeeze3A_106 = vector.extract %slice3A_105[0] : f32 from vector<1xf32>
        %get3A_107 = arith.index_cast %scan3A_36 : i32 to index
        %get3A_108 = arith.constant 160 : index
        %get3A_109 = tpu.vector_load %arg10[%get3A_107, %get3A_108] {strides = array<i32>} : memref<400x288xbf16, #tpu.memory_space<vmem>>, vector<32xbf16>,
        %unpack3A_110 = tpu.unpack_subelements %get3A_109, 0 {pack_format = #tpu.pack_format<interleaved>} : vector<32xbf16> -> vector<16xf32>
        %unpack3A_111 = tpu.unpack_subelements %get3A_109, 1 {pack_format = #tpu.pack_format<interleaved>} : vector<32xbf16> -> vector<16xf32>
        %mul3A_112 = vector.broadcast %squeeze3A_106 : f32 to vector<16xf32>
        %mul3A_113 = arith.mulf %mul3A_112, %unpack3A_110 : vector<16xf32>
        %add3A_114 = arith.addf %add3A_101, %mul3A_113 : vector<16xf32>
        %mul3A_115 = vector.broadcast %squeeze3A_106 : f32 to vector<16xf32>
        %mul3A_116 = arith.mulf %mul3A_115, %unpack3A_111 : vector<16xf32>
        %add3A_117 = arith.addf %add3A_104, %mul3A_116 : vector<16xf32>
        %slice3A_118 = vector.extract_strided_slice %get3A_42 {offsets = [6], sizes = [1], strides = [1]} : vector<16xf32> to vector<1xf32>
        %squeeze3A_119 = vector.extract %slice3A_118[0] : f32 from vector<1xf32>
        %get3A_120 = arith.index_cast %scan3A_36 : i32 to index
        %get3A_121 = arith.constant 192 : index
        %get3A_122 = tpu.vector_load %arg10[%get3A_120, %get3A_121] {strides = array<i32>} : memref<400x288xbf16, #tpu.memory_space<vmem>>, vector<32xbf16>,
        %unpack3A_123 = tpu.unpack_subelements %get3A_122, 0 {pack_format = #tpu.pack_format<interleaved>} : vector<32xbf16> -> vector<16xf32>
        %unpack3A_124 = tpu.unpack_subelements %get3A_122, 1 {pack_format = #tpu.pack_format<interleaved>} : vector<32xbf16> -> vector<16xf32>
        %mul3A_125 = vector.broadcast %squeeze3A_119 : f32 to vector<16xf32>
        %mul3A_126 = arith.mulf %mul3A_125, %unpack3A_123 : vector<16xf32>
        %add3A_127 = arith.addf %add3A_114, %mul3A_126 : vector<16xf32>
        %mul3A_128 = vector.broadcast %squeeze3A_119 : f32 to vector<16xf32>
        %mul3A_129 = arith.mulf %mul3A_128, %unpack3A_124 : vector<16xf32>
        %add3A_130 = arith.addf %add3A_117, %mul3A_129 : vector<16xf32>
        %slice3A_131 = vector.extract_strided_slice %get3A_42 {offsets = [7], sizes = [1], strides = [1]} : vector<16xf32> to vector<1xf32>
        %squeeze3A_132 = vector.extract %slice3A_131[0] : f32 from vector<1xf32>
        %get3A_133 = arith.index_cast %scan3A_36 : i32 to index
        %get3A_134 = arith.constant 224 : index
        %get3A_135 = tpu.vector_load %arg10[%get3A_133, %get3A_134] {strides = array<i32>} : memref<400x288xbf16, #tpu.memory_space<vmem>>, vector<32xbf16>,
        %unpack3A_136 = tpu.unpack_subelements %get3A_135, 0 {pack_format = #tpu.pack_format<interleaved>} : vector<32xbf16> -> vector<16xf32>
        %unpack3A_137 = tpu.unpack_subelements %get3A_135, 1 {pack_format = #tpu.pack_format<interleaved>} : vector<32xbf16> -> vector<16xf32>
        %mul3A_138 = vector.broadcast %squeeze3A_132 : f32 to vector<16xf32>
        %mul3A_139 = arith.mulf %mul3A_138, %unpack3A_136 : vector<16xf32>
        %add3A_140 = arith.addf %add3A_127, %mul3A_139 : vector<16xf32>
        %mul3A_141 = vector.broadcast %squeeze3A_132 : f32 to vector<16xf32>
        %mul3A_142 = arith.mulf %mul3A_141, %unpack3A_137 : vector<16xf32>
        %add3A_143 = arith.addf %add3A_130, %mul3A_142 : vector<16xf32>
        %slice3A_144 = vector.extract_strided_slice %get3A_42 {offsets = [8], sizes = [1], strides = [1]} : vector<16xf32> to vector<1xf32>
        %squeeze3A_145 = vector.extract %slice3A_144[0] : f32 from vector<1xf32>
        %get3A_146 = arith.index_cast %scan3A_36 : i32 to index
        %get3A_147 = arith.constant 256 : index
        %get3A_148 = tpu.vector_load %arg10[%get3A_146, %get3A_147] {strides = array<i32>} : memref<400x288xbf16, #tpu.memory_space<vmem>>, vector<32xbf16>,
        %unpack3A_149 = tpu.unpack_subelements %get3A_148, 0 {pack_format = #tpu.pack_format<interleaved>} : vector<32xbf16> -> vector<16xf32>
        %unpack3A_150 = tpu.unpack_subelements %get3A_148, 1 {pack_format = #tpu.pack_format<interleaved>} : vector<32xbf16> -> vector<16xf32>
        %mul3A_151 = vector.broadcast %squeeze3A_145 : f32 to vector<16xf32>
        %mul3A_152 = arith.mulf %mul3A_151, %unpack3A_149 : vector<16xf32>
        %add3A_153 = arith.addf %add3A_140, %mul3A_152 : vector<16xf32>
        %mul3A_154 = vector.broadcast %squeeze3A_145 : f32 to vector<16xf32>
        %mul3A_155 = arith.mulf %mul3A_154, %unpack3A_150 : vector<16xf32>
        %add3A_156 = arith.addf %add3A_143, %mul3A_155 : vector<16xf32>
        %mul3A_157 = arith.mulf %add3A_153, %add3A_153 : vector<16xf32>
        %mul3A_158 = arith.mulf %add3A_156, %add3A_156 : vector<16xf32>
        %add3A_159 = arith.addf %mul3A_157, %mul3A_158 : vector<16xf32>
        %reduce_sum3A = arith.constant true
        %reduce_sum3A_160 = vector.broadcast %reduce_sum3A : i1 to vector<16xi1>
        %reduce_sum3A_161 = tpu.scan <sum>, %add3A_159 masked %reduce_sum3A_160 : vector<16xf32>, vector<16xi1> -> vector<16xf32>
        %reduce_sum3A_162 = vector.extract %reduce_sum3A_161[15] : f32 from vector<16xf32>
        %max3A = arith.constant 1.000000e-24 : f32
        %max3A_163 = arith.maximumf %reduce_sum3A_162, %max3A : f32
        %bitcast_convert_type3A = arith.bitcast %max3A_163 : f32 to i32
        %shift_right_arithmetic3A = arith.constant 1 : i32
        %shift_right_arithmetic3A_164 = arith.shrsi %bitcast_convert_type3A, %shift_right_arithmetic3A : i32
        %sub3A = arith.constant 1597463007 : i32
        %sub3A_165 = arith.subi %sub3A, %shift_right_arithmetic3A_164 : i32
        %bitcast_convert_type3A_166 = arith.bitcast %sub3A_165 : i32 to f32
        %mul3A_167 = arith.constant 5.000000e-01 : f32
        %mul3A_168 = arith.mulf %mul3A_167, %max3A_163 : f32
        %mul3A_169 = arith.mulf %mul3A_168, %bitcast_convert_type3A_166 : f32
        %mul3A_170 = arith.mulf %mul3A_169, %bitcast_convert_type3A_166 : f32
        %sub3A_171 = arith.constant 1.500000e+00 : f32
        %sub3A_172 = arith.subf %sub3A_171, %mul3A_170 : f32
        %mul3A_173 = arith.mulf %bitcast_convert_type3A_166, %sub3A_172 : f32
        %mul3A_174 = arith.constant 5.000000e-01 : f32
        %mul3A_175 = arith.mulf %mul3A_174, %max3A_163 : f32
        %mul3A_176 = arith.mulf %mul3A_175, %mul3A_173 : f32
        %mul3A_177 = arith.mulf %mul3A_176, %mul3A_173 : f32
        %sub3A_178 = arith.constant 1.500000e+00 : f32
        %sub3A_179 = arith.subf %sub3A_178, %mul3A_177 : f32
        %mul3A_180 = arith.mulf %mul3A_173, %sub3A_179 : f32
        %mul3A_181 = arith.constant 5.000000e-01 : f32
        %mul3A_182 = arith.mulf %mul3A_181, %max3A_163 : f32
        %mul3A_183 = arith.mulf %mul3A_182, %mul3A_180 : f32
        %mul3A_184 = arith.mulf %mul3A_183, %mul3A_180 : f32
        %sub3A_185 = arith.constant 1.500000e+00 : f32
        %sub3A_186 = arith.subf %sub3A_185, %mul3A_184 : f32
        %mul3A_187 = arith.mulf %mul3A_180, %sub3A_186 : f32
        %mul3A_188 = vector.broadcast %mul3A_187 : f32 to vector<16xf32>
        %mul3A_189 = arith.mulf %add3A_153, %mul3A_188 : vector<16xf32>
        %get3A_190 = arith.index_cast %scan3A_36 : i32 to index
        %get3A_191 = arith.constant 0 : index
        %get3A_192 = tpu.vector_load %arg12[%get3A_190, %get3A_191] {strides = array<i32>} : memref<400x32xf32, #tpu.memory_space<vmem>>, vector<16xf32>,
        %mul3A_193 = arith.mulf %mul3A_189, %get3A_192 : vector<16xf32>
        %swap3A = arith.index_cast %scan3A_36 : i32 to index
        %swap3A_194 = arith.constant 0 : index
        %swap3A_195 = tpu.vector_load %arg13[%swap3A, %swap3A_194] {strides = array<i32>} : memref<400x32xf32, #tpu.memory_space<vmem>>, vector<16xf32>,
        tpu.vector_store %arg13[%swap3A, %swap3A_194], %mul3A_193 {strides = array<i32>} : memref<400x32xf32, #tpu.memory_space<vmem>>, vector<16xf32>,
        %mul3A_196 = vector.broadcast %mul3A_187 : f32 to vector<16xf32>
        %mul3A_197 = arith.mulf %add3A_156, %mul3A_196 : vector<16xf32>
        %get3A_198 = arith.index_cast %scan3A_36 : i32 to index
        %get3A_199 = arith.constant 16 : index
        %get3A_200 = tpu.vector_load %arg12[%get3A_198, %get3A_199] {strides = array<i32>} : memref<400x32xf32, #tpu.memory_space<vmem>>, vector<16xf32>,
        %mul3A_201 = arith.mulf %mul3A_197, %get3A_200 : vector<16xf32>
        %swap3A_202 = arith.index_cast %scan3A_36 : i32 to index
        %swap3A_203 = arith.constant 16 : index
        %swap3A_204 = tpu.vector_load %arg13[%swap3A_202, %swap3A_203] {strides = array<i32>} : memref<400x32xf32, #tpu.memory_space<vmem>>, vector<16xf32>,
        tpu.vector_store %arg13[%swap3A_202, %swap3A_203], %mul3A_201 {strides = array<i32>} : memref<400x32xf32, #tpu.memory_space<vmem>>, vector<16xf32>,
        %scan3A_205 = arith.constant 1 : i32
        %scan3A_206 = arith.addi %scan3A_36, %scan3A_205 : i32
        %broadcast_in_dim3A_207 = arith.constant 0.000000e+00 : f32
        %broadcast_in_dim3A_208 = vector.broadcast %broadcast_in_dim3A_207 : f32 to vector<16xf32>
        %broadcast_in_dim3A_209 = arith.constant 0.000000e+00 : f32
        %broadcast_in_dim3A_210 = vector.broadcast %broadcast_in_dim3A_209 : f32 to vector<16xf32>
        %mul3A_211 = arith.constant 9 : i32
        %mul3A_212 = arith.muli %scan3A_206, %mul3A_211 : i32
        %get3A_213 = arith.index_cast %mul3A_212 : i32 to index
        %get3A_214 = tpu.vector_load %arg11[%get3A_213] {strides = array<i32>} : memref<3616xf32, #tpu.memory_space<vmem>>, vector<16xf32>,
        %slice3A_215 = vector.extract_strided_slice %get3A_214 {offsets = [0], sizes = [1], strides = [1]} : vector<16xf32> to vector<1xf32>
        %squeeze3A_216 = vector.extract %slice3A_215[0] : f32 from vector<1xf32>
        %get3A_217 = arith.index_cast %scan3A_206 : i32 to index
        %get3A_218 = arith.constant 0 : index
        %get3A_219 = tpu.vector_load %arg10[%get3A_217, %get3A_218] {strides = array<i32>} : memref<400x288xbf16, #tpu.memory_space<vmem>>, vector<32xbf16>,
        %unpack3A_220 = tpu.unpack_subelements %get3A_219, 0 {pack_format = #tpu.pack_format<interleaved>} : vector<32xbf16> -> vector<16xf32>
        %unpack3A_221 = tpu.unpack_subelements %get3A_219, 1 {pack_format = #tpu.pack_format<interleaved>} : vector<32xbf16> -> vector<16xf32>
        %mul3A_222 = vector.broadcast %squeeze3A_216 : f32 to vector<16xf32>
        %mul3A_223 = arith.mulf %mul3A_222, %unpack3A_220 : vector<16xf32>
        %add3A_224 = arith.addf %broadcast_in_dim3A_208, %mul3A_223 : vector<16xf32>
        %mul3A_225 = vector.broadcast %squeeze3A_216 : f32 to vector<16xf32>
        %mul3A_226 = arith.mulf %mul3A_225, %unpack3A_221 : vector<16xf32>
        %add3A_227 = arith.addf %broadcast_in_dim3A_210, %mul3A_226 : vector<16xf32>
        %slice3A_228 = vector.extract_strided_slice %get3A_214 {offsets = [1], sizes = [1], strides = [1]} : vector<16xf32> to vector<1xf32>
        %squeeze3A_229 = vector.extract %slice3A_228[0] : f32 from vector<1xf32>
        %get3A_230 = arith.index_cast %scan3A_206 : i32 to index
        %get3A_231 = arith.constant 32 : index
        %get3A_232 = tpu.vector_load %arg10[%get3A_230, %get3A_231] {strides = array<i32>} : memref<400x288xbf16, #tpu.memory_space<vmem>>, vector<32xbf16>,
        %unpack3A_233 = tpu.unpack_subelements %get3A_232, 0 {pack_format = #tpu.pack_format<interleaved>} : vector<32xbf16> -> vector<16xf32>
        %unpack3A_234 = tpu.unpack_subelements %get3A_232, 1 {pack_format = #tpu.pack_format<interleaved>} : vector<32xbf16> -> vector<16xf32>
        %mul3A_235 = vector.broadcast %squeeze3A_229 : f32 to vector<16xf32>
        %mul3A_236 = arith.mulf %mul3A_235, %unpack3A_233 : vector<16xf32>
        %add3A_237 = arith.addf %add3A_224, %mul3A_236 : vector<16xf32>
        %mul3A_238 = vector.broadcast %squeeze3A_229 : f32 to vector<16xf32>
        %mul3A_239 = arith.mulf %mul3A_238, %unpack3A_234 : vector<16xf32>
        %add3A_240 = arith.addf %add3A_227, %mul3A_239 : vector<16xf32>
        %slice3A_241 = vector.extract_strided_slice %get3A_214 {offsets = [2], sizes = [1], strides = [1]} : vector<16xf32> to vector<1xf32>
        %squeeze3A_242 = vector.extract %slice3A_241[0] : f32 from vector<1xf32>
        %get3A_243 = arith.index_cast %scan3A_206 : i32 to index
        %get3A_244 = arith.constant 64 : index
        %get3A_245 = tpu.vector_load %arg10[%get3A_243, %get3A_244] {strides = array<i32>} : memref<400x288xbf16, #tpu.memory_space<vmem>>, vector<32xbf16>,
        %unpack3A_246 = tpu.unpack_subelements %get3A_245, 0 {pack_format = #tpu.pack_format<interleaved>} : vector<32xbf16> -> vector<16xf32>
        %unpack3A_247 = tpu.unpack_subelements %get3A_245, 1 {pack_format = #tpu.pack_format<interleaved>} : vector<32xbf16> -> vector<16xf32>
        %mul3A_248 = vector.broadcast %squeeze3A_242 : f32 to vector<16xf32>
        %mul3A_249 = arith.mulf %mul3A_248, %unpack3A_246 : vector<16xf32>
        %add3A_250 = arith.addf %add3A_237, %mul3A_249 : vector<16xf32>
        %mul3A_251 = vector.broadcast %squeeze3A_242 : f32 to vector<16xf32>
        %mul3A_252 = arith.mulf %mul3A_251, %unpack3A_247 : vector<16xf32>
        %add3A_253 = arith.addf %add3A_240, %mul3A_252 : vector<16xf32>
        %slice3A_254 = vector.extract_strided_slice %get3A_214 {offsets = [3], sizes = [1], strides = [1]} : vector<16xf32> to vector<1xf32>
        %squeeze3A_255 = vector.extract %slice3A_254[0] : f32 from vector<1xf32>
        %get3A_256 = arith.index_cast %scan3A_206 : i32 to index
        %get3A_257 = arith.constant 96 : index
        %get3A_258 = tpu.vector_load %arg10[%get3A_256, %get3A_257] {strides = array<i32>} : memref<400x288xbf16, #tpu.memory_space<vmem>>, vector<32xbf16>,
        %unpack3A_259 = tpu.unpack_subelements %get3A_258, 0 {pack_format = #tpu.pack_format<interleaved>} : vector<32xbf16> -> vector<16xf32>
        %unpack3A_260 = tpu.unpack_subelements %get3A_258, 1 {pack_format = #tpu.pack_format<interleaved>} : vector<32xbf16> -> vector<16xf32>
        %mul3A_261 = vector.broadcast %squeeze3A_255 : f32 to vector<16xf32>
        %mul3A_262 = arith.mulf %mul3A_261, %unpack3A_259 : vector<16xf32>
        %add3A_263 = arith.addf %add3A_250, %mul3A_262 : vector<16xf32>
        %mul3A_264 = vector.broadcast %squeeze3A_255 : f32 to vector<16xf32>
        %mul3A_265 = arith.mulf %mul3A_264, %unpack3A_260 : vector<16xf32>
        %add3A_266 = arith.addf %add3A_253, %mul3A_265 : vector<16xf32>
        %slice3A_267 = vector.extract_strided_slice %get3A_214 {offsets = [4], sizes = [1], strides = [1]} : vector<16xf32> to vector<1xf32>
        %squeeze3A_268 = vector.extract %slice3A_267[0] : f32 from vector<1xf32>
        %get3A_269 = arith.index_cast %scan3A_206 : i32 to index
        %get3A_270 = arith.constant 128 : index
        %get3A_271 = tpu.vector_load %arg10[%get3A_269, %get3A_270] {strides = array<i32>} : memref<400x288xbf16, #tpu.memory_space<vmem>>, vector<32xbf16>,
        %unpack3A_272 = tpu.unpack_subelements %get3A_271, 0 {pack_format = #tpu.pack_format<interleaved>} : vector<32xbf16> -> vector<16xf32>
        %unpack3A_273 = tpu.unpack_subelements %get3A_271, 1 {pack_format = #tpu.pack_format<interleaved>} : vector<32xbf16> -> vector<16xf32>
        %mul3A_274 = vector.broadcast %squeeze3A_268 : f32 to vector<16xf32>
        %mul3A_275 = arith.mulf %mul3A_274, %unpack3A_272 : vector<16xf32>
        %add3A_276 = arith.addf %add3A_263, %mul3A_275 : vector<16xf32>
        %mul3A_277 = vector.broadcast %squeeze3A_268 : f32 to vector<16xf32>
        %mul3A_278 = arith.mulf %mul3A_277, %unpack3A_273 : vector<16xf32>
        %add3A_279 = arith.addf %add3A_266, %mul3A_278 : vector<16xf32>
        %slice3A_280 = vector.extract_strided_slice %get3A_214 {offsets = [5], sizes = [1], strides = [1]} : vector<16xf32> to vector<1xf32>
        %squeeze3A_281 = vector.extract %slice3A_280[0] : f32 from vector<1xf32>
        %get3A_282 = arith.index_cast %scan3A_206 : i32 to index
        %get3A_283 = arith.constant 160 : index
        %get3A_284 = tpu.vector_load %arg10[%get3A_282, %get3A_283] {strides = array<i32>} : memref<400x288xbf16, #tpu.memory_space<vmem>>, vector<32xbf16>,
        %unpack3A_285 = tpu.unpack_subelements %get3A_284, 0 {pack_format = #tpu.pack_format<interleaved>} : vector<32xbf16> -> vector<16xf32>
        %unpack3A_286 = tpu.unpack_subelements %get3A_284, 1 {pack_format = #tpu.pack_format<interleaved>} : vector<32xbf16> -> vector<16xf32>
        %mul3A_287 = vector.broadcast %squeeze3A_281 : f32 to vector<16xf32>
        %mul3A_288 = arith.mulf %mul3A_287, %unpack3A_285 : vector<16xf32>
        %add3A_289 = arith.addf %add3A_276, %mul3A_288 : vector<16xf32>
        %mul3A_290 = vector.broadcast %squeeze3A_281 : f32 to vector<16xf32>
        %mul3A_291 = arith.mulf %mul3A_290, %unpack3A_286 : vector<16xf32>
        %add3A_292 = arith.addf %add3A_279, %mul3A_291 : vector<16xf32>
        %slice3A_293 = vector.extract_strided_slice %get3A_214 {offsets = [6], sizes = [1], strides = [1]} : vector<16xf32> to vector<1xf32>
        %squeeze3A_294 = vector.extract %slice3A_293[0] : f32 from vector<1xf32>
        %get3A_295 = arith.index_cast %scan3A_206 : i32 to index
        %get3A_296 = arith.constant 192 : index
        %get3A_297 = tpu.vector_load %arg10[%get3A_295, %get3A_296] {strides = array<i32>} : memref<400x288xbf16, #tpu.memory_space<vmem>>, vector<32xbf16>,
        %unpack3A_298 = tpu.unpack_subelements %get3A_297, 0 {pack_format = #tpu.pack_format<interleaved>} : vector<32xbf16> -> vector<16xf32>
        %unpack3A_299 = tpu.unpack_subelements %get3A_297, 1 {pack_format = #tpu.pack_format<interleaved>} : vector<32xbf16> -> vector<16xf32>
        %mul3A_300 = vector.broadcast %squeeze3A_294 : f32 to vector<16xf32>
        %mul3A_301 = arith.mulf %mul3A_300, %unpack3A_298 : vector<16xf32>
        %add3A_302 = arith.addf %add3A_289, %mul3A_301 : vector<16xf32>
        %mul3A_303 = vector.broadcast %squeeze3A_294 : f32 to vector<16xf32>
        %mul3A_304 = arith.mulf %mul3A_303, %unpack3A_299 : vector<16xf32>
        %add3A_305 = arith.addf %add3A_292, %mul3A_304 : vector<16xf32>
        %slice3A_306 = vector.extract_strided_slice %get3A_214 {offsets = [7], sizes = [1], strides = [1]} : vector<16xf32> to vector<1xf32>
        %squeeze3A_307 = vector.extract %slice3A_306[0] : f32 from vector<1xf32>
        %get3A_308 = arith.index_cast %scan3A_206 : i32 to index
        %get3A_309 = arith.constant 224 : index
        %get3A_310 = tpu.vector_load %arg10[%get3A_308, %get3A_309] {strides = array<i32>} : memref<400x288xbf16, #tpu.memory_space<vmem>>, vector<32xbf16>,
        %unpack3A_311 = tpu.unpack_subelements %get3A_310, 0 {pack_format = #tpu.pack_format<interleaved>} : vector<32xbf16> -> vector<16xf32>
        %unpack3A_312 = tpu.unpack_subelements %get3A_310, 1 {pack_format = #tpu.pack_format<interleaved>} : vector<32xbf16> -> vector<16xf32>
        %mul3A_313 = vector.broadcast %squeeze3A_307 : f32 to vector<16xf32>
        %mul3A_314 = arith.mulf %mul3A_313, %unpack3A_311 : vector<16xf32>
        %add3A_315 = arith.addf %add3A_302, %mul3A_314 : vector<16xf32>
        %mul3A_316 = vector.broadcast %squeeze3A_307 : f32 to vector<16xf32>
        %mul3A_317 = arith.mulf %mul3A_316, %unpack3A_312 : vector<16xf32>
        %add3A_318 = arith.addf %add3A_305, %mul3A_317 : vector<16xf32>
        %slice3A_319 = vector.extract_strided_slice %get3A_214 {offsets = [8], sizes = [1], strides = [1]} : vector<16xf32> to vector<1xf32>
        %squeeze3A_320 = vector.extract %slice3A_319[0] : f32 from vector<1xf32>
        %get3A_321 = arith.index_cast %scan3A_206 : i32 to index
        %get3A_322 = arith.constant 256 : index
        %get3A_323 = tpu.vector_load %arg10[%get3A_321, %get3A_322] {strides = array<i32>} : memref<400x288xbf16, #tpu.memory_space<vmem>>, vector<32xbf16>,
        %unpack3A_324 = tpu.unpack_subelements %get3A_323, 0 {pack_format = #tpu.pack_format<interleaved>} : vector<32xbf16> -> vector<16xf32>
        %unpack3A_325 = tpu.unpack_subelements %get3A_323, 1 {pack_format = #tpu.pack_format<interleaved>} : vector<32xbf16> -> vector<16xf32>
        %mul3A_326 = vector.broadcast %squeeze3A_320 : f32 to vector<16xf32>
        %mul3A_327 = arith.mulf %mul3A_326, %unpack3A_324 : vector<16xf32>
        %add3A_328 = arith.addf %add3A_315, %mul3A_327 : vector<16xf32>
        %mul3A_329 = vector.broadcast %squeeze3A_320 : f32 to vector<16xf32>
        %mul3A_330 = arith.mulf %mul3A_329, %unpack3A_325 : vector<16xf32>
        %add3A_331 = arith.addf %add3A_318, %mul3A_330 : vector<16xf32>
        %mul3A_332 = arith.mulf %add3A_328, %add3A_328 : vector<16xf32>
        %mul3A_333 = arith.mulf %add3A_331, %add3A_331 : vector<16xf32>
        %add3A_334 = arith.addf %mul3A_332, %mul3A_333 : vector<16xf32>
        %reduce_sum3A_335 = arith.constant true
        %reduce_sum3A_336 = vector.broadcast %reduce_sum3A_335 : i1 to vector<16xi1>
        %reduce_sum3A_337 = tpu.scan <sum>, %add3A_334 masked %reduce_sum3A_336 : vector<16xf32>, vector<16xi1> -> vector<16xf32>
        %reduce_sum3A_338 = vector.extract %reduce_sum3A_337[15] : f32 from vector<16xf32>
        %max3A_339 = arith.constant 1.000000e-24 : f32
        %max3A_340 = arith.maximumf %reduce_sum3A_338, %max3A_339 : f32
        %bitcast_convert_type3A_341 = arith.bitcast %max3A_340 : f32 to i32
        %shift_right_arithmetic3A_342 = arith.constant 1 : i32
        %shift_right_arithmetic3A_343 = arith.shrsi %bitcast_convert_type3A_341, %shift_right_arithmetic3A_342 : i32
        %sub3A_344 = arith.constant 1597463007 : i32
        %sub3A_345 = arith.subi %sub3A_344, %shift_right_arithmetic3A_343 : i32
        %bitcast_convert_type3A_346 = arith.bitcast %sub3A_345 : i32 to f32
        %mul3A_347 = arith.constant 5.000000e-01 : f32
        %mul3A_348 = arith.mulf %mul3A_347, %max3A_340 : f32
        %mul3A_349 = arith.mulf %mul3A_348, %bitcast_convert_type3A_346 : f32
        %mul3A_350 = arith.mulf %mul3A_349, %bitcast_convert_type3A_346 : f32
        %sub3A_351 = arith.constant 1.500000e+00 : f32
        %sub3A_352 = arith.subf %sub3A_351, %mul3A_350 : f32
        %mul3A_353 = arith.mulf %bitcast_convert_type3A_346, %sub3A_352 : f32
        %mul3A_354 = arith.constant 5.000000e-01 : f32
        %mul3A_355 = arith.mulf %mul3A_354, %max3A_340 : f32
        %mul3A_356 = arith.mulf %mul3A_355, %mul3A_353 : f32
        %mul3A_357 = arith.mulf %mul3A_356, %mul3A_353 : f32
        %sub3A_358 = arith.constant 1.500000e+00 : f32
        %sub3A_359 = arith.subf %sub3A_358, %mul3A_357 : f32
        %mul3A_360 = arith.mulf %mul3A_353, %sub3A_359 : f32
        %mul3A_361 = arith.constant 5.000000e-01 : f32
        %mul3A_362 = arith.mulf %mul3A_361, %max3A_340 : f32
        %mul3A_363 = arith.mulf %mul3A_362, %mul3A_360 : f32
        %mul3A_364 = arith.mulf %mul3A_363, %mul3A_360 : f32
        %sub3A_365 = arith.constant 1.500000e+00 : f32
        %sub3A_366 = arith.subf %sub3A_365, %mul3A_364 : f32
        %mul3A_367 = arith.mulf %mul3A_360, %sub3A_366 : f32
        %mul3A_368 = vector.broadcast %mul3A_367 : f32 to vector<16xf32>
        %mul3A_369 = arith.mulf %add3A_328, %mul3A_368 : vector<16xf32>
        %get3A_370 = arith.index_cast %scan3A_206 : i32 to index
        %get3A_371 = arith.constant 0 : index
        %get3A_372 = tpu.vector_load %arg12[%get3A_370, %get3A_371] {strides = array<i32>} : memref<400x32xf32, #tpu.memory_space<vmem>>, vector<16xf32>,
        %mul3A_373 = arith.mulf %mul3A_369, %get3A_372 : vector<16xf32>
        %swap3A_374 = arith.index_cast %scan3A_206 : i32 to index
        %swap3A_375 = arith.constant 0 : index
        %swap3A_376 = tpu.vector_load %arg13[%swap3A_374, %swap3A_375] {strides = array<i32>} : memref<400x32xf32, #tpu.memory_space<vmem>>, vector<16xf32>,
        tpu.vector_store %arg13[%swap3A_374, %swap3A_375], %mul3A_373 {strides = array<i32>} : memref<400x32xf32, #tpu.memory_space<vmem>>, vector<16xf32>,
        %mul3A_377 = vector.broadcast %mul3A_367 : f32 to vector<16xf32>
        %mul3A_378 = arith.mulf %add3A_331, %mul3A_377 : vector<16xf32>
        %get3A_379 = arith.index_cast %scan3A_206 : i32 to index
        %get3A_380 = arith.constant 16 : index
        %get3A_381 = tpu.vector_load %arg12[%get3A_379, %get3A_380] {strides = array<i32>} : memref<400x32xf32, #tpu.memory_space<vmem>>, vector<16xf32>,
        %mul3A_382 = arith.mulf %mul3A_378, %get3A_381 : vector<16xf32>
        %swap3A_383 = arith.index_cast %scan3A_206 : i32 to index
        %swap3A_384 = arith.constant 16 : index
        %swap3A_385 = tpu.vector_load %arg13[%swap3A_383, %swap3A_384] {strides = array<i32>} : memref<400x32xf32, #tpu.memory_space<vmem>>, vector<16xf32>,
        tpu.vector_store %arg13[%swap3A_383, %swap3A_384], %mul3A_382 {strides = array<i32>} : memref<400x32xf32, #tpu.memory_space<vmem>>, vector<16xf32>,
        %scan3A_386 = arith.constant 2 : i32
        %scan3A_387 = arith.addi %scan3A_36, %scan3A_386 : i32
        %broadcast_in_dim3A_388 = arith.constant 0.000000e+00 : f32
        %broadcast_in_dim3A_389 = vector.broadcast %broadcast_in_dim3A_388 : f32 to vector<16xf32>
        %broadcast_in_dim3A_390 = arith.constant 0.000000e+00 : f32
        %broadcast_in_dim3A_391 = vector.broadcast %broadcast_in_dim3A_390 : f32 to vector<16xf32>
        %mul3A_392 = arith.constant 9 : i32
        %mul3A_393 = arith.muli %scan3A_387, %mul3A_392 : i32
        %get3A_394 = arith.index_cast %mul3A_393 : i32 to index
        %get3A_395 = tpu.vector_load %arg11[%get3A_394] {strides = array<i32>} : memref<3616xf32, #tpu.memory_space<vmem>>, vector<16xf32>,
        %slice3A_396 = vector.extract_strided_slice %get3A_395 {offsets = [0], sizes = [1], strides = [1]} : vector<16xf32> to vector<1xf32>
        %squeeze3A_397 = vector.extract %slice3A_396[0] : f32 from vector<1xf32>
        %get3A_398 = arith.index_cast %scan3A_387 : i32 to index
        %get3A_399 = arith.constant 0 : index
        %get3A_400 = tpu.vector_load %arg10[%get3A_398, %get3A_399] {strides = array<i32>} : memref<400x288xbf16, #tpu.memory_space<vmem>>, vector<32xbf16>,
        %unpack3A_401 = tpu.unpack_subelements %get3A_400, 0 {pack_format = #tpu.pack_format<interleaved>} : vector<32xbf16> -> vector<16xf32>
        %unpack3A_402 = tpu.unpack_subelements %get3A_400, 1 {pack_format = #tpu.pack_format<interleaved>} : vector<32xbf16> -> vector<16xf32>
        %mul3A_403 = vector.broadcast %squeeze3A_397 : f32 to vector<16xf32>
        %mul3A_404 = arith.mulf %mul3A_403, %unpack3A_401 : vector<16xf32>
        %add3A_405 = arith.addf %broadcast_in_dim3A_389, %mul3A_404 : vector<16xf32>
        %mul3A_406 = vector.broadcast %squeeze3A_397 : f32 to vector<16xf32>
        %mul3A_407 = arith.mulf %mul3A_406, %unpack3A_402 : vector<16xf32>
        %add3A_408 = arith.addf %broadcast_in_dim3A_391, %mul3A_407 : vector<16xf32>
        %slice3A_409 = vector.extract_strided_slice %get3A_395 {offsets = [1], sizes = [1], strides = [1]} : vector<16xf32> to vector<1xf32>
        %squeeze3A_410 = vector.extract %slice3A_409[0] : f32 from vector<1xf32>
        %get3A_411 = arith.index_cast %scan3A_387 : i32 to index
        %get3A_412 = arith.constant 32 : index
        %get3A_413 = tpu.vector_load %arg10[%get3A_411, %get3A_412] {strides = array<i32>} : memref<400x288xbf16, #tpu.memory_space<vmem>>, vector<32xbf16>,
        %unpack3A_414 = tpu.unpack_subelements %get3A_413, 0 {pack_format = #tpu.pack_format<interleaved>} : vector<32xbf16> -> vector<16xf32>
        %unpack3A_415 = tpu.unpack_subelements %get3A_413, 1 {pack_format = #tpu.pack_format<interleaved>} : vector<32xbf16> -> vector<16xf32>
        %mul3A_416 = vector.broadcast %squeeze3A_410 : f32 to vector<16xf32>
        %mul3A_417 = arith.mulf %mul3A_416, %unpack3A_414 : vector<16xf32>
        %add3A_418 = arith.addf %add3A_405, %mul3A_417 : vector<16xf32>
        %mul3A_419 = vector.broadcast %squeeze3A_410 : f32 to vector<16xf32>
        %mul3A_420 = arith.mulf %mul3A_419, %unpack3A_415 : vector<16xf32>
        %add3A_421 = arith.addf %add3A_408, %mul3A_420 : vector<16xf32>
        %slice3A_422 = vector.extract_strided_slice %get3A_395 {offsets = [2], sizes = [1], strides = [1]} : vector<16xf32> to vector<1xf32>
        %squeeze3A_423 = vector.extract %slice3A_422[0] : f32 from vector<1xf32>
        %get3A_424 = arith.index_cast %scan3A_387 : i32 to index
        %get3A_425 = arith.constant 64 : index
        %get3A_426 = tpu.vector_load %arg10[%get3A_424, %get3A_425] {strides = array<i32>} : memref<400x288xbf16, #tpu.memory_space<vmem>>, vector<32xbf16>,
        %unpack3A_427 = tpu.unpack_subelements %get3A_426, 0 {pack_format = #tpu.pack_format<interleaved>} : vector<32xbf16> -> vector<16xf32>
        %unpack3A_428 = tpu.unpack_subelements %get3A_426, 1 {pack_format = #tpu.pack_format<interleaved>} : vector<32xbf16> -> vector<16xf32>
        %mul3A_429 = vector.broadcast %squeeze3A_423 : f32 to vector<16xf32>
        %mul3A_430 = arith.mulf %mul3A_429, %unpack3A_427 : vector<16xf32>
        %add3A_431 = arith.addf %add3A_418, %mul3A_430 : vector<16xf32>
        %mul3A_432 = vector.broadcast %squeeze3A_423 : f32 to vector<16xf32>
        %mul3A_433 = arith.mulf %mul3A_432, %unpack3A_428 : vector<16xf32>
        %add3A_434 = arith.addf %add3A_421, %mul3A_433 : vector<16xf32>
        %slice3A_435 = vector.extract_strided_slice %get3A_395 {offsets = [3], sizes = [1], strides = [1]} : vector<16xf32> to vector<1xf32>
        %squeeze3A_436 = vector.extract %slice3A_435[0] : f32 from vector<1xf32>
        %get3A_437 = arith.index_cast %scan3A_387 : i32 to index
        %get3A_438 = arith.constant 96 : index
        %get3A_439 = tpu.vector_load %arg10[%get3A_437, %get3A_438] {strides = array<i32>} : memref<400x288xbf16, #tpu.memory_space<vmem>>, vector<32xbf16>,
        %unpack3A_440 = tpu.unpack_subelements %get3A_439, 0 {pack_format = #tpu.pack_format<interleaved>} : vector<32xbf16> -> vector<16xf32>
        %unpack3A_441 = tpu.unpack_subelements %get3A_439, 1 {pack_format = #tpu.pack_format<interleaved>} : vector<32xbf16> -> vector<16xf32>
        %mul3A_442 = vector.broadcast %squeeze3A_436 : f32 to vector<16xf32>
        %mul3A_443 = arith.mulf %mul3A_442, %unpack3A_440 : vector<16xf32>
        %add3A_444 = arith.addf %add3A_431, %mul3A_443 : vector<16xf32>
        %mul3A_445 = vector.broadcast %squeeze3A_436 : f32 to vector<16xf32>
        %mul3A_446 = arith.mulf %mul3A_445, %unpack3A_441 : vector<16xf32>
        %add3A_447 = arith.addf %add3A_434, %mul3A_446 : vector<16xf32>
        %slice3A_448 = vector.extract_strided_slice %get3A_395 {offsets = [4], sizes = [1], strides = [1]} : vector<16xf32> to vector<1xf32>
        %squeeze3A_449 = vector.extract %slice3A_448[0] : f32 from vector<1xf32>
        %get3A_450 = arith.index_cast %scan3A_387 : i32 to index
        %get3A_451 = arith.constant 128 : index
        %get3A_452 = tpu.vector_load %arg10[%get3A_450, %get3A_451] {strides = array<i32>} : memref<400x288xbf16, #tpu.memory_space<vmem>>, vector<32xbf16>,
        %unpack3A_453 = tpu.unpack_subelements %get3A_452, 0 {pack_format = #tpu.pack_format<interleaved>} : vector<32xbf16> -> vector<16xf32>
        %unpack3A_454 = tpu.unpack_subelements %get3A_452, 1 {pack_format = #tpu.pack_format<interleaved>} : vector<32xbf16> -> vector<16xf32>
        %mul3A_455 = vector.broadcast %squeeze3A_449 : f32 to vector<16xf32>
        %mul3A_456 = arith.mulf %mul3A_455, %unpack3A_453 : vector<16xf32>
        %add3A_457 = arith.addf %add3A_444, %mul3A_456 : vector<16xf32>
        %mul3A_458 = vector.broadcast %squeeze3A_449 : f32 to vector<16xf32>
        %mul3A_459 = arith.mulf %mul3A_458, %unpack3A_454 : vector<16xf32>
        %add3A_460 = arith.addf %add3A_447, %mul3A_459 : vector<16xf32>
        %slice3A_461 = vector.extract_strided_slice %get3A_395 {offsets = [5], sizes = [1], strides = [1]} : vector<16xf32> to vector<1xf32>
        %squeeze3A_462 = vector.extract %slice3A_461[0] : f32 from vector<1xf32>
        %get3A_463 = arith.index_cast %scan3A_387 : i32 to index
        %get3A_464 = arith.constant 160 : index
        %get3A_465 = tpu.vector_load %arg10[%get3A_463, %get3A_464] {strides = array<i32>} : memref<400x288xbf16, #tpu.memory_space<vmem>>, vector<32xbf16>,
        %unpack3A_466 = tpu.unpack_subelements %get3A_465, 0 {pack_format = #tpu.pack_format<interleaved>} : vector<32xbf16> -> vector<16xf32>
        %unpack3A_467 = tpu.unpack_subelements %get3A_465, 1 {pack_format = #tpu.pack_format<interleaved>} : vector<32xbf16> -> vector<16xf32>
        %mul3A_468 = vector.broadcast %squeeze3A_462 : f32 to vector<16xf32>
        %mul3A_469 = arith.mulf %mul3A_468, %unpack3A_466 : vector<16xf32>
        %add3A_470 = arith.addf %add3A_457, %mul3A_469 : vector<16xf32>
        %mul3A_471 = vector.broadcast %squeeze3A_462 : f32 to vector<16xf32>
        %mul3A_472 = arith.mulf %mul3A_471, %unpack3A_467 : vector<16xf32>
        %add3A_473 = arith.addf %add3A_460, %mul3A_472 : vector<16xf32>
        %slice3A_474 = vector.extract_strided_slice %get3A_395 {offsets = [6], sizes = [1], strides = [1]} : vector<16xf32> to vector<1xf32>
        %squeeze3A_475 = vector.extract %slice3A_474[0] : f32 from vector<1xf32>
        %get3A_476 = arith.index_cast %scan3A_387 : i32 to index
        %get3A_477 = arith.constant 192 : index
        %get3A_478 = tpu.vector_load %arg10[%get3A_476, %get3A_477] {strides = array<i32>} : memref<400x288xbf16, #tpu.memory_space<vmem>>, vector<32xbf16>,
        %unpack3A_479 = tpu.unpack_subelements %get3A_478, 0 {pack_format = #tpu.pack_format<interleaved>} : vector<32xbf16> -> vector<16xf32>
        %unpack3A_480 = tpu.unpack_subelements %get3A_478, 1 {pack_format = #tpu.pack_format<interleaved>} : vector<32xbf16> -> vector<16xf32>
        %mul3A_481 = vector.broadcast %squeeze3A_475 : f32 to vector<16xf32>
        %mul3A_482 = arith.mulf %mul3A_481, %unpack3A_479 : vector<16xf32>
        %add3A_483 = arith.addf %add3A_470, %mul3A_482 : vector<16xf32>
        %mul3A_484 = vector.broadcast %squeeze3A_475 : f32 to vector<16xf32>
        %mul3A_485 = arith.mulf %mul3A_484, %unpack3A_480 : vector<16xf32>
        %add3A_486 = arith.addf %add3A_473, %mul3A_485 : vector<16xf32>
        %slice3A_487 = vector.extract_strided_slice %get3A_395 {offsets = [7], sizes = [1], strides = [1]} : vector<16xf32> to vector<1xf32>
        %squeeze3A_488 = vector.extract %slice3A_487[0] : f32 from vector<1xf32>
        %get3A_489 = arith.index_cast %scan3A_387 : i32 to index
        %get3A_490 = arith.constant 224 : index
        %get3A_491 = tpu.vector_load %arg10[%get3A_489, %get3A_490] {strides = array<i32>} : memref<400x288xbf16, #tpu.memory_space<vmem>>, vector<32xbf16>,
        %unpack3A_492 = tpu.unpack_subelements %get3A_491, 0 {pack_format = #tpu.pack_format<interleaved>} : vector<32xbf16> -> vector<16xf32>
        %unpack3A_493 = tpu.unpack_subelements %get3A_491, 1 {pack_format = #tpu.pack_format<interleaved>} : vector<32xbf16> -> vector<16xf32>
        %mul3A_494 = vector.broadcast %squeeze3A_488 : f32 to vector<16xf32>
        %mul3A_495 = arith.mulf %mul3A_494, %unpack3A_492 : vector<16xf32>
        %add3A_496 = arith.addf %add3A_483, %mul3A_495 : vector<16xf32>
        %mul3A_497 = vector.broadcast %squeeze3A_488 : f32 to vector<16xf32>
        %mul3A_498 = arith.mulf %mul3A_497, %unpack3A_493 : vector<16xf32>
        %add3A_499 = arith.addf %add3A_486, %mul3A_498 : vector<16xf32>
        %slice3A_500 = vector.extract_strided_slice %get3A_395 {offsets = [8], sizes = [1], strides = [1]} : vector<16xf32> to vector<1xf32>
        %squeeze3A_501 = vector.extract %slice3A_500[0] : f32 from vector<1xf32>
        %get3A_502 = arith.index_cast %scan3A_387 : i32 to index
        %get3A_503 = arith.constant 256 : index
        %get3A_504 = tpu.vector_load %arg10[%get3A_502, %get3A_503] {strides = array<i32>} : memref<400x288xbf16, #tpu.memory_space<vmem>>, vector<32xbf16>,
        %unpack3A_505 = tpu.unpack_subelements %get3A_504, 0 {pack_format = #tpu.pack_format<interleaved>} : vector<32xbf16> -> vector<16xf32>
        %unpack3A_506 = tpu.unpack_subelements %get3A_504, 1 {pack_format = #tpu.pack_format<interleaved>} : vector<32xbf16> -> vector<16xf32>
        %mul3A_507 = vector.broadcast %squeeze3A_501 : f32 to vector<16xf32>
        %mul3A_508 = arith.mulf %mul3A_507, %unpack3A_505 : vector<16xf32>
        %add3A_509 = arith.addf %add3A_496, %mul3A_508 : vector<16xf32>
        %mul3A_510 = vector.broadcast %squeeze3A_501 : f32 to vector<16xf32>
        %mul3A_511 = arith.mulf %mul3A_510, %unpack3A_506 : vector<16xf32>
        %add3A_512 = arith.addf %add3A_499, %mul3A_511 : vector<16xf32>
        %mul3A_513 = arith.mulf %add3A_509, %add3A_509 : vector<16xf32>
        %mul3A_514 = arith.mulf %add3A_512, %add3A_512 : vector<16xf32>
        %add3A_515 = arith.addf %mul3A_513, %mul3A_514 : vector<16xf32>
        %reduce_sum3A_516 = arith.constant true
        %reduce_sum3A_517 = vector.broadcast %reduce_sum3A_516 : i1 to vector<16xi1>
        %reduce_sum3A_518 = tpu.scan <sum>, %add3A_515 masked %reduce_sum3A_517 : vector<16xf32>, vector<16xi1> -> vector<16xf32>
        %reduce_sum3A_519 = vector.extract %reduce_sum3A_518[15] : f32 from vector<16xf32>
        %max3A_520 = arith.constant 1.000000e-24 : f32
        %max3A_521 = arith.maximumf %reduce_sum3A_519, %max3A_520 : f32
        %bitcast_convert_type3A_522 = arith.bitcast %max3A_521 : f32 to i32
        %shift_right_arithmetic3A_523 = arith.constant 1 : i32
        %shift_right_arithmetic3A_524 = arith.shrsi %bitcast_convert_type3A_522, %shift_right_arithmetic3A_523 : i32
        %sub3A_525 = arith.constant 1597463007 : i32
        %sub3A_526 = arith.subi %sub3A_525, %shift_right_arithmetic3A_524 : i32
        %bitcast_convert_type3A_527 = arith.bitcast %sub3A_526 : i32 to f32
        %mul3A_528 = arith.constant 5.000000e-01 : f32
        %mul3A_529 = arith.mulf %mul3A_528, %max3A_521 : f32
        %mul3A_530 = arith.mulf %mul3A_529, %bitcast_convert_type3A_527 : f32
        %mul3A_531 = arith.mulf %mul3A_530, %bitcast_convert_type3A_527 : f32
        %sub3A_532 = arith.constant 1.500000e+00 : f32
        %sub3A_533 = arith.subf %sub3A_532, %mul3A_531 : f32
        %mul3A_534 = arith.mulf %bitcast_convert_type3A_527, %sub3A_533 : f32
        %mul3A_535 = arith.constant 5.000000e-01 : f32
        %mul3A_536 = arith.mulf %mul3A_535, %max3A_521 : f32
        %mul3A_537 = arith.mulf %mul3A_536, %mul3A_534 : f32
        %mul3A_538 = arith.mulf %mul3A_537, %mul3A_534 : f32
        %sub3A_539 = arith.constant 1.500000e+00 : f32
        %sub3A_540 = arith.subf %sub3A_539, %mul3A_538 : f32
        %mul3A_541 = arith.mulf %mul3A_534, %sub3A_540 : f32
        %mul3A_542 = arith.constant 5.000000e-01 : f32
        %mul3A_543 = arith.mulf %mul3A_542, %max3A_521 : f32
        %mul3A_544 = arith.mulf %mul3A_543, %mul3A_541 : f32
        %mul3A_545 = arith.mulf %mul3A_544, %mul3A_541 : f32
        %sub3A_546 = arith.constant 1.500000e+00 : f32
        %sub3A_547 = arith.subf %sub3A_546, %mul3A_545 : f32
        %mul3A_548 = arith.mulf %mul3A_541, %sub3A_547 : f32
        %mul3A_549 = vector.broadcast %mul3A_548 : f32 to vector<16xf32>
        %mul3A_550 = arith.mulf %add3A_509, %mul3A_549 : vector<16xf32>
        %get3A_551 = arith.index_cast %scan3A_387 : i32 to index
        %get3A_552 = arith.constant 0 : index
        %get3A_553 = tpu.vector_load %arg12[%get3A_551, %get3A_552] {strides = array<i32>} : memref<400x32xf32, #tpu.memory_space<vmem>>, vector<16xf32>,
        %mul3A_554 = arith.mulf %mul3A_550, %get3A_553 : vector<16xf32>
        %swap3A_555 = arith.index_cast %scan3A_387 : i32 to index
        %swap3A_556 = arith.constant 0 : index
        %swap3A_557 = tpu.vector_load %arg13[%swap3A_555, %swap3A_556] {strides = array<i32>} : memref<400x32xf32, #tpu.memory_space<vmem>>, vector<16xf32>,
        tpu.vector_store %arg13[%swap3A_555, %swap3A_556], %mul3A_554 {strides = array<i32>} : memref<400x32xf32, #tpu.memory_space<vmem>>, vector<16xf32>,
        %mul3A_558 = vector.broadcast %mul3A_548 : f32 to vector<16xf32>
        %mul3A_559 = arith.mulf %add3A_512, %mul3A_558 : vector<16xf32>
        %get3A_560 = arith.index_cast %scan3A_387 : i32 to index
        %get3A_561 = arith.constant 16 : index
        %get3A_562 = tpu.vector_load %arg12[%get3A_560, %get3A_561] {strides = array<i32>} : memref<400x32xf32, #tpu.memory_space<vmem>>, vector<16xf32>,
        %mul3A_563 = arith.mulf %mul3A_559, %get3A_562 : vector<16xf32>
        %swap3A_564 = arith.index_cast %scan3A_387 : i32 to index
        %swap3A_565 = arith.constant 16 : index
        %swap3A_566 = tpu.vector_load %arg13[%swap3A_564, %swap3A_565] {strides = array<i32>} : memref<400x32xf32, #tpu.memory_space<vmem>>, vector<16xf32>,
        tpu.vector_store %arg13[%swap3A_564, %swap3A_565], %mul3A_563 {strides = array<i32>} : memref<400x32xf32, #tpu.memory_space<vmem>>, vector<16xf32>,
        %scan3A_567 = arith.constant 3 : i32
        %scan3A_568 = arith.addi %scan3A_36, %scan3A_567 : i32
        %broadcast_in_dim3A_569 = arith.constant 0.000000e+00 : f32
        %broadcast_in_dim3A_570 = vector.broadcast %broadcast_in_dim3A_569 : f32 to vector<16xf32>
        %broadcast_in_dim3A_571 = arith.constant 0.000000e+00 : f32
        %broadcast_in_dim3A_572 = vector.broadcast %broadcast_in_dim3A_571 : f32 to vector<16xf32>
        %mul3A_573 = arith.constant 9 : i32
        %mul3A_574 = arith.muli %scan3A_568, %mul3A_573 : i32
        %get3A_575 = arith.index_cast %mul3A_574 : i32 to index
        %get3A_576 = tpu.vector_load %arg11[%get3A_575] {strides = array<i32>} : memref<3616xf32, #tpu.memory_space<vmem>>, vector<16xf32>,
        %slice3A_577 = vector.extract_strided_slice %get3A_576 {offsets = [0], sizes = [1], strides = [1]} : vector<16xf32> to vector<1xf32>
        %squeeze3A_578 = vector.extract %slice3A_577[0] : f32 from vector<1xf32>
        %get3A_579 = arith.index_cast %scan3A_568 : i32 to index
        %get3A_580 = arith.constant 0 : index
        %get3A_581 = tpu.vector_load %arg10[%get3A_579, %get3A_580] {strides = array<i32>} : memref<400x288xbf16, #tpu.memory_space<vmem>>, vector<32xbf16>,
        %unpack3A_582 = tpu.unpack_subelements %get3A_581, 0 {pack_format = #tpu.pack_format<interleaved>} : vector<32xbf16> -> vector<16xf32>
        %unpack3A_583 = tpu.unpack_subelements %get3A_581, 1 {pack_format = #tpu.pack_format<interleaved>} : vector<32xbf16> -> vector<16xf32>
        %mul3A_584 = vector.broadcast %squeeze3A_578 : f32 to vector<16xf32>
        %mul3A_585 = arith.mulf %mul3A_584, %unpack3A_582 : vector<16xf32>
        %add3A_586 = arith.addf %broadcast_in_dim3A_570, %mul3A_585 : vector<16xf32>
        %mul3A_587 = vector.broadcast %squeeze3A_578 : f32 to vector<16xf32>
        %mul3A_588 = arith.mulf %mul3A_587, %unpack3A_583 : vector<16xf32>
        %add3A_589 = arith.addf %broadcast_in_dim3A_572, %mul3A_588 : vector<16xf32>
        %slice3A_590 = vector.extract_strided_slice %get3A_576 {offsets = [1], sizes = [1], strides = [1]} : vector<16xf32> to vector<1xf32>
        %squeeze3A_591 = vector.extract %slice3A_590[0] : f32 from vector<1xf32>
        %get3A_592 = arith.index_cast %scan3A_568 : i32 to index
        %get3A_593 = arith.constant 32 : index
        %get3A_594 = tpu.vector_load %arg10[%get3A_592, %get3A_593] {strides = array<i32>} : memref<400x288xbf16, #tpu.memory_space<vmem>>, vector<32xbf16>,
        %unpack3A_595 = tpu.unpack_subelements %get3A_594, 0 {pack_format = #tpu.pack_format<interleaved>} : vector<32xbf16> -> vector<16xf32>
        %unpack3A_596 = tpu.unpack_subelements %get3A_594, 1 {pack_format = #tpu.pack_format<interleaved>} : vector<32xbf16> -> vector<16xf32>
        %mul3A_597 = vector.broadcast %squeeze3A_591 : f32 to vector<16xf32>
        %mul3A_598 = arith.mulf %mul3A_597, %unpack3A_595 : vector<16xf32>
        %add3A_599 = arith.addf %add3A_586, %mul3A_598 : vector<16xf32>
        %mul3A_600 = vector.broadcast %squeeze3A_591 : f32 to vector<16xf32>
        %mul3A_601 = arith.mulf %mul3A_600, %unpack3A_596 : vector<16xf32>
        %add3A_602 = arith.addf %add3A_589, %mul3A_601 : vector<16xf32>
        %slice3A_603 = vector.extract_strided_slice %get3A_576 {offsets = [2], sizes = [1], strides = [1]} : vector<16xf32> to vector<1xf32>
        %squeeze3A_604 = vector.extract %slice3A_603[0] : f32 from vector<1xf32>
        %get3A_605 = arith.index_cast %scan3A_568 : i32 to index
        %get3A_606 = arith.constant 64 : index
        %get3A_607 = tpu.vector_load %arg10[%get3A_605, %get3A_606] {strides = array<i32>} : memref<400x288xbf16, #tpu.memory_space<vmem>>, vector<32xbf16>,
        %unpack3A_608 = tpu.unpack_subelements %get3A_607, 0 {pack_format = #tpu.pack_format<interleaved>} : vector<32xbf16> -> vector<16xf32>
        %unpack3A_609 = tpu.unpack_subelements %get3A_607, 1 {pack_format = #tpu.pack_format<interleaved>} : vector<32xbf16> -> vector<16xf32>
        %mul3A_610 = vector.broadcast %squeeze3A_604 : f32 to vector<16xf32>
        %mul3A_611 = arith.mulf %mul3A_610, %unpack3A_608 : vector<16xf32>
        %add3A_612 = arith.addf %add3A_599, %mul3A_611 : vector<16xf32>
        %mul3A_613 = vector.broadcast %squeeze3A_604 : f32 to vector<16xf32>
        %mul3A_614 = arith.mulf %mul3A_613, %unpack3A_609 : vector<16xf32>
        %add3A_615 = arith.addf %add3A_602, %mul3A_614 : vector<16xf32>
        %slice3A_616 = vector.extract_strided_slice %get3A_576 {offsets = [3], sizes = [1], strides = [1]} : vector<16xf32> to vector<1xf32>
        %squeeze3A_617 = vector.extract %slice3A_616[0] : f32 from vector<1xf32>
        %get3A_618 = arith.index_cast %scan3A_568 : i32 to index
        %get3A_619 = arith.constant 96 : index
        %get3A_620 = tpu.vector_load %arg10[%get3A_618, %get3A_619] {strides = array<i32>} : memref<400x288xbf16, #tpu.memory_space<vmem>>, vector<32xbf16>,
        %unpack3A_621 = tpu.unpack_subelements %get3A_620, 0 {pack_format = #tpu.pack_format<interleaved>} : vector<32xbf16> -> vector<16xf32>
        %unpack3A_622 = tpu.unpack_subelements %get3A_620, 1 {pack_format = #tpu.pack_format<interleaved>} : vector<32xbf16> -> vector<16xf32>
        %mul3A_623 = vector.broadcast %squeeze3A_617 : f32 to vector<16xf32>
        %mul3A_624 = arith.mulf %mul3A_623, %unpack3A_621 : vector<16xf32>
        %add3A_625 = arith.addf %add3A_612, %mul3A_624 : vector<16xf32>
        %mul3A_626 = vector.broadcast %squeeze3A_617 : f32 to vector<16xf32>
        %mul3A_627 = arith.mulf %mul3A_626, %unpack3A_622 : vector<16xf32>
        %add3A_628 = arith.addf %add3A_615, %mul3A_627 : vector<16xf32>
        %slice3A_629 = vector.extract_strided_slice %get3A_576 {offsets = [4], sizes = [1], strides = [1]} : vector<16xf32> to vector<1xf32>
        %squeeze3A_630 = vector.extract %slice3A_629[0] : f32 from vector<1xf32>
        %get3A_631 = arith.index_cast %scan3A_568 : i32 to index
        %get3A_632 = arith.constant 128 : index
        %get3A_633 = tpu.vector_load %arg10[%get3A_631, %get3A_632] {strides = array<i32>} : memref<400x288xbf16, #tpu.memory_space<vmem>>, vector<32xbf16>,
        %unpack3A_634 = tpu.unpack_subelements %get3A_633, 0 {pack_format = #tpu.pack_format<interleaved>} : vector<32xbf16> -> vector<16xf32>
        %unpack3A_635 = tpu.unpack_subelements %get3A_633, 1 {pack_format = #tpu.pack_format<interleaved>} : vector<32xbf16> -> vector<16xf32>
        %mul3A_636 = vector.broadcast %squeeze3A_630 : f32 to vector<16xf32>
        %mul3A_637 = arith.mulf %mul3A_636, %unpack3A_634 : vector<16xf32>
        %add3A_638 = arith.addf %add3A_625, %mul3A_637 : vector<16xf32>
        %mul3A_639 = vector.broadcast %squeeze3A_630 : f32 to vector<16xf32>
        %mul3A_640 = arith.mulf %mul3A_639, %unpack3A_635 : vector<16xf32>
        %add3A_641 = arith.addf %add3A_628, %mul3A_640 : vector<16xf32>
        %slice3A_642 = vector.extract_strided_slice %get3A_576 {offsets = [5], sizes = [1], strides = [1]} : vector<16xf32> to vector<1xf32>
        %squeeze3A_643 = vector.extract %slice3A_642[0] : f32 from vector<1xf32>
        %get3A_644 = arith.index_cast %scan3A_568 : i32 to index
        %get3A_645 = arith.constant 160 : index
        %get3A_646 = tpu.vector_load %arg10[%get3A_644, %get3A_645] {strides = array<i32>} : memref<400x288xbf16, #tpu.memory_space<vmem>>, vector<32xbf16>,
        %unpack3A_647 = tpu.unpack_subelements %get3A_646, 0 {pack_format = #tpu.pack_format<interleaved>} : vector<32xbf16> -> vector<16xf32>
        %unpack3A_648 = tpu.unpack_subelements %get3A_646, 1 {pack_format = #tpu.pack_format<interleaved>} : vector<32xbf16> -> vector<16xf32>
        %mul3A_649 = vector.broadcast %squeeze3A_643 : f32 to vector<16xf32>
        %mul3A_650 = arith.mulf %mul3A_649, %unpack3A_647 : vector<16xf32>
        %add3A_651 = arith.addf %add3A_638, %mul3A_650 : vector<16xf32>
        %mul3A_652 = vector.broadcast %squeeze3A_643 : f32 to vector<16xf32>
        %mul3A_653 = arith.mulf %mul3A_652, %unpack3A_648 : vector<16xf32>
        %add3A_654 = arith.addf %add3A_641, %mul3A_653 : vector<16xf32>
        %slice3A_655 = vector.extract_strided_slice %get3A_576 {offsets = [6], sizes = [1], strides = [1]} : vector<16xf32> to vector<1xf32>
        %squeeze3A_656 = vector.extract %slice3A_655[0] : f32 from vector<1xf32>
        %get3A_657 = arith.index_cast %scan3A_568 : i32 to index
        %get3A_658 = arith.constant 192 : index
        %get3A_659 = tpu.vector_load %arg10[%get3A_657, %get3A_658] {strides = array<i32>} : memref<400x288xbf16, #tpu.memory_space<vmem>>, vector<32xbf16>,
        %unpack3A_660 = tpu.unpack_subelements %get3A_659, 0 {pack_format = #tpu.pack_format<interleaved>} : vector<32xbf16> -> vector<16xf32>
        %unpack3A_661 = tpu.unpack_subelements %get3A_659, 1 {pack_format = #tpu.pack_format<interleaved>} : vector<32xbf16> -> vector<16xf32>
        %mul3A_662 = vector.broadcast %squeeze3A_656 : f32 to vector<16xf32>
        %mul3A_663 = arith.mulf %mul3A_662, %unpack3A_660 : vector<16xf32>
        %add3A_664 = arith.addf %add3A_651, %mul3A_663 : vector<16xf32>
        %mul3A_665 = vector.broadcast %squeeze3A_656 : f32 to vector<16xf32>
        %mul3A_666 = arith.mulf %mul3A_665, %unpack3A_661 : vector<16xf32>
        %add3A_667 = arith.addf %add3A_654, %mul3A_666 : vector<16xf32>
        %slice3A_668 = vector.extract_strided_slice %get3A_576 {offsets = [7], sizes = [1], strides = [1]} : vector<16xf32> to vector<1xf32>
        %squeeze3A_669 = vector.extract %slice3A_668[0] : f32 from vector<1xf32>
        %get3A_670 = arith.index_cast %scan3A_568 : i32 to index
        %get3A_671 = arith.constant 224 : index
        %get3A_672 = tpu.vector_load %arg10[%get3A_670, %get3A_671] {strides = array<i32>} : memref<400x288xbf16, #tpu.memory_space<vmem>>, vector<32xbf16>,
        %unpack3A_673 = tpu.unpack_subelements %get3A_672, 0 {pack_format = #tpu.pack_format<interleaved>} : vector<32xbf16> -> vector<16xf32>
        %unpack3A_674 = tpu.unpack_subelements %get3A_672, 1 {pack_format = #tpu.pack_format<interleaved>} : vector<32xbf16> -> vector<16xf32>
        %mul3A_675 = vector.broadcast %squeeze3A_669 : f32 to vector<16xf32>
        %mul3A_676 = arith.mulf %mul3A_675, %unpack3A_673 : vector<16xf32>
        %add3A_677 = arith.addf %add3A_664, %mul3A_676 : vector<16xf32>
        %mul3A_678 = vector.broadcast %squeeze3A_669 : f32 to vector<16xf32>
        %mul3A_679 = arith.mulf %mul3A_678, %unpack3A_674 : vector<16xf32>
        %add3A_680 = arith.addf %add3A_667, %mul3A_679 : vector<16xf32>
        %slice3A_681 = vector.extract_strided_slice %get3A_576 {offsets = [8], sizes = [1], strides = [1]} : vector<16xf32> to vector<1xf32>
        %squeeze3A_682 = vector.extract %slice3A_681[0] : f32 from vector<1xf32>
        %get3A_683 = arith.index_cast %scan3A_568 : i32 to index
        %get3A_684 = arith.constant 256 : index
        %get3A_685 = tpu.vector_load %arg10[%get3A_683, %get3A_684] {strides = array<i32>} : memref<400x288xbf16, #tpu.memory_space<vmem>>, vector<32xbf16>,
        %unpack3A_686 = tpu.unpack_subelements %get3A_685, 0 {pack_format = #tpu.pack_format<interleaved>} : vector<32xbf16> -> vector<16xf32>
        %unpack3A_687 = tpu.unpack_subelements %get3A_685, 1 {pack_format = #tpu.pack_format<interleaved>} : vector<32xbf16> -> vector<16xf32>
        %mul3A_688 = vector.broadcast %squeeze3A_682 : f32 to vector<16xf32>
        %mul3A_689 = arith.mulf %mul3A_688, %unpack3A_686 : vector<16xf32>
        %add3A_690 = arith.addf %add3A_677, %mul3A_689 : vector<16xf32>
        %mul3A_691 = vector.broadcast %squeeze3A_682 : f32 to vector<16xf32>
        %mul3A_692 = arith.mulf %mul3A_691, %unpack3A_687 : vector<16xf32>
        %add3A_693 = arith.addf %add3A_680, %mul3A_692 : vector<16xf32>
        %mul3A_694 = arith.mulf %add3A_690, %add3A_690 : vector<16xf32>
        %mul3A_695 = arith.mulf %add3A_693, %add3A_693 : vector<16xf32>
        %add3A_696 = arith.addf %mul3A_694, %mul3A_695 : vector<16xf32>
        %reduce_sum3A_697 = arith.constant true
        %reduce_sum3A_698 = vector.broadcast %reduce_sum3A_697 : i1 to vector<16xi1>
        %reduce_sum3A_699 = tpu.scan <sum>, %add3A_696 masked %reduce_sum3A_698 : vector<16xf32>, vector<16xi1> -> vector<16xf32>
        %reduce_sum3A_700 = vector.extract %reduce_sum3A_699[15] : f32 from vector<16xf32>
        %max3A_701 = arith.constant 1.000000e-24 : f32
        %max3A_702 = arith.maximumf %reduce_sum3A_700, %max3A_701 : f32
        %bitcast_convert_type3A_703 = arith.bitcast %max3A_702 : f32 to i32
        %shift_right_arithmetic3A_704 = arith.constant 1 : i32
        %shift_right_arithmetic3A_705 = arith.shrsi %bitcast_convert_type3A_703, %shift_right_arithmetic3A_704 : i32
        %sub3A_706 = arith.constant 1597463007 : i32
        %sub3A_707 = arith.subi %sub3A_706, %shift_right_arithmetic3A_705 : i32
        %bitcast_convert_type3A_708 = arith.bitcast %sub3A_707 : i32 to f32
        %mul3A_709 = arith.constant 5.000000e-01 : f32
        %mul3A_710 = arith.mulf %mul3A_709, %max3A_702 : f32
        %mul3A_711 = arith.mulf %mul3A_710, %bitcast_convert_type3A_708 : f32
        %mul3A_712 = arith.mulf %mul3A_711, %bitcast_convert_type3A_708 : f32
        %sub3A_713 = arith.constant 1.500000e+00 : f32
        %sub3A_714 = arith.subf %sub3A_713, %mul3A_712 : f32
        %mul3A_715 = arith.mulf %bitcast_convert_type3A_708, %sub3A_714 : f32
        %mul3A_716 = arith.constant 5.000000e-01 : f32
        %mul3A_717 = arith.mulf %mul3A_716, %max3A_702 : f32
        %mul3A_718 = arith.mulf %mul3A_717, %mul3A_715 : f32
        %mul3A_719 = arith.mulf %mul3A_718, %mul3A_715 : f32
        %sub3A_720 = arith.constant 1.500000e+00 : f32
        %sub3A_721 = arith.subf %sub3A_720, %mul3A_719 : f32
        %mul3A_722 = arith.mulf %mul3A_715, %sub3A_721 : f32
        %mul3A_723 = arith.constant 5.000000e-01 : f32
        %mul3A_724 = arith.mulf %mul3A_723, %max3A_702 : f32
        %mul3A_725 = arith.mulf %mul3A_724, %mul3A_722 : f32
        %mul3A_726 = arith.mulf %mul3A_725, %mul3A_722 : f32
        %sub3A_727 = arith.constant 1.500000e+00 : f32
        %sub3A_728 = arith.subf %sub3A_727, %mul3A_726 : f32
        %mul3A_729 = arith.mulf %mul3A_722, %sub3A_728 : f32
        %mul3A_730 = vector.broadcast %mul3A_729 : f32 to vector<16xf32>
        %mul3A_731 = arith.mulf %add3A_690, %mul3A_730 : vector<16xf32>
        %get3A_732 = arith.index_cast %scan3A_568 : i32 to index
        %get3A_733 = arith.constant 0 : index
        %get3A_734 = tpu.vector_load %arg12[%get3A_732, %get3A_733] {strides = array<i32>} : memref<400x32xf32, #tpu.memory_space<vmem>>, vector<16xf32>,
        %mul3A_735 = arith.mulf %mul3A_731, %get3A_734 : vector<16xf32>
        %swap3A_736 = arith.index_cast %scan3A_568 : i32 to index
        %swap3A_737 = arith.constant 0 : index
        %swap3A_738 = tpu.vector_load %arg13[%swap3A_736, %swap3A_737] {strides = array<i32>} : memref<400x32xf32, #tpu.memory_space<vmem>>, vector<16xf32>,
        tpu.vector_store %arg13[%swap3A_736, %swap3A_737], %mul3A_735 {strides = array<i32>} : memref<400x32xf32, #tpu.memory_space<vmem>>, vector<16xf32>,
        %mul3A_739 = vector.broadcast %mul3A_729 : f32 to vector<16xf32>
        %mul3A_740 = arith.mulf %add3A_693, %mul3A_739 : vector<16xf32>
        %get3A_741 = arith.index_cast %scan3A_568 : i32 to index
        %get3A_742 = arith.constant 16 : index
        %get3A_743 = tpu.vector_load %arg12[%get3A_741, %get3A_742] {strides = array<i32>} : memref<400x32xf32, #tpu.memory_space<vmem>>, vector<16xf32>,
        %mul3A_744 = arith.mulf %mul3A_740, %get3A_743 : vector<16xf32>
        %swap3A_745 = arith.index_cast %scan3A_568 : i32 to index
        %swap3A_746 = arith.constant 16 : index
        %swap3A_747 = tpu.vector_load %arg13[%swap3A_745, %swap3A_746] {strides = array<i32>} : memref<400x32xf32, #tpu.memory_space<vmem>>, vector<16xf32>,
        tpu.vector_store %arg13[%swap3A_745, %swap3A_746], %mul3A_744 {strides = array<i32>} : memref<400x32xf32, #tpu.memory_space<vmem>>, vector<16xf32>,
      }
      %scan3A_35 = arith.constant 400 : i32
      "tpu.region"() ({
        %run_scoped3A = tpu.sem_alloc : memref<!tpu.dma_semaphore, #tpu.memory_space<semaphore_mem>>
        %dma_start3A_36 = arith.constant 0 : i32
        %dma_start3A_37 = tpu.memref_slice %arg7[%add3A_11, %dma_start3A_36] : memref<320000x32xf32, #tpu.memory_space<hbm>> -> memref<400x32xf32, #tpu.memory_space<hbm>>
        %dma_start3A_38 = arith.constant 0 : i32
        %dma_start3A_39 = tpu.memref_slice %arg7[%add3A_11, %dma_start3A_38] : memref<320000x32xf32, #tpu.memory_space<hbm>> -> memref<400x32xf32, #tpu.memory_space<hbm>>
        tpu.enqueue_dma source(%arg13 : memref<400x32xf32, #tpu.memory_space<vmem>>) target(%dma_start3A_39 : memref<400x32xf32, #tpu.memory_space<hbm>>) target_semaphore(%run_scoped3A : memref<!tpu.dma_semaphore, #tpu.memory_space<semaphore_mem>>)
        %dma_wait3A_40 = arith.constant 0 : i32
        %dma_wait3A_41 = tpu.memref_slice %arg7[%add3A_11, %dma_wait3A_40] : memref<320000x32xf32, #tpu.memory_space<hbm>> -> memref<400x32xf32, #tpu.memory_space<hbm>>
        %dma_wait3A_42 = arith.constant 0 : i32
        %dma_wait3A_43 = tpu.memref_slice %arg7[%add3A_11, %dma_wait3A_42] : memref<320000x32xf32, #tpu.memory_space<hbm>> -> memref<400x32xf32, #tpu.memory_space<hbm>>
        tpu.wait_dma2 semaphore(%run_scoped3A : memref<!tpu.dma_semaphore, #tpu.memory_space<semaphore_mem>>) src(%arg13 : memref<400x32xf32, #tpu.memory_space<vmem>>) dst(%dma_wait3A_43 : memref<400x32xf32, #tpu.memory_space<hbm>>)
        tpu.yield
      }) : () -> ()
    }
    %scan3A_7 = arith.constant 25 : i32
    return
  }
}

#map = affine_map<(d0, d1) -> (0, 0)>
#map1 = affine_map<(d0, d1) -> (0)>
module attributes {stable_mosaic.version = 14 : i64} {
  func.func @_pair_body(%arg0: i32, %arg1: i32, %arg2: memref<10000x32xf32, #tpu.memory_space<hbm>>, %arg3: memref<160000xi32, #tpu.memory_space<hbm>>, %arg4: memref<160000xi32, #tpu.memory_space<hbm>>, %arg5: memref<160000x32xf32, #tpu.memory_space<hbm>>, %arg6: memref<160000x32xf32, #tpu.memory_space<hbm>>, %arg7: memref<200xi32, #tpu.memory_space<vmem>>, %arg8: memref<200xi32, #tpu.memory_space<vmem>>, %arg9: memref<200x32xf32, #tpu.memory_space<vmem>>, %arg10: memref<200x32xf32, #tpu.memory_space<vmem>>, %arg11: memref<!tpu.dma_semaphore, #tpu.memory_space<semaphore_mem>>, %arg12: memref<!tpu.dma_semaphore, #tpu.memory_space<semaphore_mem>>) attributes {dimension_semantics = [#tpu.dimension_semantics<core_parallel>, #tpu.dimension_semantics<subcore_parallel>], iteration_bounds = array<i64: 2, 16>, scalar_prefetch = 0 : i64, scratch_operands = 6 : i64, tpu.core_type = #tpu.core_type<sc_vector_subcore>, window_params = [{transform_indices = #map}, {transform_indices = #map1}, {transform_indices = #map1}, {transform_indices = #map}, {transform_indices = #map}]} {
    %mul3A = arith.constant 2 : i32
    %mul3A_0 = arith.muli %arg1, %mul3A : i32
    %add3A = arith.addi %mul3A_0, %arg0 : i32
    %mul3A_1 = arith.constant 5000 : i32
    %mul3A_2 = arith.muli %add3A, %mul3A_1 : i32
    %scan3A = arith.constant 0 : i32
    %scan3A_3 = arith.constant 0 : i32
    %scan3A_4 = arith.constant 25 : i32
    %scan3A_5 = arith.addi %scan3A_3, %scan3A_4 : i32
    %scan3A_6 = arith.constant 1 : i32
    scf.for %scan3A_8 = %scan3A_3 to %scan3A_5 step %scan3A_6  : i32 {
      %mul3A_9 = arith.constant 200 : i32
      %mul3A_10 = arith.muli %scan3A_8, %mul3A_9 : i32
      %add3A_11 = arith.addi %mul3A_2, %mul3A_10 : i32
      "tpu.region"() ({
        %run_scoped3A = tpu.sem_alloc : memref<!tpu.dma_semaphore, #tpu.memory_space<semaphore_mem>>
        %dma_start3A_22 = tpu.memref_slice %arg3[%add3A_11] : memref<160000xi32, #tpu.memory_space<hbm>> -> memref<200xi32, #tpu.memory_space<hbm>>
        %dma_start3A_23 = tpu.memref_slice %arg3[%add3A_11] : memref<160000xi32, #tpu.memory_space<hbm>> -> memref<200xi32, #tpu.memory_space<hbm>>
        tpu.enqueue_dma source(%dma_start3A_23 : memref<200xi32, #tpu.memory_space<hbm>>) target(%arg7 : memref<200xi32, #tpu.memory_space<vmem>>) target_semaphore(%run_scoped3A : memref<!tpu.dma_semaphore, #tpu.memory_space<semaphore_mem>>)
        %dma_wait3A_24 = tpu.memref_slice %arg3[%add3A_11] : memref<160000xi32, #tpu.memory_space<hbm>> -> memref<200xi32, #tpu.memory_space<hbm>>
        %dma_wait3A_25 = tpu.memref_slice %arg3[%add3A_11] : memref<160000xi32, #tpu.memory_space<hbm>> -> memref<200xi32, #tpu.memory_space<hbm>>
        tpu.wait_dma2 semaphore(%run_scoped3A : memref<!tpu.dma_semaphore, #tpu.memory_space<semaphore_mem>>) src(%dma_wait3A_25 : memref<200xi32, #tpu.memory_space<hbm>>) dst(%arg7 : memref<200xi32, #tpu.memory_space<vmem>>)
        tpu.yield
      }) : () -> ()
      "tpu.region"() ({
        %run_scoped3A = tpu.sem_alloc : memref<!tpu.dma_semaphore, #tpu.memory_space<semaphore_mem>>
        %dma_start3A_22 = tpu.memref_slice %arg4[%add3A_11] : memref<160000xi32, #tpu.memory_space<hbm>> -> memref<200xi32, #tpu.memory_space<hbm>>
        %dma_start3A_23 = tpu.memref_slice %arg4[%add3A_11] : memref<160000xi32, #tpu.memory_space<hbm>> -> memref<200xi32, #tpu.memory_space<hbm>>
        tpu.enqueue_dma source(%dma_start3A_23 : memref<200xi32, #tpu.memory_space<hbm>>) target(%arg8 : memref<200xi32, #tpu.memory_space<vmem>>) target_semaphore(%run_scoped3A : memref<!tpu.dma_semaphore, #tpu.memory_space<semaphore_mem>>)
        %dma_wait3A_24 = tpu.memref_slice %arg4[%add3A_11] : memref<160000xi32, #tpu.memory_space<hbm>> -> memref<200xi32, #tpu.memory_space<hbm>>
        %dma_wait3A_25 = tpu.memref_slice %arg4[%add3A_11] : memref<160000xi32, #tpu.memory_space<hbm>> -> memref<200xi32, #tpu.memory_space<hbm>>
        tpu.wait_dma2 semaphore(%run_scoped3A : memref<!tpu.dma_semaphore, #tpu.memory_space<semaphore_mem>>) src(%dma_wait3A_25 : memref<200xi32, #tpu.memory_space<hbm>>) dst(%arg8 : memref<200xi32, #tpu.memory_space<vmem>>)
        tpu.yield
      }) : () -> ()
      %dma_start3A = arith.constant 0 : i32
      %dma_start3A_12 = arith.constant 0 : i32
      %dma_start3A_13 = tpu.memref_slice %arg2[%dma_start3A, %dma_start3A_12] : memref<10000x32xf32, #tpu.memory_space<hbm>> -> memref<10000x32xf32, #tpu.memory_space<hbm>>
      tpu.enqueue_indirect_dma source(%dma_start3A_13 : memref<10000x32xf32, #tpu.memory_space<hbm>>) target(%arg9 : memref<200x32xf32, #tpu.memory_space<vmem>>) offsets(%arg7 : memref<200xi32, #tpu.memory_space<vmem>>) semaphore(%arg11 : memref<!tpu.dma_semaphore, #tpu.memory_space<semaphore_mem>>)
      %dma_start3A_14 = arith.constant 0 : i32
      %dma_start3A_15 = arith.constant 0 : i32
      %dma_start3A_16 = tpu.memref_slice %arg2[%dma_start3A_14, %dma_start3A_15] : memref<10000x32xf32, #tpu.memory_space<hbm>> -> memref<10000x32xf32, #tpu.memory_space<hbm>>
      tpu.enqueue_indirect_dma source(%dma_start3A_16 : memref<10000x32xf32, #tpu.memory_space<hbm>>) target(%arg10 : memref<200x32xf32, #tpu.memory_space<vmem>>) offsets(%arg8 : memref<200xi32, #tpu.memory_space<vmem>>) semaphore(%arg12 : memref<!tpu.dma_semaphore, #tpu.memory_space<semaphore_mem>>)
      %dma_wait3A = arith.constant 0 : i32
      %dma_wait3A_17 = arith.constant 0 : i32
      %dma_wait3A_18 = tpu.memref_slice %arg2[%dma_wait3A, %dma_wait3A_17] : memref<10000x32xf32, #tpu.memory_space<hbm>> -> memref<10000x32xf32, #tpu.memory_space<hbm>>
      tpu.wait_indirect_dma semaphore(%arg11 : memref<!tpu.dma_semaphore, #tpu.memory_space<semaphore_mem>>) src(%dma_wait3A_18 : memref<10000x32xf32, #tpu.memory_space<hbm>>) dst(%arg9 : memref<200x32xf32, #tpu.memory_space<vmem>>)
      %dma_wait3A_19 = arith.constant 0 : i32
      %dma_wait3A_20 = arith.constant 0 : i32
      %dma_wait3A_21 = tpu.memref_slice %arg2[%dma_wait3A_19, %dma_wait3A_20] : memref<10000x32xf32, #tpu.memory_space<hbm>> -> memref<10000x32xf32, #tpu.memory_space<hbm>>
      tpu.wait_indirect_dma semaphore(%arg12 : memref<!tpu.dma_semaphore, #tpu.memory_space<semaphore_mem>>) src(%dma_wait3A_21 : memref<10000x32xf32, #tpu.memory_space<hbm>>) dst(%arg10 : memref<200x32xf32, #tpu.memory_space<vmem>>)
      "tpu.region"() ({
        %run_scoped3A = tpu.sem_alloc : memref<!tpu.dma_semaphore, #tpu.memory_space<semaphore_mem>>
        %dma_start3A_22 = arith.constant 0 : i32
        %dma_start3A_23 = tpu.memref_slice %arg5[%add3A_11, %dma_start3A_22] : memref<160000x32xf32, #tpu.memory_space<hbm>> -> memref<200x32xf32, #tpu.memory_space<hbm>>
        %dma_start3A_24 = arith.constant 0 : i32
        %dma_start3A_25 = tpu.memref_slice %arg5[%add3A_11, %dma_start3A_24] : memref<160000x32xf32, #tpu.memory_space<hbm>> -> memref<200x32xf32, #tpu.memory_space<hbm>>
        tpu.enqueue_dma source(%arg9 : memref<200x32xf32, #tpu.memory_space<vmem>>) target(%dma_start3A_25 : memref<200x32xf32, #tpu.memory_space<hbm>>) target_semaphore(%run_scoped3A : memref<!tpu.dma_semaphore, #tpu.memory_space<semaphore_mem>>)
        %dma_wait3A_26 = arith.constant 0 : i32
        %dma_wait3A_27 = tpu.memref_slice %arg5[%add3A_11, %dma_wait3A_26] : memref<160000x32xf32, #tpu.memory_space<hbm>> -> memref<200x32xf32, #tpu.memory_space<hbm>>
        %dma_wait3A_28 = arith.constant 0 : i32
        %dma_wait3A_29 = tpu.memref_slice %arg5[%add3A_11, %dma_wait3A_28] : memref<160000x32xf32, #tpu.memory_space<hbm>> -> memref<200x32xf32, #tpu.memory_space<hbm>>
        tpu.wait_dma2 semaphore(%run_scoped3A : memref<!tpu.dma_semaphore, #tpu.memory_space<semaphore_mem>>) src(%arg9 : memref<200x32xf32, #tpu.memory_space<vmem>>) dst(%dma_wait3A_29 : memref<200x32xf32, #tpu.memory_space<hbm>>)
        tpu.yield
      }) : () -> ()
      "tpu.region"() ({
        %run_scoped3A = tpu.sem_alloc : memref<!tpu.dma_semaphore, #tpu.memory_space<semaphore_mem>>
        %dma_start3A_22 = arith.constant 0 : i32
        %dma_start3A_23 = tpu.memref_slice %arg6[%add3A_11, %dma_start3A_22] : memref<160000x32xf32, #tpu.memory_space<hbm>> -> memref<200x32xf32, #tpu.memory_space<hbm>>
        %dma_start3A_24 = arith.constant 0 : i32
        %dma_start3A_25 = tpu.memref_slice %arg6[%add3A_11, %dma_start3A_24] : memref<160000x32xf32, #tpu.memory_space<hbm>> -> memref<200x32xf32, #tpu.memory_space<hbm>>
        tpu.enqueue_dma source(%arg10 : memref<200x32xf32, #tpu.memory_space<vmem>>) target(%dma_start3A_25 : memref<200x32xf32, #tpu.memory_space<hbm>>) target_semaphore(%run_scoped3A : memref<!tpu.dma_semaphore, #tpu.memory_space<semaphore_mem>>)
        %dma_wait3A_26 = arith.constant 0 : i32
        %dma_wait3A_27 = tpu.memref_slice %arg6[%add3A_11, %dma_wait3A_26] : memref<160000x32xf32, #tpu.memory_space<hbm>> -> memref<200x32xf32, #tpu.memory_space<hbm>>
        %dma_wait3A_28 = arith.constant 0 : i32
        %dma_wait3A_29 = tpu.memref_slice %arg6[%add3A_11, %dma_wait3A_28] : memref<160000x32xf32, #tpu.memory_space<hbm>> -> memref<200x32xf32, #tpu.memory_space<hbm>>
        tpu.wait_dma2 semaphore(%run_scoped3A : memref<!tpu.dma_semaphore, #tpu.memory_space<semaphore_mem>>) src(%arg10 : memref<200x32xf32, #tpu.memory_space<vmem>>) dst(%dma_wait3A_29 : memref<200x32xf32, #tpu.memory_space<hbm>>)
        tpu.yield
      }) : () -> ()
    }
    %scan3A_7 = arith.constant 25 : i32
    return
  }
}

#map = affine_map<(d0, d1) -> (0, 0)>
#map1 = affine_map<(d0, d1) -> (0)>
#map2 = affine_map<(d0, d1) -> (0, 0, 0)>
module attributes {stable_mosaic.version = 14 : i64} {
  func.func @_seg_n_body(%arg0: i32, %arg1: i32, %arg2: memref<160000x32xf32, #tpu.memory_space<hbm>>, %arg3: memref<160000xi32, #tpu.memory_space<hbm>>, %arg4: memref<2x10000x32xf32, #tpu.memory_space<hbm>>, %arg5: memref<200xi32, #tpu.memory_space<vmem>>, %arg6: memref<200x32xf32, #tpu.memory_space<vmem>>, %arg7: memref<200x32xf32, #tpu.memory_space<vmem>>, %arg8: memref<10000x32xf32, #tpu.memory_space<vmem_shared>>, %arg9: memref<!tpu.dma_semaphore, #tpu.memory_space<semaphore_mem>>) attributes {dimension_semantics = [#tpu.dimension_semantics<core_parallel>, #tpu.dimension_semantics<subcore_parallel>], iteration_bounds = array<i64: 2, 16>, scalar_prefetch = 0 : i64, scratch_operands = 5 : i64, tpu.core_type = #tpu.core_type<sc_vector_subcore>, window_params = [{transform_indices = #map}, {transform_indices = #map1}, {transform_indices = #map2}]} {
    %broadcast_in_dim3A = arith.constant 0.000000e+00 : f32
    %broadcast_in_dim3A_0 = vector.broadcast %broadcast_in_dim3A : f32 to vector<16xf32>
    %scan3A = arith.constant 0 : i32
    %scan3A_1 = arith.constant 0 : i32
    %scan3A_2 = arith.constant 200 : i32
    %scan3A_3 = arith.addi %scan3A_1, %scan3A_2 : i32
    %scan3A_4 = arith.constant 1 : i32
    scf.for %scan3A_47 = %scan3A_1 to %scan3A_3 step %scan3A_4  : i32 {
      %swap3A = arith.index_cast %scan3A_47 : i32 to index
      %swap3A_48 = arith.constant 0 : index
      %swap3A_49 = tpu.vector_load %arg7[%swap3A, %swap3A_48] {strides = array<i32>} : memref<200x32xf32, #tpu.memory_space<vmem>>, vector<16xf32>,
      tpu.vector_store %arg7[%swap3A, %swap3A_48], %broadcast_in_dim3A_0 {strides = array<i32>} : memref<200x32xf32, #tpu.memory_space<vmem>>, vector<16xf32>,
      %swap3A_50 = arith.index_cast %scan3A_47 : i32 to index
      %swap3A_51 = arith.constant 16 : index
      %swap3A_52 = tpu.vector_load %arg7[%swap3A_50, %swap3A_51] {strides = array<i32>} : memref<200x32xf32, #tpu.memory_space<vmem>>, vector<16xf32>,
      tpu.vector_store %arg7[%swap3A_50, %swap3A_51], %broadcast_in_dim3A_0 {strides = array<i32>} : memref<200x32xf32, #tpu.memory_space<vmem>>, vector<16xf32>,
    }
    %scan3A_5 = arith.constant 200 : i32
    %mul3A = arith.constant 625 : i32
    %mul3A_6 = arith.muli %arg1, %mul3A : i32
    %add3A = arith.constant 0 : i32
    %add3A_7 = arith.addi %mul3A_6, %add3A : i32
    "tpu.region"() ({
      %run_scoped3A = tpu.sem_alloc : memref<!tpu.dma_semaphore, #tpu.memory_space<semaphore_mem>>
      %dma_start3A = arith.constant 0 : i32
      %dma_start3A_47 = tpu.memref_slice %arg8[%add3A_7, %dma_start3A] : memref<10000x32xf32, #tpu.memory_space<vmem_shared>> -> memref<200x32xf32, #tpu.memory_space<vmem_shared>>
      %dma_start3A_48 = arith.constant 0 : i32
      %dma_start3A_49 = tpu.memref_slice %arg8[%add3A_7, %dma_start3A_48] : memref<10000x32xf32, #tpu.memory_space<vmem_shared>> -> memref<200x32xf32, #tpu.memory_space<vmem_shared>>
      tpu.enqueue_dma source(%arg7 : memref<200x32xf32, #tpu.memory_space<vmem>>) target(%dma_start3A_49 : memref<200x32xf32, #tpu.memory_space<vmem_shared>>) target_semaphore(%run_scoped3A : memref<!tpu.dma_semaphore, #tpu.memory_space<semaphore_mem>>)
      %dma_wait3A = arith.constant 0 : i32
      %dma_wait3A_50 = tpu.memref_slice %arg8[%add3A_7, %dma_wait3A] : memref<10000x32xf32, #tpu.memory_space<vmem_shared>> -> memref<200x32xf32, #tpu.memory_space<vmem_shared>>
      %dma_wait3A_51 = arith.constant 0 : i32
      %dma_wait3A_52 = tpu.memref_slice %arg8[%add3A_7, %dma_wait3A_51] : memref<10000x32xf32, #tpu.memory_space<vmem_shared>> -> memref<200x32xf32, #tpu.memory_space<vmem_shared>>
      tpu.wait_dma2 semaphore(%run_scoped3A : memref<!tpu.dma_semaphore, #tpu.memory_space<semaphore_mem>>) src(%arg7 : memref<200x32xf32, #tpu.memory_space<vmem>>) dst(%dma_wait3A_52 : memref<200x32xf32, #tpu.memory_space<vmem_shared>>)
      tpu.yield
    }) : () -> ()
    %add3A_8 = arith.constant 200 : i32
    %add3A_9 = arith.addi %mul3A_6, %add3A_8 : i32
    "tpu.region"() ({
      %run_scoped3A = tpu.sem_alloc : memref<!tpu.dma_semaphore, #tpu.memory_space<semaphore_mem>>
      %dma_start3A = arith.constant 0 : i32
      %dma_start3A_47 = tpu.memref_slice %arg8[%add3A_9, %dma_start3A] : memref<10000x32xf32, #tpu.memory_space<vmem_shared>> -> memref<200x32xf32, #tpu.memory_space<vmem_shared>>
      %dma_start3A_48 = arith.constant 0 : i32
      %dma_start3A_49 = tpu.memref_slice %arg8[%add3A_9, %dma_start3A_48] : memref<10000x32xf32, #tpu.memory_space<vmem_shared>> -> memref<200x32xf32, #tpu.memory_space<vmem_shared>>
      tpu.enqueue_dma source(%arg7 : memref<200x32xf32, #tpu.memory_space<vmem>>) target(%dma_start3A_49 : memref<200x32xf32, #tpu.memory_space<vmem_shared>>) target_semaphore(%run_scoped3A : memref<!tpu.dma_semaphore, #tpu.memory_space<semaphore_mem>>)
      %dma_wait3A = arith.constant 0 : i32
      %dma_wait3A_50 = tpu.memref_slice %arg8[%add3A_9, %dma_wait3A] : memref<10000x32xf32, #tpu.memory_space<vmem_shared>> -> memref<200x32xf32, #tpu.memory_space<vmem_shared>>
      %dma_wait3A_51 = arith.constant 0 : i32
      %dma_wait3A_52 = tpu.memref_slice %arg8[%add3A_9, %dma_wait3A_51] : memref<10000x32xf32, #tpu.memory_space<vmem_shared>> -> memref<200x32xf32, #tpu.memory_space<vmem_shared>>
      tpu.wait_dma2 semaphore(%run_scoped3A : memref<!tpu.dma_semaphore, #tpu.memory_space<semaphore_mem>>) src(%arg7 : memref<200x32xf32, #tpu.memory_space<vmem>>) dst(%dma_wait3A_52 : memref<200x32xf32, #tpu.memory_space<vmem_shared>>)
      tpu.yield
    }) : () -> ()
    %add3A_10 = arith.constant 400 : i32
    %add3A_11 = arith.addi %mul3A_6, %add3A_10 : i32
    "tpu.region"() ({
      %run_scoped3A = tpu.sem_alloc : memref<!tpu.dma_semaphore, #tpu.memory_space<semaphore_mem>>
      %dma_start3A = arith.constant 0 : i32
      %dma_start3A_47 = tpu.memref_slice %arg8[%add3A_11, %dma_start3A] : memref<10000x32xf32, #tpu.memory_space<vmem_shared>> -> memref<200x32xf32, #tpu.memory_space<vmem_shared>>
      %dma_start3A_48 = arith.constant 0 : i32
      %dma_start3A_49 = tpu.memref_slice %arg8[%add3A_11, %dma_start3A_48] : memref<10000x32xf32, #tpu.memory_space<vmem_shared>> -> memref<200x32xf32, #tpu.memory_space<vmem_shared>>
      tpu.enqueue_dma source(%arg7 : memref<200x32xf32, #tpu.memory_space<vmem>>) target(%dma_start3A_49 : memref<200x32xf32, #tpu.memory_space<vmem_shared>>) target_semaphore(%run_scoped3A : memref<!tpu.dma_semaphore, #tpu.memory_space<semaphore_mem>>)
      %dma_wait3A = arith.constant 0 : i32
      %dma_wait3A_50 = tpu.memref_slice %arg8[%add3A_11, %dma_wait3A] : memref<10000x32xf32, #tpu.memory_space<vmem_shared>> -> memref<200x32xf32, #tpu.memory_space<vmem_shared>>
      %dma_wait3A_51 = arith.constant 0 : i32
      %dma_wait3A_52 = tpu.memref_slice %arg8[%add3A_11, %dma_wait3A_51] : memref<10000x32xf32, #tpu.memory_space<vmem_shared>> -> memref<200x32xf32, #tpu.memory_space<vmem_shared>>
      tpu.wait_dma2 semaphore(%run_scoped3A : memref<!tpu.dma_semaphore, #tpu.memory_space<semaphore_mem>>) src(%arg7 : memref<200x32xf32, #tpu.memory_space<vmem>>) dst(%dma_wait3A_52 : memref<200x32xf32, #tpu.memory_space<vmem_shared>>)
      tpu.yield
    }) : () -> ()
    %add3A_12 = arith.constant 625 : i32
    %add3A_13 = arith.addi %mul3A_6, %add3A_12 : i32
    %sub3A = arith.constant 25 : i32
    %sub3A_14 = arith.subi %add3A_13, %sub3A : i32
    "tpu.region"() ({
      %run_scoped3A = tpu.sem_alloc : memref<!tpu.dma_semaphore, #tpu.memory_space<semaphore_mem>>
      %dma_start3A = arith.constant 0 : i32
      %dma_start3A_47 = arith.constant 0 : i32
      %dma_start3A_48 = tpu.memref_slice %arg7[%dma_start3A, %dma_start3A_47] : memref<200x32xf32, #tpu.memory_space<vmem>> -> memref<25x32xf32, #tpu.memory_space<vmem>>
      %dma_start3A_49 = arith.constant 0 : i32
      %dma_start3A_50 = tpu.memref_slice %arg8[%sub3A_14, %dma_start3A_49] : memref<10000x32xf32, #tpu.memory_space<vmem_shared>> -> memref<25x32xf32, #tpu.memory_space<vmem_shared>>
      %dma_start3A_51 = arith.constant 0 : i32
      %dma_start3A_52 = tpu.memref_slice %arg8[%sub3A_14, %dma_start3A_51] : memref<10000x32xf32, #tpu.memory_space<vmem_shared>> -> memref<25x32xf32, #tpu.memory_space<vmem_shared>>
      %dma_start3A_53 = arith.constant 0 : i32
      %dma_start3A_54 = arith.constant 0 : i32
      %dma_start3A_55 = tpu.memref_slice %arg7[%dma_start3A_53, %dma_start3A_54] : memref<200x32xf32, #tpu.memory_space<vmem>> -> memref<25x32xf32, #tpu.memory_space<vmem>>
      tpu.enqueue_dma source(%dma_start3A_55 : memref<25x32xf32, #tpu.memory_space<vmem>>) target(%dma_start3A_52 : memref<25x32xf32, #tpu.memory_space<vmem_shared>>) target_semaphore(%run_scoped3A : memref<!tpu.dma_semaphore, #tpu.memory_space<semaphore_mem>>)
      %dma_wait3A = arith.constant 0 : i32
      %dma_wait3A_56 = arith.constant 0 : i32
      %dma_wait3A_57 = tpu.memref_slice %arg7[%dma_wait3A, %dma_wait3A_56] : memref<200x32xf32, #tpu.memory_space<vmem>> -> memref<25x32xf32, #tpu.memory_space<vmem>>
      %dma_wait3A_58 = arith.constant 0 : i32
      %dma_wait3A_59 = tpu.memref_slice %arg8[%sub3A_14, %dma_wait3A_58] : memref<10000x32xf32, #tpu.memory_space<vmem_shared>> -> memref<25x32xf32, #tpu.memory_space<vmem_shared>>
      %dma_wait3A_60 = arith.constant 0 : i32
      %dma_wait3A_61 = tpu.memref_slice %arg8[%sub3A_14, %dma_wait3A_60] : memref<10000x32xf32, #tpu.memory_space<vmem_shared>> -> memref<25x32xf32, #tpu.memory_space<vmem_shared>>
      %dma_wait3A_62 = arith.constant 0 : i32
      %dma_wait3A_63 = arith.constant 0 : i32
      %dma_wait3A_64 = tpu.memref_slice %arg7[%dma_wait3A_62, %dma_wait3A_63] : memref<200x32xf32, #tpu.memory_space<vmem>> -> memref<25x32xf32, #tpu.memory_space<vmem>>
      tpu.wait_dma2 semaphore(%run_scoped3A : memref<!tpu.dma_semaphore, #tpu.memory_space<semaphore_mem>>) src(%dma_wait3A_64 : memref<25x32xf32, #tpu.memory_space<vmem>>) dst(%dma_wait3A_61 : memref<25x32xf32, #tpu.memory_space<vmem_shared>>)
      tpu.yield
    }) : () -> ()
    %barrier3A = arith.constant 0 : index
    tpu.barrier barrier_id(%barrier3A)
    %mul3A_15 = arith.constant 80000 : i32
    %mul3A_16 = arith.muli %arg0, %mul3A_15 : i32
    %mul3A_17 = arith.constant 5000 : i32
    %mul3A_18 = arith.muli %arg1, %mul3A_17 : i32
    %add3A_19 = arith.addi %mul3A_16, %mul3A_18 : i32
    %scan3A_20 = arith.constant 0 : i32
    %scan3A_21 = arith.constant 0 : i32
    %scan3A_22 = arith.constant 25 : i32
    %scan3A_23 = arith.addi %scan3A_21, %scan3A_22 : i32
    %scan3A_24 = arith.constant 1 : i32
    scf.for %scan3A_47 = %scan3A_21 to %scan3A_23 step %scan3A_24  : i32 {
      %mul3A_48 = arith.constant 200 : i32
      %mul3A_49 = arith.muli %scan3A_47, %mul3A_48 : i32
      %add3A_50 = arith.addi %add3A_19, %mul3A_49 : i32
      "tpu.region"() ({
        %run_scoped3A = tpu.sem_alloc : memref<!tpu.dma_semaphore, #tpu.memory_space<semaphore_mem>>
        %dma_start3A = tpu.memref_slice %arg3[%add3A_50] : memref<160000xi32, #tpu.memory_space<hbm>> -> memref<200xi32, #tpu.memory_space<hbm>>
        %dma_start3A_51 = tpu.memref_slice %arg3[%add3A_50] : memref<160000xi32, #tpu.memory_space<hbm>> -> memref<200xi32, #tpu.memory_space<hbm>>
        tpu.enqueue_dma source(%dma_start3A_51 : memref<200xi32, #tpu.memory_space<hbm>>) target(%arg5 : memref<200xi32, #tpu.memory_space<vmem>>) target_semaphore(%run_scoped3A : memref<!tpu.dma_semaphore, #tpu.memory_space<semaphore_mem>>)
        %dma_wait3A = tpu.memref_slice %arg3[%add3A_50] : memref<160000xi32, #tpu.memory_space<hbm>> -> memref<200xi32, #tpu.memory_space<hbm>>
        %dma_wait3A_52 = tpu.memref_slice %arg3[%add3A_50] : memref<160000xi32, #tpu.memory_space<hbm>> -> memref<200xi32, #tpu.memory_space<hbm>>
        tpu.wait_dma2 semaphore(%run_scoped3A : memref<!tpu.dma_semaphore, #tpu.memory_space<semaphore_mem>>) src(%dma_wait3A_52 : memref<200xi32, #tpu.memory_space<hbm>>) dst(%arg5 : memref<200xi32, #tpu.memory_space<vmem>>)
        tpu.yield
      }) : () -> ()
      "tpu.region"() ({
        %run_scoped3A = tpu.sem_alloc : memref<!tpu.dma_semaphore, #tpu.memory_space<semaphore_mem>>
        %dma_start3A = arith.constant 0 : i32
        %dma_start3A_51 = tpu.memref_slice %arg2[%add3A_50, %dma_start3A] : memref<160000x32xf32, #tpu.memory_space<hbm>> -> memref<200x32xf32, #tpu.memory_space<hbm>>
        %dma_start3A_52 = arith.constant 0 : i32
        %dma_start3A_53 = tpu.memref_slice %arg2[%add3A_50, %dma_start3A_52] : memref<160000x32xf32, #tpu.memory_space<hbm>> -> memref<200x32xf32, #tpu.memory_space<hbm>>
        tpu.enqueue_dma source(%dma_start3A_53 : memref<200x32xf32, #tpu.memory_space<hbm>>) target(%arg6 : memref<200x32xf32, #tpu.memory_space<vmem>>) target_semaphore(%run_scoped3A : memref<!tpu.dma_semaphore, #tpu.memory_space<semaphore_mem>>)
        %dma_wait3A = arith.constant 0 : i32
        %dma_wait3A_54 = tpu.memref_slice %arg2[%add3A_50, %dma_wait3A] : memref<160000x32xf32, #tpu.memory_space<hbm>> -> memref<200x32xf32, #tpu.memory_space<hbm>>
        %dma_wait3A_55 = arith.constant 0 : i32
        %dma_wait3A_56 = tpu.memref_slice %arg2[%add3A_50, %dma_wait3A_55] : memref<160000x32xf32, #tpu.memory_space<hbm>> -> memref<200x32xf32, #tpu.memory_space<hbm>>
        tpu.wait_dma2 semaphore(%run_scoped3A : memref<!tpu.dma_semaphore, #tpu.memory_space<semaphore_mem>>) src(%dma_wait3A_56 : memref<200x32xf32, #tpu.memory_space<hbm>>) dst(%arg6 : memref<200x32xf32, #tpu.memory_space<vmem>>)
        tpu.yield
      }) : () -> ()
      "tpu.region"() ({
        %run_scoped3A = tpu.sem_alloc : memref<!tpu.dma_semaphore, #tpu.memory_space<semaphore_mem>>
        %dma_start3A = arith.constant 0 : i32
        %dma_start3A_51 = arith.constant 0 : i32
        %dma_start3A_52 = tpu.memref_slice %arg8[%dma_start3A, %dma_start3A_51] : memref<10000x32xf32, #tpu.memory_space<vmem_shared>> -> memref<10000x32xf32, #tpu.memory_space<vmem_shared>>
        tpu.enqueue_indirect_dma source(%arg6 : memref<200x32xf32, #tpu.memory_space<vmem>>) target(%dma_start3A_52 : memref<10000x32xf32, #tpu.memory_space<vmem_shared>>) offsets(%arg5 : memref<200xi32, #tpu.memory_space<vmem>>) semaphore(%run_scoped3A : memref<!tpu.dma_semaphore, #tpu.memory_space<semaphore_mem>>) {add = true}
        %dma_wait3A = arith.constant 0 : i32
        %dma_wait3A_53 = arith.constant 0 : i32
        %dma_wait3A_54 = tpu.memref_slice %arg8[%dma_wait3A, %dma_wait3A_53] : memref<10000x32xf32, #tpu.memory_space<vmem_shared>> -> memref<10000x32xf32, #tpu.memory_space<vmem_shared>>
        tpu.wait_indirect_dma semaphore(%run_scoped3A : memref<!tpu.dma_semaphore, #tpu.memory_space<semaphore_mem>>) src(%arg6 : memref<200x32xf32, #tpu.memory_space<vmem>>) dst(%dma_wait3A_54 : memref<10000x32xf32, #tpu.memory_space<vmem_shared>>)
        tpu.yield
      }) : () -> ()
    }
    %scan3A_25 = arith.constant 25 : i32
    %barrier3A_26 = arith.constant 0 : index
    tpu.barrier barrier_id(%barrier3A_26)
    %add3A_27 = arith.constant 0 : i32
    %add3A_28 = arith.addi %mul3A_6, %add3A_27 : i32
    "tpu.region"() ({
      %run_scoped3A = tpu.sem_alloc : memref<!tpu.dma_semaphore, #tpu.memory_space<semaphore_mem>>
      %dma_start3A = arith.constant 0 : i32
      %dma_start3A_47 = tpu.memref_slice %arg8[%add3A_28, %dma_start3A] : memref<10000x32xf32, #tpu.memory_space<vmem_shared>> -> memref<200x32xf32, #tpu.memory_space<vmem_shared>>
      %dma_start3A_48 = arith.constant 0 : i32
      %dma_start3A_49 = tpu.memref_slice %arg8[%add3A_28, %dma_start3A_48] : memref<10000x32xf32, #tpu.memory_space<vmem_shared>> -> memref<200x32xf32, #tpu.memory_space<vmem_shared>>
      tpu.enqueue_dma source(%dma_start3A_49 : memref<200x32xf32, #tpu.memory_space<vmem_shared>>) target(%arg6 : memref<200x32xf32, #tpu.memory_space<vmem>>) target_semaphore(%run_scoped3A : memref<!tpu.dma_semaphore, #tpu.memory_space<semaphore_mem>>)
      %dma_wait3A = arith.constant 0 : i32
      %dma_wait3A_50 = tpu.memref_slice %arg8[%add3A_28, %dma_wait3A] : memref<10000x32xf32, #tpu.memory_space<vmem_shared>> -> memref<200x32xf32, #tpu.memory_space<vmem_shared>>
      %dma_wait3A_51 = arith.constant 0 : i32
      %dma_wait3A_52 = tpu.memref_slice %arg8[%add3A_28, %dma_wait3A_51] : memref<10000x32xf32, #tpu.memory_space<vmem_shared>> -> memref<200x32xf32, #tpu.memory_space<vmem_shared>>
      tpu.wait_dma2 semaphore(%run_scoped3A : memref<!tpu.dma_semaphore, #tpu.memory_space<semaphore_mem>>) src(%dma_wait3A_52 : memref<200x32xf32, #tpu.memory_space<vmem_shared>>) dst(%arg6 : memref<200x32xf32, #tpu.memory_space<vmem>>)
      tpu.yield
    }) : () -> ()
    %add3A_29 = arith.constant 0 : i32
    %add3A_30 = arith.addi %mul3A_6, %add3A_29 : i32
    "tpu.region"() ({
      %run_scoped3A = tpu.sem_alloc : memref<!tpu.dma_semaphore, #tpu.memory_space<semaphore_mem>>
      %dma_start3A = arith.constant 0 : i32
      %dma_start3A_47 = tpu.memref_slice %arg4[%arg0, %add3A_30, %dma_start3A] : memref<2x10000x32xf32, #tpu.memory_space<hbm>> -> memref<1x200x32xf32, #tpu.memory_space<hbm>>
      %dma_start3A_48 = tpu.memref_squeeze %dma_start3A_47 : memref<1x200x32xf32, #tpu.memory_space<hbm>> -> memref<200x32xf32, #tpu.memory_space<hbm>>
      %dma_start3A_49 = arith.constant 0 : i32
      %dma_start3A_50 = tpu.memref_slice %arg4[%arg0, %add3A_30, %dma_start3A_49] : memref<2x10000x32xf32, #tpu.memory_space<hbm>> -> memref<1x200x32xf32, #tpu.memory_space<hbm>>
      %dma_start3A_51 = tpu.memref_squeeze %dma_start3A_50 : memref<1x200x32xf32, #tpu.memory_space<hbm>> -> memref<200x32xf32, #tpu.memory_space<hbm>>
      tpu.enqueue_dma source(%arg6 : memref<200x32xf32, #tpu.memory_space<vmem>>) target(%dma_start3A_51 : memref<200x32xf32, #tpu.memory_space<hbm>>) target_semaphore(%run_scoped3A : memref<!tpu.dma_semaphore, #tpu.memory_space<semaphore_mem>>)
      %dma_wait3A = arith.constant 0 : i32
      %dma_wait3A_52 = tpu.memref_slice %arg4[%arg0, %add3A_30, %dma_wait3A] : memref<2x10000x32xf32, #tpu.memory_space<hbm>> -> memref<1x200x32xf32, #tpu.memory_space<hbm>>
      %dma_wait3A_53 = tpu.memref_squeeze %dma_wait3A_52 : memref<1x200x32xf32, #tpu.memory_space<hbm>> -> memref<200x32xf32, #tpu.memory_space<hbm>>
      %dma_wait3A_54 = arith.constant 0 : i32
      %dma_wait3A_55 = tpu.memref_slice %arg4[%arg0, %add3A_30, %dma_wait3A_54] : memref<2x10000x32xf32, #tpu.memory_space<hbm>> -> memref<1x200x32xf32, #tpu.memory_space<hbm>>
      %dma_wait3A_56 = tpu.memref_squeeze %dma_wait3A_55 : memref<1x200x32xf32, #tpu.memory_space<hbm>> -> memref<200x32xf32, #tpu.memory_space<hbm>>
      tpu.wait_dma2 semaphore(%run_scoped3A : memref<!tpu.dma_semaphore, #tpu.memory_space<semaphore_mem>>) src(%arg6 : memref<200x32xf32, #tpu.memory_space<vmem>>) dst(%dma_wait3A_56 : memref<200x32xf32, #tpu.memory_space<hbm>>)
      tpu.yield
    }) : () -> ()
    %add3A_31 = arith.constant 200 : i32
    %add3A_32 = arith.addi %mul3A_6, %add3A_31 : i32
    "tpu.region"() ({
      %run_scoped3A = tpu.sem_alloc : memref<!tpu.dma_semaphore, #tpu.memory_space<semaphore_mem>>
      %dma_start3A = arith.constant 0 : i32
      %dma_start3A_47 = tpu.memref_slice %arg8[%add3A_32, %dma_start3A] : memref<10000x32xf32, #tpu.memory_space<vmem_shared>> -> memref<200x32xf32, #tpu.memory_space<vmem_shared>>
      %dma_start3A_48 = arith.constant 0 : i32
      %dma_start3A_49 = tpu.memref_slice %arg8[%add3A_32, %dma_start3A_48] : memref<10000x32xf32, #tpu.memory_space<vmem_shared>> -> memref<200x32xf32, #tpu.memory_space<vmem_shared>>
      tpu.enqueue_dma source(%dma_start3A_49 : memref<200x32xf32, #tpu.memory_space<vmem_shared>>) target(%arg6 : memref<200x32xf32, #tpu.memory_space<vmem>>) target_semaphore(%run_scoped3A : memref<!tpu.dma_semaphore, #tpu.memory_space<semaphore_mem>>)
      %dma_wait3A = arith.constant 0 : i32
      %dma_wait3A_50 = tpu.memref_slice %arg8[%add3A_32, %dma_wait3A] : memref<10000x32xf32, #tpu.memory_space<vmem_shared>> -> memref<200x32xf32, #tpu.memory_space<vmem_shared>>
      %dma_wait3A_51 = arith.constant 0 : i32
      %dma_wait3A_52 = tpu.memref_slice %arg8[%add3A_32, %dma_wait3A_51] : memref<10000x32xf32, #tpu.memory_space<vmem_shared>> -> memref<200x32xf32, #tpu.memory_space<vmem_shared>>
      tpu.wait_dma2 semaphore(%run_scoped3A : memref<!tpu.dma_semaphore, #tpu.memory_space<semaphore_mem>>) src(%dma_wait3A_52 : memref<200x32xf32, #tpu.memory_space<vmem_shared>>) dst(%arg6 : memref<200x32xf32, #tpu.memory_space<vmem>>)
      tpu.yield
    }) : () -> ()
    %add3A_33 = arith.constant 200 : i32
    %add3A_34 = arith.addi %mul3A_6, %add3A_33 : i32
    "tpu.region"() ({
      %run_scoped3A = tpu.sem_alloc : memref<!tpu.dma_semaphore, #tpu.memory_space<semaphore_mem>>
      %dma_start3A = arith.constant 0 : i32
      %dma_start3A_47 = tpu.memref_slice %arg4[%arg0, %add3A_34, %dma_start3A] : memref<2x10000x32xf32, #tpu.memory_space<hbm>> -> memref<1x200x32xf32, #tpu.memory_space<hbm>>
      %dma_start3A_48 = tpu.memref_squeeze %dma_start3A_47 : memref<1x200x32xf32, #tpu.memory_space<hbm>> -> memref<200x32xf32, #tpu.memory_space<hbm>>
      %dma_start3A_49 = arith.constant 0 : i32
      %dma_start3A_50 = tpu.memref_slice %arg4[%arg0, %add3A_34, %dma_start3A_49] : memref<2x10000x32xf32, #tpu.memory_space<hbm>> -> memref<1x200x32xf32, #tpu.memory_space<hbm>>
      %dma_start3A_51 = tpu.memref_squeeze %dma_start3A_50 : memref<1x200x32xf32, #tpu.memory_space<hbm>> -> memref<200x32xf32, #tpu.memory_space<hbm>>
      tpu.enqueue_dma source(%arg6 : memref<200x32xf32, #tpu.memory_space<vmem>>) target(%dma_start3A_51 : memref<200x32xf32, #tpu.memory_space<hbm>>) target_semaphore(%run_scoped3A : memref<!tpu.dma_semaphore, #tpu.memory_space<semaphore_mem>>)
      %dma_wait3A = arith.constant 0 : i32
      %dma_wait3A_52 = tpu.memref_slice %arg4[%arg0, %add3A_34, %dma_wait3A] : memref<2x10000x32xf32, #tpu.memory_space<hbm>> -> memref<1x200x32xf32, #tpu.memory_space<hbm>>
      %dma_wait3A_53 = tpu.memref_squeeze %dma_wait3A_52 : memref<1x200x32xf32, #tpu.memory_space<hbm>> -> memref<200x32xf32, #tpu.memory_space<hbm>>
      %dma_wait3A_54 = arith.constant 0 : i32
      %dma_wait3A_55 = tpu.memref_slice %arg4[%arg0, %add3A_34, %dma_wait3A_54] : memref<2x10000x32xf32, #tpu.memory_space<hbm>> -> memref<1x200x32xf32, #tpu.memory_space<hbm>>
      %dma_wait3A_56 = tpu.memref_squeeze %dma_wait3A_55 : memref<1x200x32xf32, #tpu.memory_space<hbm>> -> memref<200x32xf32, #tpu.memory_space<hbm>>
      tpu.wait_dma2 semaphore(%run_scoped3A : memref<!tpu.dma_semaphore, #tpu.memory_space<semaphore_mem>>) src(%arg6 : memref<200x32xf32, #tpu.memory_space<vmem>>) dst(%dma_wait3A_56 : memref<200x32xf32, #tpu.memory_space<hbm>>)
      tpu.yield
    }) : () -> ()
    %add3A_35 = arith.constant 400 : i32
    %add3A_36 = arith.addi %mul3A_6, %add3A_35 : i32
    "tpu.region"() ({
      %run_scoped3A = tpu.sem_alloc : memref<!tpu.dma_semaphore, #tpu.memory_space<semaphore_mem>>
      %dma_start3A = arith.constant 0 : i32
      %dma_start3A_47 = tpu.memref_slice %arg8[%add3A_36, %dma_start3A] : memref<10000x32xf32, #tpu.memory_space<vmem_shared>> -> memref<200x32xf32, #tpu.memory_space<vmem_shared>>
      %dma_start3A_48 = arith.constant 0 : i32
      %dma_start3A_49 = tpu.memref_slice %arg8[%add3A_36, %dma_start3A_48] : memref<10000x32xf32, #tpu.memory_space<vmem_shared>> -> memref<200x32xf32, #tpu.memory_space<vmem_shared>>
      tpu.enqueue_dma source(%dma_start3A_49 : memref<200x32xf32, #tpu.memory_space<vmem_shared>>) target(%arg6 : memref<200x32xf32, #tpu.memory_space<vmem>>) target_semaphore(%run_scoped3A : memref<!tpu.dma_semaphore, #tpu.memory_space<semaphore_mem>>)
      %dma_wait3A = arith.constant 0 : i32
      %dma_wait3A_50 = tpu.memref_slice %arg8[%add3A_36, %dma_wait3A] : memref<10000x32xf32, #tpu.memory_space<vmem_shared>> -> memref<200x32xf32, #tpu.memory_space<vmem_shared>>
      %dma_wait3A_51 = arith.constant 0 : i32
      %dma_wait3A_52 = tpu.memref_slice %arg8[%add3A_36, %dma_wait3A_51] : memref<10000x32xf32, #tpu.memory_space<vmem_shared>> -> memref<200x32xf32, #tpu.memory_space<vmem_shared>>
      tpu.wait_dma2 semaphore(%run_scoped3A : memref<!tpu.dma_semaphore, #tpu.memory_space<semaphore_mem>>) src(%dma_wait3A_52 : memref<200x32xf32, #tpu.memory_space<vmem_shared>>) dst(%arg6 : memref<200x32xf32, #tpu.memory_space<vmem>>)
      tpu.yield
    }) : () -> ()
    %add3A_37 = arith.constant 400 : i32
    %add3A_38 = arith.addi %mul3A_6, %add3A_37 : i32
    "tpu.region"() ({
      %run_scoped3A = tpu.sem_alloc : memref<!tpu.dma_semaphore, #tpu.memory_space<semaphore_mem>>
      %dma_start3A = arith.constant 0 : i32
      %dma_start3A_47 = tpu.memref_slice %arg4[%arg0, %add3A_38, %dma_start3A] : memref<2x10000x32xf32, #tpu.memory_space<hbm>> -> memref<1x200x32xf32, #tpu.memory_space<hbm>>
      %dma_start3A_48 = tpu.memref_squeeze %dma_start3A_47 : memref<1x200x32xf32, #tpu.memory_space<hbm>> -> memref<200x32xf32, #tpu.memory_space<hbm>>
      %dma_start3A_49 = arith.constant 0 : i32
      %dma_start3A_50 = tpu.memref_slice %arg4[%arg0, %add3A_38, %dma_start3A_49] : memref<2x10000x32xf32, #tpu.memory_space<hbm>> -> memref<1x200x32xf32, #tpu.memory_space<hbm>>
      %dma_start3A_51 = tpu.memref_squeeze %dma_start3A_50 : memref<1x200x32xf32, #tpu.memory_space<hbm>> -> memref<200x32xf32, #tpu.memory_space<hbm>>
      tpu.enqueue_dma source(%arg6 : memref<200x32xf32, #tpu.memory_space<vmem>>) target(%dma_start3A_51 : memref<200x32xf32, #tpu.memory_space<hbm>>) target_semaphore(%run_scoped3A : memref<!tpu.dma_semaphore, #tpu.memory_space<semaphore_mem>>)
      %dma_wait3A = arith.constant 0 : i32
      %dma_wait3A_52 = tpu.memref_slice %arg4[%arg0, %add3A_38, %dma_wait3A] : memref<2x10000x32xf32, #tpu.memory_space<hbm>> -> memref<1x200x32xf32, #tpu.memory_space<hbm>>
      %dma_wait3A_53 = tpu.memref_squeeze %dma_wait3A_52 : memref<1x200x32xf32, #tpu.memory_space<hbm>> -> memref<200x32xf32, #tpu.memory_space<hbm>>
      %dma_wait3A_54 = arith.constant 0 : i32
      %dma_wait3A_55 = tpu.memref_slice %arg4[%arg0, %add3A_38, %dma_wait3A_54] : memref<2x10000x32xf32, #tpu.memory_space<hbm>> -> memref<1x200x32xf32, #tpu.memory_space<hbm>>
      %dma_wait3A_56 = tpu.memref_squeeze %dma_wait3A_55 : memref<1x200x32xf32, #tpu.memory_space<hbm>> -> memref<200x32xf32, #tpu.memory_space<hbm>>
      tpu.wait_dma2 semaphore(%run_scoped3A : memref<!tpu.dma_semaphore, #tpu.memory_space<semaphore_mem>>) src(%arg6 : memref<200x32xf32, #tpu.memory_space<vmem>>) dst(%dma_wait3A_56 : memref<200x32xf32, #tpu.memory_space<hbm>>)
      tpu.yield
    }) : () -> ()
    %add3A_39 = arith.constant 625 : i32
    %add3A_40 = arith.addi %mul3A_6, %add3A_39 : i32
    %sub3A_41 = arith.constant 25 : i32
    %sub3A_42 = arith.subi %add3A_40, %sub3A_41 : i32
    "tpu.region"() ({
      %run_scoped3A = tpu.sem_alloc : memref<!tpu.dma_semaphore, #tpu.memory_space<semaphore_mem>>
      %dma_start3A = arith.constant 0 : i32
      %dma_start3A_47 = arith.constant 0 : i32
      %dma_start3A_48 = tpu.memref_slice %arg6[%dma_start3A, %dma_start3A_47] : memref<200x32xf32, #tpu.memory_space<vmem>> -> memref<25x32xf32, #tpu.memory_space<vmem>>
      %dma_start3A_49 = arith.constant 0 : i32
      %dma_start3A_50 = tpu.memref_slice %arg8[%sub3A_42, %dma_start3A_49] : memref<10000x32xf32, #tpu.memory_space<vmem_shared>> -> memref<25x32xf32, #tpu.memory_space<vmem_shared>>
      %dma_start3A_51 = arith.constant 0 : i32
      %dma_start3A_52 = arith.constant 0 : i32
      %dma_start3A_53 = tpu.memref_slice %arg6[%dma_start3A_51, %dma_start3A_52] : memref<200x32xf32, #tpu.memory_space<vmem>> -> memref<25x32xf32, #tpu.memory_space<vmem>>
      %dma_start3A_54 = arith.constant 0 : i32
      %dma_start3A_55 = tpu.memref_slice %arg8[%sub3A_42, %dma_start3A_54] : memref<10000x32xf32, #tpu.memory_space<vmem_shared>> -> memref<25x32xf32, #tpu.memory_space<vmem_shared>>
      tpu.enqueue_dma source(%dma_start3A_55 : memref<25x32xf32, #tpu.memory_space<vmem_shared>>) target(%dma_start3A_53 : memref<25x32xf32, #tpu.memory_space<vmem>>) target_semaphore(%run_scoped3A : memref<!tpu.dma_semaphore, #tpu.memory_space<semaphore_mem>>)
      %dma_wait3A = arith.constant 0 : i32
      %dma_wait3A_56 = arith.constant 0 : i32
      %dma_wait3A_57 = tpu.memref_slice %arg6[%dma_wait3A, %dma_wait3A_56] : memref<200x32xf32, #tpu.memory_space<vmem>> -> memref<25x32xf32, #tpu.memory_space<vmem>>
      %dma_wait3A_58 = arith.constant 0 : i32
      %dma_wait3A_59 = tpu.memref_slice %arg8[%sub3A_42, %dma_wait3A_58] : memref<10000x32xf32, #tpu.memory_space<vmem_shared>> -> memref<25x32xf32, #tpu.memory_space<vmem_shared>>
      %dma_wait3A_60 = arith.constant 0 : i32
      %dma_wait3A_61 = arith.constant 0 : i32
      %dma_wait3A_62 = tpu.memref_slice %arg6[%dma_wait3A_60, %dma_wait3A_61] : memref<200x32xf32, #tpu.memory_space<vmem>> -> memref<25x32xf32, #tpu.memory_space<vmem>>
      %dma_wait3A_63 = arith.constant 0 : i32
      %dma_wait3A_64 = tpu.memref_slice %arg8[%sub3A_42, %dma_wait3A_63] : memref<10000x32xf32, #tpu.memory_space<vmem_shared>> -> memref<25x32xf32, #tpu.memory_space<vmem_shared>>
      tpu.wait_dma2 semaphore(%run_scoped3A : memref<!tpu.dma_semaphore, #tpu.memory_space<semaphore_mem>>) src(%dma_wait3A_64 : memref<25x32xf32, #tpu.memory_space<vmem_shared>>) dst(%dma_wait3A_62 : memref<25x32xf32, #tpu.memory_space<vmem>>)
      tpu.yield
    }) : () -> ()
    %add3A_43 = arith.constant 625 : i32
    %add3A_44 = arith.addi %mul3A_6, %add3A_43 : i32
    %sub3A_45 = arith.constant 25 : i32
    %sub3A_46 = arith.subi %add3A_44, %sub3A_45 : i32
    "tpu.region"() ({
      %run_scoped3A = tpu.sem_alloc : memref<!tpu.dma_semaphore, #tpu.memory_space<semaphore_mem>>
      %dma_start3A = arith.constant 0 : i32
      %dma_start3A_47 = arith.constant 0 : i32
      %dma_start3A_48 = tpu.memref_slice %arg6[%dma_start3A, %dma_start3A_47] : memref<200x32xf32, #tpu.memory_space<vmem>> -> memref<25x32xf32, #tpu.memory_space<vmem>>
      %dma_start3A_49 = arith.constant 0 : i32
      %dma_start3A_50 = tpu.memref_slice %arg4[%arg0, %sub3A_46, %dma_start3A_49] : memref<2x10000x32xf32, #tpu.memory_space<hbm>> -> memref<1x25x32xf32, #tpu.memory_space<hbm>>
      %dma_start3A_51 = tpu.memref_squeeze %dma_start3A_50 : memref<1x25x32xf32, #tpu.memory_space<hbm>> -> memref<25x32xf32, #tpu.memory_space<hbm>>
      %dma_start3A_52 = arith.constant 0 : i32
      %dma_start3A_53 = tpu.memref_slice %arg4[%arg0, %sub3A_46, %dma_start3A_52] : memref<2x10000x32xf32, #tpu.memory_space<hbm>> -> memref<1x25x32xf32, #tpu.memory_space<hbm>>
      %dma_start3A_54 = tpu.memref_squeeze %dma_start3A_53 : memref<1x25x32xf32, #tpu.memory_space<hbm>> -> memref<25x32xf32, #tpu.memory_space<hbm>>
      %dma_start3A_55 = arith.constant 0 : i32
      %dma_start3A_56 = arith.constant 0 : i32
      %dma_start3A_57 = tpu.memref_slice %arg6[%dma_start3A_55, %dma_start3A_56] : memref<200x32xf32, #tpu.memory_space<vmem>> -> memref<25x32xf32, #tpu.memory_space<vmem>>
      tpu.enqueue_dma source(%dma_start3A_57 : memref<25x32xf32, #tpu.memory_space<vmem>>) target(%dma_start3A_54 : memref<25x32xf32, #tpu.memory_space<hbm>>) target_semaphore(%run_scoped3A : memref<!tpu.dma_semaphore, #tpu.memory_space<semaphore_mem>>)
      %dma_wait3A = arith.constant 0 : i32
      %dma_wait3A_58 = arith.constant 0 : i32
      %dma_wait3A_59 = tpu.memref_slice %arg6[%dma_wait3A, %dma_wait3A_58] : memref<200x32xf32, #tpu.memory_space<vmem>> -> memref<25x32xf32, #tpu.memory_space<vmem>>
      %dma_wait3A_60 = arith.constant 0 : i32
      %dma_wait3A_61 = tpu.memref_slice %arg4[%arg0, %sub3A_46, %dma_wait3A_60] : memref<2x10000x32xf32, #tpu.memory_space<hbm>> -> memref<1x25x32xf32, #tpu.memory_space<hbm>>
      %dma_wait3A_62 = tpu.memref_squeeze %dma_wait3A_61 : memref<1x25x32xf32, #tpu.memory_space<hbm>> -> memref<25x32xf32, #tpu.memory_space<hbm>>
      %dma_wait3A_63 = arith.constant 0 : i32
      %dma_wait3A_64 = tpu.memref_slice %arg4[%arg0, %sub3A_46, %dma_wait3A_63] : memref<2x10000x32xf32, #tpu.memory_space<hbm>> -> memref<1x25x32xf32, #tpu.memory_space<hbm>>
      %dma_wait3A_65 = tpu.memref_squeeze %dma_wait3A_64 : memref<1x25x32xf32, #tpu.memory_space<hbm>> -> memref<25x32xf32, #tpu.memory_space<hbm>>
      %dma_wait3A_66 = arith.constant 0 : i32
      %dma_wait3A_67 = arith.constant 0 : i32
      %dma_wait3A_68 = tpu.memref_slice %arg6[%dma_wait3A_66, %dma_wait3A_67] : memref<200x32xf32, #tpu.memory_space<vmem>> -> memref<25x32xf32, #tpu.memory_space<vmem>>
      tpu.wait_dma2 semaphore(%run_scoped3A : memref<!tpu.dma_semaphore, #tpu.memory_space<semaphore_mem>>) src(%dma_wait3A_68 : memref<25x32xf32, #tpu.memory_space<vmem>>) dst(%dma_wait3A_65 : memref<25x32xf32, #tpu.memory_space<hbm>>)
      tpu.yield
    }) : () -> ()
    return
  }
}

module attributes {stable_mosaic.version = 14 : i64} {
  func.func @_cmlp_body(%arg0: i32, %arg1: memref<2000x144xf32, #tpu.memory_space<vmem>>, %arg2: memref<2000x9xf32, #tpu.memory_space<vmem>>, %arg3: memref<2000x1xf32, #tpu.memory_space<vmem>>, %arg4: memref<144x288xf32, #tpu.memory_space<vmem>>, %arg5: memref<288x288xf32, #tpu.memory_space<vmem>>, %arg6: memref<9x288xf32, #tpu.memory_space<vmem>>, %arg7: memref<288x32xf32, #tpu.memory_space<vmem>>, %arg8: memref<2000x288xbf16, #tpu.memory_space<vmem>>, %arg9: memref<2000x32xf32, #tpu.memory_space<vmem>>) attributes {dimension_semantics = [#tpu.dimension_semantics<arbitrary>], iteration_bounds = array<i64: 80>, scalar_prefetch = 0 : i64, scratch_operands = 0 : i64, tpu.core_type = #tpu.core_type<tc>, window_params = [{transform_indices = @transform_0, window_bounds = array<i64: 2000, 144>}, {transform_indices = @transform_1, window_bounds = array<i64: 2000, 9>}, {transform_indices = @transform_2, window_bounds = array<i64: 2000, 1>}, {pipeline_mode = #tpu.pipeline_mode<synchronous>, transform_indices = @transform_3, window_bounds = array<i64: 144, 288>}, {pipeline_mode = #tpu.pipeline_mode<synchronous>, transform_indices = @transform_4, window_bounds = array<i64: 288, 288>}, {pipeline_mode = #tpu.pipeline_mode<synchronous>, transform_indices = @transform_5, window_bounds = array<i64: 9, 288>}, {pipeline_mode = #tpu.pipeline_mode<synchronous>, transform_indices = @transform_6, window_bounds = array<i64: 288, 32>}, {transform_indices = @transform_7, window_bounds = array<i64: 2000, 288>}, {transform_indices = @transform_8, window_bounds = array<i64: 2000, 32>}]} {
    %get3A = arith.constant 0 : index
    %get3A_0 = arith.constant 0 : index
    %get3A_1 = vector.load %arg1[%get3A, %get3A_0] : memref<2000x144xf32, #tpu.memory_space<vmem>>, vector<2000x144xf32>
    %get3A_2 = arith.constant 0 : index
    %get3A_3 = arith.constant 0 : index
    %get3A_4 = vector.load %arg4[%get3A_2, %get3A_3] : memref<144x288xf32, #tpu.memory_space<vmem>>, vector<144x288xf32>
    %dot_general3A = arith.constant dense<0.000000e+00> : vector<2000x288xf32>
    %dot_general3A_5 = tpu.matmul %get3A_1, %get3A_4, %dot_general3A {dimension_numbers = #tpu.dot_dimension_numbers<[1], [0], [0], [1], [0, 0, 1, 1], [], []>, transpose_lhs_hint = false} : vector<2000x144xf32>, vector<144x288xf32>, vector<2000x288xf32> -> vector<2000x288xf32>
    %logistic3A = arith.negf %dot_general3A_5 : vector<2000x288xf32>
    %logistic3A_6 = math.exp %logistic3A : vector<2000x288xf32>
    %logistic3A_7 = arith.constant 1.000000e+00 : f32
    %logistic3A_8 = vector.broadcast %logistic3A_7 : f32 to vector<2000x288xf32>
    %logistic3A_9 = arith.addf %logistic3A_8, %logistic3A_6 : vector<2000x288xf32>
    %logistic3A_10 = arith.divf %logistic3A_8, %logistic3A_9 : vector<2000x288xf32>
    %mul3A = arith.mulf %dot_general3A_5, %logistic3A_10 : vector<2000x288xf32>
    %get3A_11 = arith.constant 0 : index
    %get3A_12 = arith.constant 0 : index
    %get3A_13 = vector.load %arg5[%get3A_11, %get3A_12] : memref<288x288xf32, #tpu.memory_space<vmem>>, vector<288x288xf32>
    %dot_general3A_14 = arith.constant dense<0.000000e+00> : vector<2000x288xf32>
    %dot_general3A_15 = tpu.matmul %mul3A, %get3A_13, %dot_general3A_14 {dimension_numbers = #tpu.dot_dimension_numbers<[1], [0], [0], [1], [0, 0, 1, 1], [], []>, transpose_lhs_hint = false} : vector<2000x288xf32>, vector<288x288xf32>, vector<2000x288xf32> -> vector<2000x288xf32>
    %logistic3A_16 = arith.negf %dot_general3A_15 : vector<2000x288xf32>
    %logistic3A_17 = math.exp %logistic3A_16 : vector<2000x288xf32>
    %logistic3A_18 = arith.constant 1.000000e+00 : f32
    %logistic3A_19 = vector.broadcast %logistic3A_18 : f32 to vector<2000x288xf32>
    %logistic3A_20 = arith.addf %logistic3A_19, %logistic3A_17 : vector<2000x288xf32>
    %logistic3A_21 = arith.divf %logistic3A_19, %logistic3A_20 : vector<2000x288xf32>
    %mul3A_22 = arith.mulf %dot_general3A_15, %logistic3A_21 : vector<2000x288xf32>
    %get3A_23 = arith.constant 0 : index
    %get3A_24 = arith.constant 0 : index
    %get3A_25 = vector.load %arg2[%get3A_23, %get3A_24] : memref<2000x9xf32, #tpu.memory_space<vmem>>, vector<2000x9xf32>
    %get3A_26 = arith.constant 0 : index
    %get3A_27 = arith.constant 0 : index
    %get3A_28 = vector.load %arg3[%get3A_26, %get3A_27] : memref<2000x1xf32, #tpu.memory_space<vmem>>, vector<2000x1xf32>
    %mul3A_29 = vector.broadcast %get3A_28 : vector<2000x1xf32> to vector<2000x9xf32>
    %mul3A_30 = arith.mulf %get3A_25, %mul3A_29 : vector<2000x9xf32>
    %get3A_31 = arith.constant 0 : index
    %get3A_32 = arith.constant 0 : index
    %get3A_33 = vector.load %arg6[%get3A_31, %get3A_32] : memref<9x288xf32, #tpu.memory_space<vmem>>, vector<9x288xf32>
    %dot_general3A_34 = arith.constant dense<0.000000e+00> : vector<2000x288xf32>
    %dot_general3A_35 = tpu.matmul %mul3A_30, %get3A_33, %dot_general3A_34 {dimension_numbers = #tpu.dot_dimension_numbers<[1], [0], [0], [1], [0, 0, 1, 1], [], []>, transpose_lhs_hint = false} : vector<2000x9xf32>, vector<9x288xf32>, vector<2000x288xf32> -> vector<2000x288xf32>
    %mul3A_36 = arith.mulf %mul3A_22, %dot_general3A_35 : vector<2000x288xf32>
    %convert_element_type3A = arith.truncf %mul3A_36 : vector<2000x288xf32> to vector<2000x288xbf16>
    %swap3A = arith.constant 0 : index
    %swap3A_37 = arith.constant 0 : index
    %swap3A_38 = vector.load %arg8[%swap3A, %swap3A_37] : memref<2000x288xbf16, #tpu.memory_space<vmem>>, vector<2000x288xbf16>
    tpu.vector_store %arg8[%swap3A, %swap3A_37], %convert_element_type3A {strides = array<i32>} : memref<2000x288xbf16, #tpu.memory_space<vmem>>, vector<2000x288xbf16>,
    %get3A_39 = arith.constant 0 : index
    %get3A_40 = arith.constant 0 : index
    %get3A_41 = vector.load %arg7[%get3A_39, %get3A_40] : memref<288x32xf32, #tpu.memory_space<vmem>>, vector<288x32xf32>
    %dot_general3A_42 = arith.constant dense<0.000000e+00> : vector<2000x32xf32>
    %dot_general3A_43 = tpu.matmul %mul3A_36, %get3A_41, %dot_general3A_42 {dimension_numbers = #tpu.dot_dimension_numbers<[1], [0], [0], [1], [0, 0, 1, 1], [], []>, transpose_lhs_hint = false} : vector<2000x288xf32>, vector<288x32xf32>, vector<2000x32xf32> -> vector<2000x32xf32>
    %swap3A_44 = arith.constant 0 : index
    %swap3A_45 = arith.constant 0 : index
    %swap3A_46 = vector.load %arg9[%swap3A_44, %swap3A_45] : memref<2000x32xf32, #tpu.memory_space<vmem>>, vector<2000x32xf32>
    tpu.vector_store %arg9[%swap3A_44, %swap3A_45], %dot_general3A_43 {strides = array<i32>} : memref<2000x32xf32, #tpu.memory_space<vmem>>, vector<2000x32xf32>,
    return
  }
  func.func @transform_0(%arg0: i32) -> (i32, i32) {
    %c0_i32 = arith.constant 0 : i32
    %c0_i32_0 = arith.constant 0 : i32
    return %arg0, %c0_i32 : i32, i32
  }
  func.func @transform_1(%arg0: i32) -> (i32, i32) {
    %c0_i32 = arith.constant 0 : i32
    %c0_i32_0 = arith.constant 0 : i32
    return %arg0, %c0_i32 : i32, i32
  }
  func.func @transform_2(%arg0: i32) -> (i32, i32) {
    %c0_i32 = arith.constant 0 : i32
    %c0_i32_0 = arith.constant 0 : i32
    return %arg0, %c0_i32 : i32, i32
  }
  func.func @transform_3(%arg0: i32) -> (i32, i32) {
    %c0_i32 = arith.constant 0 : i32
    %c0_i32_0 = arith.constant 0 : i32
    %c0_i32_1 = arith.constant 0 : i32
    return %c0_i32, %c0_i32_0 : i32, i32
  }
  func.func @transform_4(%arg0: i32) -> (i32, i32) {
    %c0_i32 = arith.constant 0 : i32
    %c0_i32_0 = arith.constant 0 : i32
    %c0_i32_1 = arith.constant 0 : i32
    return %c0_i32, %c0_i32_0 : i32, i32
  }
  func.func @transform_5(%arg0: i32) -> (i32, i32) {
    %c0_i32 = arith.constant 0 : i32
    %c0_i32_0 = arith.constant 0 : i32
    %c0_i32_1 = arith.constant 0 : i32
    return %c0_i32, %c0_i32_0 : i32, i32
  }
  func.func @transform_6(%arg0: i32) -> (i32, i32) {
    %c0_i32 = arith.constant 0 : i32
    %c0_i32_0 = arith.constant 0 : i32
    %c0_i32_1 = arith.constant 0 : i32
    return %c0_i32, %c0_i32_0 : i32, i32
  }
  func.func @transform_7(%arg0: i32) -> (i32, i32) {
    %c0_i32 = arith.constant 0 : i32
    %c0_i32_0 = arith.constant 0 : i32
    return %arg0, %c0_i32 : i32, i32
  }
  func.func @transform_8(%arg0: i32) -> (i32, i32) {
    %c0_i32 = arith.constant 0 : i32
    %c0_i32_0 = arith.constant 0 : i32
    return %arg0, %c0_i32 : i32, i32
  }
}

module attributes {stable_mosaic.version = 14 : i64} {
  func.func @_prenode_body(%arg0: i32, %arg1: memref<2000x128xf32, #tpu.memory_space<vmem>>, %arg2: memref<128x64xf32, #tpu.memory_space<vmem>>, %arg3: memref<1x64xf32, #tpu.memory_space<vmem>>, %arg4: memref<2000x32xf32, #tpu.memory_space<vmem>>, %arg5: memref<2000x32xf32, #tpu.memory_space<vmem>>) attributes {dimension_semantics = [#tpu.dimension_semantics<arbitrary>], iteration_bounds = array<i64: 5>, scalar_prefetch = 0 : i64, scratch_operands = 0 : i64, tpu.core_type = #tpu.core_type<tc>, window_params = [{transform_indices = @transform_0, window_bounds = array<i64: 2000, 128>}, {pipeline_mode = #tpu.pipeline_mode<synchronous>, transform_indices = @transform_1, window_bounds = array<i64: 128, 64>}, {pipeline_mode = #tpu.pipeline_mode<synchronous>, transform_indices = @transform_2, window_bounds = array<i64: 1, 64>}, {transform_indices = @transform_3, window_bounds = array<i64: 2000, 32>}, {transform_indices = @transform_4, window_bounds = array<i64: 2000, 32>}]} {
    %get3A = arith.constant 0 : index
    %get3A_0 = arith.constant 0 : index
    %get3A_1 = vector.load %arg1[%get3A, %get3A_0] : memref<2000x128xf32, #tpu.memory_space<vmem>>, vector<2000x128xf32>
    %get3A_2 = arith.constant 0 : index
    %get3A_3 = arith.constant 0 : index
    %get3A_4 = vector.load %arg2[%get3A_2, %get3A_3] : memref<128x64xf32, #tpu.memory_space<vmem>>, vector<128x64xf32>
    %dot_general3A = arith.constant dense<0.000000e+00> : vector<2000x64xf32>
    %dot_general3A_5 = tpu.matmul %get3A_1, %get3A_4, %dot_general3A {dimension_numbers = #tpu.dot_dimension_numbers<[1], [0], [0], [1], [0, 0, 1, 1], [], []>, transpose_lhs_hint = false} : vector<2000x128xf32>, vector<128x64xf32>, vector<2000x64xf32> -> vector<2000x64xf32>
    %get3A_6 = arith.constant 0 : index
    %get3A_7 = arith.constant 0 : index
    %get3A_8 = vector.load %arg3[%get3A_6, %get3A_7] : memref<1x64xf32, #tpu.memory_space<vmem>>, vector<1x64xf32>
    %add3A = vector.broadcast %get3A_8 : vector<1x64xf32> to vector<2000x64xf32>
    %add3A_9 = arith.addf %dot_general3A_5, %add3A : vector<2000x64xf32>
    %slice3A = vector.extract_strided_slice %add3A_9 {offsets = [0, 0], sizes = [2000, 32], strides = [1, 1]} : vector<2000x64xf32> to vector<2000x32xf32>
    %swap3A = arith.constant 0 : index
    %swap3A_10 = arith.constant 0 : index
    %swap3A_11 = vector.load %arg4[%swap3A, %swap3A_10] : memref<2000x32xf32, #tpu.memory_space<vmem>>, vector<2000x32xf32>
    tpu.vector_store %arg4[%swap3A, %swap3A_10], %slice3A {strides = array<i32>} : memref<2000x32xf32, #tpu.memory_space<vmem>>, vector<2000x32xf32>,
    %slice3A_12 = vector.extract_strided_slice %add3A_9 {offsets = [0, 32], sizes = [2000, 32], strides = [1, 1]} : vector<2000x64xf32> to vector<2000x32xf32>
    %logistic3A = arith.negf %slice3A_12 : vector<2000x32xf32>
    %logistic3A_13 = math.exp %logistic3A : vector<2000x32xf32>
    %logistic3A_14 = arith.constant 1.000000e+00 : f32
    %logistic3A_15 = vector.broadcast %logistic3A_14 : f32 to vector<2000x32xf32>
    %logistic3A_16 = arith.addf %logistic3A_15, %logistic3A_13 : vector<2000x32xf32>
    %logistic3A_17 = arith.divf %logistic3A_15, %logistic3A_16 : vector<2000x32xf32>
    %swap3A_18 = arith.constant 0 : index
    %swap3A_19 = arith.constant 0 : index
    %swap3A_20 = vector.load %arg5[%swap3A_18, %swap3A_19] : memref<2000x32xf32, #tpu.memory_space<vmem>>, vector<2000x32xf32>
    tpu.vector_store %arg5[%swap3A_18, %swap3A_19], %logistic3A_17 {strides = array<i32>} : memref<2000x32xf32, #tpu.memory_space<vmem>>, vector<2000x32xf32>,
    return
  }
  func.func @transform_0(%arg0: i32) -> (i32, i32) {
    %c0_i32 = arith.constant 0 : i32
    %c0_i32_0 = arith.constant 0 : i32
    return %arg0, %c0_i32 : i32, i32
  }
  func.func @transform_1(%arg0: i32) -> (i32, i32) {
    %c0_i32 = arith.constant 0 : i32
    %c0_i32_0 = arith.constant 0 : i32
    %c0_i32_1 = arith.constant 0 : i32
    return %c0_i32, %c0_i32_0 : i32, i32
  }
  func.func @transform_2(%arg0: i32) -> (i32, i32) {
    %c0_i32 = arith.constant 0 : i32
    %c0_i32_0 = arith.constant 0 : i32
    %c0_i32_1 = arith.constant 0 : i32
    return %c0_i32, %c0_i32_0 : i32, i32
  }
  func.func @transform_3(%arg0: i32) -> (i32, i32) {
    %c0_i32 = arith.constant 0 : i32
    %c0_i32_0 = arith.constant 0 : i32
    return %arg0, %c0_i32 : i32, i32
  }
  func.func @transform_4(%arg0: i32) -> (i32, i32) {
    %c0_i32 = arith.constant 0 : i32
    %c0_i32_0 = arith.constant 0 : i32
    return %arg0, %c0_i32 : i32, i32
  }
}

module attributes {stable_mosaic.version = 14 : i64} {
  func.func @_post_body(%arg0: i32, %arg1: memref<2000x32xf32, #tpu.memory_space<vmem>>, %arg2: memref<2000x32xf32, #tpu.memory_space<vmem>>, %arg3: memref<2000x32xf32, #tpu.memory_space<vmem>>, %arg4: memref<2000x32xf32, #tpu.memory_space<vmem>>, %arg5: memref<32x32xf32, #tpu.memory_space<vmem>>, %arg6: memref<1x32xf32, #tpu.memory_space<vmem>>, %arg7: memref<32x32xf32, #tpu.memory_space<vmem>>, %arg8: memref<1x32xf32, #tpu.memory_space<vmem>>, %arg9: memref<32x32xf32, #tpu.memory_space<vmem>>, %arg10: memref<32x32xf32, #tpu.memory_space<vmem>>, %arg11: memref<32x32xf32, #tpu.memory_space<vmem>>, %arg12: memref<1x32xf32, #tpu.memory_space<vmem>>, %arg13: memref<32x32xf32, #tpu.memory_space<vmem>>, %arg14: memref<1x32xf32, #tpu.memory_space<vmem>>, %arg15: memref<2000x32xf32, #tpu.memory_space<vmem>>) attributes {dimension_semantics = [#tpu.dimension_semantics<arbitrary>], iteration_bounds = array<i64: 80>, scalar_prefetch = 0 : i64, scratch_operands = 0 : i64, tpu.core_type = #tpu.core_type<tc>, window_params = [{transform_indices = @transform_0, window_bounds = array<i64: 2000, 32>}, {transform_indices = @transform_1, window_bounds = array<i64: 2000, 32>}, {transform_indices = @transform_2, window_bounds = array<i64: 2000, 32>}, {transform_indices = @transform_3, window_bounds = array<i64: 2000, 32>}, {pipeline_mode = #tpu.pipeline_mode<synchronous>, transform_indices = @transform_4, window_bounds = array<i64: 32, 32>}, {pipeline_mode = #tpu.pipeline_mode<synchronous>, transform_indices = @transform_5, window_bounds = array<i64: 1, 32>}, {pipeline_mode = #tpu.pipeline_mode<synchronous>, transform_indices = @transform_6, window_bounds = array<i64: 32, 32>}, {pipeline_mode = #tpu.pipeline_mode<synchronous>, transform_indices = @transform_7, window_bounds = array<i64: 1, 32>}, {pipeline_mode = #tpu.pipeline_mode<synchronous>, transform_indices = @transform_8, window_bounds = array<i64: 32, 32>}, {pipeline_mode = #tpu.pipeline_mode<synchronous>, transform_indices = @transform_9, window_bounds = array<i64: 32, 32>}, {pipeline_mode = #tpu.pipeline_mode<synchronous>, transform_indices = @transform_10, window_bounds = array<i64: 32, 32>}, {pipeline_mode = #tpu.pipeline_mode<synchronous>, transform_indices = @transform_11, window_bounds = array<i64: 1, 32>}, {pipeline_mode = #tpu.pipeline_mode<synchronous>, transform_indices = @transform_12, window_bounds = array<i64: 32, 32>}, {pipeline_mode = #tpu.pipeline_mode<synchronous>, transform_indices = @transform_13, window_bounds = array<i64: 1, 32>}, {transform_indices = @transform_14, window_bounds = array<i64: 2000, 32>}]} {
    %get3A = arith.constant 0 : index
    %get3A_0 = arith.constant 0 : index
    %get3A_1 = vector.load %arg1[%get3A, %get3A_0] : memref<2000x32xf32, #tpu.memory_space<vmem>>, vector<2000x32xf32>
    %get3A_2 = arith.constant 0 : index
    %get3A_3 = arith.constant 0 : index
    %get3A_4 = vector.load %arg5[%get3A_2, %get3A_3] : memref<32x32xf32, #tpu.memory_space<vmem>>, vector<32x32xf32>
    %dot_general3A = arith.constant dense<0.000000e+00> : vector<2000x32xf32>
    %dot_general3A_5 = tpu.matmul %get3A_1, %get3A_4, %dot_general3A {dimension_numbers = #tpu.dot_dimension_numbers<[1], [0], [0], [1], [0, 0, 1, 1], [], []>, transpose_lhs_hint = false} : vector<2000x32xf32>, vector<32x32xf32>, vector<2000x32xf32> -> vector<2000x32xf32>
    %get3A_6 = arith.constant 0 : index
    %get3A_7 = arith.constant 0 : index
    %get3A_8 = vector.load %arg6[%get3A_6, %get3A_7] : memref<1x32xf32, #tpu.memory_space<vmem>>, vector<1x32xf32>
    %add3A = vector.broadcast %get3A_8 : vector<1x32xf32> to vector<2000x32xf32>
    %add3A_9 = arith.addf %dot_general3A_5, %add3A : vector<2000x32xf32>
    %logistic3A = arith.negf %add3A_9 : vector<2000x32xf32>
    %logistic3A_10 = math.exp %logistic3A : vector<2000x32xf32>
    %logistic3A_11 = arith.constant 1.000000e+00 : f32
    %logistic3A_12 = vector.broadcast %logistic3A_11 : f32 to vector<2000x32xf32>
    %logistic3A_13 = arith.addf %logistic3A_12, %logistic3A_10 : vector<2000x32xf32>
    %logistic3A_14 = arith.divf %logistic3A_12, %logistic3A_13 : vector<2000x32xf32>
    %mul3A = arith.mulf %add3A_9, %logistic3A_14 : vector<2000x32xf32>
    %get3A_15 = arith.constant 0 : index
    %get3A_16 = arith.constant 0 : index
    %get3A_17 = vector.load %arg7[%get3A_15, %get3A_16] : memref<32x32xf32, #tpu.memory_space<vmem>>, vector<32x32xf32>
    %dot_general3A_18 = arith.constant dense<0.000000e+00> : vector<2000x32xf32>
    %dot_general3A_19 = tpu.matmul %mul3A, %get3A_17, %dot_general3A_18 {dimension_numbers = #tpu.dot_dimension_numbers<[1], [0], [0], [1], [0, 0, 1, 1], [], []>, transpose_lhs_hint = false} : vector<2000x32xf32>, vector<32x32xf32>, vector<2000x32xf32> -> vector<2000x32xf32>
    %get3A_20 = arith.constant 0 : index
    %get3A_21 = arith.constant 0 : index
    %get3A_22 = vector.load %arg8[%get3A_20, %get3A_21] : memref<1x32xf32, #tpu.memory_space<vmem>>, vector<1x32xf32>
    %add3A_23 = vector.broadcast %get3A_22 : vector<1x32xf32> to vector<2000x32xf32>
    %add3A_24 = arith.addf %dot_general3A_19, %add3A_23 : vector<2000x32xf32>
    %logistic3A_25 = arith.negf %add3A_24 : vector<2000x32xf32>
    %logistic3A_26 = math.exp %logistic3A_25 : vector<2000x32xf32>
    %logistic3A_27 = arith.constant 1.000000e+00 : f32
    %logistic3A_28 = vector.broadcast %logistic3A_27 : f32 to vector<2000x32xf32>
    %logistic3A_29 = arith.addf %logistic3A_28, %logistic3A_26 : vector<2000x32xf32>
    %logistic3A_30 = arith.divf %logistic3A_28, %logistic3A_29 : vector<2000x32xf32>
    %mul3A_31 = arith.mulf %add3A_24, %logistic3A_30 : vector<2000x32xf32>
    %add3A_32 = arith.constant 1.000000e+00 : f32
    %add3A_33 = vector.broadcast %add3A_32 : f32 to vector<2000x32xf32>
    %add3A_34 = arith.addf %add3A_33, %mul3A_31 : vector<2000x32xf32>
    %get3A_35 = arith.constant 0 : index
    %get3A_36 = arith.constant 0 : index
    %get3A_37 = vector.load %arg2[%get3A_35, %get3A_36] : memref<2000x32xf32, #tpu.memory_space<vmem>>, vector<2000x32xf32>
    %mul3A_38 = arith.mulf %add3A_34, %get3A_37 : vector<2000x32xf32>
    %mul3A_39 = arith.mulf %mul3A_38, %mul3A_38 : vector<2000x32xf32>
    %reduce_sum3A = arith.constant dense<0.000000e+00> : vector<2000xf32>
    %reduce_sum3A_40 = vector.multi_reduction <add>, %mul3A_39, %reduce_sum3A [1] : vector<2000x32xf32> to vector<2000xf32>
    %broadcast_in_dim3A = vector.shape_cast %reduce_sum3A_40 : vector<2000xf32> to vector<2000x1xf32>
    %max3A = arith.constant 1.000000e-24 : f32
    %max3A_41 = vector.broadcast %max3A : f32 to vector<2000x1xf32>
    %max3A_42 = arith.maximumf %broadcast_in_dim3A, %max3A_41 : vector<2000x1xf32>
    %rsqrt3A = math.rsqrt %max3A_42 : vector<2000x1xf32>
    %mul3A_43 = vector.broadcast %rsqrt3A : vector<2000x1xf32> to vector<2000x32xf32>
    %mul3A_44 = arith.mulf %mul3A_38, %mul3A_43 : vector<2000x32xf32>
    %get3A_45 = arith.constant 0 : index
    %get3A_46 = arith.constant 0 : index
    %get3A_47 = vector.load %arg9[%get3A_45, %get3A_46] : memref<32x32xf32, #tpu.memory_space<vmem>>, vector<32x32xf32>
    %dot_general3A_48 = arith.constant dense<0.000000e+00> : vector<2000x32xf32>
    %dot_general3A_49 = tpu.matmul %mul3A_44, %get3A_47, %dot_general3A_48 {dimension_numbers = #tpu.dot_dimension_numbers<[1], [0], [0], [1], [0, 0, 1, 1], [], []>, transpose_lhs_hint = false} : vector<2000x32xf32>, vector<32x32xf32>, vector<2000x32xf32> -> vector<2000x32xf32>
    %get3A_50 = arith.constant 0 : index
    %get3A_51 = arith.constant 0 : index
    %get3A_52 = vector.load %arg3[%get3A_50, %get3A_51] : memref<2000x32xf32, #tpu.memory_space<vmem>>, vector<2000x32xf32>
    %get3A_53 = arith.constant 0 : index
    %get3A_54 = arith.constant 0 : index
    %get3A_55 = vector.load %arg10[%get3A_53, %get3A_54] : memref<32x32xf32, #tpu.memory_space<vmem>>, vector<32x32xf32>
    %dot_general3A_56 = arith.constant dense<0.000000e+00> : vector<2000x32xf32>
    %dot_general3A_57 = tpu.matmul %get3A_52, %get3A_55, %dot_general3A_56 {dimension_numbers = #tpu.dot_dimension_numbers<[1], [0], [0], [1], [0, 0, 1, 1], [], []>, transpose_lhs_hint = false} : vector<2000x32xf32>, vector<32x32xf32>, vector<2000x32xf32> -> vector<2000x32xf32>
    %get3A_58 = arith.constant 0 : index
    %get3A_59 = arith.constant 0 : index
    %get3A_60 = vector.load %arg4[%get3A_58, %get3A_59] : memref<2000x32xf32, #tpu.memory_space<vmem>>, vector<2000x32xf32>
    %get3A_61 = arith.constant 0 : index
    %get3A_62 = arith.constant 0 : index
    %get3A_63 = vector.load %arg11[%get3A_61, %get3A_62] : memref<32x32xf32, #tpu.memory_space<vmem>>, vector<32x32xf32>
    %dot_general3A_64 = arith.constant dense<0.000000e+00> : vector<2000x32xf32>
    %dot_general3A_65 = tpu.matmul %get3A_60, %get3A_63, %dot_general3A_64 {dimension_numbers = #tpu.dot_dimension_numbers<[1], [0], [0], [1], [0, 0, 1, 1], [], []>, transpose_lhs_hint = false} : vector<2000x32xf32>, vector<32x32xf32>, vector<2000x32xf32> -> vector<2000x32xf32>
    %add3A_66 = arith.addf %dot_general3A_57, %dot_general3A_65 : vector<2000x32xf32>
    %get3A_67 = arith.constant 0 : index
    %get3A_68 = arith.constant 0 : index
    %get3A_69 = vector.load %arg12[%get3A_67, %get3A_68] : memref<1x32xf32, #tpu.memory_space<vmem>>, vector<1x32xf32>
    %add3A_70 = vector.broadcast %get3A_69 : vector<1x32xf32> to vector<2000x32xf32>
    %add3A_71 = arith.addf %add3A_66, %add3A_70 : vector<2000x32xf32>
    %logistic3A_72 = arith.negf %add3A_71 : vector<2000x32xf32>
    %logistic3A_73 = math.exp %logistic3A_72 : vector<2000x32xf32>
    %logistic3A_74 = arith.constant 1.000000e+00 : f32
    %logistic3A_75 = vector.broadcast %logistic3A_74 : f32 to vector<2000x32xf32>
    %logistic3A_76 = arith.addf %logistic3A_75, %logistic3A_73 : vector<2000x32xf32>
    %logistic3A_77 = arith.divf %logistic3A_75, %logistic3A_76 : vector<2000x32xf32>
    %mul3A_78 = arith.mulf %add3A_71, %logistic3A_77 : vector<2000x32xf32>
    %get3A_79 = arith.constant 0 : index
    %get3A_80 = arith.constant 0 : index
    %get3A_81 = vector.load %arg13[%get3A_79, %get3A_80] : memref<32x32xf32, #tpu.memory_space<vmem>>, vector<32x32xf32>
    %dot_general3A_82 = arith.constant dense<0.000000e+00> : vector<2000x32xf32>
    %dot_general3A_83 = tpu.matmul %mul3A_78, %get3A_81, %dot_general3A_82 {dimension_numbers = #tpu.dot_dimension_numbers<[1], [0], [0], [1], [0, 0, 1, 1], [], []>, transpose_lhs_hint = false} : vector<2000x32xf32>, vector<32x32xf32>, vector<2000x32xf32> -> vector<2000x32xf32>
    %get3A_84 = arith.constant 0 : index
    %get3A_85 = arith.constant 0 : index
    %get3A_86 = vector.load %arg14[%get3A_84, %get3A_85] : memref<1x32xf32, #tpu.memory_space<vmem>>, vector<1x32xf32>
    %add3A_87 = vector.broadcast %get3A_86 : vector<1x32xf32> to vector<2000x32xf32>
    %add3A_88 = arith.addf %dot_general3A_83, %add3A_87 : vector<2000x32xf32>
    %logistic3A_89 = arith.negf %add3A_88 : vector<2000x32xf32>
    %logistic3A_90 = math.exp %logistic3A_89 : vector<2000x32xf32>
    %logistic3A_91 = arith.constant 1.000000e+00 : f32
    %logistic3A_92 = vector.broadcast %logistic3A_91 : f32 to vector<2000x32xf32>
    %logistic3A_93 = arith.addf %logistic3A_92, %logistic3A_90 : vector<2000x32xf32>
    %logistic3A_94 = arith.divf %logistic3A_92, %logistic3A_93 : vector<2000x32xf32>
    %mul3A_95 = arith.mulf %add3A_88, %logistic3A_94 : vector<2000x32xf32>
    %mul3A_96 = arith.mulf %dot_general3A_49, %mul3A_95 : vector<2000x32xf32>
    %swap3A = arith.constant 0 : index
    %swap3A_97 = arith.constant 0 : index
    %swap3A_98 = vector.load %arg15[%swap3A, %swap3A_97] : memref<2000x32xf32, #tpu.memory_space<vmem>>, vector<2000x32xf32>
    tpu.vector_store %arg15[%swap3A, %swap3A_97], %mul3A_96 {strides = array<i32>} : memref<2000x32xf32, #tpu.memory_space<vmem>>, vector<2000x32xf32>,
    return
  }
  func.func @transform_0(%arg0: i32) -> (i32, i32) {
    %c0_i32 = arith.constant 0 : i32
    %c0_i32_0 = arith.constant 0 : i32
    return %arg0, %c0_i32 : i32, i32
  }
  func.func @transform_1(%arg0: i32) -> (i32, i32) {
    %c0_i32 = arith.constant 0 : i32
    %c0_i32_0 = arith.constant 0 : i32
    return %arg0, %c0_i32 : i32, i32
  }
  func.func @transform_2(%arg0: i32) -> (i32, i32) {
    %c0_i32 = arith.constant 0 : i32
    %c0_i32_0 = arith.constant 0 : i32
    return %arg0, %c0_i32 : i32, i32
  }
  func.func @transform_3(%arg0: i32) -> (i32, i32) {
    %c0_i32 = arith.constant 0 : i32
    %c0_i32_0 = arith.constant 0 : i32
    return %arg0, %c0_i32 : i32, i32
  }
  func.func @transform_4(%arg0: i32) -> (i32, i32) {
    %c0_i32 = arith.constant 0 : i32
    %c0_i32_0 = arith.constant 0 : i32
    %c0_i32_1 = arith.constant 0 : i32
    return %c0_i32, %c0_i32_0 : i32, i32
  }
  func.func @transform_5(%arg0: i32) -> (i32, i32) {
    %c0_i32 = arith.constant 0 : i32
    %c0_i32_0 = arith.constant 0 : i32
    %c0_i32_1 = arith.constant 0 : i32
    return %c0_i32, %c0_i32_0 : i32, i32
  }
  func.func @transform_6(%arg0: i32) -> (i32, i32) {
    %c0_i32 = arith.constant 0 : i32
    %c0_i32_0 = arith.constant 0 : i32
    %c0_i32_1 = arith.constant 0 : i32
    return %c0_i32, %c0_i32_0 : i32, i32
  }
  func.func @transform_7(%arg0: i32) -> (i32, i32) {
    %c0_i32 = arith.constant 0 : i32
    %c0_i32_0 = arith.constant 0 : i32
    %c0_i32_1 = arith.constant 0 : i32
    return %c0_i32, %c0_i32_0 : i32, i32
  }
  func.func @transform_8(%arg0: i32) -> (i32, i32) {
    %c0_i32 = arith.constant 0 : i32
    %c0_i32_0 = arith.constant 0 : i32
    %c0_i32_1 = arith.constant 0 : i32
    return %c0_i32, %c0_i32_0 : i32, i32
  }
  func.func @transform_9(%arg0: i32) -> (i32, i32) {
    %c0_i32 = arith.constant 0 : i32
    %c0_i32_0 = arith.constant 0 : i32
    %c0_i32_1 = arith.constant 0 : i32
    return %c0_i32, %c0_i32_0 : i32, i32
  }
  func.func @transform_10(%arg0: i32) -> (i32, i32) {
    %c0_i32 = arith.constant 0 : i32
    %c0_i32_0 = arith.constant 0 : i32
    %c0_i32_1 = arith.constant 0 : i32
    return %c0_i32, %c0_i32_0 : i32, i32
  }
  func.func @transform_11(%arg0: i32) -> (i32, i32) {
    %c0_i32 = arith.constant 0 : i32
    %c0_i32_0 = arith.constant 0 : i32
    %c0_i32_1 = arith.constant 0 : i32
    return %c0_i32, %c0_i32_0 : i32, i32
  }
  func.func @transform_12(%arg0: i32) -> (i32, i32) {
    %c0_i32 = arith.constant 0 : i32
    %c0_i32_0 = arith.constant 0 : i32
    %c0_i32_1 = arith.constant 0 : i32
    return %c0_i32, %c0_i32_0 : i32, i32
  }
  func.func @transform_13(%arg0: i32) -> (i32, i32) {
    %c0_i32 = arith.constant 0 : i32
    %c0_i32_0 = arith.constant 0 : i32
    %c0_i32_1 = arith.constant 0 : i32
    return %c0_i32, %c0_i32_0 : i32, i32
  }
  func.func @transform_14(%arg0: i32) -> (i32, i32) {
    %c0_i32 = arith.constant 0 : i32
    %c0_i32_0 = arith.constant 0 : i32
    return %arg0, %c0_i32 : i32, i32
  }
}

module attributes {stable_mosaic.version = 14 : i64} {
  func.func @_final_body(%arg0: i32, %arg1: memref<2000x128xf32, #tpu.memory_space<vmem>>, %arg2: memref<2x2000x32xf32, #tpu.memory_space<vmem>>, %arg3: memref<32x128xf32, #tpu.memory_space<vmem>>, %arg4: memref<2000x128xf32, #tpu.memory_space<vmem>>) attributes {dimension_semantics = [#tpu.dimension_semantics<arbitrary>], iteration_bounds = array<i64: 5>, scalar_prefetch = 0 : i64, scratch_operands = 0 : i64, tpu.core_type = #tpu.core_type<tc>, window_params = [{transform_indices = @transform_0, window_bounds = array<i64: 2000, 128>}, {transform_indices = @transform_1, window_bounds = array<i64: 2, 2000, 32>}, {pipeline_mode = #tpu.pipeline_mode<synchronous>, transform_indices = @transform_2, window_bounds = array<i64: 32, 128>}, {transform_indices = @transform_3, window_bounds = array<i64: 2000, 128>}]} {
    %get3A = arith.constant 0 : index
    %get3A_0 = arith.constant 0 : index
    %get3A_1 = arith.constant 0 : index
    %get3A_2 = vector.load %arg2[%get3A, %get3A_0, %get3A_1] : memref<2x2000x32xf32, #tpu.memory_space<vmem>>, vector<1x2000x32xf32>
    %get3A_3 = vector.shape_cast %get3A_2 : vector<1x2000x32xf32> to vector<2000x32xf32>
    %get3A_4 = arith.constant 1 : index
    %get3A_5 = arith.constant 0 : index
    %get3A_6 = arith.constant 0 : index
    %get3A_7 = vector.load %arg2[%get3A_4, %get3A_5, %get3A_6] : memref<2x2000x32xf32, #tpu.memory_space<vmem>>, vector<1x2000x32xf32>
    %get3A_8 = vector.shape_cast %get3A_7 : vector<1x2000x32xf32> to vector<2000x32xf32>
    %add3A = arith.addf %get3A_3, %get3A_8 : vector<2000x32xf32>
    %get3A_9 = arith.constant 0 : index
    %get3A_10 = arith.constant 0 : index
    %get3A_11 = vector.load %arg1[%get3A_9, %get3A_10] : memref<2000x128xf32, #tpu.memory_space<vmem>>, vector<2000x128xf32>
    %get3A_12 = arith.constant 0 : index
    %get3A_13 = arith.constant 0 : index
    %get3A_14 = vector.load %arg3[%get3A_12, %get3A_13] : memref<32x128xf32, #tpu.memory_space<vmem>>, vector<32x128xf32>
    %dot_general3A = arith.constant dense<0.000000e+00> : vector<2000x128xf32>
    %dot_general3A_15 = tpu.matmul %add3A, %get3A_14, %dot_general3A {dimension_numbers = #tpu.dot_dimension_numbers<[1], [0], [0], [1], [0, 0, 1, 1], [], []>, transpose_lhs_hint = false} : vector<2000x32xf32>, vector<32x128xf32>, vector<2000x128xf32> -> vector<2000x128xf32>
    %add3A_16 = arith.addf %get3A_11, %dot_general3A_15 : vector<2000x128xf32>
    %swap3A = arith.constant 0 : index
    %swap3A_17 = arith.constant 0 : index
    %swap3A_18 = vector.load %arg4[%swap3A, %swap3A_17] : memref<2000x128xf32, #tpu.memory_space<vmem>>, vector<2000x128xf32>
    tpu.vector_store %arg4[%swap3A, %swap3A_17], %add3A_16 {strides = array<i32>} : memref<2000x128xf32, #tpu.memory_space<vmem>>, vector<2000x128xf32>,
    return
  }
  func.func @transform_0(%arg0: i32) -> (i32, i32) {
    %c0_i32 = arith.constant 0 : i32
    %c0_i32_0 = arith.constant 0 : i32
    return %arg0, %c0_i32 : i32, i32
  }
  func.func @transform_1(%arg0: i32) -> (i32, i32, i32) {
    %c0_i32 = arith.constant 0 : i32
    %c0_i32_0 = arith.constant 0 : i32
    %c0_i32_1 = arith.constant 0 : i32
    return %c0_i32, %arg0, %c0_i32_0 : i32, i32, i32
  }
  func.func @transform_2(%arg0: i32) -> (i32, i32) {
    %c0_i32 = arith.constant 0 : i32
    %c0_i32_0 = arith.constant 0 : i32
    %c0_i32_1 = arith.constant 0 : i32
    return %c0_i32, %c0_i32_0 : i32, i32
  }
  func.func @transform_3(%arg0: i32) -> (i32, i32) {
    %c0_i32 = arith.constant 0 : i32
    %c0_i32_0 = arith.constant 0 : i32
    return %arg0, %c0_i32 : i32, i32
  }
}

</mosaic_0001>

<sc_bundles>
// kernel: kernel.10.cloned.1.call-start
scs
__scs_entry_jumppad:
0x0: {  	(pc) =	sbr.rel $0x88, $3  }
0x1: {  	(tag) =	ssettag $0x0;
	lr =	simm.s32 $0x1  }
0x2: {  	[smem:$0x3F89] =	sst lr;
	_ =	strace $0xD0000000  }
0x3: {  	_ = 	snop  }
0x4: {  	_ = 	snop  }
0x5: {  	_ = 	snop  }
0x6: {  	_ = 	snop  }
0x7: {  	_ = 	snop  }
__scs_overlays_trampoline_lowered:
0x8: {  	[smem:$0x3F98] =	sst s0  }
0x9: {  	[smem:$0x3F99] =	sst s1  }
0xa: {  	[smem:$0x3F9A] =	sst s2  }
0xb: {  	[smem:$0x3F9B] =	sst s3  }
0xc: {  	[smem:$0x3F9C] =	sst s4  }
0xd: {  	[smem:$0x3F9D] =	sst s5  }
0xe: {  	[smem:$0x3F9E] =	sst s6  }
0xf: {  	[smem:$0x3F9F] =	sst s7  }
0x10: {  	[smem:$0x3FA0] =	sst s8  }
0x11: {  	[smem:$0x3FA1] =	sst s9;
	s0 =	simm.s32 @!p0 $0x0  }
0x12: {  	s1 =	sld [smem:$0x3F87];
	s0 =	simm.s32 @p0 $0x1  }
0x13: {  	[smem:$0x3FA2] =	sst s0;
	s0 =	simm.s32 @!p1 $0x0  }
0x14: {  	s2 =	sld [smem:$0x3F86];
	s0 =	simm.s32 @p1 $0x1  }
0x15: {  	[smem:$0x3FA3] =	sst s0;
	s0 =	simm.s32 @!p2 $0x0  }
0x16: {  	s3 =	sld [smem:$0x3FDB];
	s0 =	simm.s32 @p2 $0x1  }
0x17: {  	s4 =	simm.s32 $0x1BF5;
	[smem:$0x3FA5] =	sst s0  }
0x18: {  	s0 =	sld [smem:$0x3F88];
	_ =	swait.ge [sflag:s4], $0x0  }
0x19: {  	s7 =	sld [smem:$0x3F89]  }
0x1a: {  	s8 =	sadd.s32 $0xFFFFE003, lr  }
0x1b: {  	s9 =	sadd.s32 $0xFFFFFEF7, lr;
	s5 =	simm.s32 $0xFFFFFFFF;
	p2 =	slt.u32 s8, $0xFFFFF086  }
0x1c: {  	p1 =	slt.u32 s9, $0xF7A;
	s5 =	simm.s32 @!p2 $0x0  }
0x1d: {  	s5 =	simm.s32 @p1 $0x1;
	p0 =	seq.s32 s7, s2  }
0x1e: {  	s7 =	smul.u32 @!p0 $0xF7A, s2;
	p2 =	seq.s32 @!p0 s5, $0x0  }
0x1f: {  	s9 =	smul.u32 $0xF7A, s1;
	s8 =	simm.s32 @!p0 $0x1BF5;
	p2 =	por !p2, p0  }
0x20: {  	[sflag:s8] =	ssyncset.s32 @!p0 $0xFFFFF086;
	s6 =	sadd.s32 @!p0 s3, s7;
	s7 =	simm.s32 @!p0 $0x108  }
0x21: {  	s3 =	sadd.s32 s3, s9;
	s6 =	sadd.s32 @!p0 $0x88, s6;
	s7 =	simm.s32 @p2 $0x1082  }
0x22: {  	[simem:s7], [sflag:s8] =	dma.local @!p0 [hbm:s6], $0xF7A  }
0x23: {  	s9 =	sor.u32 $0xD0000000, s2;
	s6 =	simm.s32 $0x108;
	_ =	swait.ge @!p0 [sflag:s8], $0x0  }
0x24: {  	s3 =	sadd.s32 $0x88, s3;
	s6 =	simm.s32 @!p1 $0x1082;
	[sflag:s4] =	ssyncset.s32 $0xFFFFF086  }
0x25: {  	[simem:s6], [sflag:s4] =	dma.local [hbm:s3], $0xF7A  }
0x26: {  	[smem:$0x3F89] =	sst s1;
	(tag) =	ssettag s2;
	_ =	strace s9  }
0x27: {  	s1 =	sld [smem:$0x3F99]  }
0x28: {  	s2 =	sld [smem:$0x3F9A]  }
0x29: {  	s4 =	sld [smem:$0x3F9C]  }
0x2a: {  	p0 =	seq.s32 s5, $0x0;
	s5 =	sld [smem:$0x3F9D]  }
0x2b: {  	s6 =	sld [smem:$0x3F9E]  }
0x2c: {  	s7 =	sld [smem:$0x3F9F]  }
0x2d: {  	s3 =	simm.s32 $0x108;
	s8 =	sld [smem:$0x3FA0]  }
0x2e: {  	s3 =	simm.s32 @!p0 $0x1082;
	s9 =	sld [smem:$0x3FA1]  }
0x2f: {  	lr =	sadd.s32 s0, s3;
	s0 =	sld [smem:$0x3F98]  }
0x30: {  	s3 =	sld [smem:$0x3F9B]  }
0x31: {  	[smem:$0x3FA4] =	sst s10  }
0x32: {  	s10 =	sld [smem:$0x3FA2];
	_ =	sdelay $0x3  }
0x33: {  	p0 =	seq.s32 s10, $0x1;
	s10 =	sld [smem:$0x3FA4];
	_ =	sdelay $0x3  }
0x34: {  	[smem:$0x3FA4] =	sst s10  }
0x35: {  	s10 =	sld [smem:$0x3FA3];
	_ =	sdelay $0x3  }
0x36: {  	p1 =	seq.s32 s10, $0x1;
	s10 =	sld [smem:$0x3FA4];
	_ =	sdelay $0x3  }
0x37: {  	[smem:$0x3FA4] =	sst s10  }
0x38: {  	s10 =	sld [smem:$0x3FA5]  }
0x39: {  	_ = 	snop;
	(pc) =	sbr.ind lr, $3  }
0x3a: {  	_ = 	snop  }
0x3b: {  	_ = 	snop  }
0x3c: {  	p2 =	seq.s32 s10, $0x1;
	s10 =	sld [smem:$0x3FA4]  }
0x3d: {  	_ =	shalt  }
0x3e: {  	_ =	shalt  }
0x3f: {  	_ =	shalt  }
0x40: {  	_ =	shalt  }
0x41: {  	_ =	shalt  }
0x42: {  	_ =	shalt  }
0x43: {  	_ =	shalt  }
0x44: {  	_ =	shalt  }
0x45: {  	_ =	shalt  }
0x46: {  	_ =	shalt  }
0x47: {  	_ =	shalt  }
0x48: {  	_ =	shalt  }
0x49: {  	_ =	shalt  }
0x4a: {  	_ =	shalt  }
0x4b: {  	_ =	shalt  }
0x4c: {  	_ =	shalt  }
0x4d: {  	_ =	shalt  }
0x4e: {  	_ =	shalt  }
0x4f: {  	_ =	shalt  }
0x50: {  	_ =	shalt  }
0x51: {  	_ =	shalt  }
0x52: {  	_ =	shalt  }
0x53: {  	_ =	shalt  }
0x54: {  	_ =	shalt  }
0x55: {  	_ =	shalt  }
0x56: {  	_ =	shalt  }
0x57: {  	_ =	shalt  }
0x58: {  	_ =	shalt  }
0x59: {  	_ =	shalt  }
0x5a: {  	_ =	shalt  }
0x5b: {  	_ =	shalt  }
0x5c: {  	_ =	shalt  }
0x5d: {  	_ =	shalt  }
0x5e: {  	_ =	shalt  }
0x5f: {  	_ =	shalt  }
0x60: {  	_ =	shalt  }
0x61: {  	_ =	shalt  }
0x62: {  	_ =	shalt  }
0x63: {  	_ =	shalt  }
0x64: {  	_ =	shalt  }
0x65: {  	_ =	shalt  }
0x66: {  	_ =	shalt  }
0x67: {  	_ =	shalt  }
0x68: {  	_ =	shalt  }
0x69: {  	_ =	shalt  }
0x6a: {  	_ =	shalt  }
0x6b: {  	_ =	shalt  }
0x6c: {  	_ =	shalt  }
0x6d: {  	_ =	shalt  }
0x6e: {  	_ =	shalt  }
0x6f: {  	_ =	shalt  }
0x70: {  	_ =	shalt  }
0x71: {  	_ =	shalt  }
0x72: {  	_ =	shalt  }
0x73: {  	_ =	shalt  }
0x74: {  	_ =	shalt  }
0x75: {  	_ =	shalt  }
0x76: {  	_ =	shalt  }
0x77: {  	_ =	shalt  }
0x78: {  	_ =	shalt  }
0x79: {  	_ =	shalt  }
0x7a: {  	_ =	shalt  }
0x7b: {  	_ =	shalt  }
0x7c: {  	_ =	shalt  }
0x7d: {  	_ =	shalt  }
0x7e: {  	_ =	shalt  }
0x7f: {  	_ =	shalt  }
0x80: {  	_ =	shalt  }
0x81: {  	_ =	shalt  }
0x82: {  	_ =	shalt  }
0x83: {  	_ =	shalt  }
0x84: {  	_ =	shalt  }
0x85: {  	_ =	shalt  }
0x86: {  	_ =	shalt  }
0x87: {  	_ =	shalt  }
.Lfunc_end0:
.L_simem_size_0:
called_computation.1_lowered:
.L_overlay_start_0:
0x88: {  	s2 =	sld [smem:$0x3FD9]  }
0x89: {  	s3 =	sld [smem:$0x3FFE];
	_ =	sdelay $0x1  }
0x8a: {  	s1 =	srdreg.scid  }
0x8b: {  	s0 =	sand.u32 $0x1, s1  }
0x8c: {  	s17 =	sshll.u32 s0, $0xA;
	s2 =	sadd.s32 s3, s2  }
0x8d: {  	s2 =	sadd.s32 s2, s17  }
0x8e: {  	[smem:$0x3FB0] =	sst s2  }
0x8f: {  	_ = 	snop  }
0x90: {  	s2 =	sld [smem:$0x3FC2]  }
0x91: {  	s18 =	sld [smem:$0x3FC1];
	(tm) =	ssettm $0x1  }
0x92: {  	s4 =	sld [smem:$0x3FFB];
	_ =	sdelay $0x3  }
0x93: {  	_ =	strace s4  }
0x94: {  	s4 =	sld [smem:$0x3FFC];
	_ =	sdelay $0x3  }
0x95: {  	_ =	strace s4  }
0x96: {  	s4 =	sld [smem:$0x3FFD];
	_ =	sdelay $0x3  }
0x97: {  	_ =	strace s4  }
0x98: {  	_ =	strace $0x8FFFFFFF  }
0x99: {  	s19 =	sld [smem:$0x3FDB];
	_ =	sdelay $0x1  }
0x9a: {  	s5 =	simm.s32 $_scs_section_size  }
0x9b: {  	s6 =	simm.s32 $_size__tile_overlayer_lowered;
	s7 =	simm.s32 $_tile_overlayer_lowered  }
0x9c: {  	s22 =	simm.s32 $0x1BFF;
	s21 =	sshll.u32 s7, $0x1;
	s4 =	sadd.s32 s5, s19  }
0x9d: {  	s8 =	simm.s32 $0x0;
	s20 =	sshll.u32 s6, $0x1;
	s6 =	sadd.s32 s21, s4  }
0x9e: {  	[timem:s8], [sflag:s22] =	dma.local [hbm:s6], s20  }
0x9f: {  	_ =	swait.ge [sflag:s22], s20  }
0xa0: {  	s5 =	ssub.s32 $0x0, s20;
	[sflag:s22] =	ssyncset.done $0x0  }
0xa1: {  	[sflag:s22] =	ssyncadd.s32 s5;
	_ =	sdelay $0x1  }
0xa2: {  	s23 =	simm.s32 $0x1B8B  }
0xa3: {  	_ =	swait.ge [sflag:s23], $0x1  }
0xa4: {  	[sflag:s23] =	ssyncset.done $0x0  }
0xa5: {  	s25 =	simm.s32 $0x1B8E;
	s24 =	sld [smem:$0x3FFE];
	[sflag:s23] =	ssyncadd.s32 $0xFFFFFFFF  }
0xa6: {  	s26 =	simm.s32 $execute0_lowered;
	[smem:$0x3FD2] =	sst s25  }
0xa7: {  	s6 =	sshll.u32 s26, $0x1;
	_ =	strace $0x80000049;
	[dreg:$0x1] =	wrdreg $0xFFFFFFFF  }
0xa8: {  	s28 =	simm.s32 $_size_execute0_lowered;
	s4 =	sadd.s32 s4, s6;
	[dreg:$0x0] =	wrdreg $0x0  }
0xa9: {  	s6 =	sshll.u32 s28, $0x1;
	[dreg:$0x2] =	wrdreg s4  }
0xaa: {  	[dreg:$0x3] =	wrdreg s6  }
0xab: {  	[dreg:$0x4] =	wrdreg $0xC0  }
0xac: {  	_ =	task [dreg:s8], $0x5FFFF  }
0xad: {  	[dreg:$0x1] =	wrdreg $0xFFFFFFFF  }
0xae: {  	[dreg:$0x0] =	wrdreg $0x60  }
0xaf: {  	[dreg:$0x2] =	wrdreg s24  }
0xb0: {  	[dreg:$0x3] =	wrdreg s18  }
0xb1: {  	[dreg:$0x4] =	wrdreg s2  }
0xb2: {  	[dreg:$0x5] =	wrdreg $0xA  }
0xb3: {  	_ =	task.clear_ibuf [dreg:s8], $0x6FFFF;
	_ =	strace $0x90000049  }
0xb4: {  	s29 =	simm.s32 $0xA;
	_ =	strace $0x8000004B  }
0xb5: {  	_ =	swait.ge [sflag:s29], $0x1  }
0xb6: {  	[sflag:s29] =	ssyncadd.s32 $0xFFFFFFFF  }
0xb7: {  	_ =	strace $0x9000004B  }
0xb8: {  	_ =	sfence  }
0xb9: {  	s30 =	sld [smem:$0x0];
	_ =	sdelay $0x2  }
0xba: {  	s31 =	sshll.u32 s1, $0xD;
	s1 =	sshrl.u32 s1, $0x2  }
0xbb: {  	s3 =	sand.u32 $0x4000, s31;
	s1 =	sadd.s32 s1, s30  }
0xbc: {  	s0 =	sor.u32 s3, s0;
	s1 =	sshll.u32 s1, $0x11  }
0xbd: {  	s0 =	sor.u32 s1, s0  }
0xbe: {  	s0 =	sadd.s32 $0x8F2B, s0  }
0xbf: {  	[sflag:s0] =	ssyncadd.remote.s32 $0x1  }
0xc0: {  	_ =	sfence.sel $0xFFFF  }
0xc1: {  	[dreg:$0x0] =	wrdreg $0xFFFFFFFF;
	(pc) =	sbr.abs _section_cstart, $3  }
0xc2: {  	[dreg:$0x1] =	wrdreg $0xFFFFFFFF  }
0xc3: {  	_ =	task.clear_ibuf [dreg:s8], $0x2FFFF;
	_ =	strace $0x9FFFFFFF  }
0xc4: {  	(tm) =	ssettm $0x7FFFFFFF  }
0xc5: {  	_ =	shalt  }
tec
execute0_lowered:
.L_overlay_start_1:
0x0: {  	(tag) =	ssettag $0x1  }
0x1: {  	s7 =	rddreg [dreg:$0x0]  }
0x2: {  	s8 =	rddreg [dreg:$0x1]  }
0x3: {  	s9 =	rddreg [dreg:$0x2]  }
0x4: {  	s0 =	rddreg [dreg:$0x3]  }
0x5: {  	s3 =	srdreg.scid;
	s1 =	stileid.u32;
	s2 =	simm.s32 $0x0  }
0x6: {  	s13 =	simm.s32 $0x12F20;
	s14 =	simm.s32 $0x190;
	s15 =	simm.s32 $0x4E20  }
0x7: {  	s16 =	simm.s32 $0x13D40;
	s17 =	simm.s32 $0x1;
	s18 =	simm.s32 $0x2  }
0x8: {  	s19 =	simm.s32 $0x16F40;
	s20 =	simm.s32 $0x0;
	s6 =	sand.u32 $0x1, s3  }
0x9: {  	s31 =	sshll.u32 s1, $0x1;
	[smem:$0x7FF] =	sst s2;
	s4 =	sadd.s32 $0x5000, s7  }
0xa: {  	s5 =	sadd.s32 $0xA6F400, s7;
	s3 =	sor.u32 s6, s31;
	s10 =	ssub.s32 $0x2, s6  }
0xb: {  	_ =	strace $0x8000004A;
	s3 =	smul.u32 $0x2710, s3;
	s11 =	sshrl.u32 s10, $0x1  }
0xc: {  	s6 =	sadd.s32 $0x583600, s7;
	s7 =	sadd.s32 $0xAC7400, s7;
	s10 =	ssub.s32 s10, s11  }
0xd: {  	s11 =	simm.s32 $0x3;
	s12 =	sshrl.u32 s3, $0x3;
	s10 =	smax.u32 s10, $0x1  }
0xe: {  	s8 =	sadd.s32 s8, s12;
	s9 =	sadd.s32 s9, s12;
	s12 =	simm.s32 $0x2710  }
.LBB2_1:
0xf: {  	[tilespmem:s2], [sflag:$0x3] =	stream.linear.gather [hbm4b:s8+s2], $0x2710, $0x38;
	[tilespmem:$0x1A140] =	vst v63  }
0x10: {  	_ =	swait.ge [sflag:s11], $0x2710  }
0x11: {  	[sflag:s11] =	ssyncset.done $0x0  }
0x12: {  	[sflag:s11] =	ssyncadd.s32 $0xFFFFD8F0  }
0x13: {  	[tilespmem:s12], [sflag:$0x3] =	stream.linear.gather [hbm4b:s9+s2], $0x2710, $0x38;
	[tilespmem:$0x1A140] =	vst v63  }
0x14: {  	_ =	swait.ge [sflag:s11], $0x2710  }
0x15: {  	[sflag:s11] =	ssyncset.done $0x0  }
0x16: {  	s21 =	simm.s32 $0x0;
	[sflag:s11] =	ssyncadd.s32 $0xFFFFD8F0  }
.LBB2_2:
0x17: {  	s23 =	smul.u32 $0x190, s21;
	_ =	sdelay $0x1  }
0x18: {  	s22 =	sadd.s32 s3, s23  }
0x19: {  	s24 =	sshrl.u32 s22, $0x3;
	s25 =	sadd.s32 s5, s22  }
0x1a: {  	s24 =	sadd.s32 s24, s25  }
0x1b: {  	[tilespmem:s13], [sflag:$0x3] =	stream.linear.gather [hbm4b:s24+s2], $0xE10, $0x38;
	[tilespmem:$0x1A140] =	vst v63  }
0x1c: {  	_ =	swait.ge [sflag:s11], $0xE10  }
0x1d: {  	[sflag:s11] =	ssyncset.done $0x0  }
0x1e: {  	[sflag:s11] =	ssyncadd.s32 $0xFFFFF1F0  }
0x1f: {  	[tilespmem:s15], [sflag:$0x1] =	stream.indirect.gather [hbm4b:s4+s14], $0x90, s23, s14, $0xb8;
	[tilespmem:$0x1A140] =	vst v63  }
0x20: {  	s23 =	sadd.s32 $0x2710, s23  }
0x21: {  	[tilespmem:s16], [sflag:$0x2] =	stream.indirect.gather [hbm4b:s6+s14], $0x20, s23, s14, $0xb8;
	[tilespmem:$0x1A140] =	vst v63  }
0x22: {  	_ =	swait.ge [sflag:s17], $0xE100  }
0x23: {  	[sflag:s17] =	ssyncset.done $0x0  }
0x24: {  	[sflag:s17] =	ssyncadd.s32 $0xFFFF1F00  }
0x25: {  	s26 =	simm.s32 $0x13D80;
	_ =	swait.ge [sflag:s18], $0x3200  }
0x26: {  	s28 =	simm.s32 $0x4F40;
	s25 =	simm.s32 $0x16F80;
	[sflag:s18] =	ssyncset.done $0x0  }
0x27: {  	s24 =	simm.s32 $0x12F32;
	s23 =	simm.s32 $0xFFFFFFFC;
	[sflag:s18] =	ssyncadd.s32 $0xFFFFCE00  }
.LBB2_3:
0x28: {  	v0 =	vld [tilespmem:s24+$0xFFFFFFEE]  }
0x29: {  	v1 =	vld [tilespmem:s28+$0xFFFFFEE0]  }
0x2a: {  	v2 =	vld [tilespmem:s28+$0xFFFFFEF0]  }
0x2b: {  	v5 =	vld [tilespmem:s28+$0xFFFFFF00]  }
0x2c: {  	v7 =	vld [tilespmem:s28+$0xFFFFFF10];
	_ =	sdelay $0x1  }
0x2d: {  	v20 =	vld [tilespmem:s28+$0xFFFFFF20];
	v3 =	vbroadcast v0, $0x0;
	v4 =	vunpack.i.l.bf16.f32 v1  }
0x2e: {  	v1 =	vunpack.i.u.bf16.f32 v1;
	v6 =	vbroadcast v0, $0x1;
	v18 =	vunpack.i.l.bf16.f32 v2  }
0x2f: {  	v23 =	vld [tilespmem:s28+$0xFFFFFF30];
	v2 =	vunpack.i.u.bf16.f32 v2;
	v8 =	vbroadcast v0, $0x2;
	v19 =	vunpack.i.l.bf16.f32 v5  }
0x30: {  	v5 =	vunpack.i.u.bf16.f32 v5;
	v9 =	vbroadcast v0, $0x3;
	v22 =	vunpack.i.l.bf16.f32 v7  }
0x31: {  	v25 =	vunpack.i.u.bf16.f32 v7;
	v4 =	vmul.f32 v4, v3;
	v1 =	vmul.f32 v1, v3  }
0x32: {  	v26 =	vbroadcast v0, $0x4;
	v27 =	vunpack.i.l.bf16.f32 v20;
	v3 =	vmul.f32 v18, v6  }
0x33: {  	v28 =	vld [tilespmem:s28+$0xFFFFFF40];
	v2 =	vmul.f32 v2, v6;
	v4 =	vadd.f32 $0.0e+00, v4;
	v1 =	vadd.f32 $0.0e+00, v1  }
0x34: {  	v29 =	vbroadcast v0, $0x5;
	v31 =	vunpack.i.l.bf16.f32 v23;
	v21 =	vmul.f32 v5, v8  }
0x35: {  	v3 =	vadd.f32 v3, v4;
	v4 =	vmul.f32 v19, v8;
	v1 =	vadd.f32 v2, v1  }
0x36: {  	v34 =	vunpack.i.u.bf16.f32 v23;
	v24 =	vmul.f32 v22, v9;
	v6 =	vunpack.i.u.bf16.f32 v20  }
0x37: {  	v32 =	vld [tilespmem:s28+$0xFFFFFF50];
	v2 =	vmul.f32 v25, v9;
	v3 =	vadd.f32 v4, v3;
	v1 =	vadd.f32 v21, v1  }
0x38: {  	v35 =	vbroadcast v0, $0x6;
	v36 =	vunpack.i.l.bf16.f32 v28;
	v30 =	vmul.f32 v6, v26  }
0x39: {  	v37 =	vld [tilespmem:s28+$0xFFFFFF60];
	v4 =	vmul.f32 v27, v26;
	v3 =	vadd.f32 v24, v3;
	v1 =	vadd.f32 v2, v1  }
0x3a: {  	v7 =	vunpack.i.u.bf16.f32 v28;
	v38 =	vbroadcast v0, $0x7;
	v33 =	vmul.f32 v31, v29  }
0x3b: {  	v2 =	vmul.f32 v34, v29;
	v3 =	vadd.f32 v4, v3;
	v1 =	vadd.f32 v30, v1  }
0x3c: {  	v40 =	vunpack.i.l.bf16.f32 v32;
	v41 =	vunpack.i.u.bf16.f32 v32;
	v39 =	vmul.f32 v7, v35  }
0x3d: {  	v4 =	vmul.f32 v36, v35;
	v3 =	vadd.f32 v33, v3;
	v1 =	vadd.f32 v2, v1  }
0x3e: {  	v0 =	vbroadcast v0, $0x8;
	v44 =	vunpack.i.l.bf16.f32 v37;
	v5 =	vmul.f32 v40, v38  }
0x3f: {  	v42 =	vmul.f32 v41, v38;
	v3 =	vadd.f32 v4, v3;
	v1 =	vadd.f32 v39, v1  }
0x40: {  	v43 =	vunpack.i.u.bf16.f32 v37;
	v45 =	vmul.f32 v44, v0  }
0x41: {  	v0 =	vmul.f32 v43, v0;
	v3 =	vadd.f32 v5, v3;
	v1 =	vadd.f32 v42, v1;
	_ =	sdelay $0x1  }
0x42: {  	v2 =	vadd.f32 v45, v3;
	v0 =	vadd.f32 v0, v1;
	_ =	sdelay $0x1  }
0x43: {  	v46 =	vmul.f32 v2, v2;
	v47 =	vmul.f32 v0, v0;
	_ =	sdelay $0x1  }
0x44: {  	v1 =	vadd.f32 v46, v47;
	_ =	sdelay $0x1  }
0x45: {  	(xrf2) =	vadd.scan.msk.f32 $0xffff, v1;
	_ =	sdelay $0x9  }
0x46: {  	v1, _, _ =	vpop (xrf2)  }
0x47: {  	(v2sf) =	vpush v1, $0xF;
	_ =	sdelay $0xe  }
0x48: {  	s29 =	spop (v2sf)  }
0x49: {  	s29 =	smax.f32 s29, $1.000000020e-24  }
0x4a: {  	s30 =	sshra.s32 s29, $0x1;
	s29 =	smul.f32 $5.000000000e-01, s29  }
0x4b: {  	s30 =	ssub.s32 $0x5F3759DF, s30  }
0x4c: {  	s31 =	smul.f32 s30, s29;
	_ =	sdelay $0x1  }
0x4d: {  	s31 =	smul.f32 s30, s31;
	_ =	sdelay $0x1  }
0x4e: {  	s31 =	ssub.f32 $1.500000000e+00, s31;
	_ =	sdelay $0x1  }
0x4f: {  	s30 =	smul.f32 s30, s31;
	_ =	sdelay $0x1  }
0x50: {  	s31 =	smul.f32 s30, s29;
	_ =	sdelay $0x1  }
0x51: {  	s31 =	smul.f32 s31, s30;
	_ =	sdelay $0x1  }
0x52: {  	s31 =	ssub.f32 $1.500000000e+00, s31;
	_ =	sdelay $0x1  }
0x53: {  	s30 =	smul.f32 s31, s30;
	_ =	sdelay $0x1  }
0x54: {  	s29 =	smul.f32 s30, s29;
	_ =	sdelay $0x1  }
0x55: {  	s29 =	smul.f32 s29, s30;
	_ =	sdelay $0x1  }
0x56: {  	s29 =	ssub.f32 $1.500000000e+00, s29  }
0x57: {  	v48 =	vld [tilespmem:s26+$0xFFFFFFC0]  }
0x58: {  	s29 =	smul.f32 s29, s30;
	_ =	sdelay $0x1  }
0x59: {  	v2 =	vmul.f32 s29, v2;
	_ =	sdelay $0x1  }
0x5a: {  	v1 =	vmul.f32 v2, v48;
	_ =	sdelay $0x1  }
0x5b: {  	[tilespmem:s25+$0xFFFFFFC0] =	vst v1  }
0x5c: {  	v1 =	vld [tilespmem:s26+$0xFFFFFFD0];
	_ =	sdelay $0x2  }
0x5d: {  	v0 =	vmul.f32 s29, v0;
	_ =	sdelay $0x1  }
0x5e: {  	v0 =	vmul.f32 v0, v1;
	_ =	sdelay $0x1  }
0x5f: {  	[tilespmem:s25+$0xFFFFFFD0] =	vst v0  }
0x60: {  	v0 =	vld [tilespmem:s24+$0xFFFFFFF7]  }
0x61: {  	v49 =	vld [tilespmem:s28+$0xFFFFFF70]  }
0x62: {  	v50 =	vld [tilespmem:s28+$0xFFFFFF80]  }
0x63: {  	v53 =	vld [tilespmem:s28+$0xFFFFFF90]  }
0x64: {  	v56 =	vld [tilespmem:s28+$0xFFFFFFA0];
	_ =	sdelay $0x1  }
0x65: {  	v59 =	vld [tilespmem:s28+$0xFFFFFFB0];
	v51 =	vbroadcast v0, $0x0;
	v52 =	vunpack.i.l.bf16.f32 v49  }
0x66: {  	v1 =	vunpack.i.u.bf16.f32 v49;
	v54 =	vbroadcast v0, $0x1;
	v55 =	vunpack.i.l.bf16.f32 v50  }
0x67: {  	v2 =	vunpack.i.u.bf16.f32 v50;
	v57 =	vbroadcast v0, $0x2;
	v58 =	vunpack.i.l.bf16.f32 v53  }
0x68: {  	v5 =	vunpack.i.u.bf16.f32 v53;
	v60 =	vbroadcast v0, $0x3;
	v62 =	vunpack.i.l.bf16.f32 v56  }
0x69: {  	v63 =	vld [tilespmem:s28+$0xFFFFFFC0];
	v12 =	vunpack.i.u.bf16.f32 v56;
	v4 =	vmul.f32 v52, v51;
	v1 =	vmul.f32 v1, v51  }
0x6a: {  	v13 =	vbroadcast v0, $0x4;
	v14 =	vunpack.i.l.bf16.f32 v59;
	v3 =	vmul.f32 v55, v54  }
0x6b: {  	v15 =	vld [tilespmem:s28+$0xFFFFFFD0];
	v2 =	vmul.f32 v2, v54;
	v4 =	vadd.f32 $0.0e+00, v4;
	v1 =	vadd.f32 $0.0e+00, v1  }
0x6c: {  	v6 =	vunpack.i.u.bf16.f32 v59;
	v16 =	vbroadcast v0, $0x5;
	v61 =	vmul.f32 v5, v57  }
0x6d: {  	v3 =	vadd.f32 v3, v4;
	v4 =	vmul.f32 v58, v57;
	v1 =	vadd.f32 v2, v1  }
0x6e: {  	v18 =	vunpack.i.l.bf16.f32 v63;
	v21 =	vunpack.i.u.bf16.f32 v63;
	v11 =	vmul.f32 v62, v60  }
0x6f: {  	v19 =	vld [tilespmem:s28+$0xFFFFFFE0];
	v2 =	vmul.f32 v12, v60;
	v3 =	vadd.f32 v4, v3;
	v1 =	vadd.f32 v61, v1  }
0x70: {  	v22 =	vbroadcast v0, $0x6;
	v23 =	vunpack.i.l.bf16.f32 v15;
	v17 =	vmul.f32 v6, v13  }
0x71: {  	v24 =	vld [tilespmem:s28+$0xFFFFFFF0];
	v4 =	vmul.f32 v14, v13;
	v3 =	vadd.f32 v11, v3;
	v1 =	vadd.f32 v2, v1  }
0x72: {  	v7 =	vunpack.i.u.bf16.f32 v15;
	v25 =	vbroadcast v0, $0x7;
	v20 =	vmul.f32 v18, v16  }
0x73: {  	v2 =	vmul.f32 v21, v16;
	v3 =	vadd.f32 v4, v3;
	v1 =	vadd.f32 v17, v1  }
0x74: {  	v27 =	vunpack.i.l.bf16.f32 v19;
	v28 =	vunpack.i.u.bf16.f32 v19;
	v26 =	vmul.f32 v7, v22  }
0x75: {  	v4 =	vmul.f32 v23, v22;
	v3 =	vadd.f32 v20, v3;
	v1 =	vadd.f32 v2, v1  }
0x76: {  	v0 =	vbroadcast v0, $0x8;
	v31 =	vunpack.i.l.bf16.f32 v24;
	v5 =	vmul.f32 v27, v25  }
0x77: {  	v29 =	vmul.f32 v28, v25;
	v3 =	vadd.f32 v4, v3;
	v1 =	vadd.f32 v26, v1  }
0x78: {  	v30 =	vunpack.i.u.bf16.f32 v24;
	v32 =	vmul.f32 v31, v0  }
0x79: {  	v0 =	vmul.f32 v30, v0;
	v3 =	vadd.f32 v5, v3;
	v1 =	vadd.f32 v29, v1;
	_ =	sdelay $0x1  }
0x7a: {  	v2 =	vadd.f32 v32, v3;
	v0 =	vadd.f32 v0, v1;
	_ =	sdelay $0x1  }
0x7b: {  	v33 =	vmul.f32 v2, v2;
	v34 =	vmul.f32 v0, v0;
	_ =	sdelay $0x1  }
0x7c: {  	v1 =	vadd.f32 v33, v34;
	_ =	sdelay $0x1  }
0x7d: {  	(xrf2) =	vadd.scan.msk.f32 $0xffff, v1;
	_ =	sdelay $0x9  }
0x7e: {  	v1, _, _ =	vpop (xrf2)  }
0x7f: {  	(v2sf) =	vpush v1, $0xF;
	_ =	sdelay $0xe  }
0x80: {  	s30 =	spop (v2sf)  }
0x81: {  	s29 =	smax.f32 s30, $1.000000020e-24  }
0x82: {  	s31 =	sshra.s32 s29, $0x1;
	s29 =	smul.f32 $5.000000000e-01, s29  }
0x83: {  	s30 =	ssub.s32 $0x5F3759DF, s31  }
0x84: {  	s31 =	smul.f32 s30, s29;
	_ =	sdelay $0x1  }
0x85: {  	s31 =	smul.f32 s30, s31;
	_ =	sdelay $0x1  }
0x86: {  	s31 =	ssub.f32 $1.500000000e+00, s31;
	_ =	sdelay $0x1  }
0x87: {  	s30 =	smul.f32 s30, s31;
	_ =	sdelay $0x1  }
0x88: {  	s31 =	smul.f32 s30, s29;
	_ =	sdelay $0x1  }
0x89: {  	s31 =	smul.f32 s31, s30;
	_ =	sdelay $0x1  }
0x8a: {  	s31 =	ssub.f32 $1.500000000e+00, s31;
	_ =	sdelay $0x1  }
0x8b: {  	s30 =	smul.f32 s31, s30;
	_ =	sdelay $0x1  }
0x8c: {  	s29 =	smul.f32 s30, s29;
	_ =	sdelay $0x1  }
0x8d: {  	s29 =	smul.f32 s29, s30;
	_ =	sdelay $0x1  }
0x8e: {  	s29 =	ssub.f32 $1.500000000e+00, s29  }
0x8f: {  	v35 =	vld [tilespmem:s26+$0xFFFFFFE0]  }
0x90: {  	s29 =	smul.f32 s29, s30;
	_ =	sdelay $0x1  }
0x91: {  	v2 =	vmul.f32 s29, v2;
	_ =	sdelay $0x1  }
0x92: {  	v1 =	vmul.f32 v2, v35;
	_ =	sdelay $0x1  }
0x93: {  	[tilespmem:s25+$0xFFFFFFE0] =	vst v1  }
0x94: {  	v1 =	vld [tilespmem:s26+$0xFFFFFFF0];
	_ =	sdelay $0x2  }
0x95: {  	v0 =	vmul.f32 s29, v0;
	_ =	sdelay $0x1  }
0x96: {  	v0 =	vmul.f32 v0, v1;
	_ =	sdelay $0x1  }
0x97: {  	[tilespmem:s25+$0xFFFFFFF0] =	vst v0  }
0x98: {  	v0 =	vld [tilespmem:s24+$0x0]  }
0x99: {  	v36 =	vld [tilespmem:s28+$0x0]  }
0x9a: {  	v37 =	vld [tilespmem:s28+$0x10]  }
0x9b: {  	v40 =	vld [tilespmem:s28+$0x20]  }
0x9c: {  	v43 =	vld [tilespmem:s28+$0x30];
	_ =	sdelay $0x1  }
0x9d: {  	v46 =	vld [tilespmem:s28+$0x40];
	v38 =	vbroadcast v0, $0x0;
	v39 =	vunpack.i.l.bf16.f32 v36  }
0x9e: {  	v1 =	vunpack.i.u.bf16.f32 v36;
	v41 =	vbroadcast v0, $0x1;
	v42 =	vunpack.i.l.bf16.f32 v37  }
0x9f: {  	v2 =	vunpack.i.u.bf16.f32 v37;
	v44 =	vbroadcast v0, $0x2;
	v45 =	vunpack.i.l.bf16.f32 v40  }
0xa0: {  	v5 =	vunpack.i.u.bf16.f32 v40;
	v47 =	vbroadcast v0, $0x3;
	v49 =	vunpack.i.l.bf16.f32 v43  }
0xa1: {  	v50 =	vld [tilespmem:s28+$0x50];
	v52 =	vunpack.i.u.bf16.f32 v43;
	v4 =	vmul.f32 v39, v38;
	v1 =	vmul.f32 v1, v38  }
0xa2: {  	v53 =	vbroadcast v0, $0x4;
	v54 =	vunpack.i.l.bf16.f32 v46;
	v3 =	vmul.f32 v42, v41  }
0xa3: {  	v55 =	vld [tilespmem:s28+$0x60];
	v2 =	vmul.f32 v2, v41;
	v4 =	vadd.f32 $0.0e+00, v4;
	v1 =	vadd.f32 $0.0e+00, v1  }
0xa4: {  	v6 =	vunpack.i.u.bf16.f32 v46;
	v56 =	vbroadcast v0, $0x5;
	v48 =	vmul.f32 v5, v44  }
0xa5: {  	v3 =	vadd.f32 v3, v4;
	v4 =	vmul.f32 v45, v44;
	v1 =	vadd.f32 v2, v1  }
0xa6: {  	v58 =	vunpack.i.l.bf16.f32 v50;
	v61 =	vunpack.i.u.bf16.f32 v50;
	v51 =	vmul.f32 v49, v47  }
0xa7: {  	v59 =	vld [tilespmem:s28+$0x70];
	v2 =	vmul.f32 v52, v47;
	v3 =	vadd.f32 v4, v3;
	v1 =	vadd.f32 v48, v1  }
0xa8: {  	v62 =	vbroadcast v0, $0x6;
	v63 =	vunpack.i.l.bf16.f32 v55;
	v57 =	vmul.f32 v6, v53  }
0xa9: {  	v12 =	vld [tilespmem:s28+$0x80];
	v4 =	vmul.f32 v54, v53;
	v3 =	vadd.f32 v51, v3;
	v1 =	vadd.f32 v2, v1  }
0xaa: {  	v7 =	vunpack.i.u.bf16.f32 v55;
	v13 =	vbroadcast v0, $0x7;
	v60 =	vmul.f32 v58, v56  }
0xab: {  	v2 =	vmul.f32 v61, v56;
	v3 =	vadd.f32 v4, v3;
	v1 =	vadd.f32 v57, v1  }
0xac: {  	v15 =	vunpack.i.l.bf16.f32 v59;
	v16 =	vunpack.i.u.bf16.f32 v59;
	v14 =	vmul.f32 v7, v62  }
0xad: {  	v4 =	vmul.f32 v63, v62;
	v3 =	vadd.f32 v60, v3;
	v1 =	vadd.f32 v2, v1  }
0xae: {  	v0 =	vbroadcast v0, $0x8;
	v19 =	vunpack.i.l.bf16.f32 v12;
	v5 =	vmul.f32 v15, v13  }
0xaf: {  	v17 =	vmul.f32 v16, v13;
	v3 =	vadd.f32 v4, v3;
	v1 =	vadd.f32 v14, v1  }
0xb0: {  	v18 =	vunpack.i.u.bf16.f32 v12;
	v20 =	vmul.f32 v19, v0  }
0xb1: {  	v0 =	vmul.f32 v18, v0;
	v3 =	vadd.f32 v5, v3;
	v1 =	vadd.f32 v17, v1;
	_ =	sdelay $0x1  }
0xb2: {  	v2 =	vadd.f32 v20, v3;
	v0 =	vadd.f32 v0, v1;
	_ =	sdelay $0x1  }
0xb3: {  	v21 =	vmul.f32 v2, v2;
	v22 =	vmul.f32 v0, v0;
	_ =	sdelay $0x1  }
0xb4: {  	v1 =	vadd.f32 v21, v22;
	_ =	sdelay $0x1  }
0xb5: {  	(xrf2) =	vadd.scan.msk.f32 $0xffff, v1;
	_ =	sdelay $0x9  }
0xb6: {  	v1, _, _ =	vpop (xrf2)  }
0xb7: {  	(v2sf) =	vpush v1, $0xF;
	_ =	sdelay $0xe  }
0xb8: {  	s30 =	spop (v2sf)  }
0xb9: {  	s29 =	smax.f32 s30, $1.000000020e-24  }
0xba: {  	s31 =	sshra.s32 s29, $0x1;
	s29 =	smul.f32 $5.000000000e-01, s29  }
0xbb: {  	s30 =	ssub.s32 $0x5F3759DF, s31  }
0xbc: {  	s31 =	smul.f32 s30, s29;
	_ =	sdelay $0x1  }
0xbd: {  	s31 =	smul.f32 s30, s31;
	_ =	sdelay $0x1  }
0xbe: {  	s31 =	ssub.f32 $1.500000000e+00, s31;
	_ =	sdelay $0x1  }
0xbf: {  	s30 =	smul.f32 s30, s31;
	_ =	sdelay $0x1  }
0xc0: {  	s31 =	smul.f32 s30, s29;
	_ =	sdelay $0x1  }
0xc1: {  	s31 =	smul.f32 s31, s30;
	_ =	sdelay $0x1  }
0xc2: {  	s31 =	ssub.f32 $1.500000000e+00, s31;
	_ =	sdelay $0x1  }
0xc3: {  	s30 =	smul.f32 s31, s30;
	_ =	sdelay $0x1  }
0xc4: {  	s29 =	smul.f32 s30, s29;
	_ =	sdelay $0x1  }
0xc5: {  	s29 =	smul.f32 s29, s30;
	_ =	sdelay $0x1  }
0xc6: {  	s29 =	ssub.f32 $1.500000000e+00, s29  }
0xc7: {  	v23 =	vld [tilespmem:s26+$0x0]  }
0xc8: {  	s29 =	smul.f32 s29, s30;
	_ =	sdelay $0x1  }
0xc9: {  	v2 =	vmul.f32 s29, v2;
	_ =	sdelay $0x1  }
0xca: {  	v1 =	vmul.f32 v2, v23;
	_ =	sdelay $0x1  }
0xcb: {  	[tilespmem:s25+$0x0] =	vst v1  }
0xcc: {  	v1 =	vld [tilespmem:s26+$0x10];
	_ =	sdelay $0x2  }
0xcd: {  	v0 =	vmul.f32 s29, v0;
	_ =	sdelay $0x1  }
0xce: {  	v0 =	vmul.f32 v0, v1;
	_ =	sdelay $0x1  }
0xcf: {  	[tilespmem:s25+$0x10] =	vst v0  }
0xd0: {  	v0 =	vld [tilespmem:s24+$0x9]  }
0xd1: {  	v24 =	vld [tilespmem:s28+$0x90]  }
0xd2: {  	v25 =	vld [tilespmem:s28+$0xA0]  }
0xd3: {  	v28 =	vld [tilespmem:s28+$0xB0]  }
0xd4: {  	v31 =	vld [tilespmem:s28+$0xC0];
	_ =	sdelay $0x1  }
0xd5: {  	v34 =	vld [tilespmem:s28+$0xD0];
	v26 =	vbroadcast v0, $0x0;
	v27 =	vunpack.i.l.bf16.f32 v24  }
0xd6: {  	v1 =	vunpack.i.u.bf16.f32 v24;
	v29 =	vbroadcast v0, $0x1;
	v30 =	vunpack.i.l.bf16.f32 v25  }
0xd7: {  	v2 =	vunpack.i.u.bf16.f32 v25;
	v32 =	vbroadcast v0, $0x2;
	v33 =	vunpack.i.l.bf16.f32 v28  }
0xd8: {  	v5 =	vunpack.i.u.bf16.f32 v28;
	v35 =	vbroadcast v0, $0x3;
	v37 =	vunpack.i.l.bf16.f32 v31  }
0xd9: {  	v38 =	vld [tilespmem:s28+$0xE0];
	v40 =	vunpack.i.u.bf16.f32 v31;
	v4 =	vmul.f32 v27, v26;
	v1 =	vmul.f32 v1, v26  }
0xda: {  	v41 =	vbroadcast v0, $0x4;
	v42 =	vunpack.i.l.bf16.f32 v34;
	v3 =	vmul.f32 v30, v29  }
0xdb: {  	v43 =	vld [tilespmem:s28+$0xF0];
	v2 =	vmul.f32 v2, v29;
	v4 =	vadd.f32 $0.0e+00, v4;
	v1 =	vadd.f32 $0.0e+00, v1  }
0xdc: {  	v6 =	vunpack.i.u.bf16.f32 v34;
	v44 =	vbroadcast v0, $0x5;
	v36 =	vmul.f32 v5, v32  }
0xdd: {  	v3 =	vadd.f32 v3, v4;
	v4 =	vmul.f32 v33, v32;
	v1 =	vadd.f32 v2, v1  }
0xde: {  	v46 =	vunpack.i.l.bf16.f32 v38;
	v49 =	vunpack.i.u.bf16.f32 v38;
	v39 =	vmul.f32 v37, v35  }
0xdf: {  	v47 =	vld [tilespmem:s28+$0x100];
	v2 =	vmul.f32 v40, v35;
	v3 =	vadd.f32 v4, v3;
	v1 =	vadd.f32 v36, v1  }
0xe0: {  	v50 =	vbroadcast v0, $0x6;
	v51 =	vunpack.i.l.bf16.f32 v43;
	v45 =	vmul.f32 v6, v41  }
0xe1: {  	v52 =	vld [tilespmem:s28+$0x110];
	v4 =	vmul.f32 v42, v41;
	v3 =	vadd.f32 v39, v3;
	v1 =	vadd.f32 v2, v1  }
0xe2: {  	v7 =	vunpack.i.u.bf16.f32 v43;
	v53 =	vbroadcast v0, $0x7;
	v48 =	vmul.f32 v46, v44  }
0xe3: {  	v2 =	vmul.f32 v49, v44;
	v3 =	vadd.f32 v4, v3;
	v1 =	vadd.f32 v45, v1  }
0xe4: {  	v55 =	vunpack.i.l.bf16.f32 v47;
	v56 =	vunpack.i.u.bf16.f32 v47;
	v54 =	vmul.f32 v7, v50  }
0xe5: {  	v4 =	vmul.f32 v51, v50;
	v3 =	vadd.f32 v48, v3;
	v1 =	vadd.f32 v2, v1  }
0xe6: {  	v0 =	vbroadcast v0, $0x8;
	v59 =	vunpack.i.l.bf16.f32 v52;
	v5 =	vmul.f32 v55, v53  }
0xe7: {  	v57 =	vmul.f32 v56, v53;
	v3 =	vadd.f32 v4, v3;
	v1 =	vadd.f32 v54, v1  }
0xe8: {  	v58 =	vunpack.i.u.bf16.f32 v52;
	v60 =	vmul.f32 v59, v0  }
0xe9: {  	v0 =	vmul.f32 v58, v0;
	v3 =	vadd.f32 v5, v3;
	v1 =	vadd.f32 v57, v1;
	_ =	sdelay $0x1  }
0xea: {  	v2 =	vadd.f32 v60, v3;
	v0 =	vadd.f32 v0, v1;
	_ =	sdelay $0x1  }
0xeb: {  	v61 =	vmul.f32 v2, v2;
	v62 =	vmul.f32 v0, v0;
	_ =	sdelay $0x1  }
0xec: {  	v1 =	vadd.f32 v61, v62;
	_ =	sdelay $0x1  }
0xed: {  	(xrf2) =	vadd.scan.msk.f32 $0xffff, v1;
	_ =	sdelay $0x9  }
0xee: {  	v1, _, _ =	vpop (xrf2)  }
0xef: {  	(v2sf) =	vpush v1, $0xF;
	_ =	sdelay $0xe  }
0xf0: {  	s30 =	spop (v2sf)  }
0xf1: {  	s29 =	smax.f32 s30, $1.000000020e-24  }
0xf2: {  	s31 =	sshra.s32 s29, $0x1;
	s29 =	smul.f32 $5.000000000e-01, s29  }
0xf3: {  	s30 =	ssub.s32 $0x5F3759DF, s31  }
0xf4: {  	s31 =	smul.f32 s30, s29;
	_ =	sdelay $0x1  }
0xf5: {  	s31 =	smul.f32 s30, s31;
	_ =	sdelay $0x1  }
0xf6: {  	s31 =	ssub.f32 $1.500000000e+00, s31;
	_ =	sdelay $0x1  }
0xf7: {  	s30 =	smul.f32 s30, s31;
	_ =	sdelay $0x1  }
0xf8: {  	s31 =	smul.f32 s30, s29;
	_ =	sdelay $0x1  }
0xf9: {  	s31 =	smul.f32 s31, s30;
	_ =	sdelay $0x1  }
0xfa: {  	s31 =	ssub.f32 $1.500000000e+00, s31;
	_ =	sdelay $0x1  }
0xfb: {  	s30 =	smul.f32 s31, s30;
	_ =	sdelay $0x1  }
0xfc: {  	s29 =	smul.f32 s30, s29;
	_ =	sdelay $0x1  }
0xfd: {  	s29 =	smul.f32 s29, s30;
	_ =	sdelay $0x1  }
0xfe: {  	s29 =	ssub.f32 $1.500000000e+00, s29  }
0xff: {  	v63 =	vld [tilespmem:s26+$0x20]  }
0x100: {  	s29 =	smul.f32 s29, s30;
	_ =	sdelay $0x1  }
0x101: {  	v2 =	vmul.f32 s29, v2;
	_ =	sdelay $0x1  }
0x102: {  	v1 =	vmul.f32 v2, v63;
	_ =	sdelay $0x1  }
0x103: {  	[tilespmem:s25+$0x20] =	vst v1  }
0x104: {  	v1 =	vld [tilespmem:s26+$0x30]  }
0x105: {  	s23 =	sadd.s32 $0x4, s23  }
0x106: {  	p0 =	slt.u32 s23, $0x18C  }
.Ltmp0:
0x107: {  	v0 =	vmul.f32 s29, v0;
	(pc) =	sbr.rel @p0 .LBB2_3-.Ltmp0, $4  }
0x108: {  	_ = 	snop  }
0x109: {  	v0 =	vmul.f32 v0, v1  }
0x10a: {  	s24 =	sadd.s32 $0x24, s24  }
0x10b: {  	s28 =	sadd.s32 $0x240, s28;
	s26 =	sadd.s32 $0x80, s26;
	[tilespmem:s25+$0x30] =	vst v0;
	s25 =	sadd.s32 $0x80, s25  }
0x10c: {  	s21 =	sadd.s32 $0x1, s21  }
0x10d: {  	s22 =	sshll.u32 s22, $0x2;
	p0 =	sne.s32 s21, $0x19  }
.Ltmp1:
0x10e: {  	s22 =	sadd.s32 s7, s22;
	(pc) =	sbr.rel @p0 .LBB2_2-.Ltmp1, $4  }
0x10f: {  	[hbm4b:s22+s2] =	stream.linear.scatter [tilespmem:s19], [sflag:$0x3], $0x3200, $0x38;
	[tilespmem:$0x1A140] =	vst v63  }
0x110: {  	_ =	swait.ge [sflag:s11], $0x3200  }
0x111: {  	[sflag:s11] =	ssyncset.done $0x0  }
0x112: {  	[sflag:s11] =	ssyncadd.s32 $0xFFFFCE00  }
0x113: {  	s20 =	sadd.s32 $0x1, s20  }
0x114: {  	p0 =	sne.s32 s20, s10  }
.Ltmp2:
0x115: {  	_ = 	snop;
	(pc) =	sbr.rel @p0 .LBB2_1-.Ltmp2, $1  }
0x116: {  	_ =	sdelay $0x3  }
0x117: {  	_ =	sfence.sel $0x180000  }
0x118: {  	[bflag:$0x0] =	sbarrier.arrive $0xFFFF  }
0x119: {  	p0 =	sne.s32 s1, $0x0;
	_ =	strace $0x9000004A  }
0x11a: {  	s0 =	sadd.s32 @!p0 $0x100000, s0;
	[bflag:$0x2] =	sbarrier.arrive $0xFFFF  }
0x11b: {  	[sflag:s0] =	ssyncadd.tile.s32 @!p0 $0x1;
	_ =	shalt  }
.Lfunc_end2:
_tile_overlayer_lowered:
.L_overlay_start_2:
0x11c: {  	(tag) =	ssettag $0x2  }
0x11d: {  	s0 =	rddreg [dreg:$0x0];
	s2 =	stileid.u32  }
0x11e: {  	s1 =	rddreg [dreg:$0x1];
	p0 =	sne.s32 s2, $0x0  }
0x11f: {  	s3 =	rddreg [dreg:$0x2];
	[bflag:$0x3] =	sbarrier.arrive $0xFFFF;
	s2 =	simm.s32 @!p0 $0x1C03  }
0x120: {  	[timem:s3], [sflag:s2] =	dma.local @!p0 [hbm:s0], s1  }
0x121: {  	s0 =	simm.s32 @!p0 $0x3  }
0x122: {  	_ =	swait.ge @!p0 [sflag:s0], s1  }
0x123: {  	s1 =	ssub.s32 @!p0 $0x0, s1;
	[sflag:s0] =	ssyncset.done @!p0 $0x0  }
0x124: {  	[sflag:s0] =	ssyncadd.s32 @!p0 s1  }
0x125: {  	[bflag:$0x3] =	sbarrier.arrive $0xFFFF  }
0x126: {  	_ =	shalt  }

// kernel: kernel.13.cloned.1.call-start
scs
__scs_entry_jumppad:
0x0: {  	(pc) =	sbr.rel $0x88, $3  }
0x1: {  	(tag) =	ssettag $0x0;
	lr =	simm.s32 $0x1  }
0x2: {  	[smem:$0x3F89] =	sst lr;
	_ =	strace $0xD0000000  }
0x3: {  	_ = 	snop  }
0x4: {  	_ = 	snop  }
0x5: {  	_ = 	snop  }
0x6: {  	_ = 	snop  }
0x7: {  	_ = 	snop  }
__scs_overlays_trampoline_lowered:
0x8: {  	[smem:$0x3F98] =	sst s0  }
0x9: {  	[smem:$0x3F99] =	sst s1  }
0xa: {  	[smem:$0x3F9A] =	sst s2  }
0xb: {  	[smem:$0x3F9B] =	sst s3  }
0xc: {  	[smem:$0x3F9C] =	sst s4  }
0xd: {  	[smem:$0x3F9D] =	sst s5  }
0xe: {  	[smem:$0x3F9E] =	sst s6  }
0xf: {  	[smem:$0x3F9F] =	sst s7  }
0x10: {  	[smem:$0x3FA0] =	sst s8  }
0x11: {  	[smem:$0x3FA1] =	sst s9;
	s0 =	simm.s32 @!p0 $0x0  }
0x12: {  	s1 =	sld [smem:$0x3F87];
	s0 =	simm.s32 @p0 $0x1  }
0x13: {  	[smem:$0x3FA2] =	sst s0;
	s0 =	simm.s32 @!p1 $0x0  }
0x14: {  	s2 =	sld [smem:$0x3F86];
	s0 =	simm.s32 @p1 $0x1  }
0x15: {  	[smem:$0x3FA3] =	sst s0;
	s0 =	simm.s32 @!p2 $0x0  }
0x16: {  	s3 =	sld [smem:$0x3FDB];
	s0 =	simm.s32 @p2 $0x1  }
0x17: {  	s4 =	simm.s32 $0x1BF5;
	[smem:$0x3FA5] =	sst s0  }
0x18: {  	s0 =	sld [smem:$0x3F88];
	_ =	swait.ge [sflag:s4], $0x0  }
0x19: {  	s7 =	sld [smem:$0x3F89]  }
0x1a: {  	s8 =	sadd.s32 $0xFFFFE003, lr  }
0x1b: {  	s9 =	sadd.s32 $0xFFFFFEF7, lr;
	s5 =	simm.s32 $0xFFFFFFFF;
	p2 =	slt.u32 s8, $0xFFFFF086  }
0x1c: {  	p1 =	slt.u32 s9, $0xF7A;
	s5 =	simm.s32 @!p2 $0x0  }
0x1d: {  	s5 =	simm.s32 @p1 $0x1;
	p0 =	seq.s32 s7, s2  }
0x1e: {  	s7 =	smul.u32 @!p0 $0xF7A, s2;
	p2 =	seq.s32 @!p0 s5, $0x0  }
0x1f: {  	s9 =	smul.u32 $0xF7A, s1;
	s8 =	simm.s32 @!p0 $0x1BF5;
	p2 =	por !p2, p0  }
0x20: {  	[sflag:s8] =	ssyncset.s32 @!p0 $0xFFFFF086;
	s6 =	sadd.s32 @!p0 s3, s7;
	s7 =	simm.s32 @!p0 $0x108  }
0x21: {  	s3 =	sadd.s32 s3, s9;
	s6 =	sadd.s32 @!p0 $0x88, s6;
	s7 =	simm.s32 @p2 $0x1082  }
0x22: {  	[simem:s7], [sflag:s8] =	dma.local @!p0 [hbm:s6], $0xF7A  }
0x23: {  	s9 =	sor.u32 $0xD0000000, s2;
	s6 =	simm.s32 $0x108;
	_ =	swait.ge @!p0 [sflag:s8], $0x0  }
0x24: {  	s3 =	sadd.s32 $0x88, s3;
	s6 =	simm.s32 @!p1 $0x1082;
	[sflag:s4] =	ssyncset.s32 $0xFFFFF086  }
0x25: {  	[simem:s6], [sflag:s4] =	dma.local [hbm:s3], $0xF7A  }
0x26: {  	[smem:$0x3F89] =	sst s1;
	(tag) =	ssettag s2;
	_ =	strace s9  }
0x27: {  	s1 =	sld [smem:$0x3F99]  }
0x28: {  	s2 =	sld [smem:$0x3F9A]  }
0x29: {  	s4 =	sld [smem:$0x3F9C]  }
0x2a: {  	p0 =	seq.s32 s5, $0x0;
	s5 =	sld [smem:$0x3F9D]  }
0x2b: {  	s6 =	sld [smem:$0x3F9E]  }
0x2c: {  	s7 =	sld [smem:$0x3F9F]  }
0x2d: {  	s3 =	simm.s32 $0x108;
	s8 =	sld [smem:$0x3FA0]  }
0x2e: {  	s3 =	simm.s32 @!p0 $0x1082;
	s9 =	sld [smem:$0x3FA1]  }
0x2f: {  	lr =	sadd.s32 s0, s3;
	s0 =	sld [smem:$0x3F98]  }
0x30: {  	s3 =	sld [smem:$0x3F9B]  }
0x31: {  	[smem:$0x3FA4] =	sst s10  }
0x32: {  	s10 =	sld [smem:$0x3FA2];
	_ =	sdelay $0x3  }
0x33: {  	p0 =	seq.s32 s10, $0x1;
	s10 =	sld [smem:$0x3FA4];
	_ =	sdelay $0x3  }
0x34: {  	[smem:$0x3FA4] =	sst s10  }
0x35: {  	s10 =	sld [smem:$0x3FA3];
	_ =	sdelay $0x3  }
0x36: {  	p1 =	seq.s32 s10, $0x1;
	s10 =	sld [smem:$0x3FA4];
	_ =	sdelay $0x3  }
0x37: {  	[smem:$0x3FA4] =	sst s10  }
0x38: {  	s10 =	sld [smem:$0x3FA5]  }
0x39: {  	_ = 	snop;
	(pc) =	sbr.ind lr, $3  }
0x3a: {  	_ = 	snop  }
0x3b: {  	_ = 	snop  }
0x3c: {  	p2 =	seq.s32 s10, $0x1;
	s10 =	sld [smem:$0x3FA4]  }
0x3d: {  	_ =	shalt  }
0x3e: {  	_ =	shalt  }
0x3f: {  	_ =	shalt  }
0x40: {  	_ =	shalt  }
0x41: {  	_ =	shalt  }
0x42: {  	_ =	shalt  }
0x43: {  	_ =	shalt  }
0x44: {  	_ =	shalt  }
0x45: {  	_ =	shalt  }
0x46: {  	_ =	shalt  }
0x47: {  	_ =	shalt  }
0x48: {  	_ =	shalt  }
0x49: {  	_ =	shalt  }
0x4a: {  	_ =	shalt  }
0x4b: {  	_ =	shalt  }
0x4c: {  	_ =	shalt  }
0x4d: {  	_ =	shalt  }
0x4e: {  	_ =	shalt  }
0x4f: {  	_ =	shalt  }
0x50: {  	_ =	shalt  }
0x51: {  	_ =	shalt  }
0x52: {  	_ =	shalt  }
0x53: {  	_ =	shalt  }
0x54: {  	_ =	shalt  }
0x55: {  	_ =	shalt  }
0x56: {  	_ =	shalt  }
0x57: {  	_ =	shalt  }
0x58: {  	_ =	shalt  }
0x59: {  	_ =	shalt  }
0x5a: {  	_ =	shalt  }
0x5b: {  	_ =	shalt  }
0x5c: {  	_ =	shalt  }
0x5d: {  	_ =	shalt  }
0x5e: {  	_ =	shalt  }
0x5f: {  	_ =	shalt  }
0x60: {  	_ =	shalt  }
0x61: {  	_ =	shalt  }
0x62: {  	_ =	shalt  }
0x63: {  	_ =	shalt  }
0x64: {  	_ =	shalt  }
0x65: {  	_ =	shalt  }
0x66: {  	_ =	shalt  }
0x67: {  	_ =	shalt  }
0x68: {  	_ =	shalt  }
0x69: {  	_ =	shalt  }
0x6a: {  	_ =	shalt  }
0x6b: {  	_ =	shalt  }
0x6c: {  	_ =	shalt  }
0x6d: {  	_ =	shalt  }
0x6e: {  	_ =	shalt  }
0x6f: {  	_ =	shalt  }
0x70: {  	_ =	shalt  }
0x71: {  	_ =	shalt  }
0x72: {  	_ =	shalt  }
0x73: {  	_ =	shalt  }
0x74: {  	_ =	shalt  }
0x75: {  	_ =	shalt  }
0x76: {  	_ =	shalt  }
0x77: {  	_ =	shalt  }
0x78: {  	_ =	shalt  }
0x79: {  	_ =	shalt  }
0x7a: {  	_ =	shalt  }
0x7b: {  	_ =	shalt  }
0x7c: {  	_ =	shalt  }
0x7d: {  	_ =	shalt  }
0x7e: {  	_ =	shalt  }
0x7f: {  	_ =	shalt  }
0x80: {  	_ =	shalt  }
0x81: {  	_ =	shalt  }
0x82: {  	_ =	shalt  }
0x83: {  	_ =	shalt  }
0x84: {  	_ =	shalt  }
0x85: {  	_ =	shalt  }
0x86: {  	_ =	shalt  }
0x87: {  	_ =	shalt  }
.Lfunc_end0:
.L_simem_size_0:
called_computation.2_lowered:
.L_overlay_start_0:
0x88: {  	s2 =	sld [smem:$0x3FD9]  }
0x89: {  	s3 =	sld [smem:$0x3FFE];
	_ =	sdelay $0x1  }
0x8a: {  	s1 =	srdreg.scid  }
0x8b: {  	s0 =	sand.u32 $0x1, s1  }
0x8c: {  	s17 =	sshll.u32 s0, $0xA;
	s2 =	sadd.s32 s3, s2  }
0x8d: {  	s2 =	sadd.s32 s2, s17  }
0x8e: {  	[smem:$0x3FB0] =	sst s2  }
0x8f: {  	_ = 	snop  }
0x90: {  	s18 =	sld [smem:$0x3FC0];
	(tm) =	ssettm $0x1  }
0x91: {  	s19 =	sld [smem:$0x3FFB];
	_ =	sdelay $0x3  }
0x92: {  	_ =	strace s19  }
0x93: {  	s2 =	sld [smem:$0x3FFC];
	_ =	sdelay $0x3  }
0x94: {  	_ =	strace s2  }
0x95: {  	s2 =	sld [smem:$0x3FFD];
	_ =	sdelay $0x3  }
0x96: {  	_ =	strace s2  }
0x97: {  	_ =	strace $0x8FFFFFFF  }
0x98: {  	s20 =	sld [smem:$0x3FDB];
	_ =	sdelay $0x1  }
0x99: {  	s4 =	simm.s32 $_scs_section_size  }
0x9a: {  	s5 =	simm.s32 $_size__tile_overlayer_lowered;
	s6 =	simm.s32 $_tile_overlayer_lowered  }
0x9b: {  	s7 =	simm.s32 $0x1BFF;
	s21 =	sshll.u32 s6, $0x1;
	s4 =	sadd.s32 s4, s20  }
0x9c: {  	s22 =	simm.s32 $0x0;
	s5 =	sshll.u32 s5, $0x1;
	s6 =	sadd.s32 s21, s4  }
0x9d: {  	[timem:s22], [sflag:s7] =	dma.local [hbm:s6], s5  }
0x9e: {  	_ =	swait.ge [sflag:s7], s5  }
0x9f: {  	s5 =	ssub.s32 $0x0, s5;
	[sflag:s7] =	ssyncset.done $0x0  }
0xa0: {  	[sflag:s7] =	ssyncadd.s32 s5;
	_ =	sdelay $0x1  }
0xa1: {  	s23 =	simm.s32 $0x1B8B  }
0xa2: {  	_ =	swait.ge [sflag:s23], $0x1  }
0xa3: {  	[sflag:s23] =	ssyncset.done $0x0  }
0xa4: {  	[sflag:s23] =	ssyncadd.s32 $0xFFFFFFFF  }
0xa5: {  	s5 =	sld [smem:$0x0]  }
0xa6: {  	s6 =	sand.u32 $0xFFFFFFFE, s1  }
0xa7: {  	p0 =	sne.s32 s1, s6  }
0xa8: {  	s6 =	sshll.u32 @p0 s6, $0xE  }
0xa9: {  	s6 =	sadd.s32 @p0 $0x11B8D, s6;
	s7 =	sshll.u32 @p0 s5, $0x11  }
0xaa: {  	s6 =	sor.u32 @p0 s7, s6  }
0xab: {  	[sflag:s6] =	ssyncadd.remote.s32 @p0 $0x1;
	_ =	sdelay $0x1  }
0xac: {  	s6 =	simm.s32 @p0 $0x1B8D  }
0xad: {  	_ =	swait.eq @p0 [sflag:s6], $0x1  }
0xae: {  	[sflag:s6] =	ssyncadd.s32 @p0 $0xFFFFFFFF  }
0xaf: {  	s7 =	sshll.u32 @!p0 s1, $0xE  }
0xb0: {  	s7 =	sor.u32 @!p0 $0x4000, s7;
	s6 =	simm.s32 @!p0 $0x1B8D  }
0xb1: {  	s5 =	sshll.u32 @!p0 s5, $0x11;
	s7 =	sadd.s32 @!p0 $0x11B8D, s7;
	_ =	swait.eq @!p0 [sflag:s6], $0x1  }
0xb2: {  	s5 =	sor.u32 @!p0 s5, s7;
	[sflag:s6] =	ssyncadd.s32 @!p0 $0xFFFFFFFF  }
0xb3: {  	s25 =	simm.s32 $0x1B8E;
	s24 =	sld [smem:$0x3FFE];
	[sflag:s5] =	ssyncadd.remote.s32 @!p0 $0x1  }
0xb4: {  	s26 =	simm.s32 $execute0_lowered;
	[smem:$0x3FD2] =	sst s25  }
0xb5: {  	s6 =	sshll.u32 s26, $0x1;
	_ =	strace $0x8000004F;
	[dreg:$0x1] =	wrdreg $0xFFFFFFFF  }
0xb6: {  	s28 =	simm.s32 $_size_execute0_lowered;
	s4 =	sadd.s32 s4, s6;
	[dreg:$0x0] =	wrdreg $0x0  }
0xb7: {  	s6 =	sshll.u32 s28, $0x1;
	[dreg:$0x2] =	wrdreg s4  }
0xb8: {  	[dreg:$0x3] =	wrdreg s6  }
0xb9: {  	[dreg:$0x4] =	wrdreg $0xC0  }
0xba: {  	_ =	task [dreg:s22], $0x5FFFF  }
0xbb: {  	[dreg:$0x1] =	wrdreg $0xFFFFFFFF  }
0xbc: {  	[dreg:$0x0] =	wrdreg $0x60  }
0xbd: {  	[dreg:$0x2] =	wrdreg s24  }
0xbe: {  	[dreg:$0x3] =	wrdreg s18  }
0xbf: {  	[dreg:$0x4] =	wrdreg $0x67200  }
0xc0: {  	[dreg:$0x5] =	wrdreg $0xA  }
0xc1: {  	_ =	task.clear_ibuf [dreg:s22], $0x6FFFF;
	_ =	strace $0x9000004F  }
0xc2: {  	s29 =	simm.s32 $0xA;
	_ =	strace $0x80000051  }
0xc3: {  	_ =	swait.ge [sflag:s29], $0x1  }
0xc4: {  	[sflag:s29] =	ssyncadd.s32 $0xFFFFFFFF  }
0xc5: {  	_ =	strace $0x90000051  }
0xc6: {  	_ =	sfence  }
0xc7: {  	s30 =	sld [smem:$0x0];
	_ =	sdelay $0x2  }
0xc8: {  	s31 =	sshll.u32 s1, $0xD;
	s1 =	sshrl.u32 s1, $0x2  }
0xc9: {  	s4 =	sand.u32 $0x4000, s31;
	s1 =	sadd.s32 s1, s30  }
0xca: {  	s0 =	sor.u32 s4, s0;
	s1 =	sshll.u32 s1, $0x11  }
0xcb: {  	s0 =	sor.u32 s1, s0  }
0xcc: {  	s0 =	sadd.s32 $0x8F2B, s0  }
0xcd: {  	[sflag:s0] =	ssyncadd.remote.s32 $0x1  }
0xce: {  	_ =	sfence.sel $0xFFFF  }
0xcf: {  	[dreg:$0x0] =	wrdreg $0xFFFFFFFF;
	(pc) =	sbr.abs _section_cstart, $3  }
0xd0: {  	[dreg:$0x1] =	wrdreg $0xFFFFFFFF  }
0xd1: {  	_ =	task.clear_ibuf [dreg:s22], $0x2FFFF;
	_ =	strace $0x9FFFFFFF  }
0xd2: {  	(tm) =	ssettm $0x7FFFFFFF  }
0xd3: {  	_ =	shalt  }
tec
execute0_lowered:
.L_overlay_start_1:
0x0: {  	(tag) =	ssettag $0x1  }
0x1: {  	s0 =	rddreg [dreg:$0x0]  }
0x2: {  	s1 =	rddreg [dreg:$0x1]  }
0x3: {  	s3 =	rddreg [dreg:$0x2];
	s4 =	simm.s32 $0x0  }
0x4: {  	s2 =	srdreg.scid;
	s13 =	stileid.u32;
	s28 =	simm.s32 $0x320  }
0x5: {  	s30 =	simm.s32 $0x190;
	s31 =	simm.s32 $0x0;
	s6 =	smul.u32 $0x4E400, s13  }
0x6: {  	[smem:$0x7FF] =	sst s4;
	s5 =	sadd.s32 $0xAC7400, s0;
	s18 =	smul.u32 $0x9C4, s13  }
0x7: {  	s2 =	sand.u32 $0x1, s2;
	s0 =	sadd.s32 $0x583600, s0;
	s14 =	smul.u32 $0x4E200, s13  }
0x8: {  	s13 =	smul.u32 $0x4E20, s13;
	_ =	strace $0x80000050;
	s7 =	ssub.s32 $0x2, s2  }
0x9: {  	s2 =	smul.u32 $0x13880, s2;
	s8 =	sshrl.u32 s7, $0x1;
	s6 =	sshrl.u32 s6, $0x2  }
0xa: {  	s14 =	sshrl.u32 s14, $0x2;
	s17 =	ssub.s32 s7, s8;
	s6 =	sadd.s32 s6, s3  }
0xb: {  	s15 =	sadd.s32 s18, s2;
	s14 =	sadd.s32 s14, s3;
	s19 =	sadd.s32 $0x9C40, s2  }
0xc: {  	s7 =	sadd.s32 $0x3200, s6;
	s8 =	sadd.s32 $0x6400, s6;
	s15 =	sshll.u32 s15, $0x2  }
0xd: {  	s9 =	sadd.s32 $0x9600, s6;
	s25 =	smax.u32 s17, $0x1;
	s15 =	sadd.s32 s0, s15  }
0xe: {  	s10 =	sadd.s32 $0xC800, s6;
	[dreg:$0x7] =	wrdreg s25;
	s20 =	sadd.s32 $0x640, s15  }
0xf: {  	s11 =	sadd.s32 $0xFA00, s6;
	s21 =	sadd.s32 $0xC80, s15;
	[dreg:$0x4] =	wrdreg s20  }
0x10: {  	s12 =	sadd.s32 $0x12C00, s6;
	s24 =	sadd.s32 $0x12C0, s15;
	[dreg:$0x5] =	wrdreg s21  }
0x11: {  	s22 =	sadd.s32 s18, s19;
	s26 =	sadd.s32 $0x1900, s15;
	[dreg:$0x6] =	wrdreg s24  }
0x12: {  	s23 =	sshll.u32 s22, $0x2;
	s17 =	sadd.s32 $0x1F40, s15;
	[dreg:$0x8] =	wrdreg s26  }
0x13: {  	s22 =	sadd.s32 $0x2580, s15;
	s21 =	sadd.s32 s0, s23;
	[dreg:$0x9] =	wrdreg s17  }
0x14: {  	s16 =	sadd.s32 $0x3200, s14;
	[dreg:$0xa] =	wrdreg s22;
	s23 =	sadd.s32 $0x640, s21  }
0x15: {  	s18 =	sadd.s32 $0x6400, s14;
	s25 =	sadd.s32 $0xC80, s21;
	[dreg:$0xb] =	wrdreg s23  }
0x16: {  	s29 =	sadd.s32 $0x12C00, s14;
	s17 =	sadd.s32 $0x12C0, s21;
	[dreg:$0xc] =	wrdreg s25  }
0x17: {  	s20 =	sadd.s32 $0x9600, s14;
	s22 =	sadd.s32 $0x1900, s21;
	[dreg:$0xd] =	wrdreg s17  }
0x18: {  	s24 =	sadd.s32 $0xC800, s14;
	[dreg:$0xe] =	wrdreg s22;
	s23 =	sadd.s32 $0x1F40, s21  }
0x19: {  	s26 =	sadd.s32 $0xFA00, s14;
	s25 =	sadd.s32 $0x2580, s21;
	[dreg:$0xf] =	wrdreg s23  }
0x1a: {  	v2 =	vimm.f32 $0.0e+00;
	v0 =	vmov s2;
	v1 =	vmov s19;
	[dreg:$0x10] =	wrdreg s25;
	s23 =	simm.s32 $0x3520;
	s25 =	simm.s32 $0x1  }
.LBB2_1:
0x1b: {  	s0 =	simm.s32 $0x80;
	s2 =	simm.s32 $0x0  }
.LBB2_2:
0x1c: {  	p0 =	sne.s32 s0, $0xC780;
	[tilespmem:s2+$0x3520] =	vst v2;
	s17 =	smov.u32 s0;
	s0 =	sadd.s32 $0x80, s0  }
.Ltmp0:
0x1d: {  	[tilespmem:s2+$0x3530] =	vst v2;
	(pc) =	sbr.rel @p0 .LBB2_2-.Ltmp0, $2  }
0x1e: {  	_ =	sdelay $0x2  }
0x1f: {  	s2 =	sshra.s32 s17, $0x2  }
0x20: {  	[tilespmem:s2+$0x3520] =	vst v2  }
0x21: {  	[tilespmem:s2+$0x3530] =	vst v2  }
0x22: {  	[spmem:s6] =	stream.linear.scatter [tilespmem:s23], [sflag:$0x1], $0x3200, $0x38;
	[tilespmem:$0x1A020] =	vst v63  }
0x23: {  	_ =	swait.ge [sflag:s25], $0x3200  }
0x24: {  	[sflag:s25] =	ssyncset.done $0x0  }
0x25: {  	[sflag:s25] =	ssyncadd.s32 $0xFFFFCE00  }
0x26: {  	[spmem:s7] =	stream.linear.scatter [tilespmem:s23], [sflag:$0x1], $0x3200, $0x38;
	[tilespmem:$0x1A020] =	vst v63  }
0x27: {  	_ =	swait.ge [sflag:s25], $0x3200  }
0x28: {  	[sflag:s25] =	ssyncset.done $0x0  }
0x29: {  	[sflag:s25] =	ssyncadd.s32 $0xFFFFCE00  }
0x2a: {  	[spmem:s8] =	stream.linear.scatter [tilespmem:s23], [sflag:$0x1], $0x3200, $0x38;
	[tilespmem:$0x1A020] =	vst v63  }
0x2b: {  	_ =	swait.ge [sflag:s25], $0x3200  }
0x2c: {  	[sflag:s25] =	ssyncset.done $0x0  }
0x2d: {  	[sflag:s25] =	ssyncadd.s32 $0xFFFFCE00  }
0x2e: {  	[spmem:s9] =	stream.linear.scatter [tilespmem:s23], [sflag:$0x1], $0x3200, $0x38;
	[tilespmem:$0x1A020] =	vst v63  }
0x2f: {  	_ =	swait.ge [sflag:s25], $0x3200  }
0x30: {  	[sflag:s25] =	ssyncset.done $0x0  }
0x31: {  	[sflag:s25] =	ssyncadd.s32 $0xFFFFCE00  }
0x32: {  	[spmem:s10] =	stream.linear.scatter [tilespmem:s23], [sflag:$0x1], $0x3200, $0x38;
	[tilespmem:$0x1A020] =	vst v63  }
0x33: {  	_ =	swait.ge [sflag:s25], $0x3200  }
0x34: {  	[sflag:s25] =	ssyncset.done $0x0  }
0x35: {  	[sflag:s25] =	ssyncadd.s32 $0xFFFFCE00  }
0x36: {  	[spmem:s11] =	stream.linear.scatter [tilespmem:s23], [sflag:$0x1], $0x3200, $0x38;
	[tilespmem:$0x1A020] =	vst v63  }
0x37: {  	_ =	swait.ge [sflag:s25], $0x3200  }
0x38: {  	[sflag:s25] =	ssyncset.done $0x0  }
0x39: {  	[sflag:s25] =	ssyncadd.s32 $0xFFFFCE00  }
0x3a: {  	[spmem:s12] =	stream.linear.scatter [tilespmem:s23], [sflag:$0x1], $0xD00, $0x38;
	[tilespmem:$0x1A020] =	vst v63  }
0x3b: {  	_ =	swait.ge [sflag:s25], $0xD00  }
0x3c: {  	[sflag:s25] =	ssyncset.done $0x0  }
0x3d: {  	[sflag:s25] =	ssyncadd.s32 $0xFFFFF300  }
0x3e: {  	s0 =	simm.s32 $0x0;
	s2 =	simm.s32 $0x0;
	[bflag:$0x0] =	sbarrier.arrive $0xFFFF  }
.LBB2_4:
0x3f: {  	s17 =	smul.u32 $0x190, s2;
	_ =	sdelay $0x1  }
0x40: {  	s17 =	sadd.s32 s13, s17  }
0x41: {  	s19 =	sshrl.u32 s17, $0x3  }
0x42: {  	s19 =	sadd.s32 s1, s19  }
0x43: {  	[tilespmem:s0], [sflag:$0x1] =	stream.linear.gather [hbm4b:s19+s0], $0x190, $0x38;
	[tilespmem:$0x1A020] =	vst v63  }
0x44: {  	_ =	swait.ge [sflag:s25], $0x190  }
0x45: {  	s17 =	sshll.u32 s17, $0x2;
	[sflag:s25] =	ssyncset.done $0x0  }
0x46: {  	s17 =	sadd.s32 s5, s17;
	[sflag:s25] =	ssyncadd.s32 $0xFFFFFE70  }
0x47: {  	[tilespmem:s28], [sflag:$0x1] =	stream.linear.gather [hbm4b:s17+s0], $0x3200, $0x38;
	[tilespmem:$0x1A020] =	vst v63  }
0x48: {  	_ =	swait.ge [sflag:s25], $0x3200  }
0x49: {  	[sflag:s25] =	ssyncset.done $0x0  }
0x4a: {  	s17 =	simm.s32 $0x0;
	[sflag:s25] =	ssyncadd.s32 $0xFFFFCE00  }
0x4b: {  	s19 =	simm.s32 $0x40;
	v3 =	vld [tilespmem:s17+$0x0]  }
.LBB2_5:
0x4c: {  	_ =	sdelay $0x1  }
0x4d: {  	p0 =	sne.s32 s19, $0x600  }
.Ltmp1:
0x4e: {  	_ = 	snop;
	(pc) =	sbr.rel @p0 .LBB2_5-.Ltmp1, $4  }
0x4f: {  	v4 =	vsub.s32 v3, v0;
	v5 =	vand.u32 $0x3F, v3  }
0x50: {  	vm0 =	vlt.u32 v4, $0x9C40;
	v5 =	vor.u32 $0x9C40, v5  }
0x51: {  	s22 =	sshra.s32 s19, $0x2;
	v4 =	vsel vm0, v4, v5  }
0x52: {  	s19 =	sadd.s32 $0x40, s19;
	v3 =	vld [tilespmem:s22+$0x0];
	[tilespmem:s17+$0x190] =	vst v4;
	s17 =	smov.u32 s22  }
0x53: {  	_ =	sdelay $0x3  }
0x54: {  	v4 =	vsub.s32 v3, v0;
	v3 =	vand.u32 $0x3F, v3  }
0x55: {  	s2 =	sadd.s32 $0x1, s2;
	vm0 =	vlt.u32 v4, $0x9C40;
	v3 =	vor.u32 $0x9C40, v3  }
0x56: {  	p0 =	sne.s32 s2, $0x32;
	v3 =	vsel vm0, v4, v3  }
.Ltmp2:
0x57: {  	[tilespmem:s17+$0x190] =	vst v3;
	(pc) =	sbr.rel @p0 .LBB2_4-.Ltmp2, $4  }
0x58: {  	[spmem:s3] =	stream.indirect.scatter.add.f32 [tilespmem:s28], [sflag:$0x1], $0x20, s30, s30, $0xb8;
	[tilespmem:$0x1A020] =	vst v63  }
0x59: {  	_ =	swait.ge [sflag:s25], $0x3200  }
0x5a: {  	[sflag:s25] =	ssyncset.done $0x0  }
0x5b: {  	[sflag:s25] =	ssyncadd.s32 $0xFFFFCE00  }
0x5c: {  	[bflag:$0x0] =	sbarrier.arrive $0xFFFF  }
0x5d: {  	[tilespmem:s28], [sflag:$0x1] =	stream.linear.gather [spmem:s14], $0x3200, $0x38;
	[tilespmem:$0x1A020] =	vst v63  }
0x5e: {  	_ =	swait.ge [sflag:s25], $0x3200  }
0x5f: {  	[sflag:s25] =	ssyncset.done $0x0  }
0x60: {  	s0 =	simm.s32 $0x0;
	[sflag:s25] =	ssyncadd.s32 $0xFFFFCE00  }
0x61: {  	[hbm4b:s15+s0] =	stream.linear.scatter [tilespmem:s28], [sflag:$0x1], $0x3200, $0x38;
	[tilespmem:$0x1A020] =	vst v63  }
0x62: {  	_ =	swait.ge [sflag:s25], $0x3200  }
0x63: {  	[sflag:s25] =	ssyncset.done $0x0  }
0x64: {  	[sflag:s25] =	ssyncadd.s32 $0xFFFFCE00  }
0x65: {  	[tilespmem:s28], [sflag:$0x1] =	stream.linear.gather [spmem:s16], $0x3200, $0x38;
	[tilespmem:$0x1A020] =	vst v63  }
0x66: {  	_ =	swait.ge [sflag:s25], $0x3200  }
0x67: {  	[sflag:s25] =	ssyncset.done $0x0  }
0x68: {  	s2 =	rddreg [dreg:$0x4];
	[sflag:s25] =	ssyncadd.s32 $0xFFFFCE00  }
0x69: {  	[hbm4b:s2+s0] =	stream.linear.scatter [tilespmem:s28], [sflag:$0x1], $0x3200, $0x38;
	[tilespmem:$0x1A020] =	vst v63  }
0x6a: {  	_ =	swait.ge [sflag:s25], $0x3200  }
0x6b: {  	[sflag:s25] =	ssyncset.done $0x0  }
0x6c: {  	[sflag:s25] =	ssyncadd.s32 $0xFFFFCE00  }
0x6d: {  	[tilespmem:s28], [sflag:$0x1] =	stream.linear.gather [spmem:s18], $0x3200, $0x38;
	[tilespmem:$0x1A020] =	vst v63  }
0x6e: {  	_ =	swait.ge [sflag:s25], $0x3200  }
0x6f: {  	[sflag:s25] =	ssyncset.done $0x0  }
0x70: {  	s19 =	rddreg [dreg:$0x5];
	[sflag:s25] =	ssyncadd.s32 $0xFFFFCE00  }
0x71: {  	[hbm4b:s19+s0] =	stream.linear.scatter [tilespmem:s28], [sflag:$0x1], $0x3200, $0x38;
	[tilespmem:$0x1A020] =	vst v63  }
0x72: {  	_ =	swait.ge [sflag:s25], $0x3200  }
0x73: {  	[sflag:s25] =	ssyncset.done $0x0  }
0x74: {  	[sflag:s25] =	ssyncadd.s32 $0xFFFFCE00  }
0x75: {  	[tilespmem:s28], [sflag:$0x1] =	stream.linear.gather [spmem:s20], $0x3200, $0x38;
	[tilespmem:$0x1A020] =	vst v63  }
0x76: {  	_ =	swait.ge [sflag:s25], $0x3200  }
0x77: {  	[sflag:s25] =	ssyncset.done $0x0  }
0x78: {  	s22 =	rddreg [dreg:$0x6];
	[sflag:s25] =	ssyncadd.s32 $0xFFFFCE00  }
0x79: {  	[hbm4b:s22+s0] =	stream.linear.scatter [tilespmem:s28], [sflag:$0x1], $0x3200, $0x38;
	[tilespmem:$0x1A020] =	vst v63  }
0x7a: {  	_ =	swait.ge [sflag:s25], $0x3200  }
0x7b: {  	[sflag:s25] =	ssyncset.done $0x0  }
0x7c: {  	[sflag:s25] =	ssyncadd.s32 $0xFFFFCE00  }
0x7d: {  	[tilespmem:s28], [sflag:$0x1] =	stream.linear.gather [spmem:s24], $0x3200, $0x38;
	[tilespmem:$0x1A020] =	vst v63  }
0x7e: {  	_ =	swait.ge [sflag:s25], $0x3200  }
0x7f: {  	[sflag:s25] =	ssyncset.done $0x0  }
0x80: {  	s17 =	rddreg [dreg:$0x8];
	[sflag:s25] =	ssyncadd.s32 $0xFFFFCE00  }
0x81: {  	[hbm4b:s17+s0] =	stream.linear.scatter [tilespmem:s28], [sflag:$0x1], $0x3200, $0x38;
	[tilespmem:$0x1A020] =	vst v63  }
0x82: {  	_ =	swait.ge [sflag:s25], $0x3200  }
0x83: {  	[sflag:s25] =	ssyncset.done $0x0  }
0x84: {  	[sflag:s25] =	ssyncadd.s32 $0xFFFFCE00  }
0x85: {  	[tilespmem:s28], [sflag:$0x1] =	stream.linear.gather [spmem:s26], $0x3200, $0x38;
	[tilespmem:$0x1A020] =	vst v63  }
0x86: {  	_ =	swait.ge [sflag:s25], $0x3200  }
0x87: {  	[sflag:s25] =	ssyncset.done $0x0  }
0x88: {  	s19 =	rddreg [dreg:$0x9];
	[sflag:s25] =	ssyncadd.s32 $0xFFFFCE00  }
0x89: {  	[hbm4b:s19+s0] =	stream.linear.scatter [tilespmem:s28], [sflag:$0x1], $0x3200, $0x38;
	[tilespmem:$0x1A020] =	vst v63  }
0x8a: {  	_ =	swait.ge [sflag:s25], $0x3200  }
0x8b: {  	[sflag:s25] =	ssyncset.done $0x0  }
0x8c: {  	[sflag:s25] =	ssyncadd.s32 $0xFFFFCE00  }
0x8d: {  	[tilespmem:s28], [sflag:$0x1] =	stream.linear.gather [spmem:s29], $0xC80, $0x38;
	[tilespmem:$0x1A020] =	vst v63  }
0x8e: {  	_ =	swait.ge [sflag:s25], $0xC80  }
0x8f: {  	[sflag:s25] =	ssyncset.done $0x0  }
0x90: {  	s22 =	rddreg [dreg:$0xa];
	[sflag:s25] =	ssyncadd.s32 $0xFFFFF380  }
0x91: {  	[hbm4b:s22+s0] =	stream.linear.scatter [tilespmem:s28], [sflag:$0x1], $0xC80, $0x38;
	[tilespmem:$0x1A020] =	vst v63  }
0x92: {  	_ =	swait.ge [sflag:s25], $0xC80  }
0x93: {  	[sflag:s25] =	ssyncset.done $0x0  }
0x94: {  	[sflag:s25] =	ssyncadd.s32 $0xFFFFF380  }
0x95: {  	[bflag:$0x0] =	sbarrier.arrive $0xFFFF  }
0x96: {  	[spmem:s6] =	stream.linear.scatter [tilespmem:s23], [sflag:$0x1], $0x3200, $0x38;
	[tilespmem:$0x1A020] =	vst v63  }
0x97: {  	_ =	swait.ge [sflag:s25], $0x3200  }
0x98: {  	[sflag:s25] =	ssyncset.done $0x0  }
0x99: {  	[sflag:s25] =	ssyncadd.s32 $0xFFFFCE00  }
0x9a: {  	[spmem:s7] =	stream.linear.scatter [tilespmem:s23], [sflag:$0x1], $0x3200, $0x38;
	[tilespmem:$0x1A020] =	vst v63  }
0x9b: {  	_ =	swait.ge [sflag:s25], $0x3200  }
0x9c: {  	[sflag:s25] =	ssyncset.done $0x0  }
0x9d: {  	[sflag:s25] =	ssyncadd.s32 $0xFFFFCE00  }
0x9e: {  	[spmem:s8] =	stream.linear.scatter [tilespmem:s23], [sflag:$0x1], $0x3200, $0x38;
	[tilespmem:$0x1A020] =	vst v63  }
0x9f: {  	_ =	swait.ge [sflag:s25], $0x3200  }
0xa0: {  	[sflag:s25] =	ssyncset.done $0x0  }
0xa1: {  	[sflag:s25] =	ssyncadd.s32 $0xFFFFCE00  }
0xa2: {  	[spmem:s9] =	stream.linear.scatter [tilespmem:s23], [sflag:$0x1], $0x3200, $0x38;
	[tilespmem:$0x1A020] =	vst v63  }
0xa3: {  	_ =	swait.ge [sflag:s25], $0x3200  }
0xa4: {  	[sflag:s25] =	ssyncset.done $0x0  }
0xa5: {  	[sflag:s25] =	ssyncadd.s32 $0xFFFFCE00  }
0xa6: {  	[spmem:s10] =	stream.linear.scatter [tilespmem:s23], [sflag:$0x1], $0x3200, $0x38;
	[tilespmem:$0x1A020] =	vst v63  }
0xa7: {  	_ =	swait.ge [sflag:s25], $0x3200  }
0xa8: {  	[sflag:s25] =	ssyncset.done $0x0  }
0xa9: {  	[sflag:s25] =	ssyncadd.s32 $0xFFFFCE00  }
0xaa: {  	[spmem:s11] =	stream.linear.scatter [tilespmem:s23], [sflag:$0x1], $0x3200, $0x38;
	[tilespmem:$0x1A020] =	vst v63  }
0xab: {  	_ =	swait.ge [sflag:s25], $0x3200  }
0xac: {  	[sflag:s25] =	ssyncset.done $0x0  }
0xad: {  	[sflag:s25] =	ssyncadd.s32 $0xFFFFCE00  }
0xae: {  	[spmem:s12] =	stream.linear.scatter [tilespmem:s23], [sflag:$0x1], $0xD00, $0x38;
	[tilespmem:$0x1A020] =	vst v63  }
0xaf: {  	_ =	swait.ge [sflag:s25], $0xD00  }
0xb0: {  	[sflag:s25] =	ssyncset.done $0x0  }
0xb1: {  	[sflag:s25] =	ssyncadd.s32 $0xFFFFF300  }
0xb2: {  	s2 =	simm.s32 $0x0;
	[bflag:$0x0] =	sbarrier.arrive $0xFFFF  }
.LBB2_8:
0xb3: {  	s17 =	smul.u32 $0x190, s2;
	_ =	sdelay $0x1  }
0xb4: {  	s17 =	sadd.s32 s13, s17  }
0xb5: {  	s19 =	sshrl.u32 s17, $0x3  }
0xb6: {  	s19 =	sadd.s32 s1, s19  }
0xb7: {  	[tilespmem:s0], [sflag:$0x1] =	stream.linear.gather [hbm4b:s19+s0], $0x190, $0x38;
	[tilespmem:$0x1A020] =	vst v63  }
0xb8: {  	_ =	swait.ge [sflag:s25], $0x190  }
0xb9: {  	s17 =	sshll.u32 s17, $0x2;
	[sflag:s25] =	ssyncset.done $0x0  }
0xba: {  	s17 =	sadd.s32 s5, s17;
	[sflag:s25] =	ssyncadd.s32 $0xFFFFFE70  }
0xbb: {  	[tilespmem:s28], [sflag:$0x1] =	stream.linear.gather [hbm4b:s17+s0], $0x3200, $0x38;
	[tilespmem:$0x1A020] =	vst v63  }
0xbc: {  	_ =	swait.ge [sflag:s25], $0x3200  }
0xbd: {  	[sflag:s25] =	ssyncset.done $0x0  }
0xbe: {  	s17 =	simm.s32 $0x0;
	[sflag:s25] =	ssyncadd.s32 $0xFFFFCE00  }
0xbf: {  	s19 =	simm.s32 $0x40;
	v3 =	vld [tilespmem:s17+$0x0]  }
.LBB2_9:
0xc0: {  	_ =	sdelay $0x1  }
0xc1: {  	p0 =	sne.s32 s19, $0x600  }
.Ltmp3:
0xc2: {  	_ = 	snop;
	(pc) =	sbr.rel @p0 .LBB2_9-.Ltmp3, $4  }
0xc3: {  	v4 =	vsub.s32 v3, v1;
	v5 =	vand.u32 $0x3F, v3  }
0xc4: {  	vm0 =	vlt.u32 v4, $0x9C40;
	v5 =	vor.u32 $0x9C40, v5  }
0xc5: {  	s22 =	sshra.s32 s19, $0x2;
	v4 =	vsel vm0, v4, v5  }
0xc6: {  	s19 =	sadd.s32 $0x40, s19;
	v3 =	vld [tilespmem:s22+$0x0];
	[tilespmem:s17+$0x190] =	vst v4;
	s17 =	smov.u32 s22  }
0xc7: {  	_ =	sdelay $0x3  }
0xc8: {  	v4 =	vsub.s32 v3, v1;
	v3 =	vand.u32 $0x3F, v3  }
0xc9: {  	s2 =	sadd.s32 $0x1, s2;
	vm0 =	vlt.u32 v4, $0x9C40;
	v3 =	vor.u32 $0x9C40, v3  }
0xca: {  	p0 =	sne.s32 s2, $0x32;
	v3 =	vsel vm0, v4, v3  }
.Ltmp4:
0xcb: {  	[tilespmem:s17+$0x190] =	vst v3;
	(pc) =	sbr.rel @p0 .LBB2_8-.Ltmp4, $4  }
0xcc: {  	[spmem:s3] =	stream.indirect.scatter.add.f32 [tilespmem:s28], [sflag:$0x1], $0x20, s30, s30, $0xb8;
	[tilespmem:$0x1A020] =	vst v63  }
0xcd: {  	_ =	swait.ge [sflag:s25], $0x3200  }
0xce: {  	[sflag:s25] =	ssyncset.done $0x0  }
0xcf: {  	[sflag:s25] =	ssyncadd.s32 $0xFFFFCE00  }
0xd0: {  	[bflag:$0x0] =	sbarrier.arrive $0xFFFF  }
0xd1: {  	[tilespmem:s28], [sflag:$0x1] =	stream.linear.gather [spmem:s14], $0x3200, $0x38;
	[tilespmem:$0x1A020] =	vst v63  }
0xd2: {  	_ =	swait.ge [sflag:s25], $0x3200  }
0xd3: {  	[sflag:s25] =	ssyncset.done $0x0  }
0xd4: {  	[sflag:s25] =	ssyncadd.s32 $0xFFFFCE00  }
0xd5: {  	[hbm4b:s21+s4] =	stream.linear.scatter [tilespmem:s28], [sflag:$0x1], $0x3200, $0x38;
	[tilespmem:$0x1A020] =	vst v63  }
0xd6: {  	_ =	swait.ge [sflag:s25], $0x3200  }
0xd7: {  	[sflag:s25] =	ssyncset.done $0x0  }
0xd8: {  	[sflag:s25] =	ssyncadd.s32 $0xFFFFCE00  }
0xd9: {  	[tilespmem:s28], [sflag:$0x1] =	stream.linear.gather [spmem:s16], $0x3200, $0x38;
	[tilespmem:$0x1A020] =	vst v63  }
0xda: {  	_ =	swait.ge [sflag:s25], $0x3200  }
0xdb: {  	[sflag:s25] =	ssyncset.done $0x0  }
0xdc: {  	s0 =	rddreg [dreg:$0xb];
	[sflag:s25] =	ssyncadd.s32 $0xFFFFCE00  }
0xdd: {  	[hbm4b:s0+s4] =	stream.linear.scatter [tilespmem:s28], [sflag:$0x1], $0x3200, $0x38;
	[tilespmem:$0x1A020] =	vst v63  }
0xde: {  	_ =	swait.ge [sflag:s25], $0x3200  }
0xdf: {  	[sflag:s25] =	ssyncset.done $0x0  }
0xe0: {  	[sflag:s25] =	ssyncadd.s32 $0xFFFFCE00  }
0xe1: {  	[tilespmem:s28], [sflag:$0x1] =	stream.linear.gather [spmem:s18], $0x3200, $0x38;
	[tilespmem:$0x1A020] =	vst v63  }
0xe2: {  	_ =	swait.ge [sflag:s25], $0x3200  }
0xe3: {  	[sflag:s25] =	ssyncset.done $0x0  }
0xe4: {  	s19 =	rddreg [dreg:$0xc];
	[sflag:s25] =	ssyncadd.s32 $0xFFFFCE00  }
0xe5: {  	[hbm4b:s19+s4] =	stream.linear.scatter [tilespmem:s28], [sflag:$0x1], $0x3200, $0x38;
	[tilespmem:$0x1A020] =	vst v63  }
0xe6: {  	_ =	swait.ge [sflag:s25], $0x3200  }
0xe7: {  	[sflag:s25] =	ssyncset.done $0x0  }
0xe8: {  	[sflag:s25] =	ssyncadd.s32 $0xFFFFCE00  }
0xe9: {  	[tilespmem:s28], [sflag:$0x1] =	stream.linear.gather [spmem:s20], $0x3200, $0x38;
	[tilespmem:$0x1A020] =	vst v63  }
0xea: {  	_ =	swait.ge [sflag:s25], $0x3200  }
0xeb: {  	[sflag:s25] =	ssyncset.done $0x0  }
0xec: {  	s22 =	rddreg [dreg:$0xd];
	[sflag:s25] =	ssyncadd.s32 $0xFFFFCE00  }
0xed: {  	[hbm4b:s22+s4] =	stream.linear.scatter [tilespmem:s28], [sflag:$0x1], $0x3200, $0x38;
	[tilespmem:$0x1A020] =	vst v63  }
0xee: {  	_ =	swait.ge [sflag:s25], $0x3200  }
0xef: {  	[sflag:s25] =	ssyncset.done $0x0  }
0xf0: {  	[sflag:s25] =	ssyncadd.s32 $0xFFFFCE00  }
0xf1: {  	[tilespmem:s28], [sflag:$0x1] =	stream.linear.gather [spmem:s24], $0x3200, $0x38;
	[tilespmem:$0x1A020] =	vst v63  }
0xf2: {  	_ =	swait.ge [sflag:s25], $0x3200  }
0xf3: {  	[sflag:s25] =	ssyncset.done $0x0  }
0xf4: {  	s2 =	rddreg [dreg:$0xe];
	[sflag:s25] =	ssyncadd.s32 $0xFFFFCE00  }
0xf5: {  	[hbm4b:s2+s4] =	stream.linear.scatter [tilespmem:s28], [sflag:$0x1], $0x3200, $0x38;
	[tilespmem:$0x1A020] =	vst v63  }
0xf6: {  	_ =	swait.ge [sflag:s25], $0x3200  }
0xf7: {  	[sflag:s25] =	ssyncset.done $0x0  }
0xf8: {  	[sflag:s25] =	ssyncadd.s32 $0xFFFFCE00  }
0xf9: {  	[tilespmem:s28], [sflag:$0x1] =	stream.linear.gather [spmem:s26], $0x3200, $0x38;
	[tilespmem:$0x1A020] =	vst v63  }
0xfa: {  	_ =	swait.ge [sflag:s25], $0x3200  }
0xfb: {  	[sflag:s25] =	ssyncset.done $0x0  }
0xfc: {  	s17 =	rddreg [dreg:$0xf];
	[sflag:s25] =	ssyncadd.s32 $0xFFFFCE00  }
0xfd: {  	[hbm4b:s17+s4] =	stream.linear.scatter [tilespmem:s28], [sflag:$0x1], $0x3200, $0x38;
	[tilespmem:$0x1A020] =	vst v63  }
0xfe: {  	_ =	swait.ge [sflag:s25], $0x3200  }
0xff: {  	[sflag:s25] =	ssyncset.done $0x0  }
0x100: {  	[sflag:s25] =	ssyncadd.s32 $0xFFFFCE00  }
0x101: {  	[tilespmem:s28], [sflag:$0x1] =	stream.linear.gather [spmem:s29], $0xC80, $0x38;
	[tilespmem:$0x1A020] =	vst v63  }
0x102: {  	_ =	swait.ge [sflag:s25], $0xC80  }
0x103: {  	[sflag:s25] =	ssyncset.done $0x0  }
0x104: {  	s19 =	rddreg [dreg:$0x10];
	[sflag:s25] =	ssyncadd.s32 $0xFFFFF380  }
0x105: {  	[hbm4b:s19+s4] =	stream.linear.scatter [tilespmem:s28], [sflag:$0x1], $0xC80, $0x38;
	[tilespmem:$0x1A020] =	vst v63  }
0x106: {  	_ =	swait.ge [sflag:s25], $0xC80  }
0x107: {  	s31 =	sadd.s32 $0x1, s31;
	s22 =	rddreg [dreg:$0x7]  }
0x108: {  	p0 =	sne.s32 s31, s22  }
.Ltmp5:
0x109: {  	_ = 	snop;
	(pc) =	sbr.rel @p0 .LBB2_1-.Ltmp5, $3  }
0x10a: {  	[sflag:s25] =	ssyncset.done $0x0  }
0x10b: {  	[sflag:s25] =	ssyncadd.s32 $0xFFFFF380  }
0x10c: {  	[bflag:$0x0] =	sbarrier.arrive $0xFFFF;
	_ =	sdelay $0x1  }
0x10d: {  	_ =	sfence.sel $0x180000  }
0x10e: {  	[bflag:$0x0] =	sbarrier.arrive $0xFFFF  }
0x10f: {  	_ =	strace $0x90000050  }
0x110: {  	s0 =	stileid.u32;
	[bflag:$0x2] =	sbarrier.arrive $0xFFFF  }
0x111: {  	p0 =	sne.s32 s0, $0x0;
	s0 =	rddreg [dreg:$0x3]  }
0x112: {  	s0 =	sadd.s32 @!p0 $0x100000, s0  }
0x113: {  	[sflag:s0] =	ssyncadd.tile.s32 @!p0 $0x1;
	_ =	shalt  }
.Lfunc_end2:
_tile_overlayer_lowered:
.L_overlay_start_2:
0x114: {  	(tag) =	ssettag $0x2  }
0x115: {  	s0 =	rddreg [dreg:$0x0];
	s2 =	stileid.u32  }
0x116: {  	s1 =	rddreg [dreg:$0x1];
	p0 =	sne.s32 s2, $0x0  }
0x117: {  	s3 =	rddreg [dreg:$0x2];
	[bflag:$0x3] =	sbarrier.arrive $0xFFFF;
	s2 =	simm.s32 @!p0 $0x1C01  }
0x118: {  	[timem:s3], [sflag:s2] =	dma.local @!p0 [hbm:s0], s1  }
0x119: {  	s0 =	simm.s32 @!p0 $0x1  }
0x11a: {  	_ =	swait.ge @!p0 [sflag:s0], s1  }
0x11b: {  	s1 =	ssub.s32 @!p0 $0x0, s1;
	[sflag:s0] =	ssyncset.done @!p0 $0x0  }
0x11c: {  	[sflag:s0] =	ssyncadd.s32 @!p0 s1  }
0x11d: {  	[bflag:$0x3] =	sbarrier.arrive $0xFFFF  }
0x11e: {  	_ =	shalt  }

// kernel: kernel.16.cloned.1.call-start
scs
__scs_entry_jumppad:
0x0: {  	(pc) =	sbr.rel $0x88, $3  }
0x1: {  	(tag) =	ssettag $0x0;
	lr =	simm.s32 $0x1  }
0x2: {  	[smem:$0x3F89] =	sst lr;
	_ =	strace $0xD0000000  }
0x3: {  	_ = 	snop  }
0x4: {  	_ = 	snop  }
0x5: {  	_ = 	snop  }
0x6: {  	_ = 	snop  }
0x7: {  	_ = 	snop  }
__scs_overlays_trampoline_lowered:
0x8: {  	[smem:$0x3F98] =	sst s0  }
0x9: {  	[smem:$0x3F99] =	sst s1  }
0xa: {  	[smem:$0x3F9A] =	sst s2  }
0xb: {  	[smem:$0x3F9B] =	sst s3  }
0xc: {  	[smem:$0x3F9C] =	sst s4  }
0xd: {  	[smem:$0x3F9D] =	sst s5  }
0xe: {  	[smem:$0x3F9E] =	sst s6  }
0xf: {  	[smem:$0x3F9F] =	sst s7  }
0x10: {  	[smem:$0x3FA0] =	sst s8  }
0x11: {  	[smem:$0x3FA1] =	sst s9;
	s0 =	simm.s32 @!p0 $0x0  }
0x12: {  	s1 =	sld [smem:$0x3F87];
	s0 =	simm.s32 @p0 $0x1  }
0x13: {  	[smem:$0x3FA2] =	sst s0;
	s0 =	simm.s32 @!p1 $0x0  }
0x14: {  	s2 =	sld [smem:$0x3F86];
	s0 =	simm.s32 @p1 $0x1  }
0x15: {  	[smem:$0x3FA3] =	sst s0;
	s0 =	simm.s32 @!p2 $0x0  }
0x16: {  	s3 =	sld [smem:$0x3FDB];
	s0 =	simm.s32 @p2 $0x1  }
0x17: {  	s4 =	simm.s32 $0x1BF5;
	[smem:$0x3FA5] =	sst s0  }
0x18: {  	s0 =	sld [smem:$0x3F88];
	_ =	swait.ge [sflag:s4], $0x0  }
0x19: {  	s7 =	sld [smem:$0x3F89]  }
0x1a: {  	s8 =	sadd.s32 $0xFFFFE003, lr  }
0x1b: {  	s9 =	sadd.s32 $0xFFFFFEF7, lr;
	s5 =	simm.s32 $0xFFFFFFFF;
	p2 =	slt.u32 s8, $0xFFFFF086  }
0x1c: {  	p1 =	slt.u32 s9, $0xF7A;
	s5 =	simm.s32 @!p2 $0x0  }
0x1d: {  	s5 =	simm.s32 @p1 $0x1;
	p0 =	seq.s32 s7, s2  }
0x1e: {  	s7 =	smul.u32 @!p0 $0xF7A, s2;
	p2 =	seq.s32 @!p0 s5, $0x0  }
0x1f: {  	s9 =	smul.u32 $0xF7A, s1;
	s8 =	simm.s32 @!p0 $0x1BF5;
	p2 =	por !p2, p0  }
0x20: {  	[sflag:s8] =	ssyncset.s32 @!p0 $0xFFFFF086;
	s6 =	sadd.s32 @!p0 s3, s7;
	s7 =	simm.s32 @!p0 $0x108  }
0x21: {  	s3 =	sadd.s32 s3, s9;
	s6 =	sadd.s32 @!p0 $0x88, s6;
	s7 =	simm.s32 @p2 $0x1082  }
0x22: {  	[simem:s7], [sflag:s8] =	dma.local @!p0 [hbm:s6], $0xF7A  }
0x23: {  	s9 =	sor.u32 $0xD0000000, s2;
	s6 =	simm.s32 $0x108;
	_ =	swait.ge @!p0 [sflag:s8], $0x0  }
0x24: {  	s3 =	sadd.s32 $0x88, s3;
	s6 =	simm.s32 @!p1 $0x1082;
	[sflag:s4] =	ssyncset.s32 $0xFFFFF086  }
0x25: {  	[simem:s6], [sflag:s4] =	dma.local [hbm:s3], $0xF7A  }
0x26: {  	[smem:$0x3F89] =	sst s1;
	(tag) =	ssettag s2;
	_ =	strace s9  }
0x27: {  	s1 =	sld [smem:$0x3F99]  }
0x28: {  	s2 =	sld [smem:$0x3F9A]  }
0x29: {  	s4 =	sld [smem:$0x3F9C]  }
0x2a: {  	p0 =	seq.s32 s5, $0x0;
	s5 =	sld [smem:$0x3F9D]  }
0x2b: {  	s6 =	sld [smem:$0x3F9E]  }
0x2c: {  	s7 =	sld [smem:$0x3F9F]  }
0x2d: {  	s3 =	simm.s32 $0x108;
	s8 =	sld [smem:$0x3FA0]  }
0x2e: {  	s3 =	simm.s32 @!p0 $0x1082;
	s9 =	sld [smem:$0x3FA1]  }
0x2f: {  	lr =	sadd.s32 s0, s3;
	s0 =	sld [smem:$0x3F98]  }
0x30: {  	s3 =	sld [smem:$0x3F9B]  }
0x31: {  	[smem:$0x3FA4] =	sst s10  }
0x32: {  	s10 =	sld [smem:$0x3FA2];
	_ =	sdelay $0x3  }
0x33: {  	p0 =	seq.s32 s10, $0x1;
	s10 =	sld [smem:$0x3FA4];
	_ =	sdelay $0x3  }
0x34: {  	[smem:$0x3FA4] =	sst s10  }
0x35: {  	s10 =	sld [smem:$0x3FA3];
	_ =	sdelay $0x3  }
0x36: {  	p1 =	seq.s32 s10, $0x1;
	s10 =	sld [smem:$0x3FA4];
	_ =	sdelay $0x3  }
0x37: {  	[smem:$0x3FA4] =	sst s10  }
0x38: {  	s10 =	sld [smem:$0x3FA5]  }
0x39: {  	_ = 	snop;
	(pc) =	sbr.ind lr, $3  }
0x3a: {  	_ = 	snop  }
0x3b: {  	_ = 	snop  }
0x3c: {  	p2 =	seq.s32 s10, $0x1;
	s10 =	sld [smem:$0x3FA4]  }
0x3d: {  	_ =	shalt  }
0x3e: {  	_ =	shalt  }
0x3f: {  	_ =	shalt  }
0x40: {  	_ =	shalt  }
0x41: {  	_ =	shalt  }
0x42: {  	_ =	shalt  }
0x43: {  	_ =	shalt  }
0x44: {  	_ =	shalt  }
0x45: {  	_ =	shalt  }
0x46: {  	_ =	shalt  }
0x47: {  	_ =	shalt  }
0x48: {  	_ =	shalt  }
0x49: {  	_ =	shalt  }
0x4a: {  	_ =	shalt  }
0x4b: {  	_ =	shalt  }
0x4c: {  	_ =	shalt  }
0x4d: {  	_ =	shalt  }
0x4e: {  	_ =	shalt  }
0x4f: {  	_ =	shalt  }
0x50: {  	_ =	shalt  }
0x51: {  	_ =	shalt  }
0x52: {  	_ =	shalt  }
0x53: {  	_ =	shalt  }
0x54: {  	_ =	shalt  }
0x55: {  	_ =	shalt  }
0x56: {  	_ =	shalt  }
0x57: {  	_ =	shalt  }
0x58: {  	_ =	shalt  }
0x59: {  	_ =	shalt  }
0x5a: {  	_ =	shalt  }
0x5b: {  	_ =	shalt  }
0x5c: {  	_ =	shalt  }
0x5d: {  	_ =	shalt  }
0x5e: {  	_ =	shalt  }
0x5f: {  	_ =	shalt  }
0x60: {  	_ =	shalt  }
0x61: {  	_ =	shalt  }
0x62: {  	_ =	shalt  }
0x63: {  	_ =	shalt  }
0x64: {  	_ =	shalt  }
0x65: {  	_ =	shalt  }
0x66: {  	_ =	shalt  }
0x67: {  	_ =	shalt  }
0x68: {  	_ =	shalt  }
0x69: {  	_ =	shalt  }
0x6a: {  	_ =	shalt  }
0x6b: {  	_ =	shalt  }
0x6c: {  	_ =	shalt  }
0x6d: {  	_ =	shalt  }
0x6e: {  	_ =	shalt  }
0x6f: {  	_ =	shalt  }
0x70: {  	_ =	shalt  }
0x71: {  	_ =	shalt  }
0x72: {  	_ =	shalt  }
0x73: {  	_ =	shalt  }
0x74: {  	_ =	shalt  }
0x75: {  	_ =	shalt  }
0x76: {  	_ =	shalt  }
0x77: {  	_ =	shalt  }
0x78: {  	_ =	shalt  }
0x79: {  	_ =	shalt  }
0x7a: {  	_ =	shalt  }
0x7b: {  	_ =	shalt  }
0x7c: {  	_ =	shalt  }
0x7d: {  	_ =	shalt  }
0x7e: {  	_ =	shalt  }
0x7f: {  	_ =	shalt  }
0x80: {  	_ =	shalt  }
0x81: {  	_ =	shalt  }
0x82: {  	_ =	shalt  }
0x83: {  	_ =	shalt  }
0x84: {  	_ =	shalt  }
0x85: {  	_ =	shalt  }
0x86: {  	_ =	shalt  }
0x87: {  	_ =	shalt  }
.Lfunc_end0:
.L_simem_size_0:
called_computation.3_lowered:
.L_overlay_start_0:
0x88: {  	s2 =	sld [smem:$0x3FD9]  }
0x89: {  	s3 =	sld [smem:$0x3FFE];
	_ =	sdelay $0x1  }
0x8a: {  	s1 =	srdreg.scid  }
0x8b: {  	s0 =	sand.u32 $0x1, s1  }
0x8c: {  	s17 =	sshll.u32 s0, $0xA;
	s2 =	sadd.s32 s3, s2  }
0x8d: {  	s2 =	sadd.s32 s2, s17  }
0x8e: {  	[smem:$0x3FB0] =	sst s2  }
0x8f: {  	_ = 	snop  }
0x90: {  	s18 =	sld [smem:$0x3FC4]  }
0x91: {  	s4 =	sld [smem:$0x3FC3]  }
0x92: {  	s5 =	sld [smem:$0x3FD0];
	(tm) =	ssettm $0x1  }
0x93: {  	s19 =	sld [smem:$0x3FFB];
	_ =	sdelay $0x3  }
0x94: {  	_ =	strace s19  }
0x95: {  	s2 =	sld [smem:$0x3FFC];
	_ =	sdelay $0x3  }
0x96: {  	_ =	strace s2  }
0x97: {  	s2 =	sld [smem:$0x3FFD];
	_ =	sdelay $0x3  }
0x98: {  	_ =	strace s2  }
0x99: {  	_ =	strace $0x8FFFFFFF  }
0x9a: {  	s20 =	sld [smem:$0x3FDB];
	_ =	sdelay $0x1  }
0x9b: {  	s6 =	simm.s32 $_scs_section_size  }
0x9c: {  	s7 =	simm.s32 $_size__tile_overlayer_lowered;
	s8 =	simm.s32 $_tile_overlayer_lowered  }
0x9d: {  	s9 =	simm.s32 $0x1BFF;
	s21 =	sshll.u32 s8, $0x1;
	s6 =	sadd.s32 s6, s20  }
0x9e: {  	s22 =	simm.s32 $0x0;
	s7 =	sshll.u32 s7, $0x1;
	s8 =	sadd.s32 s21, s6  }
0x9f: {  	[timem:s22], [sflag:s9] =	dma.local [hbm:s8], s7  }
0xa0: {  	_ =	swait.ge [sflag:s9], s7  }
0xa1: {  	s7 =	ssub.s32 $0x0, s7;
	[sflag:s9] =	ssyncset.done $0x0  }
0xa2: {  	[sflag:s9] =	ssyncadd.s32 s7;
	_ =	sdelay $0x1  }
0xa3: {  	s23 =	simm.s32 $0x1B8B  }
0xa4: {  	_ =	swait.ge [sflag:s23], $0x1  }
0xa5: {  	[sflag:s23] =	ssyncset.done $0x0  }
0xa6: {  	[sflag:s23] =	ssyncadd.s32 $0xFFFFFFFF  }
0xa7: {  	s7 =	sld [smem:$0x0]  }
0xa8: {  	s8 =	sand.u32 $0xFFFFFFFE, s1  }
0xa9: {  	p0 =	sne.s32 s1, s8  }
0xaa: {  	s8 =	sshll.u32 @p0 s8, $0xE  }
0xab: {  	s8 =	sadd.s32 @p0 $0x11B8D, s8;
	s9 =	sshll.u32 @p0 s7, $0x11  }
0xac: {  	s8 =	sor.u32 @p0 s9, s8  }
0xad: {  	[sflag:s8] =	ssyncadd.remote.s32 @p0 $0x1;
	_ =	sdelay $0x1  }
0xae: {  	s8 =	simm.s32 @p0 $0x1B8D  }
0xaf: {  	_ =	swait.eq @p0 [sflag:s8], $0x1  }
0xb0: {  	[sflag:s8] =	ssyncadd.s32 @p0 $0xFFFFFFFF  }
0xb1: {  	s9 =	sshll.u32 @!p0 s1, $0xE  }
0xb2: {  	s9 =	sor.u32 @!p0 $0x4000, s9;
	s8 =	simm.s32 @!p0 $0x1B8D  }
0xb3: {  	s7 =	sshll.u32 @!p0 s7, $0x11;
	s9 =	sadd.s32 @!p0 $0x11B8D, s9;
	_ =	swait.eq @!p0 [sflag:s8], $0x1  }
0xb4: {  	s7 =	sor.u32 @!p0 s7, s9;
	[sflag:s8] =	ssyncadd.s32 @!p0 $0xFFFFFFFF  }
0xb5: {  	s25 =	simm.s32 $0x1B8E;
	s24 =	sld [smem:$0x3FFE];
	[sflag:s7] =	ssyncadd.remote.s32 @!p0 $0x1  }
0xb6: {  	s26 =	simm.s32 $execute0_lowered;
	[smem:$0x3FD2] =	sst s25  }
0xb7: {  	s8 =	sshll.u32 s26, $0x1;
	_ =	strace $0x8000004C;
	[dreg:$0x1] =	wrdreg $0xFFFFFFFF  }
0xb8: {  	s28 =	simm.s32 $_size_execute0_lowered;
	s6 =	sadd.s32 s6, s8;
	[dreg:$0x0] =	wrdreg $0x0  }
0xb9: {  	s8 =	sshll.u32 s28, $0x1;
	[dreg:$0x2] =	wrdreg s6  }
0xba: {  	[dreg:$0x3] =	wrdreg s8  }
0xbb: {  	[dreg:$0x4] =	wrdreg $0xC0  }
0xbc: {  	_ =	task [dreg:s22], $0x5FFFF  }
0xbd: {  	[dreg:$0x1] =	wrdreg $0xFFFFFFFF  }
0xbe: {  	[dreg:$0x0] =	wrdreg $0x60  }
0xbf: {  	[dreg:$0x2] =	wrdreg s5  }
0xc0: {  	[dreg:$0x3] =	wrdreg s18  }
0xc1: {  	[dreg:$0x4] =	wrdreg s4  }
0xc2: {  	[dreg:$0x5] =	wrdreg s24  }
0xc3: {  	[dreg:$0x6] =	wrdreg $0x9  }
0xc4: {  	_ =	task.clear_ibuf [dreg:s22], $0x7FFFF;
	_ =	strace $0x9000004C  }
0xc5: {  	s29 =	simm.s32 $0x9;
	_ =	strace $0x8000004E  }
0xc6: {  	_ =	swait.ge [sflag:s29], $0x1  }
0xc7: {  	[sflag:s29] =	ssyncadd.s32 $0xFFFFFFFF  }
0xc8: {  	_ =	strace $0x9000004E  }
0xc9: {  	_ =	sfence  }
0xca: {  	s30 =	sld [smem:$0x0];
	_ =	sdelay $0x2  }
0xcb: {  	s31 =	sshll.u32 s1, $0xD;
	s1 =	sshrl.u32 s1, $0x2  }
0xcc: {  	s4 =	sand.u32 $0x4000, s31;
	s1 =	sadd.s32 s1, s30  }
0xcd: {  	s0 =	sor.u32 s4, s0;
	s1 =	sshll.u32 s1, $0x11  }
0xce: {  	s0 =	sor.u32 s1, s0  }
0xcf: {  	s0 =	sadd.s32 $0x8F2B, s0  }
0xd0: {  	[sflag:s0] =	ssyncadd.remote.s32 $0x1  }
0xd1: {  	_ =	sfence.sel $0xFFFF  }
0xd2: {  	[dreg:$0x0] =	wrdreg $0xFFFFFFFF;
	(pc) =	sbr.abs _section_cstart, $3  }
0xd3: {  	[dreg:$0x1] =	wrdreg $0xFFFFFFFF  }
0xd4: {  	_ =	task.clear_ibuf [dreg:s22], $0x2FFFF;
	_ =	strace $0x9FFFFFFF  }
0xd5: {  	(tm) =	ssettm $0x7FFFFFFF  }
tec
execute0_lowered:
.L_overlay_start_1:
0x0: {  	(tag) =	ssettag $0x1  }
0x1: {  	s1 =	rddreg [dreg:$0x0]  }
0x2: {  	s8 =	rddreg [dreg:$0x1]  }
0x3: {  	s7 =	rddreg [dreg:$0x2];
	s0 =	stileid.u32  }
0x4: {  	s2 =	srdreg.scid;
	s4 =	rddreg [dreg:$0x3];
	s3 =	simm.s32 $0x0  }
0x5: {  	s13 =	simm.s32 $0x1;
	s14 =	simm.s32 $0x2;
	s5 =	smul.u32 $0x9C40, s0  }
0x6: {  	s15 =	simm.s32 $0x0;
	s6 =	sand.u32 $0x1, s2;
	s11 =	smul.u32 $0x2710, s0  }
0x7: {  	s2 =	rddreg [dreg:$0x4];
	s9 =	smul.u32 $0x4E20, s6;
	s10 =	ssub.s32 $0x2, s6  }
0x8: {  	[smem:$0x7FF] =	sst s3;
	s6 =	smul.u32 $0x1388, s6;
	s12 =	sshrl.u32 s10, $0x1  }
0x9: {  	_ =	strace $0x8000004D;
	s5 =	sadd.s32 s5, s4;
	s29 =	ssub.s32 s10, s12  }
0xa: {  	s9 =	sadd.s32 s9, s5;
	s30 =	sadd.s32 s6, s11;
	s10 =	simm.s32 $0xC8  }
0xb: {  	s11 =	simm.s32 $0x190;
	s12 =	simm.s32 $0x1A90;
	s4 =	smax.u32 s29, $0x1  }
0xc: {  	s5 =	sadd.s32 $0xBFFC00, s9;
	s6 =	sadd.s32 $0xC9C000, s9;
	s31 =	sshrl.u32 s30, $0x3  }
0xd: {  	s9 =	simm.s32 $0x3;
	s7 =	sadd.s32 s31, s7;
	s8 =	sadd.s32 s31, s8  }
.LBB2_1:
0xe: {  	s16 =	sadd.s32 $0x0, s8  }
0xf: {  	[tilespmem:s3], [sflag:$0x3] =	stream.linear.gather [hbm4b:s16+s3], $0xC8, $0x38;
	[tilespmem:$0x3390] =	vst v63  }
0x10: {  	_ =	swait.ge [sflag:s9], $0xC8  }
0x11: {  	[sflag:s9] =	ssyncset.done $0x0  }
0x12: {  	s31 =	sadd.s32 $0x0, s7;
	[sflag:s9] =	ssyncadd.s32 $0xFFFFFF38  }
0x13: {  	[tilespmem:s10], [sflag:$0x3] =	stream.linear.gather [hbm4b:s31+s3], $0xC8, $0x38;
	[tilespmem:$0x3390] =	vst v63  }
0x14: {  	_ =	swait.ge [sflag:s9], $0xC8  }
0x15: {  	[sflag:s9] =	ssyncset.done $0x0  }
0x16: {  	[sflag:s9] =	ssyncadd.s32 $0xFFFFFF38  }
0x17: {  	[tilespmem:s11], [sflag:$0x1] =	stream.indirect.gather [hbm4b:s1+s10], $0x20, s3, s10, $0xb8;
	[tilespmem:$0x3390] =	vst v63  }
0x18: {  	_ = 	snop  }
0x19: {  	[tilespmem:s12], [sflag:$0x2] =	stream.indirect.gather [hbm4b:s1+s10], $0x20, s10, s10, $0xb8;
	[tilespmem:$0x3390] =	vst v63  }
0x1a: {  	_ =	swait.ge [sflag:s13], $0x1900  }
0x1b: {  	[sflag:s13] =	ssyncset.done $0x0  }
0x1c: {  	[sflag:s13] =	ssyncadd.s32 $0xFFFFE700  }
0x1d: {  	_ =	swait.ge [sflag:s14], $0x1900  }
0x1e: {  	[sflag:s14] =	ssyncset.done $0x0  }
0x1f: {  	[sflag:s14] =	ssyncadd.s32 $0xFFFFE700  }
0x20: {  	[hbm4b:s6+s3] =	stream.linear.scatter [tilespmem:s11], [sflag:$0x3], $0x1900, $0x38;
	[tilespmem:$0x3390] =	vst v63  }
0x21: {  	_ =	swait.ge [sflag:s9], $0x1900  }
0x22: {  	[sflag:s9] =	ssyncset.done $0x0  }
0x23: {  	[sflag:s9] =	ssyncadd.s32 $0xFFFFE700  }
0x24: {  	[hbm4b:s5+s3] =	stream.linear.scatter [tilespmem:s12], [sflag:$0x3], $0x1900, $0x38;
	[tilespmem:$0x3390] =	vst v63  }
0x25: {  	s18 =	simm.s32 $0x19;
	s19 =	simm.s32 $0x32;
	_ =	swait.ge [sflag:s9], $0x1900  }
0x26: {  	s17 =	sadd.s32 $0x320, s6;
	s16 =	sadd.s32 $0x320, s5;
	[sflag:s9] =	ssyncset.done $0x0  }
.LBB2_2:
0x27: {  	s20 =	sadd.s32 s18, s8  }
0x28: {  	[sflag:s9] =	ssyncadd.s32 $0xFFFFE700;
	s21 =	smov.u32 s19;
	s22 =	sadd.s32 $0x19, s19  }
0x29: {  	[tilespmem:s3], [sflag:$0x3] =	stream.linear.gather [hbm4b:s20+s3], $0xC8, $0x38;
	[tilespmem:$0x3390] =	vst v63  }
0x2a: {  	p0 =	sne.s32 s19, $0x258;
	_ =	swait.ge [sflag:s9], $0xC8  }
0x2b: {  	[sflag:s9] =	ssyncset.done $0x0  }
0x2c: {  	s19 =	sadd.s32 s18, s7;
	s18 =	smov.u32 s21;
	[sflag:s9] =	ssyncadd.s32 $0xFFFFFF38  }
0x2d: {  	[tilespmem:s10], [sflag:$0x3] =	stream.linear.gather [hbm4b:s19+s3], $0xC8, $0x38;
	[tilespmem:$0x3390] =	vst v63  }
0x2e: {  	_ =	swait.ge [sflag:s9], $0xC8  }
0x2f: {  	[sflag:s9] =	ssyncset.done $0x0  }
0x30: {  	[sflag:s9] =	ssyncadd.s32 $0xFFFFFF38  }
0x31: {  	[tilespmem:s11], [sflag:$0x1] =	stream.indirect.gather [hbm4b:s1+s10], $0x20, s3, s10, $0xb8;
	[tilespmem:$0x3390] =	vst v63  }
0x32: {  	_ = 	snop  }
0x33: {  	[tilespmem:s12], [sflag:$0x2] =	stream.indirect.gather [hbm4b:s1+s10], $0x20, s10, s10, $0xb8;
	[tilespmem:$0x3390] =	vst v63  }
0x34: {  	_ =	swait.ge [sflag:s13], $0x1900  }
0x35: {  	[sflag:s13] =	ssyncset.done $0x0  }
0x36: {  	[sflag:s13] =	ssyncadd.s32 $0xFFFFE700  }
0x37: {  	_ =	swait.ge [sflag:s14], $0x1900  }
0x38: {  	[sflag:s14] =	ssyncset.done $0x0  }
0x39: {  	[sflag:s14] =	ssyncadd.s32 $0xFFFFE700  }
0x3a: {  	[hbm4b:s17+s3] =	stream.linear.scatter [tilespmem:s11], [sflag:$0x3], $0x1900, $0x38;
	[tilespmem:$0x3390] =	vst v63  }
0x3b: {  	_ =	swait.ge [sflag:s9], $0x1900  }
.Ltmp0:
0x3c: {  	[sflag:s9] =	ssyncset.done $0x0;
	(pc) =	sbr.rel @p0 .LBB2_2-.Ltmp0, $4  }
0x3d: {  	[sflag:s9] =	ssyncadd.s32 $0xFFFFE700  }
0x3e: {  	[hbm4b:s16+s3] =	stream.linear.scatter [tilespmem:s12], [sflag:$0x3], $0x1900, $0x38;
	[tilespmem:$0x3390] =	vst v63  }
0x3f: {  	s19 =	smov.u32 s22;
	_ =	swait.ge [sflag:s9], $0x1900  }
0x40: {  	s17 =	sadd.s32 $0x320, s17;
	s16 =	sadd.s32 $0x320, s16;
	[sflag:s9] =	ssyncset.done $0x0  }
0x41: {  	s19 =	sadd.s32 s18, s8;
	[sflag:s9] =	ssyncadd.s32 $0xFFFFE700  }
0x42: {  	[tilespmem:s3], [sflag:$0x3] =	stream.linear.gather [hbm4b:s19+s3], $0xC8, $0x38;
	[tilespmem:$0x3390] =	vst v63  }
0x43: {  	_ =	swait.ge [sflag:s9], $0xC8  }
0x44: {  	[sflag:s9] =	ssyncset.done $0x0  }
0x45: {  	s31 =	sadd.s32 s18, s7;
	[sflag:s9] =	ssyncadd.s32 $0xFFFFFF38  }
0x46: {  	[tilespmem:s10], [sflag:$0x3] =	stream.linear.gather [hbm4b:s31+s3], $0xC8, $0x38;
	[tilespmem:$0x3390] =	vst v63  }
0x47: {  	_ =	swait.ge [sflag:s9], $0xC8  }
0x48: {  	[sflag:s9] =	ssyncset.done $0x0  }
0x49: {  	[sflag:s9] =	ssyncadd.s32 $0xFFFFFF38  }
0x4a: {  	[tilespmem:s11], [sflag:$0x1] =	stream.indirect.gather [hbm4b:s1+s10], $0x20, s3, s10, $0xb8;
	[tilespmem:$0x3390] =	vst v63  }
0x4b: {  	_ = 	snop  }
0x4c: {  	[tilespmem:s12], [sflag:$0x2] =	stream.indirect.gather [hbm4b:s1+s10], $0x20, s10, s10, $0xb8;
	[tilespmem:$0x3390] =	vst v63  }
0x4d: {  	_ =	swait.ge [sflag:s13], $0x1900  }
0x4e: {  	[sflag:s13] =	ssyncset.done $0x0  }
0x4f: {  	[sflag:s13] =	ssyncadd.s32 $0xFFFFE700  }
0x50: {  	_ =	swait.ge [sflag:s14], $0x1900  }
0x51: {  	[sflag:s14] =	ssyncset.done $0x0  }
0x52: {  	[sflag:s14] =	ssyncadd.s32 $0xFFFFE700  }
0x53: {  	[hbm4b:s17+s3] =	stream.linear.scatter [tilespmem:s11], [sflag:$0x3], $0x1900, $0x38;
	[tilespmem:$0x3390] =	vst v63  }
0x54: {  	s15 =	sadd.s32 $0x1, s15;
	_ =	swait.ge [sflag:s9], $0x1900  }
0x55: {  	p0 =	sne.s32 s15, s4;
	[sflag:s9] =	ssyncset.done $0x0  }
.Ltmp1:
0x56: {  	[sflag:s9] =	ssyncadd.s32 $0xFFFFE700;
	(pc) =	sbr.rel @p0 .LBB2_1-.Ltmp1, $4  }
0x57: {  	[hbm4b:s16+s3] =	stream.linear.scatter [tilespmem:s12], [sflag:$0x3], $0x1900, $0x38;
	[tilespmem:$0x3390] =	vst v63  }
0x58: {  	_ =	swait.ge [sflag:s9], $0x1900  }
0x59: {  	[sflag:s9] =	ssyncset.done $0x0  }
0x5a: {  	[sflag:s9] =	ssyncadd.s32 $0xFFFFE700  }
0x5b: {  	_ =	sfence.sel $0x180000  }
0x5c: {  	[bflag:$0x0] =	sbarrier.arrive $0xFFFF  }
0x5d: {  	p0 =	sne.s32 s0, $0x0;
	_ =	strace $0x9000004D  }
0x5e: {  	s0 =	sadd.s32 @!p0 $0x100000, s2;
	[bflag:$0x2] =	sbarrier.arrive $0xFFFF  }
0x5f: {  	[sflag:s0] =	ssyncadd.tile.s32 @!p0 $0x1;
	_ =	shalt  }
.Lfunc_end2:
_tile_overlayer_lowered:
.L_overlay_start_2:
0x60: {  	(tag) =	ssettag $0x2  }
0x61: {  	s0 =	rddreg [dreg:$0x0];
	s2 =	stileid.u32  }
0x62: {  	s1 =	rddreg [dreg:$0x1];
	p0 =	sne.s32 s2, $0x0  }
0x63: {  	s3 =	rddreg [dreg:$0x2];
	[bflag:$0x3] =	sbarrier.arrive $0xFFFF;
	s2 =	simm.s32 @!p0 $0x1C03  }
0x64: {  	[timem:s3], [sflag:s2] =	dma.local @!p0 [hbm:s0], s1  }
0x65: {  	s0 =	simm.s32 @!p0 $0x3  }
0x66: {  	_ =	swait.ge @!p0 [sflag:s0], s1  }
0x67: {  	s1 =	ssub.s32 @!p0 $0x0, s1;
	[sflag:s0] =	ssyncset.done @!p0 $0x0  }
0x68: {  	[sflag:s0] =	ssyncadd.s32 @!p0 s1  }
0x69: {  	[bflag:$0x3] =	sbarrier.arrive $0xFFFF  }
0x6a: {  	_ =	shalt  }

// kernel: kernel.19.cloned.1.call-start
scs
__scs_entry_jumppad:
0x0: {  	(pc) =	sbr.rel $0x88, $3  }
0x1: {  	(tag) =	ssettag $0x0;
	lr =	simm.s32 $0x1  }
0x2: {  	[smem:$0x3F89] =	sst lr;
	_ =	strace $0xD0000000  }
0x3: {  	_ = 	snop  }
0x4: {  	_ = 	snop  }
0x5: {  	_ = 	snop  }
0x6: {  	_ = 	snop  }
0x7: {  	_ = 	snop  }
__scs_overlays_trampoline_lowered:
0x8: {  	[smem:$0x3F98] =	sst s0  }
0x9: {  	[smem:$0x3F99] =	sst s1  }
0xa: {  	[smem:$0x3F9A] =	sst s2  }
0xb: {  	[smem:$0x3F9B] =	sst s3  }
0xc: {  	[smem:$0x3F9C] =	sst s4  }
0xd: {  	[smem:$0x3F9D] =	sst s5  }
0xe: {  	[smem:$0x3F9E] =	sst s6  }
0xf: {  	[smem:$0x3F9F] =	sst s7  }
0x10: {  	[smem:$0x3FA0] =	sst s8  }
0x11: {  	[smem:$0x3FA1] =	sst s9;
	s0 =	simm.s32 @!p0 $0x0  }
0x12: {  	s1 =	sld [smem:$0x3F87];
	s0 =	simm.s32 @p0 $0x1  }
0x13: {  	[smem:$0x3FA2] =	sst s0;
	s0 =	simm.s32 @!p1 $0x0  }
0x14: {  	s2 =	sld [smem:$0x3F86];
	s0 =	simm.s32 @p1 $0x1  }
0x15: {  	[smem:$0x3FA3] =	sst s0;
	s0 =	simm.s32 @!p2 $0x0  }
0x16: {  	s3 =	sld [smem:$0x3FDB];
	s0 =	simm.s32 @p2 $0x1  }
0x17: {  	s4 =	simm.s32 $0x1BF5;
	[smem:$0x3FA5] =	sst s0  }
0x18: {  	s0 =	sld [smem:$0x3F88];
	_ =	swait.ge [sflag:s4], $0x0  }
0x19: {  	s7 =	sld [smem:$0x3F89]  }
0x1a: {  	s8 =	sadd.s32 $0xFFFFE003, lr  }
0x1b: {  	s9 =	sadd.s32 $0xFFFFFEF7, lr;
	s5 =	simm.s32 $0xFFFFFFFF;
	p2 =	slt.u32 s8, $0xFFFFF086  }
0x1c: {  	p1 =	slt.u32 s9, $0xF7A;
	s5 =	simm.s32 @!p2 $0x0  }
0x1d: {  	s5 =	simm.s32 @p1 $0x1;
	p0 =	seq.s32 s7, s2  }
0x1e: {  	s7 =	smul.u32 @!p0 $0xF7A, s2;
	p2 =	seq.s32 @!p0 s5, $0x0  }
0x1f: {  	s9 =	smul.u32 $0xF7A, s1;
	s8 =	simm.s32 @!p0 $0x1BF5;
	p2 =	por !p2, p0  }
0x20: {  	[sflag:s8] =	ssyncset.s32 @!p0 $0xFFFFF086;
	s6 =	sadd.s32 @!p0 s3, s7;
	s7 =	simm.s32 @!p0 $0x108  }
0x21: {  	s3 =	sadd.s32 s3, s9;
	s6 =	sadd.s32 @!p0 $0x88, s6;
	s7 =	simm.s32 @p2 $0x1082  }
0x22: {  	[simem:s7], [sflag:s8] =	dma.local @!p0 [hbm:s6], $0xF7A  }
0x23: {  	s9 =	sor.u32 $0xD0000000, s2;
	s6 =	simm.s32 $0x108;
	_ =	swait.ge @!p0 [sflag:s8], $0x0  }
0x24: {  	s3 =	sadd.s32 $0x88, s3;
	s6 =	simm.s32 @!p1 $0x1082;
	[sflag:s4] =	ssyncset.s32 $0xFFFFF086  }
0x25: {  	[simem:s6], [sflag:s4] =	dma.local [hbm:s3], $0xF7A  }
0x26: {  	[smem:$0x3F89] =	sst s1;
	(tag) =	ssettag s2;
	_ =	strace s9  }
0x27: {  	s1 =	sld [smem:$0x3F99]  }
0x28: {  	s2 =	sld [smem:$0x3F9A]  }
0x29: {  	s4 =	sld [smem:$0x3F9C]  }
0x2a: {  	p0 =	seq.s32 s5, $0x0;
	s5 =	sld [smem:$0x3F9D]  }
0x2b: {  	s6 =	sld [smem:$0x3F9E]  }
0x2c: {  	s7 =	sld [smem:$0x3F9F]  }
0x2d: {  	s3 =	simm.s32 $0x108;
	s8 =	sld [smem:$0x3FA0]  }
0x2e: {  	s3 =	simm.s32 @!p0 $0x1082;
	s9 =	sld [smem:$0x3FA1]  }
0x2f: {  	lr =	sadd.s32 s0, s3;
	s0 =	sld [smem:$0x3F98]  }
0x30: {  	s3 =	sld [smem:$0x3F9B]  }
0x31: {  	[smem:$0x3FA4] =	sst s10  }
0x32: {  	s10 =	sld [smem:$0x3FA2];
	_ =	sdelay $0x3  }
0x33: {  	p0 =	seq.s32 s10, $0x1;
	s10 =	sld [smem:$0x3FA4];
	_ =	sdelay $0x3  }
0x34: {  	[smem:$0x3FA4] =	sst s10  }
0x35: {  	s10 =	sld [smem:$0x3FA3];
	_ =	sdelay $0x3  }
0x36: {  	p1 =	seq.s32 s10, $0x1;
	s10 =	sld [smem:$0x3FA4];
	_ =	sdelay $0x3  }
0x37: {  	[smem:$0x3FA4] =	sst s10  }
0x38: {  	s10 =	sld [smem:$0x3FA5]  }
0x39: {  	_ = 	snop;
	(pc) =	sbr.ind lr, $3  }
0x3a: {  	_ = 	snop  }
0x3b: {  	_ = 	snop  }
0x3c: {  	p2 =	seq.s32 s10, $0x1;
	s10 =	sld [smem:$0x3FA4]  }
0x3d: {  	_ =	shalt  }
0x3e: {  	_ =	shalt  }
0x3f: {  	_ =	shalt  }
0x40: {  	_ =	shalt  }
0x41: {  	_ =	shalt  }
0x42: {  	_ =	shalt  }
0x43: {  	_ =	shalt  }
0x44: {  	_ =	shalt  }
0x45: {  	_ =	shalt  }
0x46: {  	_ =	shalt  }
0x47: {  	_ =	shalt  }
0x48: {  	_ =	shalt  }
0x49: {  	_ =	shalt  }
0x4a: {  	_ =	shalt  }
0x4b: {  	_ =	shalt  }
0x4c: {  	_ =	shalt  }
0x4d: {  	_ =	shalt  }
0x4e: {  	_ =	shalt  }
0x4f: {  	_ =	shalt  }
0x50: {  	_ =	shalt  }
0x51: {  	_ =	shalt  }
0x52: {  	_ =	shalt  }
0x53: {  	_ =	shalt  }
0x54: {  	_ =	shalt  }
0x55: {  	_ =	shalt  }
0x56: {  	_ =	shalt  }
0x57: {  	_ =	shalt  }
0x58: {  	_ =	shalt  }
0x59: {  	_ =	shalt  }
0x5a: {  	_ =	shalt  }
0x5b: {  	_ =	shalt  }
0x5c: {  	_ =	shalt  }
0x5d: {  	_ =	shalt  }
0x5e: {  	_ =	shalt  }
0x5f: {  	_ =	shalt  }
0x60: {  	_ =	shalt  }
0x61: {  	_ =	shalt  }
0x62: {  	_ =	shalt  }
0x63: {  	_ =	shalt  }
0x64: {  	_ =	shalt  }
0x65: {  	_ =	shalt  }
0x66: {  	_ =	shalt  }
0x67: {  	_ =	shalt  }
0x68: {  	_ =	shalt  }
0x69: {  	_ =	shalt  }
0x6a: {  	_ =	shalt  }
0x6b: {  	_ =	shalt  }
0x6c: {  	_ =	shalt  }
0x6d: {  	_ =	shalt  }
0x6e: {  	_ =	shalt  }
0x6f: {  	_ =	shalt  }
0x70: {  	_ =	shalt  }
0x71: {  	_ =	shalt  }
0x72: {  	_ =	shalt  }
0x73: {  	_ =	shalt  }
0x74: {  	_ =	shalt  }
0x75: {  	_ =	shalt  }
0x76: {  	_ =	shalt  }
0x77: {  	_ =	shalt  }
0x78: {  	_ =	shalt  }
0x79: {  	_ =	shalt  }
0x7a: {  	_ =	shalt  }
0x7b: {  	_ =	shalt  }
0x7c: {  	_ =	shalt  }
0x7d: {  	_ =	shalt  }
0x7e: {  	_ =	shalt  }
0x7f: {  	_ =	shalt  }
0x80: {  	_ =	shalt  }
0x81: {  	_ =	shalt  }
0x82: {  	_ =	shalt  }
0x83: {  	_ =	shalt  }
0x84: {  	_ =	shalt  }
0x85: {  	_ =	shalt  }
0x86: {  	_ =	shalt  }
0x87: {  	_ =	shalt  }
.Lfunc_end0:
.L_simem_size_0:
called_computation.4_lowered:
.L_overlay_start_0:
0x88: {  	s2 =	sld [smem:$0x3FD9]  }
0x89: {  	s3 =	sld [smem:$0x3FFE];
	_ =	sdelay $0x1  }
0x8a: {  	s1 =	srdreg.scid  }
0x8b: {  	s0 =	sand.u32 $0x1, s1  }
0x8c: {  	s17 =	sshll.u32 s0, $0xA;
	s2 =	sadd.s32 s3, s2  }
0x8d: {  	s2 =	sadd.s32 s2, s17  }
0x8e: {  	[smem:$0x3FB0] =	sst s2  }
0x8f: {  	_ = 	snop  }
0x90: {  	s2 =	sld [smem:$0x3FC4]  }
0x91: {  	s18 =	sld [smem:$0x3FD0];
	(tm) =	ssettm $0x1  }
0x92: {  	s4 =	sld [smem:$0x3FFB];
	_ =	sdelay $0x3  }
0x93: {  	_ =	strace s4  }
0x94: {  	s4 =	sld [smem:$0x3FFC];
	_ =	sdelay $0x3  }
0x95: {  	_ =	strace s4  }
0x96: {  	s4 =	sld [smem:$0x3FFD];
	_ =	sdelay $0x3  }
0x97: {  	_ =	strace s4  }
0x98: {  	_ =	strace $0x8FFFFFFF  }
0x99: {  	s19 =	sld [smem:$0x3FDB];
	_ =	sdelay $0x1  }
0x9a: {  	s5 =	simm.s32 $_scs_section_size  }
0x9b: {  	s6 =	simm.s32 $_size__tile_overlayer_lowered;
	s7 =	simm.s32 $_tile_overlayer_lowered  }
0x9c: {  	s22 =	simm.s32 $0x1BFF;
	s21 =	sshll.u32 s7, $0x1;
	s4 =	sadd.s32 s5, s19  }
0x9d: {  	s8 =	simm.s32 $0x0;
	s20 =	sshll.u32 s6, $0x1;
	s6 =	sadd.s32 s21, s4  }
0x9e: {  	[timem:s8], [sflag:s22] =	dma.local [hbm:s6], s20  }
0x9f: {  	_ =	swait.ge [sflag:s22], s20  }
0xa0: {  	s5 =	ssub.s32 $0x0, s20;
	[sflag:s22] =	ssyncset.done $0x0  }
0xa1: {  	[sflag:s22] =	ssyncadd.s32 s5;
	_ =	sdelay $0x1  }
0xa2: {  	s23 =	simm.s32 $0x1B8B  }
0xa3: {  	_ =	swait.ge [sflag:s23], $0x1  }
0xa4: {  	[sflag:s23] =	ssyncset.done $0x0  }
0xa5: {  	s25 =	simm.s32 $0x1B8E;
	s24 =	sld [smem:$0x3FFE];
	[sflag:s23] =	ssyncadd.s32 $0xFFFFFFFF  }
0xa6: {  	s26 =	simm.s32 $execute0_lowered;
	[smem:$0x3FD2] =	sst s25  }
0xa7: {  	s6 =	sshll.u32 s26, $0x1;
	_ =	strace $0x80000052;
	[dreg:$0x1] =	wrdreg $0xFFFFFFFF  }
0xa8: {  	s28 =	simm.s32 $_size_execute0_lowered;
	s4 =	sadd.s32 s4, s6;
	[dreg:$0x0] =	wrdreg $0x0  }
0xa9: {  	s6 =	sshll.u32 s28, $0x1;
	[dreg:$0x2] =	wrdreg s4  }
0xaa: {  	[dreg:$0x3] =	wrdreg s6  }
0xab: {  	[dreg:$0x4] =	wrdreg $0xC0  }
0xac: {  	_ =	task [dreg:s8], $0x5FFFF  }
0xad: {  	[dreg:$0x1] =	wrdreg $0xFFFFFFFF  }
0xae: {  	[dreg:$0x0] =	wrdreg $0x60  }
0xaf: {  	[dreg:$0x2] =	wrdreg s24  }
0xb0: {  	[dreg:$0x3] =	wrdreg s2  }
0xb1: {  	[dreg:$0x4] =	wrdreg s18  }
0xb2: {  	[dreg:$0x5] =	wrdreg $0x32C80  }
0xb3: {  	[dreg:$0x6] =	wrdreg $0x9  }
0xb4: {  	_ =	task.clear_ibuf [dreg:s8], $0x7FFFF;
	_ =	strace $0x90000052  }
0xb5: {  	s29 =	simm.s32 $0x9;
	_ =	strace $0x80000054  }
0xb6: {  	_ =	swait.ge [sflag:s29], $0x1  }
0xb7: {  	[sflag:s29] =	ssyncadd.s32 $0xFFFFFFFF  }
0xb8: {  	_ =	strace $0x90000054  }
0xb9: {  	_ =	sfence  }
0xba: {  	s30 =	sld [smem:$0x0];
	_ =	sdelay $0x2  }
0xbb: {  	s31 =	sshll.u32 s1, $0xD;
	s1 =	sshrl.u32 s1, $0x2  }
0xbc: {  	s3 =	sand.u32 $0x4000, s31;
	s1 =	sadd.s32 s1, s30  }
0xbd: {  	s0 =	sor.u32 s3, s0;
	s1 =	sshll.u32 s1, $0x11  }
0xbe: {  	s0 =	sor.u32 s1, s0  }
0xbf: {  	s0 =	sadd.s32 $0x8F2B, s0  }
0xc0: {  	[sflag:s0] =	ssyncadd.remote.s32 $0x1  }
0xc1: {  	_ =	sfence.sel $0xFFFF  }
0xc2: {  	[dreg:$0x0] =	wrdreg $0xFFFFFFFF;
	(pc) =	sbr.abs _section_cstart, $3  }
0xc3: {  	[dreg:$0x1] =	wrdreg $0xFFFFFFFF  }
0xc4: {  	_ =	task.clear_ibuf [dreg:s8], $0x2FFFF;
	_ =	strace $0x9FFFFFFF  }
0xc5: {  	(tm) =	ssettm $0x7FFFFFFF  }
tec
execute0_lowered:
.L_overlay_start_1:
0x0: {  	(tag) =	ssettag $0x1  }
0x1: {  	s4 =	rddreg [dreg:$0x0]  }
0x2: {  	s14 =	rddreg [dreg:$0x1];
	s1 =	srdreg.scid  }
0x3: {  	s0 =	stileid.u32;
	s11 =	rddreg [dreg:$0x2]  }
0x4: {  	s2 =	rddreg [dreg:$0x3];
	s3 =	simm.s32 $0x0;
	s6 =	smul.u32 $0x4E20, s0  }
0x5: {  	s8 =	sand.u32 $0x1, s1;
	s1 =	rddreg [dreg:$0x4];
	s19 =	smul.u32 $0x1388, s0  }
0x6: {  	[smem:$0x7FF] =	sst s3;
	s10 =	smul.u32 $0x4E200, s8;
	s5 =	ssub.s32 $0x2, s8  }
0x7: {  	_ =	strace $0x80000053;
	s18 =	smul.u32 $0x13880, s8;
	s23 =	sshrl.u32 s5, $0x1  }
0x8: {  	s15 =	sadd.s32 $0x1900, s6;
	s16 =	sadd.s32 $0x3200, s6;
	s17 =	sadd.s32 $0x4B00, s6  }
0x9: {  	s9 =	sadd.s32 s6, s10;
	s12 =	ssub.s32 s5, s23;
	s5 =	sadd.s32 s15, s2  }
0xa: {  	s7 =	sadd.s32 s17, s2;
	s25 =	sadd.s32 s10, s15;
	s26 =	sadd.s32 s10, s16  }
0xb: {  	s28 =	sadd.s32 s10, s17;
	s30 =	sadd.s32 s19, s18;
	s17 =	simm.s32 $0xC8  }
0xc: {  	s18 =	simm.s32 $0x0;
	s13 =	sadd.s32 s9, s4;
	s4 =	sadd.s32 s6, s2  }
0xd: {  	s6 =	sadd.s32 s16, s2;
	s24 =	sshrl.u32 s9, $0x3;
	s9 =	sshrl.u32 s25, $0x3  }
0xe: {  	s15 =	sshrl.u32 s26, $0x3;
	s29 =	sshrl.u32 s28, $0x3;
	s12 =	smax.u32 s12, $0x1  }
0xf: {  	s31 =	sshrl.u32 s30, $0x3;
	s16 =	simm.s32 $0x1;
	s8 =	sadd.s32 s11, s24  }
0x10: {  	s9 =	sadd.s32 s11, s9;
	s10 =	sadd.s32 s11, s15;
	s11 =	sadd.s32 s11, s29  }
0x11: {  	v0 =	vimm.f32 $0.0e+00;
	s13 =	sadd.s32 $0x5000, s13;
	s14 =	sadd.s32 s31, s14;
	s15 =	simm.s32 $0x19C8  }
.LBB2_1:
0x12: {  	s19 =	simm.s32 $0x80;
	s20 =	simm.s32 $0x0  }
.LBB2_2:
0x13: {  	p0 =	sne.s32 s19, $0x6380;
	[tilespmem:s20+$0x19C8] =	vst v0;
	s21 =	smov.u32 s19;
	s19 =	sadd.s32 $0x80, s19  }
.Ltmp0:
0x14: {  	[tilespmem:s20+$0x19D8] =	vst v0;
	(pc) =	sbr.rel @p0 .LBB2_2-.Ltmp0, $2  }
0x15: {  	_ =	sdelay $0x2  }
0x16: {  	s20 =	sshra.s32 s21, $0x2  }
0x17: {  	[tilespmem:s20+$0x19C8] =	vst v0  }
0x18: {  	[tilespmem:s20+$0x19D8] =	vst v0  }
0x19: {  	[spmem:s4] =	stream.linear.scatter [tilespmem:s15], [sflag:$0x1], $0x1900, $0x38;
	[tilespmem:$0x80E8] =	vst v63  }
0x1a: {  	_ =	swait.ge [sflag:s16], $0x1900  }
0x1b: {  	[sflag:s16] =	ssyncset.done $0x0  }
0x1c: {  	[sflag:s16] =	ssyncadd.s32 $0xFFFFE700  }
0x1d: {  	[spmem:s5] =	stream.linear.scatter [tilespmem:s15], [sflag:$0x1], $0x1900, $0x38;
	[tilespmem:$0x80E8] =	vst v63  }
0x1e: {  	_ =	swait.ge [sflag:s16], $0x1900  }
0x1f: {  	[sflag:s16] =	ssyncset.done $0x0  }
0x20: {  	[sflag:s16] =	ssyncadd.s32 $0xFFFFE700  }
0x21: {  	[spmem:s6] =	stream.linear.scatter [tilespmem:s15], [sflag:$0x1], $0x1900, $0x38;
	[tilespmem:$0x80E8] =	vst v63  }
0x22: {  	_ =	swait.ge [sflag:s16], $0x1900  }
0x23: {  	[sflag:s16] =	ssyncset.done $0x0  }
0x24: {  	[sflag:s16] =	ssyncadd.s32 $0xFFFFE700  }
0x25: {  	[spmem:s7] =	stream.linear.scatter [tilespmem:s15], [sflag:$0x1], $0x320, $0x38;
	[tilespmem:$0x80E8] =	vst v63  }
0x26: {  	_ =	swait.ge [sflag:s16], $0x320  }
0x27: {  	[sflag:s16] =	ssyncset.done $0x0  }
0x28: {  	[sflag:s16] =	ssyncadd.s32 $0xFFFFFCE0  }
0x29: {  	s19 =	sadd.s32 $0x0, s14;
	[bflag:$0x0] =	sbarrier.arrive $0xFFFF  }
0x2a: {  	[tilespmem:s3], [sflag:$0x1] =	stream.linear.gather [hbm4b:s19+s3], $0xC8, $0x38;
	[tilespmem:$0x80E8] =	vst v63  }
0x2b: {  	_ =	swait.ge [sflag:s16], $0xC8  }
0x2c: {  	[sflag:s16] =	ssyncset.done $0x0  }
0x2d: {  	[sflag:s16] =	ssyncadd.s32 $0xFFFFFF38  }
0x2e: {  	[tilespmem:s17], [sflag:$0x1] =	stream.linear.gather [hbm4b:s13+s3], $0x1900, $0x38;
	[tilespmem:$0x80E8] =	vst v63  }
0x2f: {  	_ =	swait.ge [sflag:s16], $0x1900  }
0x30: {  	[sflag:s16] =	ssyncset.done $0x0  }
0x31: {  	[sflag:s16] =	ssyncadd.s32 $0xFFFFE700  }
0x32: {  	[spmem:s2] =	stream.indirect.scatter.add.f32 [tilespmem:s17], [sflag:$0x1], $0x20, s3, s17, $0xb8;
	[tilespmem:$0x80E8] =	vst v63  }
0x33: {  	s20 =	simm.s32 $0x19;
	_ =	swait.ge [sflag:s16], $0x1900  }
0x34: {  	s21 =	simm.s32 $0x32;
	s19 =	sadd.s32 $0x320, s13;
	[sflag:s16] =	ssyncset.done $0x0  }
.LBB2_4:
0x35: {  	s22 =	sadd.s32 s20, s14  }
0x36: {  	[sflag:s16] =	ssyncadd.s32 $0xFFFFE700;
	s20 =	smov.u32 s21;
	s23 =	sadd.s32 $0x19, s21  }
0x37: {  	[tilespmem:s3], [sflag:$0x1] =	stream.linear.gather [hbm4b:s22+s3], $0xC8, $0x38;
	[tilespmem:$0x80E8] =	vst v63  }
0x38: {  	p0 =	sne.s32 s21, $0x258;
	_ =	swait.ge [sflag:s16], $0xC8  }
0x39: {  	[sflag:s16] =	ssyncset.done $0x0  }
0x3a: {  	[sflag:s16] =	ssyncadd.s32 $0xFFFFFF38  }
0x3b: {  	[tilespmem:s17], [sflag:$0x1] =	stream.linear.gather [hbm4b:s19+s3], $0x1900, $0x38;
	[tilespmem:$0x80E8] =	vst v63  }
0x3c: {  	_ =	swait.ge [sflag:s16], $0x1900  }
.Ltmp1:
0x3d: {  	[sflag:s16] =	ssyncset.done $0x0;
	(pc) =	sbr.rel @p0 .LBB2_4-.Ltmp1, $4  }
0x3e: {  	[sflag:s16] =	ssyncadd.s32 $0xFFFFE700  }
0x3f: {  	[spmem:s2] =	stream.indirect.scatter.add.f32 [tilespmem:s17], [sflag:$0x1], $0x20, s3, s17, $0xb8;
	[tilespmem:$0x80E8] =	vst v63  }
0x40: {  	_ =	swait.ge [sflag:s16], $0x1900  }
0x41: {  	s21 =	smov.u32 s23;
	s19 =	sadd.s32 $0x320, s19;
	[sflag:s16] =	ssyncset.done $0x0  }
0x42: {  	s20 =	sadd.s32 s20, s14;
	[sflag:s16] =	ssyncadd.s32 $0xFFFFE700  }
0x43: {  	[tilespmem:s3], [sflag:$0x1] =	stream.linear.gather [hbm4b:s20+s3], $0xC8, $0x38;
	[tilespmem:$0x80E8] =	vst v63  }
0x44: {  	_ =	swait.ge [sflag:s16], $0xC8  }
0x45: {  	[sflag:s16] =	ssyncset.done $0x0  }
0x46: {  	[sflag:s16] =	ssyncadd.s32 $0xFFFFFF38  }
0x47: {  	[tilespmem:s17], [sflag:$0x1] =	stream.linear.gather [hbm4b:s19+s3], $0x1900, $0x38;
	[tilespmem:$0x80E8] =	vst v63  }
0x48: {  	_ =	swait.ge [sflag:s16], $0x1900  }
0x49: {  	[sflag:s16] =	ssyncset.done $0x0  }
0x4a: {  	[sflag:s16] =	ssyncadd.s32 $0xFFFFE700  }
0x4b: {  	[spmem:s2] =	stream.indirect.scatter.add.f32 [tilespmem:s17], [sflag:$0x1], $0x20, s3, s17, $0xb8;
	[tilespmem:$0x80E8] =	vst v63  }
0x4c: {  	_ =	swait.ge [sflag:s16], $0x1900  }
0x4d: {  	[sflag:s16] =	ssyncset.done $0x0  }
0x4e: {  	[sflag:s16] =	ssyncadd.s32 $0xFFFFE700  }
0x4f: {  	[bflag:$0x0] =	sbarrier.arrive $0xFFFF  }
0x50: {  	[tilespmem:s17], [sflag:$0x1] =	stream.linear.gather [spmem:s4], $0x1900, $0x38;
	[tilespmem:$0x80E8] =	vst v63  }
0x51: {  	_ =	swait.ge [sflag:s16], $0x1900  }
0x52: {  	[sflag:s16] =	ssyncset.done $0x0  }
0x53: {  	[sflag:s16] =	ssyncadd.s32 $0xFFFFE700  }
0x54: {  	[hbm4b:s8+s3] =	stream.linear.scatter [tilespmem:s17], [sflag:$0x1], $0x1900, $0x38;
	[tilespmem:$0x80E8] =	vst v63  }
0x55: {  	_ =	swait.ge [sflag:s16], $0x1900  }
0x56: {  	[sflag:s16] =	ssyncset.done $0x0  }
0x57: {  	[sflag:s16] =	ssyncadd.s32 $0xFFFFE700  }
0x58: {  	[tilespmem:s17], [sflag:$0x1] =	stream.linear.gather [spmem:s5], $0x1900, $0x38;
	[tilespmem:$0x80E8] =	vst v63  }
0x59: {  	_ =	swait.ge [sflag:s16], $0x1900  }
0x5a: {  	[sflag:s16] =	ssyncset.done $0x0  }
0x5b: {  	[sflag:s16] =	ssyncadd.s32 $0xFFFFE700  }
0x5c: {  	[hbm4b:s9+s3] =	stream.linear.scatter [tilespmem:s17], [sflag:$0x1], $0x1900, $0x38;
	[tilespmem:$0x80E8] =	vst v63  }
0x5d: {  	_ =	swait.ge [sflag:s16], $0x1900  }
0x5e: {  	[sflag:s16] =	ssyncset.done $0x0  }
0x5f: {  	[sflag:s16] =	ssyncadd.s32 $0xFFFFE700  }
0x60: {  	[tilespmem:s17], [sflag:$0x1] =	stream.linear.gather [spmem:s6], $0x1900, $0x38;
	[tilespmem:$0x80E8] =	vst v63  }
0x61: {  	_ =	swait.ge [sflag:s16], $0x1900  }
0x62: {  	[sflag:s16] =	ssyncset.done $0x0  }
0x63: {  	[sflag:s16] =	ssyncadd.s32 $0xFFFFE700  }
0x64: {  	[hbm4b:s10+s3] =	stream.linear.scatter [tilespmem:s17], [sflag:$0x1], $0x1900, $0x38;
	[tilespmem:$0x80E8] =	vst v63  }
0x65: {  	_ =	swait.ge [sflag:s16], $0x1900  }
0x66: {  	[sflag:s16] =	ssyncset.done $0x0  }
0x67: {  	[sflag:s16] =	ssyncadd.s32 $0xFFFFE700  }
0x68: {  	[tilespmem:s17], [sflag:$0x1] =	stream.linear.gather [spmem:s7], $0x320, $0x38;
	[tilespmem:$0x80E8] =	vst v63  }
0x69: {  	s18 =	sadd.s32 $0x1, s18;
	_ =	swait.ge [sflag:s16], $0x320  }
0x6a: {  	p0 =	sne.s32 s18, s12;
	[sflag:s16] =	ssyncset.done $0x0  }
.Ltmp2:
0x6b: {  	[sflag:s16] =	ssyncadd.s32 $0xFFFFFCE0;
	(pc) =	sbr.rel @p0 .LBB2_1-.Ltmp2, $4  }
0x6c: {  	[hbm4b:s11+s3] =	stream.linear.scatter [tilespmem:s17], [sflag:$0x1], $0x320, $0x38;
	[tilespmem:$0x80E8] =	vst v63  }
0x6d: {  	_ =	swait.ge [sflag:s16], $0x320  }
0x6e: {  	[sflag:s16] =	ssyncset.done $0x0  }
0x6f: {  	[sflag:s16] =	ssyncadd.s32 $0xFFFFFCE0  }
0x70: {  	_ =	sfence.sel $0x180000  }
0x71: {  	[bflag:$0x0] =	sbarrier.arrive $0xFFFF  }
0x72: {  	p0 =	sne.s32 s0, $0x0;
	_ =	strace $0x90000053  }
0x73: {  	s0 =	sadd.s32 @!p0 $0x100000, s1;
	[bflag:$0x2] =	sbarrier.arrive $0xFFFF  }
0x74: {  	[sflag:s0] =	ssyncadd.tile.s32 @!p0 $0x1;
	_ =	shalt  }
.Lfunc_end2:
_tile_overlayer_lowered:
.L_overlay_start_2:
0x75: {  	(tag) =	ssettag $0x2  }
0x76: {  	s0 =	rddreg [dreg:$0x0];
	s2 =	stileid.u32  }
0x77: {  	s1 =	rddreg [dreg:$0x1];
	p0 =	sne.s32 s2, $0x0  }
0x78: {  	s3 =	rddreg [dreg:$0x2];
	[bflag:$0x3] =	sbarrier.arrive $0xFFFF;
	s2 =	simm.s32 @!p0 $0x1C01  }
0x79: {  	[timem:s3], [sflag:s2] =	dma.local @!p0 [hbm:s0], s1  }
0x7a: {  	s0 =	simm.s32 @!p0 $0x1  }
0x7b: {  	_ =	swait.ge @!p0 [sflag:s0], s1  }
0x7c: {  	s1 =	ssub.s32 @!p0 $0x0, s1;
	[sflag:s0] =	ssyncset.done @!p0 $0x0  }
0x7d: {  	[sflag:s0] =	ssyncadd.s32 @!p0 s1  }
0x7e: {  	[bflag:$0x3] =	sbarrier.arrive $0xFFFF  }
0x7f: {  	_ =	shalt  }

// kernel: sparse-core-data-format-call.cloned.1.call-start
scs
called_computation_lowered:
.L_overlay_start_0:
0x0: {  	s1 =	sld [smem:$0x3FD9]  }
0x1: {  	s2 =	sld [smem:$0x3FFE];
	_ =	sdelay $0x1  }
0x2: {  	s3 =	srdreg.scid  }
0x3: {  	s0 =	sand.u32 $0x1, s3  }
0x4: {  	s17 =	sshll.u32 s0, $0xA;
	s1 =	sadd.s32 s2, s1  }
0x5: {  	s1 =	sadd.s32 s1, s17  }
0x6: {  	[smem:$0x3FB0] =	sst s1  }
0x7: {  	_ = 	snop  }
0x8: {  	(tm) =	ssettm $0x1  }
0x9: {  	s18 =	sld [smem:$0x3FFB];
	_ =	sdelay $0x3  }
0xa: {  	_ =	strace s18  }
0xb: {  	s1 =	sld [smem:$0x3FFC];
	_ =	sdelay $0x3  }
0xc: {  	_ =	strace s1  }
0xd: {  	s1 =	sld [smem:$0x3FFD];
	_ =	sdelay $0x3  }
0xe: {  	_ =	strace s1  }
0xf: {  	_ =	strace $0x8FFFFFFF  }
0x10: {  	s19 =	sld [smem:$0x3FDB];
	_ =	sdelay $0x1  }
0x11: {  	s20 =	simm.s32 $_scs_section_size  }
0x12: {  	s4 =	simm.s32 $_size__tile_overlayer_lowered;
	s5 =	simm.s32 $_tile_overlayer_lowered  }
0x13: {  	s23 =	simm.s32 $0x1BFF;
	s22 =	sshll.u32 s5, $0x1;
	s1 =	sadd.s32 s20, s19  }
0x14: {  	s6 =	simm.s32 $0x0;
	s21 =	sshll.u32 s4, $0x1;
	s4 =	sadd.s32 s22, s1  }
0x15: {  	[timem:s6], [sflag:s23] =	dma.local [hbm:s4], s21  }
0x16: {  	_ =	swait.ge [sflag:s23], s21  }
0x17: {  	s2 =	ssub.s32 $0x0, s21;
	[sflag:s23] =	ssyncset.done $0x0  }
0x18: {  	[sflag:s23] =	ssyncadd.s32 s2;
	_ =	sdelay $0x1  }
0x19: {  	s24 =	simm.s32 $0x1B8B  }
0x1a: {  	_ =	swait.ge [sflag:s24], $0x1  }
0x1b: {  	[sflag:s24] =	ssyncset.done $0x0  }
0x1c: {  	s26 =	simm.s32 $0x1B8E;
	s25 =	sld [smem:$0x3FFE];
	[sflag:s24] =	ssyncadd.s32 $0xFFFFFFFF  }
0x1d: {  	s27 =	simm.s32 $execute0_lowered;
	[smem:$0x3FD2] =	sst s26  }
0x1e: {  	s4 =	sshll.u32 s27, $0x1;
	_ =	strace $0x80000046;
	[dreg:$0x1] =	wrdreg $0xFFFFFFFF  }
0x1f: {  	s28 =	simm.s32 $_size_execute0_lowered;
	s1 =	sadd.s32 s1, s4;
	[dreg:$0x0] =	wrdreg $0x0  }
0x20: {  	s4 =	sshll.u32 s28, $0x1;
	[dreg:$0x2] =	wrdreg s1  }
0x21: {  	[dreg:$0x3] =	wrdreg s4  }
0x22: {  	[dreg:$0x4] =	wrdreg $0xC0  }
0x23: {  	_ =	task [dreg:s6], $0x5FFFF  }
0x24: {  	[dreg:$0x1] =	wrdreg $0xFFFFFFFF  }
0x25: {  	[dreg:$0x0] =	wrdreg $0x60  }
0x26: {  	[dreg:$0x2] =	wrdreg s25  }
0x27: {  	[dreg:$0x3] =	wrdreg $0x9  }
0x28: {  	_ =	task.clear_ibuf [dreg:s6], $0x4FFFF;
	_ =	strace $0x90000046  }
0x29: {  	s29 =	simm.s32 $0x9;
	_ =	strace $0x80000048  }
0x2a: {  	_ =	swait.ge [sflag:s29], $0x1  }
0x2b: {  	[sflag:s29] =	ssyncadd.s32 $0xFFFFFFFF  }
0x2c: {  	_ =	strace $0x90000048  }
0x2d: {  	_ =	sfence  }
0x2e: {  	s30 =	sld [smem:$0x0];
	_ =	sdelay $0x2  }
0x2f: {  	s31 =	sshll.u32 s3, $0xD;
	s3 =	sshrl.u32 s3, $0x2  }
0x30: {  	s2 =	sand.u32 $0x4000, s31;
	s1 =	sadd.s32 s3, s30  }
0x31: {  	s0 =	sor.u32 s2, s0;
	s1 =	sshll.u32 s1, $0x11  }
0x32: {  	s0 =	sor.u32 s1, s0  }
0x33: {  	s0 =	sadd.s32 $0x8F2B, s0  }
0x34: {  	[sflag:s0] =	ssyncadd.remote.s32 $0x1  }
0x35: {  	_ =	sfence.sel $0xFFFF  }
0x36: {  	[dreg:$0x0] =	wrdreg $0xFFFFFFFF;
	(pc) =	sbr.abs _section_cstart, $3  }
0x37: {  	[dreg:$0x1] =	wrdreg $0xFFFFFFFF  }
0x38: {  	_ =	task.clear_ibuf [dreg:s6], $0x2FFFF;
	_ =	strace $0x9FFFFFFF  }
0x39: {  	(tm) =	ssettm $0x7FFFFFFF  }
tec
execute0_lowered:
.L_overlay_start_1:
0x0: {  	(tag) =	ssettag $0x1  }
0x1: {  	s0 =	srdreg.scid  }
0x2: {  	s5 =	rddreg [dreg:$0x0];
	s1 =	stileid.u32;
	s4 =	simm.s32 $0x1  }
0x3: {  	s6 =	simm.s32 $0x2;
	s8 =	simm.s32 $0x0;
	s2 =	sshll.u32 s0, $0x4  }
0x4: {  	s9 =	simm.s32 $0x0;
	s13 =	simm.s32 $0x0;
	s2 =	sand.u32 $0x10, s2  }
.Ltmp0:
0x5: {  	s10 =	simm.s32 $0x0;
	s3 =	sor.u32 s1, s2;
	(pc) =	sbr.rel .LBB1_1-.Ltmp0, $4  }
0x6: {  	s0 =	rddreg [dreg:$0x1];
	_ =	strace $0x80000047;
	s3 =	sshll.u32 s3, $0x4  }
0x7: {  	s12 =	simm.s32 $0x0;
	[sflag:s4] =	ssyncpa.u1 $0x0;
	s7 =	ssub.s32 $0x57E0, s3  }
0x8: {  	s2 =	sadd.s32 $0x2C4200, s5;
	[sflag:s6] =	ssyncpa.u1 $0x0;
	s6 =	sshrl.u32 s7, $0x9  }
0x9: {  	s5 =	sadd.s32 $0x5000, s5;
	s11 =	smov.u32 s3;
	s7 =	sadd.s32 $0x2, s6  }
.LBB1_7:
0xa: {  	s15 =	sshll.u32 s12, $0xF  }
0xb: {  	s15 =	sand.u32 $0x8000, s15  }
0xc: {  	s16 =	sshll.u32 s10, $0x7;
	s15 =	sshrl.u32 s15, $0x1  }
0xd: {  	s16 =	sadd.s32 s5, s16;
	s15 =	sor.u32 $0x8000, s15  }
0xe: {  	[hbm4b:s16+s8] =	stream.linear.scatter [tilespmem:s15], [sflag:$0x2], s14, $0x38;
	[tilespmem:$0x10000] =	vst v63  }
.LBB1_8:
0xf: {  	p0 =	slt.u32 s12, $0x2  }
0x10: {  	p1 =	sgt.s32 @!p0 s13, $0x57D4  }
0x11: {  	s14 =	smov.u32 s13;
	s15 =	sshra.s32 @!p0 s13, $0x1F;
	p1 =	por !p1, p0  }
0x12: {  	s13 =	sand.u32 @!p0 s15, s13;
	s14 =	simm.s32 @p1 $0x57D4  }
0x13: {  	s13 =	ssub.s32 @!p0 s14, s13  }
0x14: {  	s13 =	sadd.s32 @!p0 $0xFFFFA82C, s13  }
0x15: {  	s14 =	sshll.u32 @!p0 s13, $0xC  }
0x16: {  	p1 =	sgt.s32 @!p0 s13, $0xF;
	s13 =	ssub.s32 @!p0 $0x10000, s14  }
0x17: {  	s15 =	sadd.s32 $0x200, s11;
	p1 =	por !p1, p0;
	s13 =	sshrl.u32 @!p0 s13, $0x2  }
0x18: {  	s13 =	simm.s32 @!p1 $0x0;
	p1 =	sgt.s32 s15, $0x57E3  }
0x19: {  	s15 =	smov.u32 @p1 s3;
	p1 =	sne.s32 s12, s7  }
.Ltmp1:
0x1a: {  	_ = 	snop;
	(pc) =	sbr.rel @!p1 .LBB1_9-.Ltmp1, $4  }
0x1b: {  	s14 =	simm.s32 @!p0 $0x2  }
0x1c: {  	s9 =	sadd.s32 $0x8000, s9;
	_ =	swait.ge @!p0 [sflag:s14], s13;
	s16 =	ssub.s32 @!p0 $0x0, s13  }
0x1d: {  	s13 =	smov.u32 s10;
	s12 =	sadd.s32 $0x1, s12;
	[sflag:s14] =	ssyncset.done @!p0 $0x0  }
0x1e: {  	s10 =	smov.u32 s11;
	s11 =	smov.u32 s15;
	[sflag:s14] =	ssyncadd.s32 @!p0 s16  }
.LBB1_1:
0x1f: {  	p0 =	sgt.u32 s12, s6  }
0x20: {  	p1 =	sgt.s32 @!p0 s11, $0x57D4  }
0x21: {  	s14 =	smov.u32 s11;
	s15 =	sshra.s32 @!p0 s11, $0x1F;
	p1 =	por !p1, p0  }
0x22: {  	s15 =	sand.u32 @!p0 s15, s11;
	s14 =	simm.s32 @p1 $0x57D4  }
0x23: {  	s14 =	ssub.s32 @!p0 s14, s15  }
0x24: {  	s14 =	sadd.s32 @!p0 $0xFFFFA82C, s14  }
0x25: {  	s16 =	sshll.u32 @!p0 s11, $0x7;
	s17 =	simm.s32 @!p0 $0x0;
	s15 =	sshll.u32 @!p0 s14, $0xC  }
0x26: {  	p1 =	sgt.s32 @!p0 s14, $0xF;
	s14 =	ssub.s32 @!p0 $0x10000, s15;
	s15 =	sxor.u32 @!p0 $0xFFFFFFFF, s12  }
0x27: {  	p1 =	por !p1, p0;
	s14 =	sshrl.u32 @!p0 s14, $0x2;
	s15 =	sshll.u32 @!p0 s15, $0xE  }
0x28: {  	s16 =	sadd.s32 @!p0 s2, s16;
	s14 =	simm.s32 @!p1 $0x0;
	s15 =	sand.u32 @!p0 $0x4000, s15  }
0x29: {  	[tilespmem:s15], [sflag:$0x1] =	stream.linear.gather @!p0 [hbm4b:s16+s17], s14, $0x38;
	[tilespmem:$0x10000] =	vst v63  }
0x2a: {  	p0 =	seq.s32 s12, $0x0  }
0x2b: {  	p1 =	sge.u32 @!p0 s12, s7  }
0x2c: {  	p0 =	por p0, p1  }
.Ltmp2:
0x2d: {  	_ = 	snop;
	(pc) =	sbr.rel @p0 .LBB1_8-.Ltmp2, $1  }
0x2e: {  	_ =	sdelay $0x3  }
0x2f: {  	p0 =	sgt.s32 s10, $0x57D4;
	s14 =	smov.u32 s10;
	s15 =	sshra.s32 s10, $0x1F  }
0x30: {  	s14 =	simm.s32 @!p0 $0x57D4;
	s15 =	sand.u32 s15, s10  }
0x31: {  	s14 =	ssub.s32 s14, s15  }
0x32: {  	s16 =	sadd.s32 $0x10, s10;
	s14 =	sadd.s32 $0xFFFFA82C, s14  }
0x33: {  	p1 =	slt.s32 s16, $0x57E4;
	s30 =	sshll.u32 s14, $0xC  }
0x34: {  	s16 =	simm.s32 @!p1 $0x57E4;
	s15 =	ssub.s32 $0x10000, s30  }
0x35: {  	p0 =	sgt.s32 s14, $0xF;
	s14 =	sshrl.u32 s15, $0x2;
	s15 =	ssub.s32 s16, s10  }
0x36: {  	s14 =	simm.s32 @p0 $0x0;
	p0 =	slt.s32 s15, $0x1  }
.Ltmp3:
0x37: {  	_ = 	snop;
	(pc) =	sbr.rel @p0 .LBB1_7-.Ltmp3, $4  }
0x38: {  	_ = 	snop  }
0x39: {  	_ =	swait.ge [sflag:s4], s14  }
0x3a: {  	s31 =	ssub.s32 $0x0, s14;
	[sflag:s4] =	ssyncset.done $0x0  }
0x3b: {  	[sflag:s4] =	ssyncadd.s32 s31  }
0x3c: {  	s16 =	sshrl.u32 s9, $0x1  }
0x3d: {  	s17 =	sand.u32 $0x4000, s16  }
0x3e: {  	s18 =	simm.s32 $0x0;
	s16 =	sor.u32 $0x200, s17;
	s17 =	sor.u32 $0x8080, s17  }
.LBB1_4:
0x3f: {  	v0 =	vld [tilespmem:s16+$0xFFFFFE70]  }
0x40: {  	v1 =	vld [tilespmem:s16+$0x70]  }
0x41: {  	v2 =	vld [tilespmem:s16+$0x0]  }
0x42: {  	v3 =	vld [tilespmem:s16+$0xFFFFFE10]  }
0x43: {  	v4 =	vld [tilespmem:s16+$0x10]  }
0x44: {  	v5 =	vld [tilespmem:s16+$0xFFFFFE20]  }
0x45: {  	v7 =	vld [tilespmem:s16+$0x20]  }
0x46: {  	v11 =	vld [tilespmem:s16+$0x30];
	v6 =	vunpack.i.l.s16.s32 v0;
	v8 =	vunpack.i.u.s16.s32 v0;
	v9 =	vunpack.i.u.s16.s32 v1  }
0x47: {  	v10 =	vunpack.i.l.s16.s32 v1;
	v0 =	vunpack.i.u.s16.s32 v2;
	v1 =	vunpack.i.l.s16.s32 v2;
	v2 =	vld [tilespmem:s16+$0xFFFFFE30]  }
0x48: {  	v8 =	vpack.i.b32.b16 v9, v8;
	v9 =	vunpack.i.u.s16.s32 v3;
	v3 =	vunpack.i.l.s16.s32 v3  }
0x49: {  	v12 =	vld [tilespmem:s16+$0xFFFFFE40];
	v6 =	vpack.i.b32.b16 v10, v6;
	[tilespmem:s17+$0x70] =	vst v8;
	v8 =	vunpack.i.u.s16.s32 v4;
	v4 =	vunpack.i.l.s16.s32 v4  }
0x4a: {  	v13 =	vld [tilespmem:s16+$0x40];
	v10 =	vunpack.i.u.s16.s32 v5;
	v5 =	vunpack.i.l.s16.s32 v5;
	[tilespmem:s17+$0xFFFFFFF0] =	vst v6;
	v3 =	vpack.i.b32.b16 v4, v3  }
0x4b: {  	v6 =	vunpack.i.l.s16.s32 v7;
	v4 =	vld [tilespmem:s16+$0xFFFFFE50];
	[tilespmem:s17+$0xFFFFFF90] =	vst v3;
	v3 =	vpack.i.b32.b16 v8, v9;
	v8 =	vunpack.i.u.s16.s32 v7  }
0x4c: {  	v7 =	vunpack.i.l.s16.s32 v11;
	[tilespmem:s17+$0x10] =	vst v3;
	v3 =	vpack.i.b32.b16 v6, v5;
	v9 =	vunpack.i.u.s16.s32 v2;
	v6 =	vld [tilespmem:s16+$0x50]  }
0x4d: {  	v5 =	vunpack.i.l.s16.s32 v2;
	v2 =	vld [tilespmem:s16+$0xFFFFFE60];
	[tilespmem:s17+$0xFFFFFFA0] =	vst v3;
	v3 =	vpack.i.b32.b16 v8, v10;
	v10 =	vunpack.i.u.s16.s32 v11  }
0x4e: {  	s21 =	simm.s32 $0x0;
	v11 =	vpack.i.b32.b16 v7, v5;
	v7 =	vunpack.i.u.s16.s32 v12;
	v8 =	vunpack.i.l.s16.s32 v12;
	[tilespmem:s17+$0x20] =	vst v3;
	v3 =	vld [tilespmem:s16+$0x60]  }
0x4f: {  	s22 =	sadd.s32 $0x80, s16;
	s20 =	smov.u32 s17;
	s19 =	smov.u32 s17;
	v5 =	vld [tilespmem:s16+$0xFFFFFE00];
	[tilespmem:s17+$0xFFFFFFB0] =	vst v11;
	v10 =	vpack.i.b32.b16 v10, v9;
	v9 =	vunpack.i.u.s16.s32 v13;
	v11 =	vunpack.i.l.s16.s32 v13  }
.LBB1_5:
0x50: {  	v12 =	vld [tilespmem:s22+$0xFFFFFE70];
	[tilespmem:s20+$0x30] =	vst v10;
	v8 =	vpack.i.b32.b16 v11, v8;
	v10 =	vunpack.i.u.s16.s32 v4;
	v4 =	vunpack.i.l.s16.s32 v4  }
0x51: {  	s21 =	sadd.s32 $0x2, s21;
	v7 =	vpack.i.b32.b16 v9, v7;
	v11 =	vld [tilespmem:s22+$0x70];
	[tilespmem:s20+$0xFFFFFFC0] =	vst v8;
	v8 =	vunpack.i.u.s16.s32 v6;
	v6 =	vunpack.i.l.s16.s32 v6  }
0x52: {  	p0 =	slt.u32 s21, $0x6;
	v9 =	vld [tilespmem:s22+$0x0];
	[tilespmem:s20+$0x40] =	vst v7;
	v4 =	vpack.i.b32.b16 v6, v4;
	v6 =	vunpack.i.u.s16.s32 v2;
	v2 =	vunpack.i.l.s16.s32 v2  }
0x53: {  	v7 =	vld [tilespmem:s22+$0xFFFFFE10];
	[tilespmem:s20+$0xFFFFFFD0] =	vst v4;
	v4 =	vpack.i.b32.b16 v8, v10;
	v8 =	vunpack.i.u.s16.s32 v3;
	v3 =	vunpack.i.l.s16.s32 v3  }
0x54: {  	v10 =	vld [tilespmem:s22+$0x10];
	v13 =	vunpack.i.u.s16.s32 v5;
	v5 =	vunpack.i.l.s16.s32 v5;
	[tilespmem:s20+$0x50] =	vst v4;
	v2 =	vpack.i.b32.b16 v3, v2  }
0x55: {  	v3 =	vld [tilespmem:s22+$0xFFFFFE20];
	v4 =	vunpack.i.l.s16.s32 v12;
	v1 =	vpack.i.b32.b16 v1, v5;
	v5 =	vpack.i.b32.b16 v0, v13;
	[tilespmem:s20+$0xFFFFFFE0] =	vst v2  }
0x56: {  	v12 =	vunpack.i.u.s16.s32 v12;
	v2 =	vld [tilespmem:s22+$0x20];
	v13 =	vunpack.i.u.s16.s32 v11;
	v11 =	vunpack.i.l.s16.s32 v11;
	[tilespmem:s20+$0xFFFFFF80] =	vst v1  }
0x57: {  	s20 =	sadd.s32 $0x100, s20;
	v0 =	vunpack.i.u.s16.s32 v9;
	v1 =	vunpack.i.l.s16.s32 v9;
	v9 =	vld [tilespmem:s22+$0xFFFFFE30];
	v12 =	vpack.i.b32.b16 v13, v12;
	[tilespmem:s19+$0x0] =	vst v5  }
0x58: {  	v6 =	vpack.i.b32.b16 v8, v6;
	v5 =	vunpack.i.u.s16.s32 v7;
	v7 =	vunpack.i.l.s16.s32 v7;
	v13 =	vld [tilespmem:s22+$0x30];
	[tilespmem:s20+$0x70] =	vst v12  }
0x59: {  	v4 =	vpack.i.b32.b16 v11, v4;
	v8 =	vunpack.i.u.s16.s32 v10;
	v10 =	vunpack.i.l.s16.s32 v10;
	v12 =	vld [tilespmem:s22+$0xFFFFFE40];
	[tilespmem:s19+$0x60] =	vst v6;
	s19 =	smov.u32 s20  }
0x5a: {  	v6 =	vpack.i.b32.b16 v10, v7;
	v7 =	vunpack.i.u.s16.s32 v3;
	v3 =	vunpack.i.l.s16.s32 v3;
	v11 =	vld [tilespmem:s22+$0x40];
	[tilespmem:s20+$0xFFFFFFF0] =	vst v4  }
.Ltmp4:
0x5b: {  	v5 =	vpack.i.b32.b16 v8, v5;
	[tilespmem:s20+$0xFFFFFF90] =	vst v6;
	v8 =	vunpack.i.u.s16.s32 v2;
	v2 =	vunpack.i.l.s16.s32 v2;
	v4 =	vld [tilespmem:s22+$0xFFFFFE50];
	(pc) =	sbr.rel @p0 .LBB1_5-.Ltmp4, $4  }
0x5c: {  	[tilespmem:s20+$0x10] =	vst v5;
	v2 =	vpack.i.b32.b16 v2, v3;
	v10 =	vunpack.i.u.s16.s32 v9;
	v3 =	vunpack.i.l.s16.s32 v9;
	v6 =	vld [tilespmem:s22+$0x50]  }
0x5d: {  	v5 =	vpack.i.b32.b16 v8, v7;
	[tilespmem:s20+$0xFFFFFFA0] =	vst v2;
	v9 =	vunpack.i.u.s16.s32 v13;
	v7 =	vunpack.i.l.s16.s32 v13;
	v2 =	vld [tilespmem:s22+$0xFFFFFE60]  }
0x5e: {  	[tilespmem:s20+$0x20] =	vst v5;
	v13 =	vpack.i.b32.b16 v7, v3;
	v7 =	vunpack.i.u.s16.s32 v12;
	v8 =	vunpack.i.l.s16.s32 v12;
	v3 =	vld [tilespmem:s22+$0x60]  }
0x5f: {  	v10 =	vpack.i.b32.b16 v9, v10;
	v5 =	vld [tilespmem:s22+$0xFFFFFE00];
	[tilespmem:s20+$0xFFFFFFB0] =	vst v13;
	v9 =	vunpack.i.u.s16.s32 v11;
	v11 =	vunpack.i.l.s16.s32 v11;
	s22 =	sadd.s32 $0x80, s22  }
0x60: {  	[tilespmem:s20+$0x30] =	vst v10;
	v8 =	vpack.i.b32.b16 v11, v8  }
0x61: {  	v51 =	vunpack.i.l.s16.s32 v4;
	v7 =	vpack.i.b32.b16 v9, v7;
	[tilespmem:s20+$0xFFFFFFC0] =	vst v8;
	v52 =	vunpack.i.l.s16.s32 v6  }
0x62: {  	v53 =	vunpack.i.u.s16.s32 v4;
	s18 =	sadd.s32 $0x1, s18;
	v54 =	vunpack.i.u.s16.s32 v6;
	[tilespmem:s20+$0x40] =	vst v7;
	v55 =	vpack.i.b32.b16 v52, v51  }
0x63: {  	p0 =	sne.s32 s18, s15;
	v56 =	vunpack.i.l.s16.s32 v2;
	v4 =	vpack.i.b32.b16 v54, v53;
	[tilespmem:s20+$0xFFFFFFD0] =	vst v55;
	v57 =	vunpack.i.l.s16.s32 v3  }
.Ltmp5:
0x64: {  	[tilespmem:s20+$0x50] =	vst v4;
	v58 =	vunpack.i.l.s16.s32 v5;
	v59 =	vpack.i.b32.b16 v57, v56;
	(pc) =	sbr.rel @p0 .LBB1_4-.Ltmp5, $4  }
.Ltmp6:
0x65: {  	v61 =	vunpack.i.u.s16.s32 v2;
	v62 =	vunpack.i.u.s16.s32 v3;
	v1 =	vpack.i.b32.b16 v1, v58;
	[tilespmem:s20+$0xFFFFFFE0] =	vst v59;
	(pc) =	sbr.rel @!p0 .LBB1_7-.Ltmp6, $4  }
0x66: {  	v60 =	vunpack.i.u.s16.s32 v5;
	v63 =	vpack.i.b32.b16 v62, v61;
	[tilespmem:s20+$0xFFFFFF80] =	vst v1  }
0x67: {  	v0 =	vpack.i.b32.b16 v0, v60;
	[tilespmem:s19+$0x60] =	vst v63  }
0x68: {  	s16 =	sadd.s32 $0x400, s16;
	s17 =	sadd.s32 $0x400, s17;
	[tilespmem:s19+$0x0] =	vst v0  }
0x69: {  	_ = 	snop  }
.LBB1_9:
0x6a: {  	_ =	sfence.sel $0x180000  }
0x6b: {  	s2 =	simm.s32 $0x1;
	[bflag:$0x0] =	sbarrier.arrive $0xFFFF  }
0x6c: {  	s31 =	simm.s32 $0x2;
	[sflag:s2] =	ssyncpa.u1 $0x1  }
0x6d: {  	[sflag:s31] =	ssyncpa.u1 $0x1  }
0x6e: {  	p0 =	sne.s32 s1, $0x0;
	_ =	strace $0x90000047  }
0x6f: {  	s0 =	sadd.s32 @!p0 $0x100000, s0;
	[bflag:$0x2] =	sbarrier.arrive $0xFFFF  }
0x70: {  	[sflag:s0] =	ssyncadd.tile.s32 @!p0 $0x1;
	_ =	shalt  }
.Lfunc_end1:
_tile_overlayer_lowered:
.L_overlay_start_2:
0x71: {  	(tag) =	ssettag $0x2  }
0x72: {  	s0 =	rddreg [dreg:$0x0];
	s2 =	stileid.u32  }
0x73: {  	s1 =	rddreg [dreg:$0x1];
	p0 =	sne.s32 s2, $0x0  }
0x74: {  	s3 =	rddreg [dreg:$0x2];
	[bflag:$0x3] =	sbarrier.arrive $0xFFFF;
	s2 =	simm.s32 @!p0 $0x1C01  }
0x75: {  	[timem:s3], [sflag:s2] =	dma.local @!p0 [hbm:s0], s1  }
0x76: {  	s0 =	simm.s32 @!p0 $0x1  }
0x77: {  	_ =	swait.ge @!p0 [sflag:s0], s1  }
0x78: {  	s1 =	ssub.s32 @!p0 $0x0, s1;
	[sflag:s0] =	ssyncset.done @!p0 $0x0  }
0x79: {  	[sflag:s0] =	ssyncadd.s32 @!p0 s1  }
0x7a: {  	[bflag:$0x3] =	sbarrier.arrive $0xFFFF  }
0x7b: {  	_ =	shalt  }

</sc_bundles>
